<compile_context>
chip_gen: v7x
topology: tpu7x:2x2x1
jax: 0.10.2.dev20260603
libtpu: 0.0.44.dev20260713+nightly
codegen_flags: <defaults>
</compile_context>

<pallas_src>
import jax
import jax.numpy as jnp
from jax import lax
from jax.experimental import pallas as pl
from jax.experimental.pallas import tpu as pltpu
from jax.experimental.pallas import tpu_sc as plsc

_L = 16
_NS = 16
_D = 64
_NBUF = 4
_LN2 = 0.6931471805599453


def _sc_body(embT, neg, ctx, src, out, negv, ctxv, srcv, blocks_v, rows_v,
             srows_v, part_v, comb_v, out_v, shared, sem):
    w = lax.axis_index("s")
    base = pl.multiple_of(w * _L, _L)

    pltpu.sync_copy(neg, negv)
    pltpu.sync_copy(ctx, ctxv)
    pltpu.sync_copy(src, srcv)

    lanes = lax.iota(jnp.int32, _L)
    g = lanes + base
    n_i = plsc.load_gather(negv, [jnp.minimum(g, 199)])
    c_i = plsc.load_gather(ctxv, [jnp.clip(g - 200, 0, 49)])
    s_i = plsc.load_gather(srcv, [jnp.zeros((_L,), jnp.int32)])
    vidx = jnp.where(g < 200, n_i, jnp.where(g < 250, c_i, s_i))

    nrows = _L + 1
    rs = [vidx[i] for i in range(_L)] + [s_i[0]]

    def issue(k):
        blk = pl.multiple_of(
            lax.shift_left(lax.shift_right_logical(rs[k], 7), 7), 128)
        return pltpu.async_copy(
            embT.at[:, pl.ds(blk, 128)], blocks_v.at[k % _NBUF], sem)

    def drain(k, cp):
        cp.wait()
        lane = jnp.bitwise_and(rs[k], 127)
        lanevec = jnp.zeros((_L,), jnp.int32) + lane
        for c in range(_D // _L):
            chunk = plsc.load_gather(
                blocks_v.at[k % _NBUF], [c * _L + lanes, lanevec])
            if k < _L:
                rows_v[k, pl.ds(c * _L, _L)] = chunk
            else:
                srows_v[0, pl.ds(c * _L, _L)] = chunk

    pend = {}
    for k in range(nrows):
        if k >= _NBUF:
            drain(k - _NBUF, pend.pop(k - _NBUF))
        pend[k] = issue(k)
    for k in range(nrows - _NBUF, nrows):
        drain(k, pend.pop(k))

    def _bf16r(x):
        b = plsc.bitcast(x, jnp.int32)
        r = b + 0x7FFF + jnp.bitwise_and(lax.shift_right_logical(b, 16), 1)
        return plsc.bitcast(jnp.bitwise_and(r, jnp.int32(-65536)), jnp.float32)

    acc = jnp.zeros((_L,), jnp.float32)
    src_chunks = [_bf16r(srows_v[0, pl.ds(c * _L, _L)])
                  for c in range(_D // _L)]
    for d in range(_D):
        col = plsc.load_gather(rows_v, [lanes, jnp.full((_L,), d, jnp.int32)])
        acc = acc + _bf16r(col) * src_chunks[d // _L][d % _L]

    sig = 1.0 / (1.0 + jnp.exp(acc))
    part_v[0, :] = jnp.where(g < 200, sig, 0.0)
    part_v[1, :] = jnp.where(jnp.logical_and(g >= 200, g < 250), acc, 0.0)
    pltpu.sync_copy(part_v, shared.at[pl.ds(2 * w, 2)])
    plsc.subcore_barrier()

    @pl.when(w == 0)
    def _():
        pltpu.sync_copy(shared, comb_v)
        nacc = jnp.zeros((_L,), jnp.float32)
        pacc = jnp.zeros((_L,), jnp.float32)
        for i in range(_NS):
            nacc = nacc + comb_v[2 * i, :]
            pacc = pacc + comb_v[2 * i + 1, :]
        nsum = jnp.zeros((_L,), jnp.float32) + jnp.sum(nacc)
        psum = jnp.zeros((_L,), jnp.float32) + jnp.sum(pacc)
        pos = 1.0 / (1.0 + jnp.exp(-psum))
        posc = jnp.clip(pos, 1e-7, 1.0 - 1e-7)
        negc = jnp.clip(nsum, 1e-7, 1.0 - 1e-7)
        bits = plsc.bitcast(posc, jnp.int32)
        e = lax.shift_right_logical(bits, 23) - 127
        m = plsc.bitcast(
            jnp.bitwise_or(jnp.bitwise_and(bits, 0x007FFFFF), 0x3F800000),
            jnp.float32)
        z = (m - 1.0) / (m + 1.0)
        z2 = z * z
        lnm = 2.0 * z * (1.0 + z2 * (1.0 / 3.0 + z2 * (
            0.2 + z2 * (1.0 / 7.0 + z2 * (1.0 / 9.0)))))
        lnp = e.astype(jnp.float32) * _LN2 + lnm
        out_v[...] = -lnp - negc
        pltpu.sync_copy(out_v.at[pl.ds(0, 8)], out)


@jax.jit
def _sc_loss(embT, neg, ctx, src):
    f = pl.kernel(
        _sc_body,
        out_type=jax.ShapeDtypeStruct((8,), jnp.float32),
        mesh=plsc.VectorSubcoreMesh(
            core_axis_name="c", subcore_axis_name="s",
            num_cores=1, num_subcores=_NS),
        scratch_types=[
            pltpu.VMEM((200,), jnp.int32),
            pltpu.VMEM((50,), jnp.int32),
            pltpu.VMEM((1,), jnp.int32),
            pltpu.VMEM((_NBUF, _D, 128), jnp.float32),
            pltpu.VMEM((_L, _D), jnp.float32),
            pltpu.VMEM((1, _D), jnp.float32),
            pltpu.VMEM((2, _L), jnp.float32),
            pltpu.VMEM((2 * _NS, _L), jnp.float32),
            pltpu.VMEM((_L,), jnp.float32),
            pltpu.VMEM_SHARED((2 * _NS, _L), jnp.float32),
            pltpu.SemaphoreType.DMA,
        ],
        compiler_params=pltpu.CompilerParams(needs_layout_passes=False),
    )
    return f(embT, neg, ctx, src)


def kernel(embedding, source_node, context_nodes, neg_samples):
    parts = _sc_loss(
        embedding.T,
        neg_samples.astype(jnp.int32),
        context_nodes.astype(jnp.int32),
        source_node.astype(jnp.int32),
    )
    return parts[0]

# --- scband reference (transcript-rebuilt; emitter-appended) ---
"""Pipeline reference for scband-node2-vec-loss-47571057771206 (READ-ONLY COPY).

The authoritative reference and input builder live on the scoring server;
editing this copy changes nothing except your own understanding.
"""

import jax, jax.numpy as jnp
import numpy as np


def setup_inputs(seed: int = 0) -> dict:
    key = jax.random.key(seed)
    k1, k2, k3, k4 = jax.random.split(key, 4)
    embedding = jax.random.normal(k1, (1000000, 64), dtype=jnp.float32)
    source_node = jax.random.randint(k2, (1,), 0, 1000000, dtype=jnp.int64 if jax.config.jax_enable_x64 else jnp.int32).astype(jnp.int32)
    context_nodes = jax.random.randint(k3, (50,), 0, 1000000).astype(jnp.int32)
    neg_samples = jax.random.randint(k4, (200,), 0, 1000000).astype(jnp.int32)
    return {"embedding": embedding, "source_node": source_node, "context_nodes": context_nodes, "neg_samples": neg_samples}


def reference(embedding, source_node, context_nodes, neg_samples):
    # embedding(idx) -> row gather from table
    source_embedding = jnp.take(embedding, source_node, axis=0).squeeze()  # [d]
    context_embedding = jnp.take(embedding, context_nodes, axis=0)  # [C, d]
    neg_samples_embedding = jnp.take(embedding, neg_samples, axis=0)  # [K, d]
    positives = jax.nn.sigmoid(jnp.sum(context_embedding @ source_embedding))
    positives = jnp.clip(positives, 1e-07, 1 - 1e-07)
    negatives = jnp.sum(jax.nn.sigmoid(-(neg_samples_embedding @ source_embedding[:, None])))
    negatives = jnp.clip(negatives, 1e-07, 1 - 1e-07)
    loss = -jnp.log(positives) - negatives
    return loss

if __name__ == "__main__":
    import jax
    _d = setup_inputs()
    print(jax.jit(kernel)(*tuple(_d.values())))

</pallas_src>

<mosaic_0001>
#map = affine_map<(d0, d1) -> (0, 0)>
#map1 = affine_map<(d0, d1) -> (0)>
module attributes {stable_mosaic.version = 14 : i64} {
  func.func @_sc_body(%arg0: i32, %arg1: i32, %arg2: memref<64x1000000xf32, #tpu.memory_space<hbm>>, %arg3: memref<200xi32, #tpu.memory_space<hbm>>, %arg4: memref<50xi32, #tpu.memory_space<hbm>>, %arg5: memref<1xi32, #tpu.memory_space<hbm>>, %arg6: memref<8xf32, #tpu.memory_space<hbm>>, %arg7: memref<200xi32, #tpu.memory_space<vmem>>, %arg8: memref<50xi32, #tpu.memory_space<vmem>>, %arg9: memref<1xi32, #tpu.memory_space<vmem>>, %arg10: memref<4x64x128xf32, #tpu.memory_space<vmem>>, %arg11: memref<16x64xf32, #tpu.memory_space<vmem>>, %arg12: memref<1x64xf32, #tpu.memory_space<vmem>>, %arg13: memref<2x16xf32, #tpu.memory_space<vmem>>, %arg14: memref<32x16xf32, #tpu.memory_space<vmem>>, %arg15: memref<16xf32, #tpu.memory_space<vmem>>, %arg16: memref<32x16xf32, #tpu.memory_space<vmem_shared>>, %arg17: memref<!tpu.dma_semaphore, #tpu.memory_space<semaphore_mem>>) attributes {dimension_semantics = [#tpu.dimension_semantics<core_parallel>, #tpu.dimension_semantics<subcore_parallel>], iteration_bounds = array<i64: 1, 16>, scalar_prefetch = 0 : i64, scratch_operands = 11 : i64, tpu.core_type = #tpu.core_type<sc_vector_subcore>, window_params = [{transform_indices = #map}, {transform_indices = #map1}, {transform_indices = #map1}, {transform_indices = #map1}, {transform_indices = #map1}]} {
    %mul3A = arith.constant 16 : i32
    %mul3A_0 = arith.muli %arg1, %mul3A : i32
    %multiple_of3A = tpu.assume_multiple %mul3A_0, 16 : i32
    "tpu.region"() ({
      %run_scoped3A = tpu.sem_alloc : memref<!tpu.dma_semaphore, #tpu.memory_space<semaphore_mem>>
      tpu.enqueue_dma source(%arg3 : memref<200xi32, #tpu.memory_space<hbm>>) target(%arg7 : memref<200xi32, #tpu.memory_space<vmem>>) target_semaphore(%run_scoped3A : memref<!tpu.dma_semaphore, #tpu.memory_space<semaphore_mem>>)
      tpu.wait_dma2 semaphore(%run_scoped3A : memref<!tpu.dma_semaphore, #tpu.memory_space<semaphore_mem>>) src(%arg3 : memref<200xi32, #tpu.memory_space<hbm>>) dst(%arg7 : memref<200xi32, #tpu.memory_space<vmem>>)
      tpu.yield
    }) : () -> ()
    "tpu.region"() ({
      %run_scoped3A = tpu.sem_alloc : memref<!tpu.dma_semaphore, #tpu.memory_space<semaphore_mem>>
      tpu.enqueue_dma source(%arg4 : memref<50xi32, #tpu.memory_space<hbm>>) target(%arg8 : memref<50xi32, #tpu.memory_space<vmem>>) target_semaphore(%run_scoped3A : memref<!tpu.dma_semaphore, #tpu.memory_space<semaphore_mem>>)
      tpu.wait_dma2 semaphore(%run_scoped3A : memref<!tpu.dma_semaphore, #tpu.memory_space<semaphore_mem>>) src(%arg4 : memref<50xi32, #tpu.memory_space<hbm>>) dst(%arg8 : memref<50xi32, #tpu.memory_space<vmem>>)
      tpu.yield
    }) : () -> ()
    "tpu.region"() ({
      %run_scoped3A = tpu.sem_alloc : memref<!tpu.dma_semaphore, #tpu.memory_space<semaphore_mem>>
      tpu.enqueue_dma source(%arg5 : memref<1xi32, #tpu.memory_space<hbm>>) target(%arg9 : memref<1xi32, #tpu.memory_space<vmem>>) target_semaphore(%run_scoped3A : memref<!tpu.dma_semaphore, #tpu.memory_space<semaphore_mem>>)
      tpu.wait_dma2 semaphore(%run_scoped3A : memref<!tpu.dma_semaphore, #tpu.memory_space<semaphore_mem>>) src(%arg5 : memref<1xi32, #tpu.memory_space<hbm>>) dst(%arg9 : memref<1xi32, #tpu.memory_space<vmem>>)
      tpu.yield
    }) : () -> ()
    %iota3A = tpu.iota {dimensions = array<i32: 0>} : vector<16xi32>
    %add3A = vector.broadcast %multiple_of3A : i32 to vector<16xi32>
    %add3A_1 = arith.addi %iota3A, %add3A : vector<16xi32>
    %min3A = arith.constant 199 : i32
    %min3A_2 = vector.broadcast %min3A : i32 to vector<16xi32>
    %min3A_3 = arith.minsi %add3A_1, %min3A_2 : vector<16xi32>
    %gather3A = tpu.vector_load_idx %arg7[%min3A_3] : memref<200xi32, #tpu.memory_space<vmem>>[vector<16xi32>], vector<16xi32>,
    %sub3A = arith.constant 200 : i32
    %sub3A_4 = vector.broadcast %sub3A : i32 to vector<16xi32>
    %sub3A_5 = arith.subi %add3A_1, %sub3A_4 : vector<16xi32>
    %jit3A = arith.constant 0 : i32
    %jit3A_6 = arith.constant 49 : i32
    %max3A = vector.broadcast %jit3A : i32 to vector<16xi32>
    %max3A_7 = arith.maxsi %max3A, %sub3A_5 : vector<16xi32>
    %min3A_8 = vector.broadcast %jit3A_6 : i32 to vector<16xi32>
    %min3A_9 = arith.minsi %min3A_8, %max3A_7 : vector<16xi32>
    %gather3A_10 = tpu.vector_load_idx %arg8[%min3A_9] : memref<50xi32, #tpu.memory_space<vmem>>[vector<16xi32>], vector<16xi32>,
    %broadcast_in_dim3A = arith.constant 0 : i32
    %broadcast_in_dim3A_11 = vector.broadcast %broadcast_in_dim3A : i32 to vector<16xi32>
    %gather3A_12 = tpu.vector_load_idx %arg9[%broadcast_in_dim3A_11] : memref<1xi32, #tpu.memory_space<vmem>>[vector<16xi32>], vector<16xi32>,
    %lt3A = arith.constant 200 : i32
    %lt3A_13 = vector.broadcast %lt3A : i32 to vector<16xi32>
    %lt3A_14 = arith.cmpi slt, %add3A_1, %lt3A_13 : vector<16xi32>
    %lt3A_15 = arith.constant 250 : i32
    %lt3A_16 = vector.broadcast %lt3A_15 : i32 to vector<16xi32>
    %lt3A_17 = arith.cmpi slt, %add3A_1, %lt3A_16 : vector<16xi32>
    %select_n3A = arith.select %lt3A_17, %gather3A_10, %gather3A_12 : vector<16xi1>, vector<16xi32>
    %select_n3A_18 = arith.select %lt3A_14, %gather3A, %select_n3A : vector<16xi1>, vector<16xi32>
    %slice3A = vector.extract_strided_slice %select_n3A_18 {offsets = [0], sizes = [1], strides = [1]} : vector<16xi32> to vector<1xi32>
    %squeeze3A = vector.extract %slice3A[0] : i32 from vector<1xi32>
    %slice3A_19 = vector.extract_strided_slice %select_n3A_18 {offsets = [1], sizes = [1], strides = [1]} : vector<16xi32> to vector<1xi32>
    %squeeze3A_20 = vector.extract %slice3A_19[0] : i32 from vector<1xi32>
    %slice3A_21 = vector.extract_strided_slice %select_n3A_18 {offsets = [2], sizes = [1], strides = [1]} : vector<16xi32> to vector<1xi32>
    %squeeze3A_22 = vector.extract %slice3A_21[0] : i32 from vector<1xi32>
    %slice3A_23 = vector.extract_strided_slice %select_n3A_18 {offsets = [3], sizes = [1], strides = [1]} : vector<16xi32> to vector<1xi32>
    %squeeze3A_24 = vector.extract %slice3A_23[0] : i32 from vector<1xi32>
    %slice3A_25 = vector.extract_strided_slice %select_n3A_18 {offsets = [4], sizes = [1], strides = [1]} : vector<16xi32> to vector<1xi32>
    %squeeze3A_26 = vector.extract %slice3A_25[0] : i32 from vector<1xi32>
    %slice3A_27 = vector.extract_strided_slice %select_n3A_18 {offsets = [5], sizes = [1], strides = [1]} : vector<16xi32> to vector<1xi32>
    %squeeze3A_28 = vector.extract %slice3A_27[0] : i32 from vector<1xi32>
    %slice3A_29 = vector.extract_strided_slice %select_n3A_18 {offsets = [6], sizes = [1], strides = [1]} : vector<16xi32> to vector<1xi32>
    %squeeze3A_30 = vector.extract %slice3A_29[0] : i32 from vector<1xi32>
    %slice3A_31 = vector.extract_strided_slice %select_n3A_18 {offsets = [7], sizes = [1], strides = [1]} : vector<16xi32> to vector<1xi32>
    %squeeze3A_32 = vector.extract %slice3A_31[0] : i32 from vector<1xi32>
    %slice3A_33 = vector.extract_strided_slice %select_n3A_18 {offsets = [8], sizes = [1], strides = [1]} : vector<16xi32> to vector<1xi32>
    %squeeze3A_34 = vector.extract %slice3A_33[0] : i32 from vector<1xi32>
    %slice3A_35 = vector.extract_strided_slice %select_n3A_18 {offsets = [9], sizes = [1], strides = [1]} : vector<16xi32> to vector<1xi32>
    %squeeze3A_36 = vector.extract %slice3A_35[0] : i32 from vector<1xi32>
    %slice3A_37 = vector.extract_strided_slice %select_n3A_18 {offsets = [10], sizes = [1], strides = [1]} : vector<16xi32> to vector<1xi32>
    %squeeze3A_38 = vector.extract %slice3A_37[0] : i32 from vector<1xi32>
    %slice3A_39 = vector.extract_strided_slice %select_n3A_18 {offsets = [11], sizes = [1], strides = [1]} : vector<16xi32> to vector<1xi32>
    %squeeze3A_40 = vector.extract %slice3A_39[0] : i32 from vector<1xi32>
    %slice3A_41 = vector.extract_strided_slice %select_n3A_18 {offsets = [12], sizes = [1], strides = [1]} : vector<16xi32> to vector<1xi32>
    %squeeze3A_42 = vector.extract %slice3A_41[0] : i32 from vector<1xi32>
    %slice3A_43 = vector.extract_strided_slice %select_n3A_18 {offsets = [13], sizes = [1], strides = [1]} : vector<16xi32> to vector<1xi32>
    %squeeze3A_44 = vector.extract %slice3A_43[0] : i32 from vector<1xi32>
    %slice3A_45 = vector.extract_strided_slice %select_n3A_18 {offsets = [14], sizes = [1], strides = [1]} : vector<16xi32> to vector<1xi32>
    %squeeze3A_46 = vector.extract %slice3A_45[0] : i32 from vector<1xi32>
    %slice3A_47 = vector.extract_strided_slice %select_n3A_18 {offsets = [15], sizes = [1], strides = [1]} : vector<16xi32> to vector<1xi32>
    %squeeze3A_48 = vector.extract %slice3A_47[0] : i32 from vector<1xi32>
    %slice3A_49 = vector.extract_strided_slice %gather3A_12 {offsets = [0], sizes = [1], strides = [1]} : vector<16xi32> to vector<1xi32>
    %squeeze3A_50 = vector.extract %slice3A_49[0] : i32 from vector<1xi32>
    %shift_right_logical3A = arith.constant 7 : i32
    %shift_right_logical3A_51 = arith.shrui %squeeze3A, %shift_right_logical3A : i32
    %shift_left3A = arith.constant 7 : i32
    %shift_left3A_52 = arith.shli %shift_right_logical3A_51, %shift_left3A : i32
    %multiple_of3A_53 = tpu.assume_multiple %shift_left3A_52, 128 : i32
    %dma_start3A = arith.constant 0 : i32
    %dma_start3A_54 = arith.constant 0 : i32
    %dma_start3A_55 = arith.constant 0 : i32
    %dma_start3A_56 = tpu.memref_slice %arg10[%dma_start3A, %dma_start3A_54, %dma_start3A_55] : memref<4x64x128xf32, #tpu.memory_space<vmem>> -> memref<1x64x128xf32, #tpu.memory_space<vmem>>
    %dma_start3A_57 = tpu.memref_squeeze %dma_start3A_56 : memref<1x64x128xf32, #tpu.memory_space<vmem>> -> memref<64x128xf32, #tpu.memory_space<vmem>>
    %dma_start3A_58 = arith.constant 0 : i32
    %dma_start3A_59 = tpu.memref_slice %arg2[%dma_start3A_58, %multiple_of3A_53] : memref<64x1000000xf32, #tpu.memory_space<hbm>> -> memref<64x128xf32, #tpu.memory_space<hbm>>
    %dma_start3A_60 = arith.constant 0 : i32
    %dma_start3A_61 = arith.constant 0 : i32
    %dma_start3A_62 = tpu.memref_slice %arg10[%dma_start3A, %dma_start3A_60, %dma_start3A_61] : memref<4x64x128xf32, #tpu.memory_space<vmem>> -> memref<1x64x128xf32, #tpu.memory_space<vmem>>
    %dma_start3A_63 = tpu.memref_squeeze %dma_start3A_62 : memref<1x64x128xf32, #tpu.memory_space<vmem>> -> memref<64x128xf32, #tpu.memory_space<vmem>>
    %dma_start3A_64 = arith.constant 0 : i32
    %dma_start3A_65 = tpu.memref_slice %arg2[%dma_start3A_64, %multiple_of3A_53] : memref<64x1000000xf32, #tpu.memory_space<hbm>> -> memref<64x128xf32, #tpu.memory_space<hbm>>
    tpu.enqueue_dma source(%dma_start3A_65 : memref<64x128xf32, #tpu.memory_space<hbm>>) target(%dma_start3A_63 : memref<64x128xf32, #tpu.memory_space<vmem>>) target_semaphore(%arg17 : memref<!tpu.dma_semaphore, #tpu.memory_space<semaphore_mem>>)
    %shift_right_logical3A_66 = arith.constant 7 : i32
    %shift_right_logical3A_67 = arith.shrui %squeeze3A_20, %shift_right_logical3A_66 : i32
    %shift_left3A_68 = arith.constant 7 : i32
    %shift_left3A_69 = arith.shli %shift_right_logical3A_67, %shift_left3A_68 : i32
    %multiple_of3A_70 = tpu.assume_multiple %shift_left3A_69, 128 : i32
    %dma_start3A_71 = arith.constant 1 : i32
    %dma_start3A_72 = arith.constant 0 : i32
    %dma_start3A_73 = arith.constant 0 : i32
    %dma_start3A_74 = tpu.memref_slice %arg10[%dma_start3A_71, %dma_start3A_72, %dma_start3A_73] : memref<4x64x128xf32, #tpu.memory_space<vmem>> -> memref<1x64x128xf32, #tpu.memory_space<vmem>>
    %dma_start3A_75 = tpu.memref_squeeze %dma_start3A_74 : memref<1x64x128xf32, #tpu.memory_space<vmem>> -> memref<64x128xf32, #tpu.memory_space<vmem>>
    %dma_start3A_76 = arith.constant 0 : i32
    %dma_start3A_77 = tpu.memref_slice %arg2[%dma_start3A_76, %multiple_of3A_70] : memref<64x1000000xf32, #tpu.memory_space<hbm>> -> memref<64x128xf32, #tpu.memory_space<hbm>>
    %dma_start3A_78 = arith.constant 0 : i32
    %dma_start3A_79 = arith.constant 0 : i32
    %dma_start3A_80 = tpu.memref_slice %arg10[%dma_start3A_71, %dma_start3A_78, %dma_start3A_79] : memref<4x64x128xf32, #tpu.memory_space<vmem>> -> memref<1x64x128xf32, #tpu.memory_space<vmem>>
    %dma_start3A_81 = tpu.memref_squeeze %dma_start3A_80 : memref<1x64x128xf32, #tpu.memory_space<vmem>> -> memref<64x128xf32, #tpu.memory_space<vmem>>
    %dma_start3A_82 = arith.constant 0 : i32
    %dma_start3A_83 = tpu.memref_slice %arg2[%dma_start3A_82, %multiple_of3A_70] : memref<64x1000000xf32, #tpu.memory_space<hbm>> -> memref<64x128xf32, #tpu.memory_space<hbm>>
    tpu.enqueue_dma source(%dma_start3A_83 : memref<64x128xf32, #tpu.memory_space<hbm>>) target(%dma_start3A_81 : memref<64x128xf32, #tpu.memory_space<vmem>>) target_semaphore(%arg17 : memref<!tpu.dma_semaphore, #tpu.memory_space<semaphore_mem>>)
    %shift_right_logical3A_84 = arith.constant 7 : i32
    %shift_right_logical3A_85 = arith.shrui %squeeze3A_22, %shift_right_logical3A_84 : i32
    %shift_left3A_86 = arith.constant 7 : i32
    %shift_left3A_87 = arith.shli %shift_right_logical3A_85, %shift_left3A_86 : i32
    %multiple_of3A_88 = tpu.assume_multiple %shift_left3A_87, 128 : i32
    %dma_start3A_89 = arith.constant 2 : i32
    %dma_start3A_90 = arith.constant 0 : i32
    %dma_start3A_91 = arith.constant 0 : i32
    %dma_start3A_92 = tpu.memref_slice %arg10[%dma_start3A_89, %dma_start3A_90, %dma_start3A_91] : memref<4x64x128xf32, #tpu.memory_space<vmem>> -> memref<1x64x128xf32, #tpu.memory_space<vmem>>
    %dma_start3A_93 = tpu.memref_squeeze %dma_start3A_92 : memref<1x64x128xf32, #tpu.memory_space<vmem>> -> memref<64x128xf32, #tpu.memory_space<vmem>>
    %dma_start3A_94 = arith.constant 0 : i32
    %dma_start3A_95 = tpu.memref_slice %arg2[%dma_start3A_94, %multiple_of3A_88] : memref<64x1000000xf32, #tpu.memory_space<hbm>> -> memref<64x128xf32, #tpu.memory_space<hbm>>
    %dma_start3A_96 = arith.constant 0 : i32
    %dma_start3A_97 = arith.constant 0 : i32
    %dma_start3A_98 = tpu.memref_slice %arg10[%dma_start3A_89, %dma_start3A_96, %dma_start3A_97] : memref<4x64x128xf32, #tpu.memory_space<vmem>> -> memref<1x64x128xf32, #tpu.memory_space<vmem>>
    %dma_start3A_99 = tpu.memref_squeeze %dma_start3A_98 : memref<1x64x128xf32, #tpu.memory_space<vmem>> -> memref<64x128xf32, #tpu.memory_space<vmem>>
    %dma_start3A_100 = arith.constant 0 : i32
    %dma_start3A_101 = tpu.memref_slice %arg2[%dma_start3A_100, %multiple_of3A_88] : memref<64x1000000xf32, #tpu.memory_space<hbm>> -> memref<64x128xf32, #tpu.memory_space<hbm>>
    tpu.enqueue_dma source(%dma_start3A_101 : memref<64x128xf32, #tpu.memory_space<hbm>>) target(%dma_start3A_99 : memref<64x128xf32, #tpu.memory_space<vmem>>) target_semaphore(%arg17 : memref<!tpu.dma_semaphore, #tpu.memory_space<semaphore_mem>>)
    %shift_right_logical3A_102 = arith.constant 7 : i32
    %shift_right_logical3A_103 = arith.shrui %squeeze3A_24, %shift_right_logical3A_102 : i32
    %shift_left3A_104 = arith.constant 7 : i32
    %shift_left3A_105 = arith.shli %shift_right_logical3A_103, %shift_left3A_104 : i32
    %multiple_of3A_106 = tpu.assume_multiple %shift_left3A_105, 128 : i32
    %dma_start3A_107 = arith.constant 3 : i32
    %dma_start3A_108 = arith.constant 0 : i32
    %dma_start3A_109 = arith.constant 0 : i32
    %dma_start3A_110 = tpu.memref_slice %arg10[%dma_start3A_107, %dma_start3A_108, %dma_start3A_109] : memref<4x64x128xf32, #tpu.memory_space<vmem>> -> memref<1x64x128xf32, #tpu.memory_space<vmem>>
    %dma_start3A_111 = tpu.memref_squeeze %dma_start3A_110 : memref<1x64x128xf32, #tpu.memory_space<vmem>> -> memref<64x128xf32, #tpu.memory_space<vmem>>
    %dma_start3A_112 = arith.constant 0 : i32
    %dma_start3A_113 = tpu.memref_slice %arg2[%dma_start3A_112, %multiple_of3A_106] : memref<64x1000000xf32, #tpu.memory_space<hbm>> -> memref<64x128xf32, #tpu.memory_space<hbm>>
    %dma_start3A_114 = arith.constant 0 : i32
    %dma_start3A_115 = arith.constant 0 : i32
    %dma_start3A_116 = tpu.memref_slice %arg10[%dma_start3A_107, %dma_start3A_114, %dma_start3A_115] : memref<4x64x128xf32, #tpu.memory_space<vmem>> -> memref<1x64x128xf32, #tpu.memory_space<vmem>>
    %dma_start3A_117 = tpu.memref_squeeze %dma_start3A_116 : memref<1x64x128xf32, #tpu.memory_space<vmem>> -> memref<64x128xf32, #tpu.memory_space<vmem>>
    %dma_start3A_118 = arith.constant 0 : i32
    %dma_start3A_119 = tpu.memref_slice %arg2[%dma_start3A_118, %multiple_of3A_106] : memref<64x1000000xf32, #tpu.memory_space<hbm>> -> memref<64x128xf32, #tpu.memory_space<hbm>>
    tpu.enqueue_dma source(%dma_start3A_119 : memref<64x128xf32, #tpu.memory_space<hbm>>) target(%dma_start3A_117 : memref<64x128xf32, #tpu.memory_space<vmem>>) target_semaphore(%arg17 : memref<!tpu.dma_semaphore, #tpu.memory_space<semaphore_mem>>)
    %dma_wait3A = arith.constant 0 : i32
    %dma_wait3A_120 = arith.constant 0 : i32
    %dma_wait3A_121 = arith.constant 0 : i32
    %dma_wait3A_122 = tpu.memref_slice %arg10[%dma_wait3A, %dma_wait3A_120, %dma_wait3A_121] : memref<4x64x128xf32, #tpu.memory_space<vmem>> -> memref<1x64x128xf32, #tpu.memory_space<vmem>>
    %dma_wait3A_123 = tpu.memref_squeeze %dma_wait3A_122 : memref<1x64x128xf32, #tpu.memory_space<vmem>> -> memref<64x128xf32, #tpu.memory_space<vmem>>
    %dma_wait3A_124 = arith.constant 0 : i32
    %dma_wait3A_125 = tpu.memref_slice %arg2[%dma_wait3A_124, %multiple_of3A_53] : memref<64x1000000xf32, #tpu.memory_space<hbm>> -> memref<64x128xf32, #tpu.memory_space<hbm>>
    %dma_wait3A_126 = arith.constant 0 : i32
    %dma_wait3A_127 = arith.constant 0 : i32
    %dma_wait3A_128 = tpu.memref_slice %arg10[%dma_wait3A, %dma_wait3A_126, %dma_wait3A_127] : memref<4x64x128xf32, #tpu.memory_space<vmem>> -> memref<1x64x128xf32, #tpu.memory_space<vmem>>
    %dma_wait3A_129 = tpu.memref_squeeze %dma_wait3A_128 : memref<1x64x128xf32, #tpu.memory_space<vmem>> -> memref<64x128xf32, #tpu.memory_space<vmem>>
    %dma_wait3A_130 = arith.constant 0 : i32
    %dma_wait3A_131 = tpu.memref_slice %arg2[%dma_wait3A_130, %multiple_of3A_53] : memref<64x1000000xf32, #tpu.memory_space<hbm>> -> memref<64x128xf32, #tpu.memory_space<hbm>>
    tpu.wait_dma2 semaphore(%arg17 : memref<!tpu.dma_semaphore, #tpu.memory_space<semaphore_mem>>) src(%dma_wait3A_131 : memref<64x128xf32, #tpu.memory_space<hbm>>) dst(%dma_wait3A_129 : memref<64x128xf32, #tpu.memory_space<vmem>>)
    %and3A = arith.constant 127 : i32
    %and3A_132 = arith.andi %squeeze3A, %and3A : i32
    %broadcast_in_dim3A_133 = arith.constant 0 : i32
    %broadcast_in_dim3A_134 = vector.broadcast %broadcast_in_dim3A_133 : i32 to vector<16xi32>
    %add3A_135 = vector.broadcast %and3A_132 : i32 to vector<16xi32>
    %add3A_136 = arith.addi %broadcast_in_dim3A_134, %add3A_135 : vector<16xi32>
    %add3A_137 = arith.constant 0 : i32
    %add3A_138 = vector.broadcast %add3A_137 : i32 to vector<16xi32>
    %add3A_139 = arith.addi %add3A_138, %iota3A : vector<16xi32>
    %gather3A_140 = arith.constant 0 : i32
    %gather3A_141 = arith.constant 0 : i32
    %gather3A_142 = arith.constant 0 : i32
    %gather3A_143 = tpu.memref_slice %arg10[%gather3A_140, %gather3A_141, %gather3A_142] : memref<4x64x128xf32, #tpu.memory_space<vmem>> -> memref<1x64x128xf32, #tpu.memory_space<vmem>>
    %gather3A_144 = tpu.memref_squeeze %gather3A_143 : memref<1x64x128xf32, #tpu.memory_space<vmem>> -> memref<64x128xf32, #tpu.memory_space<vmem>>
    %gather3A_145 = tpu.vector_load_idx %gather3A_144[%add3A_139, %add3A_136] : memref<64x128xf32, #tpu.memory_space<vmem>>[vector<16xi32>, vector<16xi32>], vector<16xf32>,
    %swap3A = arith.constant 0 : i32
    %swap3A_146 = arith.index_cast %swap3A : i32 to index
    %swap3A_147 = arith.constant 0 : index
    %swap3A_148 = tpu.vector_load %arg11[%swap3A_146, %swap3A_147] {strides = array<i32>} : memref<16x64xf32, #tpu.memory_space<vmem>>, vector<16xf32>,
    tpu.vector_store %arg11[%swap3A_146, %swap3A_147], %gather3A_145 {strides = array<i32>} : memref<16x64xf32, #tpu.memory_space<vmem>>, vector<16xf32>,
    %add3A_149 = arith.constant 16 : i32
    %add3A_150 = vector.broadcast %add3A_149 : i32 to vector<16xi32>
    %add3A_151 = arith.addi %add3A_150, %iota3A : vector<16xi32>
    %gather3A_152 = arith.constant 0 : i32
    %gather3A_153 = arith.constant 0 : i32
    %gather3A_154 = arith.constant 0 : i32
    %gather3A_155 = tpu.memref_slice %arg10[%gather3A_152, %gather3A_153, %gather3A_154] : memref<4x64x128xf32, #tpu.memory_space<vmem>> -> memref<1x64x128xf32, #tpu.memory_space<vmem>>
    %gather3A_156 = tpu.memref_squeeze %gather3A_155 : memref<1x64x128xf32, #tpu.memory_space<vmem>> -> memref<64x128xf32, #tpu.memory_space<vmem>>
    %gather3A_157 = tpu.vector_load_idx %gather3A_156[%add3A_151, %add3A_136] : memref<64x128xf32, #tpu.memory_space<vmem>>[vector<16xi32>, vector<16xi32>], vector<16xf32>,
    %swap3A_158 = arith.constant 0 : i32
    %swap3A_159 = arith.index_cast %swap3A_158 : i32 to index
    %swap3A_160 = arith.constant 16 : index
    %swap3A_161 = tpu.vector_load %arg11[%swap3A_159, %swap3A_160] {strides = array<i32>} : memref<16x64xf32, #tpu.memory_space<vmem>>, vector<16xf32>,
    tpu.vector_store %arg11[%swap3A_159, %swap3A_160], %gather3A_157 {strides = array<i32>} : memref<16x64xf32, #tpu.memory_space<vmem>>, vector<16xf32>,
    %add3A_162 = arith.constant 32 : i32
    %add3A_163 = vector.broadcast %add3A_162 : i32 to vector<16xi32>
    %add3A_164 = arith.addi %add3A_163, %iota3A : vector<16xi32>
    %gather3A_165 = arith.constant 0 : i32
    %gather3A_166 = arith.constant 0 : i32
    %gather3A_167 = arith.constant 0 : i32
    %gather3A_168 = tpu.memref_slice %arg10[%gather3A_165, %gather3A_166, %gather3A_167] : memref<4x64x128xf32, #tpu.memory_space<vmem>> -> memref<1x64x128xf32, #tpu.memory_space<vmem>>
    %gather3A_169 = tpu.memref_squeeze %gather3A_168 : memref<1x64x128xf32, #tpu.memory_space<vmem>> -> memref<64x128xf32, #tpu.memory_space<vmem>>
    %gather3A_170 = tpu.vector_load_idx %gather3A_169[%add3A_164, %add3A_136] : memref<64x128xf32, #tpu.memory_space<vmem>>[vector<16xi32>, vector<16xi32>], vector<16xf32>,
    %swap3A_171 = arith.constant 0 : i32
    %swap3A_172 = arith.index_cast %swap3A_171 : i32 to index
    %swap3A_173 = arith.constant 32 : index
    %swap3A_174 = tpu.vector_load %arg11[%swap3A_172, %swap3A_173] {strides = array<i32>} : memref<16x64xf32, #tpu.memory_space<vmem>>, vector<16xf32>,
    tpu.vector_store %arg11[%swap3A_172, %swap3A_173], %gather3A_170 {strides = array<i32>} : memref<16x64xf32, #tpu.memory_space<vmem>>, vector<16xf32>,
    %add3A_175 = arith.constant 48 : i32
    %add3A_176 = vector.broadcast %add3A_175 : i32 to vector<16xi32>
    %add3A_177 = arith.addi %add3A_176, %iota3A : vector<16xi32>
    %gather3A_178 = arith.constant 0 : i32
    %gather3A_179 = arith.constant 0 : i32
    %gather3A_180 = arith.constant 0 : i32
    %gather3A_181 = tpu.memref_slice %arg10[%gather3A_178, %gather3A_179, %gather3A_180] : memref<4x64x128xf32, #tpu.memory_space<vmem>> -> memref<1x64x128xf32, #tpu.memory_space<vmem>>
    %gather3A_182 = tpu.memref_squeeze %gather3A_181 : memref<1x64x128xf32, #tpu.memory_space<vmem>> -> memref<64x128xf32, #tpu.memory_space<vmem>>
    %gather3A_183 = tpu.vector_load_idx %gather3A_182[%add3A_177, %add3A_136] : memref<64x128xf32, #tpu.memory_space<vmem>>[vector<16xi32>, vector<16xi32>], vector<16xf32>,
    %swap3A_184 = arith.constant 0 : i32
    %swap3A_185 = arith.index_cast %swap3A_184 : i32 to index
    %swap3A_186 = arith.constant 48 : index
    %swap3A_187 = tpu.vector_load %arg11[%swap3A_185, %swap3A_186] {strides = array<i32>} : memref<16x64xf32, #tpu.memory_space<vmem>>, vector<16xf32>,
    tpu.vector_store %arg11[%swap3A_185, %swap3A_186], %gather3A_183 {strides = array<i32>} : memref<16x64xf32, #tpu.memory_space<vmem>>, vector<16xf32>,
    %shift_right_logical3A_188 = arith.constant 7 : i32
    %shift_right_logical3A_189 = arith.shrui %squeeze3A_26, %shift_right_logical3A_188 : i32
    %shift_left3A_190 = arith.constant 7 : i32
    %shift_left3A_191 = arith.shli %shift_right_logical3A_189, %shift_left3A_190 : i32
    %multiple_of3A_192 = tpu.assume_multiple %shift_left3A_191, 128 : i32
    %dma_start3A_193 = arith.constant 0 : i32
    %dma_start3A_194 = arith.constant 0 : i32
    %dma_start3A_195 = arith.constant 0 : i32
    %dma_start3A_196 = tpu.memref_slice %arg10[%dma_start3A_193, %dma_start3A_194, %dma_start3A_195] : memref<4x64x128xf32, #tpu.memory_space<vmem>> -> memref<1x64x128xf32, #tpu.memory_space<vmem>>
    %dma_start3A_197 = tpu.memref_squeeze %dma_start3A_196 : memref<1x64x128xf32, #tpu.memory_space<vmem>> -> memref<64x128xf32, #tpu.memory_space<vmem>>
    %dma_start3A_198 = arith.constant 0 : i32
    %dma_start3A_199 = tpu.memref_slice %arg2[%dma_start3A_198, %multiple_of3A_192] : memref<64x1000000xf32, #tpu.memory_space<hbm>> -> memref<64x128xf32, #tpu.memory_space<hbm>>
    %dma_start3A_200 = arith.constant 0 : i32
    %dma_start3A_201 = arith.constant 0 : i32
    %dma_start3A_202 = tpu.memref_slice %arg10[%dma_start3A_193, %dma_start3A_200, %dma_start3A_201] : memref<4x64x128xf32, #tpu.memory_space<vmem>> -> memref<1x64x128xf32, #tpu.memory_space<vmem>>
    %dma_start3A_203 = tpu.memref_squeeze %dma_start3A_202 : memref<1x64x128xf32, #tpu.memory_space<vmem>> -> memref<64x128xf32, #tpu.memory_space<vmem>>
    %dma_start3A_204 = arith.constant 0 : i32
    %dma_start3A_205 = tpu.memref_slice %arg2[%dma_start3A_204, %multiple_of3A_192] : memref<64x1000000xf32, #tpu.memory_space<hbm>> -> memref<64x128xf32, #tpu.memory_space<hbm>>
    tpu.enqueue_dma source(%dma_start3A_205 : memref<64x128xf32, #tpu.memory_space<hbm>>) target(%dma_start3A_203 : memref<64x128xf32, #tpu.memory_space<vmem>>) target_semaphore(%arg17 : memref<!tpu.dma_semaphore, #tpu.memory_space<semaphore_mem>>)
    %dma_wait3A_206 = arith.constant 1 : i32
    %dma_wait3A_207 = arith.constant 0 : i32
    %dma_wait3A_208 = arith.constant 0 : i32
    %dma_wait3A_209 = tpu.memref_slice %arg10[%dma_wait3A_206, %dma_wait3A_207, %dma_wait3A_208] : memref<4x64x128xf32, #tpu.memory_space<vmem>> -> memref<1x64x128xf32, #tpu.memory_space<vmem>>
    %dma_wait3A_210 = tpu.memref_squeeze %dma_wait3A_209 : memref<1x64x128xf32, #tpu.memory_space<vmem>> -> memref<64x128xf32, #tpu.memory_space<vmem>>
    %dma_wait3A_211 = arith.constant 0 : i32
    %dma_wait3A_212 = tpu.memref_slice %arg2[%dma_wait3A_211, %multiple_of3A_70] : memref<64x1000000xf32, #tpu.memory_space<hbm>> -> memref<64x128xf32, #tpu.memory_space<hbm>>
    %dma_wait3A_213 = arith.constant 0 : i32
    %dma_wait3A_214 = arith.constant 0 : i32
    %dma_wait3A_215 = tpu.memref_slice %arg10[%dma_wait3A_206, %dma_wait3A_213, %dma_wait3A_214] : memref<4x64x128xf32, #tpu.memory_space<vmem>> -> memref<1x64x128xf32, #tpu.memory_space<vmem>>
    %dma_wait3A_216 = tpu.memref_squeeze %dma_wait3A_215 : memref<1x64x128xf32, #tpu.memory_space<vmem>> -> memref<64x128xf32, #tpu.memory_space<vmem>>
    %dma_wait3A_217 = arith.constant 0 : i32
    %dma_wait3A_218 = tpu.memref_slice %arg2[%dma_wait3A_217, %multiple_of3A_70] : memref<64x1000000xf32, #tpu.memory_space<hbm>> -> memref<64x128xf32, #tpu.memory_space<hbm>>
    tpu.wait_dma2 semaphore(%arg17 : memref<!tpu.dma_semaphore, #tpu.memory_space<semaphore_mem>>) src(%dma_wait3A_218 : memref<64x128xf32, #tpu.memory_space<hbm>>) dst(%dma_wait3A_216 : memref<64x128xf32, #tpu.memory_space<vmem>>)
    %and3A_219 = arith.constant 127 : i32
    %and3A_220 = arith.andi %squeeze3A_20, %and3A_219 : i32
    %broadcast_in_dim3A_221 = arith.constant 0 : i32
    %broadcast_in_dim3A_222 = vector.broadcast %broadcast_in_dim3A_221 : i32 to vector<16xi32>
    %add3A_223 = vector.broadcast %and3A_220 : i32 to vector<16xi32>
    %add3A_224 = arith.addi %broadcast_in_dim3A_222, %add3A_223 : vector<16xi32>
    %add3A_225 = arith.constant 0 : i32
    %add3A_226 = vector.broadcast %add3A_225 : i32 to vector<16xi32>
    %add3A_227 = arith.addi %add3A_226, %iota3A : vector<16xi32>
    %gather3A_228 = arith.constant 1 : i32
    %gather3A_229 = arith.constant 0 : i32
    %gather3A_230 = arith.constant 0 : i32
    %gather3A_231 = tpu.memref_slice %arg10[%gather3A_228, %gather3A_229, %gather3A_230] : memref<4x64x128xf32, #tpu.memory_space<vmem>> -> memref<1x64x128xf32, #tpu.memory_space<vmem>>
    %gather3A_232 = tpu.memref_squeeze %gather3A_231 : memref<1x64x128xf32, #tpu.memory_space<vmem>> -> memref<64x128xf32, #tpu.memory_space<vmem>>
    %gather3A_233 = tpu.vector_load_idx %gather3A_232[%add3A_227, %add3A_224] : memref<64x128xf32, #tpu.memory_space<vmem>>[vector<16xi32>, vector<16xi32>], vector<16xf32>,
    %swap3A_234 = arith.constant 1 : i32
    %swap3A_235 = arith.index_cast %swap3A_234 : i32 to index
    %swap3A_236 = arith.constant 0 : index
    %swap3A_237 = tpu.vector_load %arg11[%swap3A_235, %swap3A_236] {strides = array<i32>} : memref<16x64xf32, #tpu.memory_space<vmem>>, vector<16xf32>,
    tpu.vector_store %arg11[%swap3A_235, %swap3A_236], %gather3A_233 {strides = array<i32>} : memref<16x64xf32, #tpu.memory_space<vmem>>, vector<16xf32>,
    %add3A_238 = arith.constant 16 : i32
    %add3A_239 = vector.broadcast %add3A_238 : i32 to vector<16xi32>
    %add3A_240 = arith.addi %add3A_239, %iota3A : vector<16xi32>
    %gather3A_241 = arith.constant 1 : i32
    %gather3A_242 = arith.constant 0 : i32
    %gather3A_243 = arith.constant 0 : i32
    %gather3A_244 = tpu.memref_slice %arg10[%gather3A_241, %gather3A_242, %gather3A_243] : memref<4x64x128xf32, #tpu.memory_space<vmem>> -> memref<1x64x128xf32, #tpu.memory_space<vmem>>
    %gather3A_245 = tpu.memref_squeeze %gather3A_244 : memref<1x64x128xf32, #tpu.memory_space<vmem>> -> memref<64x128xf32, #tpu.memory_space<vmem>>
    %gather3A_246 = tpu.vector_load_idx %gather3A_245[%add3A_240, %add3A_224] : memref<64x128xf32, #tpu.memory_space<vmem>>[vector<16xi32>, vector<16xi32>], vector<16xf32>,
    %swap3A_247 = arith.constant 1 : i32
    %swap3A_248 = arith.index_cast %swap3A_247 : i32 to index
    %swap3A_249 = arith.constant 16 : index
    %swap3A_250 = tpu.vector_load %arg11[%swap3A_248, %swap3A_249] {strides = array<i32>} : memref<16x64xf32, #tpu.memory_space<vmem>>, vector<16xf32>,
    tpu.vector_store %arg11[%swap3A_248, %swap3A_249], %gather3A_246 {strides = array<i32>} : memref<16x64xf32, #tpu.memory_space<vmem>>, vector<16xf32>,
    %add3A_251 = arith.constant 32 : i32
    %add3A_252 = vector.broadcast %add3A_251 : i32 to vector<16xi32>
    %add3A_253 = arith.addi %add3A_252, %iota3A : vector<16xi32>
    %gather3A_254 = arith.constant 1 : i32
    %gather3A_255 = arith.constant 0 : i32
    %gather3A_256 = arith.constant 0 : i32
    %gather3A_257 = tpu.memref_slice %arg10[%gather3A_254, %gather3A_255, %gather3A_256] : memref<4x64x128xf32, #tpu.memory_space<vmem>> -> memref<1x64x128xf32, #tpu.memory_space<vmem>>
    %gather3A_258 = tpu.memref_squeeze %gather3A_257 : memref<1x64x128xf32, #tpu.memory_space<vmem>> -> memref<64x128xf32, #tpu.memory_space<vmem>>
    %gather3A_259 = tpu.vector_load_idx %gather3A_258[%add3A_253, %add3A_224] : memref<64x128xf32, #tpu.memory_space<vmem>>[vector<16xi32>, vector<16xi32>], vector<16xf32>,
    %swap3A_260 = arith.constant 1 : i32
    %swap3A_261 = arith.index_cast %swap3A_260 : i32 to index
    %swap3A_262 = arith.constant 32 : index
    %swap3A_263 = tpu.vector_load %arg11[%swap3A_261, %swap3A_262] {strides = array<i32>} : memref<16x64xf32, #tpu.memory_space<vmem>>, vector<16xf32>,
    tpu.vector_store %arg11[%swap3A_261, %swap3A_262], %gather3A_259 {strides = array<i32>} : memref<16x64xf32, #tpu.memory_space<vmem>>, vector<16xf32>,
    %add3A_264 = arith.constant 48 : i32
    %add3A_265 = vector.broadcast %add3A_264 : i32 to vector<16xi32>
    %add3A_266 = arith.addi %add3A_265, %iota3A : vector<16xi32>
    %gather3A_267 = arith.constant 1 : i32
    %gather3A_268 = arith.constant 0 : i32
    %gather3A_269 = arith.constant 0 : i32
    %gather3A_270 = tpu.memref_slice %arg10[%gather3A_267, %gather3A_268, %gather3A_269] : memref<4x64x128xf32, #tpu.memory_space<vmem>> -> memref<1x64x128xf32, #tpu.memory_space<vmem>>
    %gather3A_271 = tpu.memref_squeeze %gather3A_270 : memref<1x64x128xf32, #tpu.memory_space<vmem>> -> memref<64x128xf32, #tpu.memory_space<vmem>>
    %gather3A_272 = tpu.vector_load_idx %gather3A_271[%add3A_266, %add3A_224] : memref<64x128xf32, #tpu.memory_space<vmem>>[vector<16xi32>, vector<16xi32>], vector<16xf32>,
    %swap3A_273 = arith.constant 1 : i32
    %swap3A_274 = arith.index_cast %swap3A_273 : i32 to index
    %swap3A_275 = arith.constant 48 : index
    %swap3A_276 = tpu.vector_load %arg11[%swap3A_274, %swap3A_275] {strides = array<i32>} : memref<16x64xf32, #tpu.memory_space<vmem>>, vector<16xf32>,
    tpu.vector_store %arg11[%swap3A_274, %swap3A_275], %gather3A_272 {strides = array<i32>} : memref<16x64xf32, #tpu.memory_space<vmem>>, vector<16xf32>,
    %shift_right_logical3A_277 = arith.constant 7 : i32
    %shift_right_logical3A_278 = arith.shrui %squeeze3A_28, %shift_right_logical3A_277 : i32
    %shift_left3A_279 = arith.constant 7 : i32
    %shift_left3A_280 = arith.shli %shift_right_logical3A_278, %shift_left3A_279 : i32
    %multiple_of3A_281 = tpu.assume_multiple %shift_left3A_280, 128 : i32
    %dma_start3A_282 = arith.constant 1 : i32
    %dma_start3A_283 = arith.constant 0 : i32
    %dma_start3A_284 = arith.constant 0 : i32
    %dma_start3A_285 = tpu.memref_slice %arg10[%dma_start3A_282, %dma_start3A_283, %dma_start3A_284] : memref<4x64x128xf32, #tpu.memory_space<vmem>> -> memref<1x64x128xf32, #tpu.memory_space<vmem>>
    %dma_start3A_286 = tpu.memref_squeeze %dma_start3A_285 : memref<1x64x128xf32, #tpu.memory_space<vmem>> -> memref<64x128xf32, #tpu.memory_space<vmem>>
    %dma_start3A_287 = arith.constant 0 : i32
    %dma_start3A_288 = tpu.memref_slice %arg2[%dma_start3A_287, %multiple_of3A_281] : memref<64x1000000xf32, #tpu.memory_space<hbm>> -> memref<64x128xf32, #tpu.memory_space<hbm>>
    %dma_start3A_289 = arith.constant 0 : i32
    %dma_start3A_290 = arith.constant 0 : i32
    %dma_start3A_291 = tpu.memref_slice %arg10[%dma_start3A_282, %dma_start3A_289, %dma_start3A_290] : memref<4x64x128xf32, #tpu.memory_space<vmem>> -> memref<1x64x128xf32, #tpu.memory_space<vmem>>
    %dma_start3A_292 = tpu.memref_squeeze %dma_start3A_291 : memref<1x64x128xf32, #tpu.memory_space<vmem>> -> memref<64x128xf32, #tpu.memory_space<vmem>>
    %dma_start3A_293 = arith.constant 0 : i32
    %dma_start3A_294 = tpu.memref_slice %arg2[%dma_start3A_293, %multiple_of3A_281] : memref<64x1000000xf32, #tpu.memory_space<hbm>> -> memref<64x128xf32, #tpu.memory_space<hbm>>
    tpu.enqueue_dma source(%dma_start3A_294 : memref<64x128xf32, #tpu.memory_space<hbm>>) target(%dma_start3A_292 : memref<64x128xf32, #tpu.memory_space<vmem>>) target_semaphore(%arg17 : memref<!tpu.dma_semaphore, #tpu.memory_space<semaphore_mem>>)
    %dma_wait3A_295 = arith.constant 2 : i32
    %dma_wait3A_296 = arith.constant 0 : i32
    %dma_wait3A_297 = arith.constant 0 : i32
    %dma_wait3A_298 = tpu.memref_slice %arg10[%dma_wait3A_295, %dma_wait3A_296, %dma_wait3A_297] : memref<4x64x128xf32, #tpu.memory_space<vmem>> -> memref<1x64x128xf32, #tpu.memory_space<vmem>>
    %dma_wait3A_299 = tpu.memref_squeeze %dma_wait3A_298 : memref<1x64x128xf32, #tpu.memory_space<vmem>> -> memref<64x128xf32, #tpu.memory_space<vmem>>
    %dma_wait3A_300 = arith.constant 0 : i32
    %dma_wait3A_301 = tpu.memref_slice %arg2[%dma_wait3A_300, %multiple_of3A_88] : memref<64x1000000xf32, #tpu.memory_space<hbm>> -> memref<64x128xf32, #tpu.memory_space<hbm>>
    %dma_wait3A_302 = arith.constant 0 : i32
    %dma_wait3A_303 = arith.constant 0 : i32
    %dma_wait3A_304 = tpu.memref_slice %arg10[%dma_wait3A_295, %dma_wait3A_302, %dma_wait3A_303] : memref<4x64x128xf32, #tpu.memory_space<vmem>> -> memref<1x64x128xf32, #tpu.memory_space<vmem>>
    %dma_wait3A_305 = tpu.memref_squeeze %dma_wait3A_304 : memref<1x64x128xf32, #tpu.memory_space<vmem>> -> memref<64x128xf32, #tpu.memory_space<vmem>>
    %dma_wait3A_306 = arith.constant 0 : i32
    %dma_wait3A_307 = tpu.memref_slice %arg2[%dma_wait3A_306, %multiple_of3A_88] : memref<64x1000000xf32, #tpu.memory_space<hbm>> -> memref<64x128xf32, #tpu.memory_space<hbm>>
    tpu.wait_dma2 semaphore(%arg17 : memref<!tpu.dma_semaphore, #tpu.memory_space<semaphore_mem>>) src(%dma_wait3A_307 : memref<64x128xf32, #tpu.memory_space<hbm>>) dst(%dma_wait3A_305 : memref<64x128xf32, #tpu.memory_space<vmem>>)
    %and3A_308 = arith.constant 127 : i32
    %and3A_309 = arith.andi %squeeze3A_22, %and3A_308 : i32
    %broadcast_in_dim3A_310 = arith.constant 0 : i32
    %broadcast_in_dim3A_311 = vector.broadcast %broadcast_in_dim3A_310 : i32 to vector<16xi32>
    %add3A_312 = vector.broadcast %and3A_309 : i32 to vector<16xi32>
    %add3A_313 = arith.addi %broadcast_in_dim3A_311, %add3A_312 : vector<16xi32>
    %add3A_314 = arith.constant 0 : i32
    %add3A_315 = vector.broadcast %add3A_314 : i32 to vector<16xi32>
    %add3A_316 = arith.addi %add3A_315, %iota3A : vector<16xi32>
    %gather3A_317 = arith.constant 2 : i32
    %gather3A_318 = arith.constant 0 : i32
    %gather3A_319 = arith.constant 0 : i32
    %gather3A_320 = tpu.memref_slice %arg10[%gather3A_317, %gather3A_318, %gather3A_319] : memref<4x64x128xf32, #tpu.memory_space<vmem>> -> memref<1x64x128xf32, #tpu.memory_space<vmem>>
    %gather3A_321 = tpu.memref_squeeze %gather3A_320 : memref<1x64x128xf32, #tpu.memory_space<vmem>> -> memref<64x128xf32, #tpu.memory_space<vmem>>
    %gather3A_322 = tpu.vector_load_idx %gather3A_321[%add3A_316, %add3A_313] : memref<64x128xf32, #tpu.memory_space<vmem>>[vector<16xi32>, vector<16xi32>], vector<16xf32>,
    %swap3A_323 = arith.constant 2 : i32
    %swap3A_324 = arith.index_cast %swap3A_323 : i32 to index
    %swap3A_325 = arith.constant 0 : index
    %swap3A_326 = tpu.vector_load %arg11[%swap3A_324, %swap3A_325] {strides = array<i32>} : memref<16x64xf32, #tpu.memory_space<vmem>>, vector<16xf32>,
    tpu.vector_store %arg11[%swap3A_324, %swap3A_325], %gather3A_322 {strides = array<i32>} : memref<16x64xf32, #tpu.memory_space<vmem>>, vector<16xf32>,
    %add3A_327 = arith.constant 16 : i32
    %add3A_328 = vector.broadcast %add3A_327 : i32 to vector<16xi32>
    %add3A_329 = arith.addi %add3A_328, %iota3A : vector<16xi32>
    %gather3A_330 = arith.constant 2 : i32
    %gather3A_331 = arith.constant 0 : i32
    %gather3A_332 = arith.constant 0 : i32
    %gather3A_333 = tpu.memref_slice %arg10[%gather3A_330, %gather3A_331, %gather3A_332] : memref<4x64x128xf32, #tpu.memory_space<vmem>> -> memref<1x64x128xf32, #tpu.memory_space<vmem>>
    %gather3A_334 = tpu.memref_squeeze %gather3A_333 : memref<1x64x128xf32, #tpu.memory_space<vmem>> -> memref<64x128xf32, #tpu.memory_space<vmem>>
    %gather3A_335 = tpu.vector_load_idx %gather3A_334[%add3A_329, %add3A_313] : memref<64x128xf32, #tpu.memory_space<vmem>>[vector<16xi32>, vector<16xi32>], vector<16xf32>,
    %swap3A_336 = arith.constant 2 : i32
    %swap3A_337 = arith.index_cast %swap3A_336 : i32 to index
    %swap3A_338 = arith.constant 16 : index
    %swap3A_339 = tpu.vector_load %arg11[%swap3A_337, %swap3A_338] {strides = array<i32>} : memref<16x64xf32, #tpu.memory_space<vmem>>, vector<16xf32>,
    tpu.vector_store %arg11[%swap3A_337, %swap3A_338], %gather3A_335 {strides = array<i32>} : memref<16x64xf32, #tpu.memory_space<vmem>>, vector<16xf32>,
    %add3A_340 = arith.constant 32 : i32
    %add3A_341 = vector.broadcast %add3A_340 : i32 to vector<16xi32>
    %add3A_342 = arith.addi %add3A_341, %iota3A : vector<16xi32>
    %gather3A_343 = arith.constant 2 : i32
    %gather3A_344 = arith.constant 0 : i32
    %gather3A_345 = arith.constant 0 : i32
    %gather3A_346 = tpu.memref_slice %arg10[%gather3A_343, %gather3A_344, %gather3A_345] : memref<4x64x128xf32, #tpu.memory_space<vmem>> -> memref<1x64x128xf32, #tpu.memory_space<vmem>>
    %gather3A_347 = tpu.memref_squeeze %gather3A_346 : memref<1x64x128xf32, #tpu.memory_space<vmem>> -> memref<64x128xf32, #tpu.memory_space<vmem>>
    %gather3A_348 = tpu.vector_load_idx %gather3A_347[%add3A_342, %add3A_313] : memref<64x128xf32, #tpu.memory_space<vmem>>[vector<16xi32>, vector<16xi32>], vector<16xf32>,
    %swap3A_349 = arith.constant 2 : i32
    %swap3A_350 = arith.index_cast %swap3A_349 : i32 to index
    %swap3A_351 = arith.constant 32 : index
    %swap3A_352 = tpu.vector_load %arg11[%swap3A_350, %swap3A_351] {strides = array<i32>} : memref<16x64xf32, #tpu.memory_space<vmem>>, vector<16xf32>,
    tpu.vector_store %arg11[%swap3A_350, %swap3A_351], %gather3A_348 {strides = array<i32>} : memref<16x64xf32, #tpu.memory_space<vmem>>, vector<16xf32>,
    %add3A_353 = arith.constant 48 : i32
    %add3A_354 = vector.broadcast %add3A_353 : i32 to vector<16xi32>
    %add3A_355 = arith.addi %add3A_354, %iota3A : vector<16xi32>
    %gather3A_356 = arith.constant 2 : i32
    %gather3A_357 = arith.constant 0 : i32
    %gather3A_358 = arith.constant 0 : i32
    %gather3A_359 = tpu.memref_slice %arg10[%gather3A_356, %gather3A_357, %gather3A_358] : memref<4x64x128xf32, #tpu.memory_space<vmem>> -> memref<1x64x128xf32, #tpu.memory_space<vmem>>
    %gather3A_360 = tpu.memref_squeeze %gather3A_359 : memref<1x64x128xf32, #tpu.memory_space<vmem>> -> memref<64x128xf32, #tpu.memory_space<vmem>>
    %gather3A_361 = tpu.vector_load_idx %gather3A_360[%add3A_355, %add3A_313] : memref<64x128xf32, #tpu.memory_space<vmem>>[vector<16xi32>, vector<16xi32>], vector<16xf32>,
    %swap3A_362 = arith.constant 2 : i32
    %swap3A_363 = arith.index_cast %swap3A_362 : i32 to index
    %swap3A_364 = arith.constant 48 : index
    %swap3A_365 = tpu.vector_load %arg11[%swap3A_363, %swap3A_364] {strides = array<i32>} : memref<16x64xf32, #tpu.memory_space<vmem>>, vector<16xf32>,
    tpu.vector_store %arg11[%swap3A_363, %swap3A_364], %gather3A_361 {strides = array<i32>} : memref<16x64xf32, #tpu.memory_space<vmem>>, vector<16xf32>,
    %shift_right_logical3A_366 = arith.constant 7 : i32
    %shift_right_logical3A_367 = arith.shrui %squeeze3A_30, %shift_right_logical3A_366 : i32
    %shift_left3A_368 = arith.constant 7 : i32
    %shift_left3A_369 = arith.shli %shift_right_logical3A_367, %shift_left3A_368 : i32
    %multiple_of3A_370 = tpu.assume_multiple %shift_left3A_369, 128 : i32
    %dma_start3A_371 = arith.constant 2 : i32
    %dma_start3A_372 = arith.constant 0 : i32
    %dma_start3A_373 = arith.constant 0 : i32
    %dma_start3A_374 = tpu.memref_slice %arg10[%dma_start3A_371, %dma_start3A_372, %dma_start3A_373] : memref<4x64x128xf32, #tpu.memory_space<vmem>> -> memref<1x64x128xf32, #tpu.memory_space<vmem>>
    %dma_start3A_375 = tpu.memref_squeeze %dma_start3A_374 : memref<1x64x128xf32, #tpu.memory_space<vmem>> -> memref<64x128xf32, #tpu.memory_space<vmem>>
    %dma_start3A_376 = arith.constant 0 : i32
    %dma_start3A_377 = tpu.memref_slice %arg2[%dma_start3A_376, %multiple_of3A_370] : memref<64x1000000xf32, #tpu.memory_space<hbm>> -> memref<64x128xf32, #tpu.memory_space<hbm>>
    %dma_start3A_378 = arith.constant 0 : i32
    %dma_start3A_379 = arith.constant 0 : i32
    %dma_start3A_380 = tpu.memref_slice %arg10[%dma_start3A_371, %dma_start3A_378, %dma_start3A_379] : memref<4x64x128xf32, #tpu.memory_space<vmem>> -> memref<1x64x128xf32, #tpu.memory_space<vmem>>
    %dma_start3A_381 = tpu.memref_squeeze %dma_start3A_380 : memref<1x64x128xf32, #tpu.memory_space<vmem>> -> memref<64x128xf32, #tpu.memory_space<vmem>>
    %dma_start3A_382 = arith.constant 0 : i32
    %dma_start3A_383 = tpu.memref_slice %arg2[%dma_start3A_382, %multiple_of3A_370] : memref<64x1000000xf32, #tpu.memory_space<hbm>> -> memref<64x128xf32, #tpu.memory_space<hbm>>
    tpu.enqueue_dma source(%dma_start3A_383 : memref<64x128xf32, #tpu.memory_space<hbm>>) target(%dma_start3A_381 : memref<64x128xf32, #tpu.memory_space<vmem>>) target_semaphore(%arg17 : memref<!tpu.dma_semaphore, #tpu.memory_space<semaphore_mem>>)
    %dma_wait3A_384 = arith.constant 3 : i32
    %dma_wait3A_385 = arith.constant 0 : i32
    %dma_wait3A_386 = arith.constant 0 : i32
    %dma_wait3A_387 = tpu.memref_slice %arg10[%dma_wait3A_384, %dma_wait3A_385, %dma_wait3A_386] : memref<4x64x128xf32, #tpu.memory_space<vmem>> -> memref<1x64x128xf32, #tpu.memory_space<vmem>>
    %dma_wait3A_388 = tpu.memref_squeeze %dma_wait3A_387 : memref<1x64x128xf32, #tpu.memory_space<vmem>> -> memref<64x128xf32, #tpu.memory_space<vmem>>
    %dma_wait3A_389 = arith.constant 0 : i32
    %dma_wait3A_390 = tpu.memref_slice %arg2[%dma_wait3A_389, %multiple_of3A_106] : memref<64x1000000xf32, #tpu.memory_space<hbm>> -> memref<64x128xf32, #tpu.memory_space<hbm>>
    %dma_wait3A_391 = arith.constant 0 : i32
    %dma_wait3A_392 = arith.constant 0 : i32
    %dma_wait3A_393 = tpu.memref_slice %arg10[%dma_wait3A_384, %dma_wait3A_391, %dma_wait3A_392] : memref<4x64x128xf32, #tpu.memory_space<vmem>> -> memref<1x64x128xf32, #tpu.memory_space<vmem>>
    %dma_wait3A_394 = tpu.memref_squeeze %dma_wait3A_393 : memref<1x64x128xf32, #tpu.memory_space<vmem>> -> memref<64x128xf32, #tpu.memory_space<vmem>>
    %dma_wait3A_395 = arith.constant 0 : i32
    %dma_wait3A_396 = tpu.memref_slice %arg2[%dma_wait3A_395, %multiple_of3A_106] : memref<64x1000000xf32, #tpu.memory_space<hbm>> -> memref<64x128xf32, #tpu.memory_space<hbm>>
    tpu.wait_dma2 semaphore(%arg17 : memref<!tpu.dma_semaphore, #tpu.memory_space<semaphore_mem>>) src(%dma_wait3A_396 : memref<64x128xf32, #tpu.memory_space<hbm>>) dst(%dma_wait3A_394 : memref<64x128xf32, #tpu.memory_space<vmem>>)
    %and3A_397 = arith.constant 127 : i32
    %and3A_398 = arith.andi %squeeze3A_24, %and3A_397 : i32
    %broadcast_in_dim3A_399 = arith.constant 0 : i32
    %broadcast_in_dim3A_400 = vector.broadcast %broadcast_in_dim3A_399 : i32 to vector<16xi32>
    %add3A_401 = vector.broadcast %and3A_398 : i32 to vector<16xi32>
    %add3A_402 = arith.addi %broadcast_in_dim3A_400, %add3A_401 : vector<16xi32>
    %add3A_403 = arith.constant 0 : i32
    %add3A_404 = vector.broadcast %add3A_403 : i32 to vector<16xi32>
    %add3A_405 = arith.addi %add3A_404, %iota3A : vector<16xi32>
    %gather3A_406 = arith.constant 3 : i32
    %gather3A_407 = arith.constant 0 : i32
    %gather3A_408 = arith.constant 0 : i32
    %gather3A_409 = tpu.memref_slice %arg10[%gather3A_406, %gather3A_407, %gather3A_408] : memref<4x64x128xf32, #tpu.memory_space<vmem>> -> memref<1x64x128xf32, #tpu.memory_space<vmem>>
    %gather3A_410 = tpu.memref_squeeze %gather3A_409 : memref<1x64x128xf32, #tpu.memory_space<vmem>> -> memref<64x128xf32, #tpu.memory_space<vmem>>
    %gather3A_411 = tpu.vector_load_idx %gather3A_410[%add3A_405, %add3A_402] : memref<64x128xf32, #tpu.memory_space<vmem>>[vector<16xi32>, vector<16xi32>], vector<16xf32>,
    %swap3A_412 = arith.constant 3 : i32
    %swap3A_413 = arith.index_cast %swap3A_412 : i32 to index
    %swap3A_414 = arith.constant 0 : index
    %swap3A_415 = tpu.vector_load %arg11[%swap3A_413, %swap3A_414] {strides = array<i32>} : memref<16x64xf32, #tpu.memory_space<vmem>>, vector<16xf32>,
    tpu.vector_store %arg11[%swap3A_413, %swap3A_414], %gather3A_411 {strides = array<i32>} : memref<16x64xf32, #tpu.memory_space<vmem>>, vector<16xf32>,
    %add3A_416 = arith.constant 16 : i32
    %add3A_417 = vector.broadcast %add3A_416 : i32 to vector<16xi32>
    %add3A_418 = arith.addi %add3A_417, %iota3A : vector<16xi32>
    %gather3A_419 = arith.constant 3 : i32
    %gather3A_420 = arith.constant 0 : i32
    %gather3A_421 = arith.constant 0 : i32
    %gather3A_422 = tpu.memref_slice %arg10[%gather3A_419, %gather3A_420, %gather3A_421] : memref<4x64x128xf32, #tpu.memory_space<vmem>> -> memref<1x64x128xf32, #tpu.memory_space<vmem>>
    %gather3A_423 = tpu.memref_squeeze %gather3A_422 : memref<1x64x128xf32, #tpu.memory_space<vmem>> -> memref<64x128xf32, #tpu.memory_space<vmem>>
    %gather3A_424 = tpu.vector_load_idx %gather3A_423[%add3A_418, %add3A_402] : memref<64x128xf32, #tpu.memory_space<vmem>>[vector<16xi32>, vector<16xi32>], vector<16xf32>,
    %swap3A_425 = arith.constant 3 : i32
    %swap3A_426 = arith.index_cast %swap3A_425 : i32 to index
    %swap3A_427 = arith.constant 16 : index
    %swap3A_428 = tpu.vector_load %arg11[%swap3A_426, %swap3A_427] {strides = array<i32>} : memref<16x64xf32, #tpu.memory_space<vmem>>, vector<16xf32>,
    tpu.vector_store %arg11[%swap3A_426, %swap3A_427], %gather3A_424 {strides = array<i32>} : memref<16x64xf32, #tpu.memory_space<vmem>>, vector<16xf32>,
    %add3A_429 = arith.constant 32 : i32
    %add3A_430 = vector.broadcast %add3A_429 : i32 to vector<16xi32>
    %add3A_431 = arith.addi %add3A_430, %iota3A : vector<16xi32>
    %gather3A_432 = arith.constant 3 : i32
    %gather3A_433 = arith.constant 0 : i32
    %gather3A_434 = arith.constant 0 : i32
    %gather3A_435 = tpu.memref_slice %arg10[%gather3A_432, %gather3A_433, %gather3A_434] : memref<4x64x128xf32, #tpu.memory_space<vmem>> -> memref<1x64x128xf32, #tpu.memory_space<vmem>>
    %gather3A_436 = tpu.memref_squeeze %gather3A_435 : memref<1x64x128xf32, #tpu.memory_space<vmem>> -> memref<64x128xf32, #tpu.memory_space<vmem>>
    %gather3A_437 = tpu.vector_load_idx %gather3A_436[%add3A_431, %add3A_402] : memref<64x128xf32, #tpu.memory_space<vmem>>[vector<16xi32>, vector<16xi32>], vector<16xf32>,
    %swap3A_438 = arith.constant 3 : i32
    %swap3A_439 = arith.index_cast %swap3A_438 : i32 to index
    %swap3A_440 = arith.constant 32 : index
    %swap3A_441 = tpu.vector_load %arg11[%swap3A_439, %swap3A_440] {strides = array<i32>} : memref<16x64xf32, #tpu.memory_space<vmem>>, vector<16xf32>,
    tpu.vector_store %arg11[%swap3A_439, %swap3A_440], %gather3A_437 {strides = array<i32>} : memref<16x64xf32, #tpu.memory_space<vmem>>, vector<16xf32>,
    %add3A_442 = arith.constant 48 : i32
    %add3A_443 = vector.broadcast %add3A_442 : i32 to vector<16xi32>
    %add3A_444 = arith.addi %add3A_443, %iota3A : vector<16xi32>
    %gather3A_445 = arith.constant 3 : i32
    %gather3A_446 = arith.constant 0 : i32
    %gather3A_447 = arith.constant 0 : i32
    %gather3A_448 = tpu.memref_slice %arg10[%gather3A_445, %gather3A_446, %gather3A_447] : memref<4x64x128xf32, #tpu.memory_space<vmem>> -> memref<1x64x128xf32, #tpu.memory_space<vmem>>
    %gather3A_449 = tpu.memref_squeeze %gather3A_448 : memref<1x64x128xf32, #tpu.memory_space<vmem>> -> memref<64x128xf32, #tpu.memory_space<vmem>>
    %gather3A_450 = tpu.vector_load_idx %gather3A_449[%add3A_444, %add3A_402] : memref<64x128xf32, #tpu.memory_space<vmem>>[vector<16xi32>, vector<16xi32>], vector<16xf32>,
    %swap3A_451 = arith.constant 3 : i32
    %swap3A_452 = arith.index_cast %swap3A_451 : i32 to index
    %swap3A_453 = arith.constant 48 : index
    %swap3A_454 = tpu.vector_load %arg11[%swap3A_452, %swap3A_453] {strides = array<i32>} : memref<16x64xf32, #tpu.memory_space<vmem>>, vector<16xf32>,
    tpu.vector_store %arg11[%swap3A_452, %swap3A_453], %gather3A_450 {strides = array<i32>} : memref<16x64xf32, #tpu.memory_space<vmem>>, vector<16xf32>,
    %shift_right_logical3A_455 = arith.constant 7 : i32
    %shift_right_logical3A_456 = arith.shrui %squeeze3A_32, %shift_right_logical3A_455 : i32
    %shift_left3A_457 = arith.constant 7 : i32
    %shift_left3A_458 = arith.shli %shift_right_logical3A_456, %shift_left3A_457 : i32
    %multiple_of3A_459 = tpu.assume_multiple %shift_left3A_458, 128 : i32
    %dma_start3A_460 = arith.constant 3 : i32
    %dma_start3A_461 = arith.constant 0 : i32
    %dma_start3A_462 = arith.constant 0 : i32
    %dma_start3A_463 = tpu.memref_slice %arg10[%dma_start3A_460, %dma_start3A_461, %dma_start3A_462] : memref<4x64x128xf32, #tpu.memory_space<vmem>> -> memref<1x64x128xf32, #tpu.memory_space<vmem>>
    %dma_start3A_464 = tpu.memref_squeeze %dma_start3A_463 : memref<1x64x128xf32, #tpu.memory_space<vmem>> -> memref<64x128xf32, #tpu.memory_space<vmem>>
    %dma_start3A_465 = arith.constant 0 : i32
    %dma_start3A_466 = tpu.memref_slice %arg2[%dma_start3A_465, %multiple_of3A_459] : memref<64x1000000xf32, #tpu.memory_space<hbm>> -> memref<64x128xf32, #tpu.memory_space<hbm>>
    %dma_start3A_467 = arith.constant 0 : i32
    %dma_start3A_468 = arith.constant 0 : i32
    %dma_start3A_469 = tpu.memref_slice %arg10[%dma_start3A_460, %dma_start3A_467, %dma_start3A_468] : memref<4x64x128xf32, #tpu.memory_space<vmem>> -> memref<1x64x128xf32, #tpu.memory_space<vmem>>
    %dma_start3A_470 = tpu.memref_squeeze %dma_start3A_469 : memref<1x64x128xf32, #tpu.memory_space<vmem>> -> memref<64x128xf32, #tpu.memory_space<vmem>>
    %dma_start3A_471 = arith.constant 0 : i32
    %dma_start3A_472 = tpu.memref_slice %arg2[%dma_start3A_471, %multiple_of3A_459] : memref<64x1000000xf32, #tpu.memory_space<hbm>> -> memref<64x128xf32, #tpu.memory_space<hbm>>
    tpu.enqueue_dma source(%dma_start3A_472 : memref<64x128xf32, #tpu.memory_space<hbm>>) target(%dma_start3A_470 : memref<64x128xf32, #tpu.memory_space<vmem>>) target_semaphore(%arg17 : memref<!tpu.dma_semaphore, #tpu.memory_space<semaphore_mem>>)
    %dma_wait3A_473 = arith.constant 0 : i32
    %dma_wait3A_474 = arith.constant 0 : i32
    %dma_wait3A_475 = arith.constant 0 : i32
    %dma_wait3A_476 = tpu.memref_slice %arg10[%dma_wait3A_473, %dma_wait3A_474, %dma_wait3A_475] : memref<4x64x128xf32, #tpu.memory_space<vmem>> -> memref<1x64x128xf32, #tpu.memory_space<vmem>>
    %dma_wait3A_477 = tpu.memref_squeeze %dma_wait3A_476 : memref<1x64x128xf32, #tpu.memory_space<vmem>> -> memref<64x128xf32, #tpu.memory_space<vmem>>
    %dma_wait3A_478 = arith.constant 0 : i32
    %dma_wait3A_479 = tpu.memref_slice %arg2[%dma_wait3A_478, %multiple_of3A_192] : memref<64x1000000xf32, #tpu.memory_space<hbm>> -> memref<64x128xf32, #tpu.memory_space<hbm>>
    %dma_wait3A_480 = arith.constant 0 : i32
    %dma_wait3A_481 = arith.constant 0 : i32
    %dma_wait3A_482 = tpu.memref_slice %arg10[%dma_wait3A_473, %dma_wait3A_480, %dma_wait3A_481] : memref<4x64x128xf32, #tpu.memory_space<vmem>> -> memref<1x64x128xf32, #tpu.memory_space<vmem>>
    %dma_wait3A_483 = tpu.memref_squeeze %dma_wait3A_482 : memref<1x64x128xf32, #tpu.memory_space<vmem>> -> memref<64x128xf32, #tpu.memory_space<vmem>>
    %dma_wait3A_484 = arith.constant 0 : i32
    %dma_wait3A_485 = tpu.memref_slice %arg2[%dma_wait3A_484, %multiple_of3A_192] : memref<64x1000000xf32, #tpu.memory_space<hbm>> -> memref<64x128xf32, #tpu.memory_space<hbm>>
    tpu.wait_dma2 semaphore(%arg17 : memref<!tpu.dma_semaphore, #tpu.memory_space<semaphore_mem>>) src(%dma_wait3A_485 : memref<64x128xf32, #tpu.memory_space<hbm>>) dst(%dma_wait3A_483 : memref<64x128xf32, #tpu.memory_space<vmem>>)
    %and3A_486 = arith.constant 127 : i32
    %and3A_487 = arith.andi %squeeze3A_26, %and3A_486 : i32
    %broadcast_in_dim3A_488 = arith.constant 0 : i32
    %broadcast_in_dim3A_489 = vector.broadcast %broadcast_in_dim3A_488 : i32 to vector<16xi32>
    %add3A_490 = vector.broadcast %and3A_487 : i32 to vector<16xi32>
    %add3A_491 = arith.addi %broadcast_in_dim3A_489, %add3A_490 : vector<16xi32>
    %add3A_492 = arith.constant 0 : i32
    %add3A_493 = vector.broadcast %add3A_492 : i32 to vector<16xi32>
    %add3A_494 = arith.addi %add3A_493, %iota3A : vector<16xi32>
    %gather3A_495 = arith.constant 0 : i32
    %gather3A_496 = arith.constant 0 : i32
    %gather3A_497 = arith.constant 0 : i32
    %gather3A_498 = tpu.memref_slice %arg10[%gather3A_495, %gather3A_496, %gather3A_497] : memref<4x64x128xf32, #tpu.memory_space<vmem>> -> memref<1x64x128xf32, #tpu.memory_space<vmem>>
    %gather3A_499 = tpu.memref_squeeze %gather3A_498 : memref<1x64x128xf32, #tpu.memory_space<vmem>> -> memref<64x128xf32, #tpu.memory_space<vmem>>
    %gather3A_500 = tpu.vector_load_idx %gather3A_499[%add3A_494, %add3A_491] : memref<64x128xf32, #tpu.memory_space<vmem>>[vector<16xi32>, vector<16xi32>], vector<16xf32>,
    %swap3A_501 = arith.constant 4 : i32
    %swap3A_502 = arith.index_cast %swap3A_501 : i32 to index
    %swap3A_503 = arith.constant 0 : index
    %swap3A_504 = tpu.vector_load %arg11[%swap3A_502, %swap3A_503] {strides = array<i32>} : memref<16x64xf32, #tpu.memory_space<vmem>>, vector<16xf32>,
    tpu.vector_store %arg11[%swap3A_502, %swap3A_503], %gather3A_500 {strides = array<i32>} : memref<16x64xf32, #tpu.memory_space<vmem>>, vector<16xf32>,
    %add3A_505 = arith.constant 16 : i32
    %add3A_506 = vector.broadcast %add3A_505 : i32 to vector<16xi32>
    %add3A_507 = arith.addi %add3A_506, %iota3A : vector<16xi32>
    %gather3A_508 = arith.constant 0 : i32
    %gather3A_509 = arith.constant 0 : i32
    %gather3A_510 = arith.constant 0 : i32
    %gather3A_511 = tpu.memref_slice %arg10[%gather3A_508, %gather3A_509, %gather3A_510] : memref<4x64x128xf32, #tpu.memory_space<vmem>> -> memref<1x64x128xf32, #tpu.memory_space<vmem>>
    %gather3A_512 = tpu.memref_squeeze %gather3A_511 : memref<1x64x128xf32, #tpu.memory_space<vmem>> -> memref<64x128xf32, #tpu.memory_space<vmem>>
    %gather3A_513 = tpu.vector_load_idx %gather3A_512[%add3A_507, %add3A_491] : memref<64x128xf32, #tpu.memory_space<vmem>>[vector<16xi32>, vector<16xi32>], vector<16xf32>,
    %swap3A_514 = arith.constant 4 : i32
    %swap3A_515 = arith.index_cast %swap3A_514 : i32 to index
    %swap3A_516 = arith.constant 16 : index
    %swap3A_517 = tpu.vector_load %arg11[%swap3A_515, %swap3A_516] {strides = array<i32>} : memref<16x64xf32, #tpu.memory_space<vmem>>, vector<16xf32>,
    tpu.vector_store %arg11[%swap3A_515, %swap3A_516], %gather3A_513 {strides = array<i32>} : memref<16x64xf32, #tpu.memory_space<vmem>>, vector<16xf32>,
    %add3A_518 = arith.constant 32 : i32
    %add3A_519 = vector.broadcast %add3A_518 : i32 to vector<16xi32>
    %add3A_520 = arith.addi %add3A_519, %iota3A : vector<16xi32>
    %gather3A_521 = arith.constant 0 : i32
    %gather3A_522 = arith.constant 0 : i32
    %gather3A_523 = arith.constant 0 : i32
    %gather3A_524 = tpu.memref_slice %arg10[%gather3A_521, %gather3A_522, %gather3A_523] : memref<4x64x128xf32, #tpu.memory_space<vmem>> -> memref<1x64x128xf32, #tpu.memory_space<vmem>>
    %gather3A_525 = tpu.memref_squeeze %gather3A_524 : memref<1x64x128xf32, #tpu.memory_space<vmem>> -> memref<64x128xf32, #tpu.memory_space<vmem>>
    %gather3A_526 = tpu.vector_load_idx %gather3A_525[%add3A_520, %add3A_491] : memref<64x128xf32, #tpu.memory_space<vmem>>[vector<16xi32>, vector<16xi32>], vector<16xf32>,
    %swap3A_527 = arith.constant 4 : i32
    %swap3A_528 = arith.index_cast %swap3A_527 : i32 to index
    %swap3A_529 = arith.constant 32 : index
    %swap3A_530 = tpu.vector_load %arg11[%swap3A_528, %swap3A_529] {strides = array<i32>} : memref<16x64xf32, #tpu.memory_space<vmem>>, vector<16xf32>,
    tpu.vector_store %arg11[%swap3A_528, %swap3A_529], %gather3A_526 {strides = array<i32>} : memref<16x64xf32, #tpu.memory_space<vmem>>, vector<16xf32>,
    %add3A_531 = arith.constant 48 : i32
    %add3A_532 = vector.broadcast %add3A_531 : i32 to vector<16xi32>
    %add3A_533 = arith.addi %add3A_532, %iota3A : vector<16xi32>
    %gather3A_534 = arith.constant 0 : i32
    %gather3A_535 = arith.constant 0 : i32
    %gather3A_536 = arith.constant 0 : i32
    %gather3A_537 = tpu.memref_slice %arg10[%gather3A_534, %gather3A_535, %gather3A_536] : memref<4x64x128xf32, #tpu.memory_space<vmem>> -> memref<1x64x128xf32, #tpu.memory_space<vmem>>
    %gather3A_538 = tpu.memref_squeeze %gather3A_537 : memref<1x64x128xf32, #tpu.memory_space<vmem>> -> memref<64x128xf32, #tpu.memory_space<vmem>>
    %gather3A_539 = tpu.vector_load_idx %gather3A_538[%add3A_533, %add3A_491] : memref<64x128xf32, #tpu.memory_space<vmem>>[vector<16xi32>, vector<16xi32>], vector<16xf32>,
    %swap3A_540 = arith.constant 4 : i32
    %swap3A_541 = arith.index_cast %swap3A_540 : i32 to index
    %swap3A_542 = arith.constant 48 : index
    %swap3A_543 = tpu.vector_load %arg11[%swap3A_541, %swap3A_542] {strides = array<i32>} : memref<16x64xf32, #tpu.memory_space<vmem>>, vector<16xf32>,
    tpu.vector_store %arg11[%swap3A_541, %swap3A_542], %gather3A_539 {strides = array<i32>} : memref<16x64xf32, #tpu.memory_space<vmem>>, vector<16xf32>,
    %shift_right_logical3A_544 = arith.constant 7 : i32
    %shift_right_logical3A_545 = arith.shrui %squeeze3A_34, %shift_right_logical3A_544 : i32
    %shift_left3A_546 = arith.constant 7 : i32
    %shift_left3A_547 = arith.shli %shift_right_logical3A_545, %shift_left3A_546 : i32
    %multiple_of3A_548 = tpu.assume_multiple %shift_left3A_547, 128 : i32
    %dma_start3A_549 = arith.constant 0 : i32
    %dma_start3A_550 = arith.constant 0 : i32
    %dma_start3A_551 = arith.constant 0 : i32
    %dma_start3A_552 = tpu.memref_slice %arg10[%dma_start3A_549, %dma_start3A_550, %dma_start3A_551] : memref<4x64x128xf32, #tpu.memory_space<vmem>> -> memref<1x64x128xf32, #tpu.memory_space<vmem>>
    %dma_start3A_553 = tpu.memref_squeeze %dma_start3A_552 : memref<1x64x128xf32, #tpu.memory_space<vmem>> -> memref<64x128xf32, #tpu.memory_space<vmem>>
    %dma_start3A_554 = arith.constant 0 : i32
    %dma_start3A_555 = tpu.memref_slice %arg2[%dma_start3A_554, %multiple_of3A_548] : memref<64x1000000xf32, #tpu.memory_space<hbm>> -> memref<64x128xf32, #tpu.memory_space<hbm>>
    %dma_start3A_556 = arith.constant 0 : i32
    %dma_start3A_557 = arith.constant 0 : i32
    %dma_start3A_558 = tpu.memref_slice %arg10[%dma_start3A_549, %dma_start3A_556, %dma_start3A_557] : memref<4x64x128xf32, #tpu.memory_space<vmem>> -> memref<1x64x128xf32, #tpu.memory_space<vmem>>
    %dma_start3A_559 = tpu.memref_squeeze %dma_start3A_558 : memref<1x64x128xf32, #tpu.memory_space<vmem>> -> memref<64x128xf32, #tpu.memory_space<vmem>>
    %dma_start3A_560 = arith.constant 0 : i32
    %dma_start3A_561 = tpu.memref_slice %arg2[%dma_start3A_560, %multiple_of3A_548] : memref<64x1000000xf32, #tpu.memory_space<hbm>> -> memref<64x128xf32, #tpu.memory_space<hbm>>
    tpu.enqueue_dma source(%dma_start3A_561 : memref<64x128xf32, #tpu.memory_space<hbm>>) target(%dma_start3A_559 : memref<64x128xf32, #tpu.memory_space<vmem>>) target_semaphore(%arg17 : memref<!tpu.dma_semaphore, #tpu.memory_space<semaphore_mem>>)
    %dma_wait3A_562 = arith.constant 1 : i32
    %dma_wait3A_563 = arith.constant 0 : i32
    %dma_wait3A_564 = arith.constant 0 : i32
    %dma_wait3A_565 = tpu.memref_slice %arg10[%dma_wait3A_562, %dma_wait3A_563, %dma_wait3A_564] : memref<4x64x128xf32, #tpu.memory_space<vmem>> -> memref<1x64x128xf32, #tpu.memory_space<vmem>>
    %dma_wait3A_566 = tpu.memref_squeeze %dma_wait3A_565 : memref<1x64x128xf32, #tpu.memory_space<vmem>> -> memref<64x128xf32, #tpu.memory_space<vmem>>
    %dma_wait3A_567 = arith.constant 0 : i32
    %dma_wait3A_568 = tpu.memref_slice %arg2[%dma_wait3A_567, %multiple_of3A_281] : memref<64x1000000xf32, #tpu.memory_space<hbm>> -> memref<64x128xf32, #tpu.memory_space<hbm>>
    %dma_wait3A_569 = arith.constant 0 : i32
    %dma_wait3A_570 = arith.constant 0 : i32
    %dma_wait3A_571 = tpu.memref_slice %arg10[%dma_wait3A_562, %dma_wait3A_569, %dma_wait3A_570] : memref<4x64x128xf32, #tpu.memory_space<vmem>> -> memref<1x64x128xf32, #tpu.memory_space<vmem>>
    %dma_wait3A_572 = tpu.memref_squeeze %dma_wait3A_571 : memref<1x64x128xf32, #tpu.memory_space<vmem>> -> memref<64x128xf32, #tpu.memory_space<vmem>>
    %dma_wait3A_573 = arith.constant 0 : i32
    %dma_wait3A_574 = tpu.memref_slice %arg2[%dma_wait3A_573, %multiple_of3A_281] : memref<64x1000000xf32, #tpu.memory_space<hbm>> -> memref<64x128xf32, #tpu.memory_space<hbm>>
    tpu.wait_dma2 semaphore(%arg17 : memref<!tpu.dma_semaphore, #tpu.memory_space<semaphore_mem>>) src(%dma_wait3A_574 : memref<64x128xf32, #tpu.memory_space<hbm>>) dst(%dma_wait3A_572 : memref<64x128xf32, #tpu.memory_space<vmem>>)
    %and3A_575 = arith.constant 127 : i32
    %and3A_576 = arith.andi %squeeze3A_28, %and3A_575 : i32
    %broadcast_in_dim3A_577 = arith.constant 0 : i32
    %broadcast_in_dim3A_578 = vector.broadcast %broadcast_in_dim3A_577 : i32 to vector<16xi32>
    %add3A_579 = vector.broadcast %and3A_576 : i32 to vector<16xi32>
    %add3A_580 = arith.addi %broadcast_in_dim3A_578, %add3A_579 : vector<16xi32>
    %add3A_581 = arith.constant 0 : i32
    %add3A_582 = vector.broadcast %add3A_581 : i32 to vector<16xi32>
    %add3A_583 = arith.addi %add3A_582, %iota3A : vector<16xi32>
    %gather3A_584 = arith.constant 1 : i32
    %gather3A_585 = arith.constant 0 : i32
    %gather3A_586 = arith.constant 0 : i32
    %gather3A_587 = tpu.memref_slice %arg10[%gather3A_584, %gather3A_585, %gather3A_586] : memref<4x64x128xf32, #tpu.memory_space<vmem>> -> memref<1x64x128xf32, #tpu.memory_space<vmem>>
    %gather3A_588 = tpu.memref_squeeze %gather3A_587 : memref<1x64x128xf32, #tpu.memory_space<vmem>> -> memref<64x128xf32, #tpu.memory_space<vmem>>
    %gather3A_589 = tpu.vector_load_idx %gather3A_588[%add3A_583, %add3A_580] : memref<64x128xf32, #tpu.memory_space<vmem>>[vector<16xi32>, vector<16xi32>], vector<16xf32>,
    %swap3A_590 = arith.constant 5 : i32
    %swap3A_591 = arith.index_cast %swap3A_590 : i32 to index
    %swap3A_592 = arith.constant 0 : index
    %swap3A_593 = tpu.vector_load %arg11[%swap3A_591, %swap3A_592] {strides = array<i32>} : memref<16x64xf32, #tpu.memory_space<vmem>>, vector<16xf32>,
    tpu.vector_store %arg11[%swap3A_591, %swap3A_592], %gather3A_589 {strides = array<i32>} : memref<16x64xf32, #tpu.memory_space<vmem>>, vector<16xf32>,
    %add3A_594 = arith.constant 16 : i32
    %add3A_595 = vector.broadcast %add3A_594 : i32 to vector<16xi32>
    %add3A_596 = arith.addi %add3A_595, %iota3A : vector<16xi32>
    %gather3A_597 = arith.constant 1 : i32
    %gather3A_598 = arith.constant 0 : i32
    %gather3A_599 = arith.constant 0 : i32
    %gather3A_600 = tpu.memref_slice %arg10[%gather3A_597, %gather3A_598, %gather3A_599] : memref<4x64x128xf32, #tpu.memory_space<vmem>> -> memref<1x64x128xf32, #tpu.memory_space<vmem>>
    %gather3A_601 = tpu.memref_squeeze %gather3A_600 : memref<1x64x128xf32, #tpu.memory_space<vmem>> -> memref<64x128xf32, #tpu.memory_space<vmem>>
    %gather3A_602 = tpu.vector_load_idx %gather3A_601[%add3A_596, %add3A_580] : memref<64x128xf32, #tpu.memory_space<vmem>>[vector<16xi32>, vector<16xi32>], vector<16xf32>,
    %swap3A_603 = arith.constant 5 : i32
    %swap3A_604 = arith.index_cast %swap3A_603 : i32 to index
    %swap3A_605 = arith.constant 16 : index
    %swap3A_606 = tpu.vector_load %arg11[%swap3A_604, %swap3A_605] {strides = array<i32>} : memref<16x64xf32, #tpu.memory_space<vmem>>, vector<16xf32>,
    tpu.vector_store %arg11[%swap3A_604, %swap3A_605], %gather3A_602 {strides = array<i32>} : memref<16x64xf32, #tpu.memory_space<vmem>>, vector<16xf32>,
    %add3A_607 = arith.constant 32 : i32
    %add3A_608 = vector.broadcast %add3A_607 : i32 to vector<16xi32>
    %add3A_609 = arith.addi %add3A_608, %iota3A : vector<16xi32>
    %gather3A_610 = arith.constant 1 : i32
    %gather3A_611 = arith.constant 0 : i32
    %gather3A_612 = arith.constant 0 : i32
    %gather3A_613 = tpu.memref_slice %arg10[%gather3A_610, %gather3A_611, %gather3A_612] : memref<4x64x128xf32, #tpu.memory_space<vmem>> -> memref<1x64x128xf32, #tpu.memory_space<vmem>>
    %gather3A_614 = tpu.memref_squeeze %gather3A_613 : memref<1x64x128xf32, #tpu.memory_space<vmem>> -> memref<64x128xf32, #tpu.memory_space<vmem>>
    %gather3A_615 = tpu.vector_load_idx %gather3A_614[%add3A_609, %add3A_580] : memref<64x128xf32, #tpu.memory_space<vmem>>[vector<16xi32>, vector<16xi32>], vector<16xf32>,
    %swap3A_616 = arith.constant 5 : i32
    %swap3A_617 = arith.index_cast %swap3A_616 : i32 to index
    %swap3A_618 = arith.constant 32 : index
    %swap3A_619 = tpu.vector_load %arg11[%swap3A_617, %swap3A_618] {strides = array<i32>} : memref<16x64xf32, #tpu.memory_space<vmem>>, vector<16xf32>,
    tpu.vector_store %arg11[%swap3A_617, %swap3A_618], %gather3A_615 {strides = array<i32>} : memref<16x64xf32, #tpu.memory_space<vmem>>, vector<16xf32>,
    %add3A_620 = arith.constant 48 : i32
    %add3A_621 = vector.broadcast %add3A_620 : i32 to vector<16xi32>
    %add3A_622 = arith.addi %add3A_621, %iota3A : vector<16xi32>
    %gather3A_623 = arith.constant 1 : i32
    %gather3A_624 = arith.constant 0 : i32
    %gather3A_625 = arith.constant 0 : i32
    %gather3A_626 = tpu.memref_slice %arg10[%gather3A_623, %gather3A_624, %gather3A_625] : memref<4x64x128xf32, #tpu.memory_space<vmem>> -> memref<1x64x128xf32, #tpu.memory_space<vmem>>
    %gather3A_627 = tpu.memref_squeeze %gather3A_626 : memref<1x64x128xf32, #tpu.memory_space<vmem>> -> memref<64x128xf32, #tpu.memory_space<vmem>>
    %gather3A_628 = tpu.vector_load_idx %gather3A_627[%add3A_622, %add3A_580] : memref<64x128xf32, #tpu.memory_space<vmem>>[vector<16xi32>, vector<16xi32>], vector<16xf32>,
    %swap3A_629 = arith.constant 5 : i32
    %swap3A_630 = arith.index_cast %swap3A_629 : i32 to index
    %swap3A_631 = arith.constant 48 : index
    %swap3A_632 = tpu.vector_load %arg11[%swap3A_630, %swap3A_631] {strides = array<i32>} : memref<16x64xf32, #tpu.memory_space<vmem>>, vector<16xf32>,
    tpu.vector_store %arg11[%swap3A_630, %swap3A_631], %gather3A_628 {strides = array<i32>} : memref<16x64xf32, #tpu.memory_space<vmem>>, vector<16xf32>,
    %shift_right_logical3A_633 = arith.constant 7 : i32
    %shift_right_logical3A_634 = arith.shrui %squeeze3A_36, %shift_right_logical3A_633 : i32
    %shift_left3A_635 = arith.constant 7 : i32
    %shift_left3A_636 = arith.shli %shift_right_logical3A_634, %shift_left3A_635 : i32
    %multiple_of3A_637 = tpu.assume_multiple %shift_left3A_636, 128 : i32
    %dma_start3A_638 = arith.constant 1 : i32
    %dma_start3A_639 = arith.constant 0 : i32
    %dma_start3A_640 = arith.constant 0 : i32
    %dma_start3A_641 = tpu.memref_slice %arg10[%dma_start3A_638, %dma_start3A_639, %dma_start3A_640] : memref<4x64x128xf32, #tpu.memory_space<vmem>> -> memref<1x64x128xf32, #tpu.memory_space<vmem>>
    %dma_start3A_642 = tpu.memref_squeeze %dma_start3A_641 : memref<1x64x128xf32, #tpu.memory_space<vmem>> -> memref<64x128xf32, #tpu.memory_space<vmem>>
    %dma_start3A_643 = arith.constant 0 : i32
    %dma_start3A_644 = tpu.memref_slice %arg2[%dma_start3A_643, %multiple_of3A_637] : memref<64x1000000xf32, #tpu.memory_space<hbm>> -> memref<64x128xf32, #tpu.memory_space<hbm>>
    %dma_start3A_645 = arith.constant 0 : i32
    %dma_start3A_646 = arith.constant 0 : i32
    %dma_start3A_647 = tpu.memref_slice %arg10[%dma_start3A_638, %dma_start3A_645, %dma_start3A_646] : memref<4x64x128xf32, #tpu.memory_space<vmem>> -> memref<1x64x128xf32, #tpu.memory_space<vmem>>
    %dma_start3A_648 = tpu.memref_squeeze %dma_start3A_647 : memref<1x64x128xf32, #tpu.memory_space<vmem>> -> memref<64x128xf32, #tpu.memory_space<vmem>>
    %dma_start3A_649 = arith.constant 0 : i32
    %dma_start3A_650 = tpu.memref_slice %arg2[%dma_start3A_649, %multiple_of3A_637] : memref<64x1000000xf32, #tpu.memory_space<hbm>> -> memref<64x128xf32, #tpu.memory_space<hbm>>
    tpu.enqueue_dma source(%dma_start3A_650 : memref<64x128xf32, #tpu.memory_space<hbm>>) target(%dma_start3A_648 : memref<64x128xf32, #tpu.memory_space<vmem>>) target_semaphore(%arg17 : memref<!tpu.dma_semaphore, #tpu.memory_space<semaphore_mem>>)
    %dma_wait3A_651 = arith.constant 2 : i32
    %dma_wait3A_652 = arith.constant 0 : i32
    %dma_wait3A_653 = arith.constant 0 : i32
    %dma_wait3A_654 = tpu.memref_slice %arg10[%dma_wait3A_651, %dma_wait3A_652, %dma_wait3A_653] : memref<4x64x128xf32, #tpu.memory_space<vmem>> -> memref<1x64x128xf32, #tpu.memory_space<vmem>>
    %dma_wait3A_655 = tpu.memref_squeeze %dma_wait3A_654 : memref<1x64x128xf32, #tpu.memory_space<vmem>> -> memref<64x128xf32, #tpu.memory_space<vmem>>
    %dma_wait3A_656 = arith.constant 0 : i32
    %dma_wait3A_657 = tpu.memref_slice %arg2[%dma_wait3A_656, %multiple_of3A_370] : memref<64x1000000xf32, #tpu.memory_space<hbm>> -> memref<64x128xf32, #tpu.memory_space<hbm>>
    %dma_wait3A_658 = arith.constant 0 : i32
    %dma_wait3A_659 = arith.constant 0 : i32
    %dma_wait3A_660 = tpu.memref_slice %arg10[%dma_wait3A_651, %dma_wait3A_658, %dma_wait3A_659] : memref<4x64x128xf32, #tpu.memory_space<vmem>> -> memref<1x64x128xf32, #tpu.memory_space<vmem>>
    %dma_wait3A_661 = tpu.memref_squeeze %dma_wait3A_660 : memref<1x64x128xf32, #tpu.memory_space<vmem>> -> memref<64x128xf32, #tpu.memory_space<vmem>>
    %dma_wait3A_662 = arith.constant 0 : i32
    %dma_wait3A_663 = tpu.memref_slice %arg2[%dma_wait3A_662, %multiple_of3A_370] : memref<64x1000000xf32, #tpu.memory_space<hbm>> -> memref<64x128xf32, #tpu.memory_space<hbm>>
    tpu.wait_dma2 semaphore(%arg17 : memref<!tpu.dma_semaphore, #tpu.memory_space<semaphore_mem>>) src(%dma_wait3A_663 : memref<64x128xf32, #tpu.memory_space<hbm>>) dst(%dma_wait3A_661 : memref<64x128xf32, #tpu.memory_space<vmem>>)
    %and3A_664 = arith.constant 127 : i32
    %and3A_665 = arith.andi %squeeze3A_30, %and3A_664 : i32
    %broadcast_in_dim3A_666 = arith.constant 0 : i32
    %broadcast_in_dim3A_667 = vector.broadcast %broadcast_in_dim3A_666 : i32 to vector<16xi32>
    %add3A_668 = vector.broadcast %and3A_665 : i32 to vector<16xi32>
    %add3A_669 = arith.addi %broadcast_in_dim3A_667, %add3A_668 : vector<16xi32>
    %add3A_670 = arith.constant 0 : i32
    %add3A_671 = vector.broadcast %add3A_670 : i32 to vector<16xi32>
    %add3A_672 = arith.addi %add3A_671, %iota3A : vector<16xi32>
    %gather3A_673 = arith.constant 2 : i32
    %gather3A_674 = arith.constant 0 : i32
    %gather3A_675 = arith.constant 0 : i32
    %gather3A_676 = tpu.memref_slice %arg10[%gather3A_673, %gather3A_674, %gather3A_675] : memref<4x64x128xf32, #tpu.memory_space<vmem>> -> memref<1x64x128xf32, #tpu.memory_space<vmem>>
    %gather3A_677 = tpu.memref_squeeze %gather3A_676 : memref<1x64x128xf32, #tpu.memory_space<vmem>> -> memref<64x128xf32, #tpu.memory_space<vmem>>
    %gather3A_678 = tpu.vector_load_idx %gather3A_677[%add3A_672, %add3A_669] : memref<64x128xf32, #tpu.memory_space<vmem>>[vector<16xi32>, vector<16xi32>], vector<16xf32>,
    %swap3A_679 = arith.constant 6 : i32
    %swap3A_680 = arith.index_cast %swap3A_679 : i32 to index
    %swap3A_681 = arith.constant 0 : index
    %swap3A_682 = tpu.vector_load %arg11[%swap3A_680, %swap3A_681] {strides = array<i32>} : memref<16x64xf32, #tpu.memory_space<vmem>>, vector<16xf32>,
    tpu.vector_store %arg11[%swap3A_680, %swap3A_681], %gather3A_678 {strides = array<i32>} : memref<16x64xf32, #tpu.memory_space<vmem>>, vector<16xf32>,
    %add3A_683 = arith.constant 16 : i32
    %add3A_684 = vector.broadcast %add3A_683 : i32 to vector<16xi32>
    %add3A_685 = arith.addi %add3A_684, %iota3A : vector<16xi32>
    %gather3A_686 = arith.constant 2 : i32
    %gather3A_687 = arith.constant 0 : i32
    %gather3A_688 = arith.constant 0 : i32
    %gather3A_689 = tpu.memref_slice %arg10[%gather3A_686, %gather3A_687, %gather3A_688] : memref<4x64x128xf32, #tpu.memory_space<vmem>> -> memref<1x64x128xf32, #tpu.memory_space<vmem>>
    %gather3A_690 = tpu.memref_squeeze %gather3A_689 : memref<1x64x128xf32, #tpu.memory_space<vmem>> -> memref<64x128xf32, #tpu.memory_space<vmem>>
    %gather3A_691 = tpu.vector_load_idx %gather3A_690[%add3A_685, %add3A_669] : memref<64x128xf32, #tpu.memory_space<vmem>>[vector<16xi32>, vector<16xi32>], vector<16xf32>,
    %swap3A_692 = arith.constant 6 : i32
    %swap3A_693 = arith.index_cast %swap3A_692 : i32 to index
    %swap3A_694 = arith.constant 16 : index
    %swap3A_695 = tpu.vector_load %arg11[%swap3A_693, %swap3A_694] {strides = array<i32>} : memref<16x64xf32, #tpu.memory_space<vmem>>, vector<16xf32>,
    tpu.vector_store %arg11[%swap3A_693, %swap3A_694], %gather3A_691 {strides = array<i32>} : memref<16x64xf32, #tpu.memory_space<vmem>>, vector<16xf32>,
    %add3A_696 = arith.constant 32 : i32
    %add3A_697 = vector.broadcast %add3A_696 : i32 to vector<16xi32>
    %add3A_698 = arith.addi %add3A_697, %iota3A : vector<16xi32>
    %gather3A_699 = arith.constant 2 : i32
    %gather3A_700 = arith.constant 0 : i32
    %gather3A_701 = arith.constant 0 : i32
    %gather3A_702 = tpu.memref_slice %arg10[%gather3A_699, %gather3A_700, %gather3A_701] : memref<4x64x128xf32, #tpu.memory_space<vmem>> -> memref<1x64x128xf32, #tpu.memory_space<vmem>>
    %gather3A_703 = tpu.memref_squeeze %gather3A_702 : memref<1x64x128xf32, #tpu.memory_space<vmem>> -> memref<64x128xf32, #tpu.memory_space<vmem>>
    %gather3A_704 = tpu.vector_load_idx %gather3A_703[%add3A_698, %add3A_669] : memref<64x128xf32, #tpu.memory_space<vmem>>[vector<16xi32>, vector<16xi32>], vector<16xf32>,
    %swap3A_705 = arith.constant 6 : i32
    %swap3A_706 = arith.index_cast %swap3A_705 : i32 to index
    %swap3A_707 = arith.constant 32 : index
    %swap3A_708 = tpu.vector_load %arg11[%swap3A_706, %swap3A_707] {strides = array<i32>} : memref<16x64xf32, #tpu.memory_space<vmem>>, vector<16xf32>,
    tpu.vector_store %arg11[%swap3A_706, %swap3A_707], %gather3A_704 {strides = array<i32>} : memref<16x64xf32, #tpu.memory_space<vmem>>, vector<16xf32>,
    %add3A_709 = arith.constant 48 : i32
    %add3A_710 = vector.broadcast %add3A_709 : i32 to vector<16xi32>
    %add3A_711 = arith.addi %add3A_710, %iota3A : vector<16xi32>
    %gather3A_712 = arith.constant 2 : i32
    %gather3A_713 = arith.constant 0 : i32
    %gather3A_714 = arith.constant 0 : i32
    %gather3A_715 = tpu.memref_slice %arg10[%gather3A_712, %gather3A_713, %gather3A_714] : memref<4x64x128xf32, #tpu.memory_space<vmem>> -> memref<1x64x128xf32, #tpu.memory_space<vmem>>
    %gather3A_716 = tpu.memref_squeeze %gather3A_715 : memref<1x64x128xf32, #tpu.memory_space<vmem>> -> memref<64x128xf32, #tpu.memory_space<vmem>>
    %gather3A_717 = tpu.vector_load_idx %gather3A_716[%add3A_711, %add3A_669] : memref<64x128xf32, #tpu.memory_space<vmem>>[vector<16xi32>, vector<16xi32>], vector<16xf32>,
    %swap3A_718 = arith.constant 6 : i32
    %swap3A_719 = arith.index_cast %swap3A_718 : i32 to index
    %swap3A_720 = arith.constant 48 : index
    %swap3A_721 = tpu.vector_load %arg11[%swap3A_719, %swap3A_720] {strides = array<i32>} : memref<16x64xf32, #tpu.memory_space<vmem>>, vector<16xf32>,
    tpu.vector_store %arg11[%swap3A_719, %swap3A_720], %gather3A_717 {strides = array<i32>} : memref<16x64xf32, #tpu.memory_space<vmem>>, vector<16xf32>,
    %shift_right_logical3A_722 = arith.constant 7 : i32
    %shift_right_logical3A_723 = arith.shrui %squeeze3A_38, %shift_right_logical3A_722 : i32
    %shift_left3A_724 = arith.constant 7 : i32
    %shift_left3A_725 = arith.shli %shift_right_logical3A_723, %shift_left3A_724 : i32
    %multiple_of3A_726 = tpu.assume_multiple %shift_left3A_725, 128 : i32
    %dma_start3A_727 = arith.constant 2 : i32
    %dma_start3A_728 = arith.constant 0 : i32
    %dma_start3A_729 = arith.constant 0 : i32
    %dma_start3A_730 = tpu.memref_slice %arg10[%dma_start3A_727, %dma_start3A_728, %dma_start3A_729] : memref<4x64x128xf32, #tpu.memory_space<vmem>> -> memref<1x64x128xf32, #tpu.memory_space<vmem>>
    %dma_start3A_731 = tpu.memref_squeeze %dma_start3A_730 : memref<1x64x128xf32, #tpu.memory_space<vmem>> -> memref<64x128xf32, #tpu.memory_space<vmem>>
    %dma_start3A_732 = arith.constant 0 : i32
    %dma_start3A_733 = tpu.memref_slice %arg2[%dma_start3A_732, %multiple_of3A_726] : memref<64x1000000xf32, #tpu.memory_space<hbm>> -> memref<64x128xf32, #tpu.memory_space<hbm>>
    %dma_start3A_734 = arith.constant 0 : i32
    %dma_start3A_735 = arith.constant 0 : i32
    %dma_start3A_736 = tpu.memref_slice %arg10[%dma_start3A_727, %dma_start3A_734, %dma_start3A_735] : memref<4x64x128xf32, #tpu.memory_space<vmem>> -> memref<1x64x128xf32, #tpu.memory_space<vmem>>
    %dma_start3A_737 = tpu.memref_squeeze %dma_start3A_736 : memref<1x64x128xf32, #tpu.memory_space<vmem>> -> memref<64x128xf32, #tpu.memory_space<vmem>>
    %dma_start3A_738 = arith.constant 0 : i32
    %dma_start3A_739 = tpu.memref_slice %arg2[%dma_start3A_738, %multiple_of3A_726] : memref<64x1000000xf32, #tpu.memory_space<hbm>> -> memref<64x128xf32, #tpu.memory_space<hbm>>
    tpu.enqueue_dma source(%dma_start3A_739 : memref<64x128xf32, #tpu.memory_space<hbm>>) target(%dma_start3A_737 : memref<64x128xf32, #tpu.memory_space<vmem>>) target_semaphore(%arg17 : memref<!tpu.dma_semaphore, #tpu.memory_space<semaphore_mem>>)
    %dma_wait3A_740 = arith.constant 3 : i32
    %dma_wait3A_741 = arith.constant 0 : i32
    %dma_wait3A_742 = arith.constant 0 : i32
    %dma_wait3A_743 = tpu.memref_slice %arg10[%dma_wait3A_740, %dma_wait3A_741, %dma_wait3A_742] : memref<4x64x128xf32, #tpu.memory_space<vmem>> -> memref<1x64x128xf32, #tpu.memory_space<vmem>>
    %dma_wait3A_744 = tpu.memref_squeeze %dma_wait3A_743 : memref<1x64x128xf32, #tpu.memory_space<vmem>> -> memref<64x128xf32, #tpu.memory_space<vmem>>
    %dma_wait3A_745 = arith.constant 0 : i32
    %dma_wait3A_746 = tpu.memref_slice %arg2[%dma_wait3A_745, %multiple_of3A_459] : memref<64x1000000xf32, #tpu.memory_space<hbm>> -> memref<64x128xf32, #tpu.memory_space<hbm>>
    %dma_wait3A_747 = arith.constant 0 : i32
    %dma_wait3A_748 = arith.constant 0 : i32
    %dma_wait3A_749 = tpu.memref_slice %arg10[%dma_wait3A_740, %dma_wait3A_747, %dma_wait3A_748] : memref<4x64x128xf32, #tpu.memory_space<vmem>> -> memref<1x64x128xf32, #tpu.memory_space<vmem>>
    %dma_wait3A_750 = tpu.memref_squeeze %dma_wait3A_749 : memref<1x64x128xf32, #tpu.memory_space<vmem>> -> memref<64x128xf32, #tpu.memory_space<vmem>>
    %dma_wait3A_751 = arith.constant 0 : i32
    %dma_wait3A_752 = tpu.memref_slice %arg2[%dma_wait3A_751, %multiple_of3A_459] : memref<64x1000000xf32, #tpu.memory_space<hbm>> -> memref<64x128xf32, #tpu.memory_space<hbm>>
    tpu.wait_dma2 semaphore(%arg17 : memref<!tpu.dma_semaphore, #tpu.memory_space<semaphore_mem>>) src(%dma_wait3A_752 : memref<64x128xf32, #tpu.memory_space<hbm>>) dst(%dma_wait3A_750 : memref<64x128xf32, #tpu.memory_space<vmem>>)
    %and3A_753 = arith.constant 127 : i32
    %and3A_754 = arith.andi %squeeze3A_32, %and3A_753 : i32
    %broadcast_in_dim3A_755 = arith.constant 0 : i32
    %broadcast_in_dim3A_756 = vector.broadcast %broadcast_in_dim3A_755 : i32 to vector<16xi32>
    %add3A_757 = vector.broadcast %and3A_754 : i32 to vector<16xi32>
    %add3A_758 = arith.addi %broadcast_in_dim3A_756, %add3A_757 : vector<16xi32>
    %add3A_759 = arith.constant 0 : i32
    %add3A_760 = vector.broadcast %add3A_759 : i32 to vector<16xi32>
    %add3A_761 = arith.addi %add3A_760, %iota3A : vector<16xi32>
    %gather3A_762 = arith.constant 3 : i32
    %gather3A_763 = arith.constant 0 : i32
    %gather3A_764 = arith.constant 0 : i32
    %gather3A_765 = tpu.memref_slice %arg10[%gather3A_762, %gather3A_763, %gather3A_764] : memref<4x64x128xf32, #tpu.memory_space<vmem>> -> memref<1x64x128xf32, #tpu.memory_space<vmem>>
    %gather3A_766 = tpu.memref_squeeze %gather3A_765 : memref<1x64x128xf32, #tpu.memory_space<vmem>> -> memref<64x128xf32, #tpu.memory_space<vmem>>
    %gather3A_767 = tpu.vector_load_idx %gather3A_766[%add3A_761, %add3A_758] : memref<64x128xf32, #tpu.memory_space<vmem>>[vector<16xi32>, vector<16xi32>], vector<16xf32>,
    %swap3A_768 = arith.constant 7 : i32
    %swap3A_769 = arith.index_cast %swap3A_768 : i32 to index
    %swap3A_770 = arith.constant 0 : index
    %swap3A_771 = tpu.vector_load %arg11[%swap3A_769, %swap3A_770] {strides = array<i32>} : memref<16x64xf32, #tpu.memory_space<vmem>>, vector<16xf32>,
    tpu.vector_store %arg11[%swap3A_769, %swap3A_770], %gather3A_767 {strides = array<i32>} : memref<16x64xf32, #tpu.memory_space<vmem>>, vector<16xf32>,
    %add3A_772 = arith.constant 16 : i32
    %add3A_773 = vector.broadcast %add3A_772 : i32 to vector<16xi32>
    %add3A_774 = arith.addi %add3A_773, %iota3A : vector<16xi32>
    %gather3A_775 = arith.constant 3 : i32
    %gather3A_776 = arith.constant 0 : i32
    %gather3A_777 = arith.constant 0 : i32
    %gather3A_778 = tpu.memref_slice %arg10[%gather3A_775, %gather3A_776, %gather3A_777] : memref<4x64x128xf32, #tpu.memory_space<vmem>> -> memref<1x64x128xf32, #tpu.memory_space<vmem>>
    %gather3A_779 = tpu.memref_squeeze %gather3A_778 : memref<1x64x128xf32, #tpu.memory_space<vmem>> -> memref<64x128xf32, #tpu.memory_space<vmem>>
    %gather3A_780 = tpu.vector_load_idx %gather3A_779[%add3A_774, %add3A_758] : memref<64x128xf32, #tpu.memory_space<vmem>>[vector<16xi32>, vector<16xi32>], vector<16xf32>,
    %swap3A_781 = arith.constant 7 : i32
    %swap3A_782 = arith.index_cast %swap3A_781 : i32 to index
    %swap3A_783 = arith.constant 16 : index
    %swap3A_784 = tpu.vector_load %arg11[%swap3A_782, %swap3A_783] {strides = array<i32>} : memref<16x64xf32, #tpu.memory_space<vmem>>, vector<16xf32>,
    tpu.vector_store %arg11[%swap3A_782, %swap3A_783], %gather3A_780 {strides = array<i32>} : memref<16x64xf32, #tpu.memory_space<vmem>>, vector<16xf32>,
    %add3A_785 = arith.constant 32 : i32
    %add3A_786 = vector.broadcast %add3A_785 : i32 to vector<16xi32>
    %add3A_787 = arith.addi %add3A_786, %iota3A : vector<16xi32>
    %gather3A_788 = arith.constant 3 : i32
    %gather3A_789 = arith.constant 0 : i32
    %gather3A_790 = arith.constant 0 : i32
    %gather3A_791 = tpu.memref_slice %arg10[%gather3A_788, %gather3A_789, %gather3A_790] : memref<4x64x128xf32, #tpu.memory_space<vmem>> -> memref<1x64x128xf32, #tpu.memory_space<vmem>>
    %gather3A_792 = tpu.memref_squeeze %gather3A_791 : memref<1x64x128xf32, #tpu.memory_space<vmem>> -> memref<64x128xf32, #tpu.memory_space<vmem>>
    %gather3A_793 = tpu.vector_load_idx %gather3A_792[%add3A_787, %add3A_758] : memref<64x128xf32, #tpu.memory_space<vmem>>[vector<16xi32>, vector<16xi32>], vector<16xf32>,
    %swap3A_794 = arith.constant 7 : i32
    %swap3A_795 = arith.index_cast %swap3A_794 : i32 to index
    %swap3A_796 = arith.constant 32 : index
    %swap3A_797 = tpu.vector_load %arg11[%swap3A_795, %swap3A_796] {strides = array<i32>} : memref<16x64xf32, #tpu.memory_space<vmem>>, vector<16xf32>,
    tpu.vector_store %arg11[%swap3A_795, %swap3A_796], %gather3A_793 {strides = array<i32>} : memref<16x64xf32, #tpu.memory_space<vmem>>, vector<16xf32>,
    %add3A_798 = arith.constant 48 : i32
    %add3A_799 = vector.broadcast %add3A_798 : i32 to vector<16xi32>
    %add3A_800 = arith.addi %add3A_799, %iota3A : vector<16xi32>
    %gather3A_801 = arith.constant 3 : i32
    %gather3A_802 = arith.constant 0 : i32
    %gather3A_803 = arith.constant 0 : i32
    %gather3A_804 = tpu.memref_slice %arg10[%gather3A_801, %gather3A_802, %gather3A_803] : memref<4x64x128xf32, #tpu.memory_space<vmem>> -> memref<1x64x128xf32, #tpu.memory_space<vmem>>
    %gather3A_805 = tpu.memref_squeeze %gather3A_804 : memref<1x64x128xf32, #tpu.memory_space<vmem>> -> memref<64x128xf32, #tpu.memory_space<vmem>>
    %gather3A_806 = tpu.vector_load_idx %gather3A_805[%add3A_800, %add3A_758] : memref<64x128xf32, #tpu.memory_space<vmem>>[vector<16xi32>, vector<16xi32>], vector<16xf32>,
    %swap3A_807 = arith.constant 7 : i32
    %swap3A_808 = arith.index_cast %swap3A_807 : i32 to index
    %swap3A_809 = arith.constant 48 : index
    %swap3A_810 = tpu.vector_load %arg11[%swap3A_808, %swap3A_809] {strides = array<i32>} : memref<16x64xf32, #tpu.memory_space<vmem>>, vector<16xf32>,
    tpu.vector_store %arg11[%swap3A_808, %swap3A_809], %gather3A_806 {strides = array<i32>} : memref<16x64xf32, #tpu.memory_space<vmem>>, vector<16xf32>,
    %shift_right_logical3A_811 = arith.constant 7 : i32
    %shift_right_logical3A_812 = arith.shrui %squeeze3A_40, %shift_right_logical3A_811 : i32
    %shift_left3A_813 = arith.constant 7 : i32
    %shift_left3A_814 = arith.shli %shift_right_logical3A_812, %shift_left3A_813 : i32
    %multiple_of3A_815 = tpu.assume_multiple %shift_left3A_814, 128 : i32
    %dma_start3A_816 = arith.constant 3 : i32
    %dma_start3A_817 = arith.constant 0 : i32
    %dma_start3A_818 = arith.constant 0 : i32
    %dma_start3A_819 = tpu.memref_slice %arg10[%dma_start3A_816, %dma_start3A_817, %dma_start3A_818] : memref<4x64x128xf32, #tpu.memory_space<vmem>> -> memref<1x64x128xf32, #tpu.memory_space<vmem>>
    %dma_start3A_820 = tpu.memref_squeeze %dma_start3A_819 : memref<1x64x128xf32, #tpu.memory_space<vmem>> -> memref<64x128xf32, #tpu.memory_space<vmem>>
    %dma_start3A_821 = arith.constant 0 : i32
    %dma_start3A_822 = tpu.memref_slice %arg2[%dma_start3A_821, %multiple_of3A_815] : memref<64x1000000xf32, #tpu.memory_space<hbm>> -> memref<64x128xf32, #tpu.memory_space<hbm>>
    %dma_start3A_823 = arith.constant 0 : i32
    %dma_start3A_824 = arith.constant 0 : i32
    %dma_start3A_825 = tpu.memref_slice %arg10[%dma_start3A_816, %dma_start3A_823, %dma_start3A_824] : memref<4x64x128xf32, #tpu.memory_space<vmem>> -> memref<1x64x128xf32, #tpu.memory_space<vmem>>
    %dma_start3A_826 = tpu.memref_squeeze %dma_start3A_825 : memref<1x64x128xf32, #tpu.memory_space<vmem>> -> memref<64x128xf32, #tpu.memory_space<vmem>>
    %dma_start3A_827 = arith.constant 0 : i32
    %dma_start3A_828 = tpu.memref_slice %arg2[%dma_start3A_827, %multiple_of3A_815] : memref<64x1000000xf32, #tpu.memory_space<hbm>> -> memref<64x128xf32, #tpu.memory_space<hbm>>
    tpu.enqueue_dma source(%dma_start3A_828 : memref<64x128xf32, #tpu.memory_space<hbm>>) target(%dma_start3A_826 : memref<64x128xf32, #tpu.memory_space<vmem>>) target_semaphore(%arg17 : memref<!tpu.dma_semaphore, #tpu.memory_space<semaphore_mem>>)
    %dma_wait3A_829 = arith.constant 0 : i32
    %dma_wait3A_830 = arith.constant 0 : i32
    %dma_wait3A_831 = arith.constant 0 : i32
    %dma_wait3A_832 = tpu.memref_slice %arg10[%dma_wait3A_829, %dma_wait3A_830, %dma_wait3A_831] : memref<4x64x128xf32, #tpu.memory_space<vmem>> -> memref<1x64x128xf32, #tpu.memory_space<vmem>>
    %dma_wait3A_833 = tpu.memref_squeeze %dma_wait3A_832 : memref<1x64x128xf32, #tpu.memory_space<vmem>> -> memref<64x128xf32, #tpu.memory_space<vmem>>
    %dma_wait3A_834 = arith.constant 0 : i32
    %dma_wait3A_835 = tpu.memref_slice %arg2[%dma_wait3A_834, %multiple_of3A_548] : memref<64x1000000xf32, #tpu.memory_space<hbm>> -> memref<64x128xf32, #tpu.memory_space<hbm>>
    %dma_wait3A_836 = arith.constant 0 : i32
    %dma_wait3A_837 = arith.constant 0 : i32
    %dma_wait3A_838 = tpu.memref_slice %arg10[%dma_wait3A_829, %dma_wait3A_836, %dma_wait3A_837] : memref<4x64x128xf32, #tpu.memory_space<vmem>> -> memref<1x64x128xf32, #tpu.memory_space<vmem>>
    %dma_wait3A_839 = tpu.memref_squeeze %dma_wait3A_838 : memref<1x64x128xf32, #tpu.memory_space<vmem>> -> memref<64x128xf32, #tpu.memory_space<vmem>>
    %dma_wait3A_840 = arith.constant 0 : i32
    %dma_wait3A_841 = tpu.memref_slice %arg2[%dma_wait3A_840, %multiple_of3A_548] : memref<64x1000000xf32, #tpu.memory_space<hbm>> -> memref<64x128xf32, #tpu.memory_space<hbm>>
    tpu.wait_dma2 semaphore(%arg17 : memref<!tpu.dma_semaphore, #tpu.memory_space<semaphore_mem>>) src(%dma_wait3A_841 : memref<64x128xf32, #tpu.memory_space<hbm>>) dst(%dma_wait3A_839 : memref<64x128xf32, #tpu.memory_space<vmem>>)
    %and3A_842 = arith.constant 127 : i32
    %and3A_843 = arith.andi %squeeze3A_34, %and3A_842 : i32
    %broadcast_in_dim3A_844 = arith.constant 0 : i32
    %broadcast_in_dim3A_845 = vector.broadcast %broadcast_in_dim3A_844 : i32 to vector<16xi32>
    %add3A_846 = vector.broadcast %and3A_843 : i32 to vector<16xi32>
    %add3A_847 = arith.addi %broadcast_in_dim3A_845, %add3A_846 : vector<16xi32>
    %add3A_848 = arith.constant 0 : i32
    %add3A_849 = vector.broadcast %add3A_848 : i32 to vector<16xi32>
    %add3A_850 = arith.addi %add3A_849, %iota3A : vector<16xi32>
    %gather3A_851 = arith.constant 0 : i32
    %gather3A_852 = arith.constant 0 : i32
    %gather3A_853 = arith.constant 0 : i32
    %gather3A_854 = tpu.memref_slice %arg10[%gather3A_851, %gather3A_852, %gather3A_853] : memref<4x64x128xf32, #tpu.memory_space<vmem>> -> memref<1x64x128xf32, #tpu.memory_space<vmem>>
    %gather3A_855 = tpu.memref_squeeze %gather3A_854 : memref<1x64x128xf32, #tpu.memory_space<vmem>> -> memref<64x128xf32, #tpu.memory_space<vmem>>
    %gather3A_856 = tpu.vector_load_idx %gather3A_855[%add3A_850, %add3A_847] : memref<64x128xf32, #tpu.memory_space<vmem>>[vector<16xi32>, vector<16xi32>], vector<16xf32>,
    %swap3A_857 = arith.constant 8 : i32
    %swap3A_858 = arith.index_cast %swap3A_857 : i32 to index
    %swap3A_859 = arith.constant 0 : index
    %swap3A_860 = tpu.vector_load %arg11[%swap3A_858, %swap3A_859] {strides = array<i32>} : memref<16x64xf32, #tpu.memory_space<vmem>>, vector<16xf32>,
    tpu.vector_store %arg11[%swap3A_858, %swap3A_859], %gather3A_856 {strides = array<i32>} : memref<16x64xf32, #tpu.memory_space<vmem>>, vector<16xf32>,
    %add3A_861 = arith.constant 16 : i32
    %add3A_862 = vector.broadcast %add3A_861 : i32 to vector<16xi32>
    %add3A_863 = arith.addi %add3A_862, %iota3A : vector<16xi32>
    %gather3A_864 = arith.constant 0 : i32
    %gather3A_865 = arith.constant 0 : i32
    %gather3A_866 = arith.constant 0 : i32
    %gather3A_867 = tpu.memref_slice %arg10[%gather3A_864, %gather3A_865, %gather3A_866] : memref<4x64x128xf32, #tpu.memory_space<vmem>> -> memref<1x64x128xf32, #tpu.memory_space<vmem>>
    %gather3A_868 = tpu.memref_squeeze %gather3A_867 : memref<1x64x128xf32, #tpu.memory_space<vmem>> -> memref<64x128xf32, #tpu.memory_space<vmem>>
    %gather3A_869 = tpu.vector_load_idx %gather3A_868[%add3A_863, %add3A_847] : memref<64x128xf32, #tpu.memory_space<vmem>>[vector<16xi32>, vector<16xi32>], vector<16xf32>,
    %swap3A_870 = arith.constant 8 : i32
    %swap3A_871 = arith.index_cast %swap3A_870 : i32 to index
    %swap3A_872 = arith.constant 16 : index
    %swap3A_873 = tpu.vector_load %arg11[%swap3A_871, %swap3A_872] {strides = array<i32>} : memref<16x64xf32, #tpu.memory_space<vmem>>, vector<16xf32>,
    tpu.vector_store %arg11[%swap3A_871, %swap3A_872], %gather3A_869 {strides = array<i32>} : memref<16x64xf32, #tpu.memory_space<vmem>>, vector<16xf32>,
    %add3A_874 = arith.constant 32 : i32
    %add3A_875 = vector.broadcast %add3A_874 : i32 to vector<16xi32>
    %add3A_876 = arith.addi %add3A_875, %iota3A : vector<16xi32>
    %gather3A_877 = arith.constant 0 : i32
    %gather3A_878 = arith.constant 0 : i32
    %gather3A_879 = arith.constant 0 : i32
    %gather3A_880 = tpu.memref_slice %arg10[%gather3A_877, %gather3A_878, %gather3A_879] : memref<4x64x128xf32, #tpu.memory_space<vmem>> -> memref<1x64x128xf32, #tpu.memory_space<vmem>>
    %gather3A_881 = tpu.memref_squeeze %gather3A_880 : memref<1x64x128xf32, #tpu.memory_space<vmem>> -> memref<64x128xf32, #tpu.memory_space<vmem>>
    %gather3A_882 = tpu.vector_load_idx %gather3A_881[%add3A_876, %add3A_847] : memref<64x128xf32, #tpu.memory_space<vmem>>[vector<16xi32>, vector<16xi32>], vector<16xf32>,
    %swap3A_883 = arith.constant 8 : i32
    %swap3A_884 = arith.index_cast %swap3A_883 : i32 to index
    %swap3A_885 = arith.constant 32 : index
    %swap3A_886 = tpu.vector_load %arg11[%swap3A_884, %swap3A_885] {strides = array<i32>} : memref<16x64xf32, #tpu.memory_space<vmem>>, vector<16xf32>,
    tpu.vector_store %arg11[%swap3A_884, %swap3A_885], %gather3A_882 {strides = array<i32>} : memref<16x64xf32, #tpu.memory_space<vmem>>, vector<16xf32>,
    %add3A_887 = arith.constant 48 : i32
    %add3A_888 = vector.broadcast %add3A_887 : i32 to vector<16xi32>
    %add3A_889 = arith.addi %add3A_888, %iota3A : vector<16xi32>
    %gather3A_890 = arith.constant 0 : i32
    %gather3A_891 = arith.constant 0 : i32
    %gather3A_892 = arith.constant 0 : i32
    %gather3A_893 = tpu.memref_slice %arg10[%gather3A_890, %gather3A_891, %gather3A_892] : memref<4x64x128xf32, #tpu.memory_space<vmem>> -> memref<1x64x128xf32, #tpu.memory_space<vmem>>
    %gather3A_894 = tpu.memref_squeeze %gather3A_893 : memref<1x64x128xf32, #tpu.memory_space<vmem>> -> memref<64x128xf32, #tpu.memory_space<vmem>>
    %gather3A_895 = tpu.vector_load_idx %gather3A_894[%add3A_889, %add3A_847] : memref<64x128xf32, #tpu.memory_space<vmem>>[vector<16xi32>, vector<16xi32>], vector<16xf32>,
    %swap3A_896 = arith.constant 8 : i32
    %swap3A_897 = arith.index_cast %swap3A_896 : i32 to index
    %swap3A_898 = arith.constant 48 : index
    %swap3A_899 = tpu.vector_load %arg11[%swap3A_897, %swap3A_898] {strides = array<i32>} : memref<16x64xf32, #tpu.memory_space<vmem>>, vector<16xf32>,
    tpu.vector_store %arg11[%swap3A_897, %swap3A_898], %gather3A_895 {strides = array<i32>} : memref<16x64xf32, #tpu.memory_space<vmem>>, vector<16xf32>,
    %shift_right_logical3A_900 = arith.constant 7 : i32
    %shift_right_logical3A_901 = arith.shrui %squeeze3A_42, %shift_right_logical3A_900 : i32
    %shift_left3A_902 = arith.constant 7 : i32
    %shift_left3A_903 = arith.shli %shift_right_logical3A_901, %shift_left3A_902 : i32
    %multiple_of3A_904 = tpu.assume_multiple %shift_left3A_903, 128 : i32
    %dma_start3A_905 = arith.constant 0 : i32
    %dma_start3A_906 = arith.constant 0 : i32
    %dma_start3A_907 = arith.constant 0 : i32
    %dma_start3A_908 = tpu.memref_slice %arg10[%dma_start3A_905, %dma_start3A_906, %dma_start3A_907] : memref<4x64x128xf32, #tpu.memory_space<vmem>> -> memref<1x64x128xf32, #tpu.memory_space<vmem>>
    %dma_start3A_909 = tpu.memref_squeeze %dma_start3A_908 : memref<1x64x128xf32, #tpu.memory_space<vmem>> -> memref<64x128xf32, #tpu.memory_space<vmem>>
    %dma_start3A_910 = arith.constant 0 : i32
    %dma_start3A_911 = tpu.memref_slice %arg2[%dma_start3A_910, %multiple_of3A_904] : memref<64x1000000xf32, #tpu.memory_space<hbm>> -> memref<64x128xf32, #tpu.memory_space<hbm>>
    %dma_start3A_912 = arith.constant 0 : i32
    %dma_start3A_913 = arith.constant 0 : i32
    %dma_start3A_914 = tpu.memref_slice %arg10[%dma_start3A_905, %dma_start3A_912, %dma_start3A_913] : memref<4x64x128xf32, #tpu.memory_space<vmem>> -> memref<1x64x128xf32, #tpu.memory_space<vmem>>
    %dma_start3A_915 = tpu.memref_squeeze %dma_start3A_914 : memref<1x64x128xf32, #tpu.memory_space<vmem>> -> memref<64x128xf32, #tpu.memory_space<vmem>>
    %dma_start3A_916 = arith.constant 0 : i32
    %dma_start3A_917 = tpu.memref_slice %arg2[%dma_start3A_916, %multiple_of3A_904] : memref<64x1000000xf32, #tpu.memory_space<hbm>> -> memref<64x128xf32, #tpu.memory_space<hbm>>
    tpu.enqueue_dma source(%dma_start3A_917 : memref<64x128xf32, #tpu.memory_space<hbm>>) target(%dma_start3A_915 : memref<64x128xf32, #tpu.memory_space<vmem>>) target_semaphore(%arg17 : memref<!tpu.dma_semaphore, #tpu.memory_space<semaphore_mem>>)
    %dma_wait3A_918 = arith.constant 1 : i32
    %dma_wait3A_919 = arith.constant 0 : i32
    %dma_wait3A_920 = arith.constant 0 : i32
    %dma_wait3A_921 = tpu.memref_slice %arg10[%dma_wait3A_918, %dma_wait3A_919, %dma_wait3A_920] : memref<4x64x128xf32, #tpu.memory_space<vmem>> -> memref<1x64x128xf32, #tpu.memory_space<vmem>>
    %dma_wait3A_922 = tpu.memref_squeeze %dma_wait3A_921 : memref<1x64x128xf32, #tpu.memory_space<vmem>> -> memref<64x128xf32, #tpu.memory_space<vmem>>
    %dma_wait3A_923 = arith.constant 0 : i32
    %dma_wait3A_924 = tpu.memref_slice %arg2[%dma_wait3A_923, %multiple_of3A_637] : memref<64x1000000xf32, #tpu.memory_space<hbm>> -> memref<64x128xf32, #tpu.memory_space<hbm>>
    %dma_wait3A_925 = arith.constant 0 : i32
    %dma_wait3A_926 = arith.constant 0 : i32
    %dma_wait3A_927 = tpu.memref_slice %arg10[%dma_wait3A_918, %dma_wait3A_925, %dma_wait3A_926] : memref<4x64x128xf32, #tpu.memory_space<vmem>> -> memref<1x64x128xf32, #tpu.memory_space<vmem>>
    %dma_wait3A_928 = tpu.memref_squeeze %dma_wait3A_927 : memref<1x64x128xf32, #tpu.memory_space<vmem>> -> memref<64x128xf32, #tpu.memory_space<vmem>>
    %dma_wait3A_929 = arith.constant 0 : i32
    %dma_wait3A_930 = tpu.memref_slice %arg2[%dma_wait3A_929, %multiple_of3A_637] : memref<64x1000000xf32, #tpu.memory_space<hbm>> -> memref<64x128xf32, #tpu.memory_space<hbm>>
    tpu.wait_dma2 semaphore(%arg17 : memref<!tpu.dma_semaphore, #tpu.memory_space<semaphore_mem>>) src(%dma_wait3A_930 : memref<64x128xf32, #tpu.memory_space<hbm>>) dst(%dma_wait3A_928 : memref<64x128xf32, #tpu.memory_space<vmem>>)
    %and3A_931 = arith.constant 127 : i32
    %and3A_932 = arith.andi %squeeze3A_36, %and3A_931 : i32
    %broadcast_in_dim3A_933 = arith.constant 0 : i32
    %broadcast_in_dim3A_934 = vector.broadcast %broadcast_in_dim3A_933 : i32 to vector<16xi32>
    %add3A_935 = vector.broadcast %and3A_932 : i32 to vector<16xi32>
    %add3A_936 = arith.addi %broadcast_in_dim3A_934, %add3A_935 : vector<16xi32>
    %add3A_937 = arith.constant 0 : i32
    %add3A_938 = vector.broadcast %add3A_937 : i32 to vector<16xi32>
    %add3A_939 = arith.addi %add3A_938, %iota3A : vector<16xi32>
    %gather3A_940 = arith.constant 1 : i32
    %gather3A_941 = arith.constant 0 : i32
    %gather3A_942 = arith.constant 0 : i32
    %gather3A_943 = tpu.memref_slice %arg10[%gather3A_940, %gather3A_941, %gather3A_942] : memref<4x64x128xf32, #tpu.memory_space<vmem>> -> memref<1x64x128xf32, #tpu.memory_space<vmem>>
    %gather3A_944 = tpu.memref_squeeze %gather3A_943 : memref<1x64x128xf32, #tpu.memory_space<vmem>> -> memref<64x128xf32, #tpu.memory_space<vmem>>
    %gather3A_945 = tpu.vector_load_idx %gather3A_944[%add3A_939, %add3A_936] : memref<64x128xf32, #tpu.memory_space<vmem>>[vector<16xi32>, vector<16xi32>], vector<16xf32>,
    %swap3A_946 = arith.constant 9 : i32
    %swap3A_947 = arith.index_cast %swap3A_946 : i32 to index
    %swap3A_948 = arith.constant 0 : index
    %swap3A_949 = tpu.vector_load %arg11[%swap3A_947, %swap3A_948] {strides = array<i32>} : memref<16x64xf32, #tpu.memory_space<vmem>>, vector<16xf32>,
    tpu.vector_store %arg11[%swap3A_947, %swap3A_948], %gather3A_945 {strides = array<i32>} : memref<16x64xf32, #tpu.memory_space<vmem>>, vector<16xf32>,
    %add3A_950 = arith.constant 16 : i32
    %add3A_951 = vector.broadcast %add3A_950 : i32 to vector<16xi32>
    %add3A_952 = arith.addi %add3A_951, %iota3A : vector<16xi32>
    %gather3A_953 = arith.constant 1 : i32
    %gather3A_954 = arith.constant 0 : i32
    %gather3A_955 = arith.constant 0 : i32
    %gather3A_956 = tpu.memref_slice %arg10[%gather3A_953, %gather3A_954, %gather3A_955] : memref<4x64x128xf32, #tpu.memory_space<vmem>> -> memref<1x64x128xf32, #tpu.memory_space<vmem>>
    %gather3A_957 = tpu.memref_squeeze %gather3A_956 : memref<1x64x128xf32, #tpu.memory_space<vmem>> -> memref<64x128xf32, #tpu.memory_space<vmem>>
    %gather3A_958 = tpu.vector_load_idx %gather3A_957[%add3A_952, %add3A_936] : memref<64x128xf32, #tpu.memory_space<vmem>>[vector<16xi32>, vector<16xi32>], vector<16xf32>,
    %swap3A_959 = arith.constant 9 : i32
    %swap3A_960 = arith.index_cast %swap3A_959 : i32 to index
    %swap3A_961 = arith.constant 16 : index
    %swap3A_962 = tpu.vector_load %arg11[%swap3A_960, %swap3A_961] {strides = array<i32>} : memref<16x64xf32, #tpu.memory_space<vmem>>, vector<16xf32>,
    tpu.vector_store %arg11[%swap3A_960, %swap3A_961], %gather3A_958 {strides = array<i32>} : memref<16x64xf32, #tpu.memory_space<vmem>>, vector<16xf32>,
    %add3A_963 = arith.constant 32 : i32
    %add3A_964 = vector.broadcast %add3A_963 : i32 to vector<16xi32>
    %add3A_965 = arith.addi %add3A_964, %iota3A : vector<16xi32>
    %gather3A_966 = arith.constant 1 : i32
    %gather3A_967 = arith.constant 0 : i32
    %gather3A_968 = arith.constant 0 : i32
    %gather3A_969 = tpu.memref_slice %arg10[%gather3A_966, %gather3A_967, %gather3A_968] : memref<4x64x128xf32, #tpu.memory_space<vmem>> -> memref<1x64x128xf32, #tpu.memory_space<vmem>>
    %gather3A_970 = tpu.memref_squeeze %gather3A_969 : memref<1x64x128xf32, #tpu.memory_space<vmem>> -> memref<64x128xf32, #tpu.memory_space<vmem>>
    %gather3A_971 = tpu.vector_load_idx %gather3A_970[%add3A_965, %add3A_936] : memref<64x128xf32, #tpu.memory_space<vmem>>[vector<16xi32>, vector<16xi32>], vector<16xf32>,
    %swap3A_972 = arith.constant 9 : i32
    %swap3A_973 = arith.index_cast %swap3A_972 : i32 to index
    %swap3A_974 = arith.constant 32 : index
    %swap3A_975 = tpu.vector_load %arg11[%swap3A_973, %swap3A_974] {strides = array<i32>} : memref<16x64xf32, #tpu.memory_space<vmem>>, vector<16xf32>,
    tpu.vector_store %arg11[%swap3A_973, %swap3A_974], %gather3A_971 {strides = array<i32>} : memref<16x64xf32, #tpu.memory_space<vmem>>, vector<16xf32>,
    %add3A_976 = arith.constant 48 : i32
    %add3A_977 = vector.broadcast %add3A_976 : i32 to vector<16xi32>
    %add3A_978 = arith.addi %add3A_977, %iota3A : vector<16xi32>
    %gather3A_979 = arith.constant 1 : i32
    %gather3A_980 = arith.constant 0 : i32
    %gather3A_981 = arith.constant 0 : i32
    %gather3A_982 = tpu.memref_slice %arg10[%gather3A_979, %gather3A_980, %gather3A_981] : memref<4x64x128xf32, #tpu.memory_space<vmem>> -> memref<1x64x128xf32, #tpu.memory_space<vmem>>
    %gather3A_983 = tpu.memref_squeeze %gather3A_982 : memref<1x64x128xf32, #tpu.memory_space<vmem>> -> memref<64x128xf32, #tpu.memory_space<vmem>>
    %gather3A_984 = tpu.vector_load_idx %gather3A_983[%add3A_978, %add3A_936] : memref<64x128xf32, #tpu.memory_space<vmem>>[vector<16xi32>, vector<16xi32>], vector<16xf32>,
    %swap3A_985 = arith.constant 9 : i32
    %swap3A_986 = arith.index_cast %swap3A_985 : i32 to index
    %swap3A_987 = arith.constant 48 : index
    %swap3A_988 = tpu.vector_load %arg11[%swap3A_986, %swap3A_987] {strides = array<i32>} : memref<16x64xf32, #tpu.memory_space<vmem>>, vector<16xf32>,
    tpu.vector_store %arg11[%swap3A_986, %swap3A_987], %gather3A_984 {strides = array<i32>} : memref<16x64xf32, #tpu.memory_space<vmem>>, vector<16xf32>,
    %shift_right_logical3A_989 = arith.constant 7 : i32
    %shift_right_logical3A_990 = arith.shrui %squeeze3A_44, %shift_right_logical3A_989 : i32
    %shift_left3A_991 = arith.constant 7 : i32
    %shift_left3A_992 = arith.shli %shift_right_logical3A_990, %shift_left3A_991 : i32
    %multiple_of3A_993 = tpu.assume_multiple %shift_left3A_992, 128 : i32
    %dma_start3A_994 = arith.constant 1 : i32
    %dma_start3A_995 = arith.constant 0 : i32
    %dma_start3A_996 = arith.constant 0 : i32
    %dma_start3A_997 = tpu.memref_slice %arg10[%dma_start3A_994, %dma_start3A_995, %dma_start3A_996] : memref<4x64x128xf32, #tpu.memory_space<vmem>> -> memref<1x64x128xf32, #tpu.memory_space<vmem>>
    %dma_start3A_998 = tpu.memref_squeeze %dma_start3A_997 : memref<1x64x128xf32, #tpu.memory_space<vmem>> -> memref<64x128xf32, #tpu.memory_space<vmem>>
    %dma_start3A_999 = arith.constant 0 : i32
    %dma_start3A_1000 = tpu.memref_slice %arg2[%dma_start3A_999, %multiple_of3A_993] : memref<64x1000000xf32, #tpu.memory_space<hbm>> -> memref<64x128xf32, #tpu.memory_space<hbm>>
    %dma_start3A_1001 = arith.constant 0 : i32
    %dma_start3A_1002 = arith.constant 0 : i32
    %dma_start3A_1003 = tpu.memref_slice %arg10[%dma_start3A_994, %dma_start3A_1001, %dma_start3A_1002] : memref<4x64x128xf32, #tpu.memory_space<vmem>> -> memref<1x64x128xf32, #tpu.memory_space<vmem>>
    %dma_start3A_1004 = tpu.memref_squeeze %dma_start3A_1003 : memref<1x64x128xf32, #tpu.memory_space<vmem>> -> memref<64x128xf32, #tpu.memory_space<vmem>>
    %dma_start3A_1005 = arith.constant 0 : i32
    %dma_start3A_1006 = tpu.memref_slice %arg2[%dma_start3A_1005, %multiple_of3A_993] : memref<64x1000000xf32, #tpu.memory_space<hbm>> -> memref<64x128xf32, #tpu.memory_space<hbm>>
    tpu.enqueue_dma source(%dma_start3A_1006 : memref<64x128xf32, #tpu.memory_space<hbm>>) target(%dma_start3A_1004 : memref<64x128xf32, #tpu.memory_space<vmem>>) target_semaphore(%arg17 : memref<!tpu.dma_semaphore, #tpu.memory_space<semaphore_mem>>)
    %dma_wait3A_1007 = arith.constant 2 : i32
    %dma_wait3A_1008 = arith.constant 0 : i32
    %dma_wait3A_1009 = arith.constant 0 : i32
    %dma_wait3A_1010 = tpu.memref_slice %arg10[%dma_wait3A_1007, %dma_wait3A_1008, %dma_wait3A_1009] : memref<4x64x128xf32, #tpu.memory_space<vmem>> -> memref<1x64x128xf32, #tpu.memory_space<vmem>>
    %dma_wait3A_1011 = tpu.memref_squeeze %dma_wait3A_1010 : memref<1x64x128xf32, #tpu.memory_space<vmem>> -> memref<64x128xf32, #tpu.memory_space<vmem>>
    %dma_wait3A_1012 = arith.constant 0 : i32
    %dma_wait3A_1013 = tpu.memref_slice %arg2[%dma_wait3A_1012, %multiple_of3A_726] : memref<64x1000000xf32, #tpu.memory_space<hbm>> -> memref<64x128xf32, #tpu.memory_space<hbm>>
    %dma_wait3A_1014 = arith.constant 0 : i32
    %dma_wait3A_1015 = arith.constant 0 : i32
    %dma_wait3A_1016 = tpu.memref_slice %arg10[%dma_wait3A_1007, %dma_wait3A_1014, %dma_wait3A_1015] : memref<4x64x128xf32, #tpu.memory_space<vmem>> -> memref<1x64x128xf32, #tpu.memory_space<vmem>>
    %dma_wait3A_1017 = tpu.memref_squeeze %dma_wait3A_1016 : memref<1x64x128xf32, #tpu.memory_space<vmem>> -> memref<64x128xf32, #tpu.memory_space<vmem>>
    %dma_wait3A_1018 = arith.constant 0 : i32
    %dma_wait3A_1019 = tpu.memref_slice %arg2[%dma_wait3A_1018, %multiple_of3A_726] : memref<64x1000000xf32, #tpu.memory_space<hbm>> -> memref<64x128xf32, #tpu.memory_space<hbm>>
    tpu.wait_dma2 semaphore(%arg17 : memref<!tpu.dma_semaphore, #tpu.memory_space<semaphore_mem>>) src(%dma_wait3A_1019 : memref<64x128xf32, #tpu.memory_space<hbm>>) dst(%dma_wait3A_1017 : memref<64x128xf32, #tpu.memory_space<vmem>>)
    %and3A_1020 = arith.constant 127 : i32
    %and3A_1021 = arith.andi %squeeze3A_38, %and3A_1020 : i32
    %broadcast_in_dim3A_1022 = arith.constant 0 : i32
    %broadcast_in_dim3A_1023 = vector.broadcast %broadcast_in_dim3A_1022 : i32 to vector<16xi32>
    %add3A_1024 = vector.broadcast %and3A_1021 : i32 to vector<16xi32>
    %add3A_1025 = arith.addi %broadcast_in_dim3A_1023, %add3A_1024 : vector<16xi32>
    %add3A_1026 = arith.constant 0 : i32
    %add3A_1027 = vector.broadcast %add3A_1026 : i32 to vector<16xi32>
    %add3A_1028 = arith.addi %add3A_1027, %iota3A : vector<16xi32>
    %gather3A_1029 = arith.constant 2 : i32
    %gather3A_1030 = arith.constant 0 : i32
    %gather3A_1031 = arith.constant 0 : i32
    %gather3A_1032 = tpu.memref_slice %arg10[%gather3A_1029, %gather3A_1030, %gather3A_1031] : memref<4x64x128xf32, #tpu.memory_space<vmem>> -> memref<1x64x128xf32, #tpu.memory_space<vmem>>
    %gather3A_1033 = tpu.memref_squeeze %gather3A_1032 : memref<1x64x128xf32, #tpu.memory_space<vmem>> -> memref<64x128xf32, #tpu.memory_space<vmem>>
    %gather3A_1034 = tpu.vector_load_idx %gather3A_1033[%add3A_1028, %add3A_1025] : memref<64x128xf32, #tpu.memory_space<vmem>>[vector<16xi32>, vector<16xi32>], vector<16xf32>,
    %swap3A_1035 = arith.constant 10 : i32
    %swap3A_1036 = arith.index_cast %swap3A_1035 : i32 to index
    %swap3A_1037 = arith.constant 0 : index
    %swap3A_1038 = tpu.vector_load %arg11[%swap3A_1036, %swap3A_1037] {strides = array<i32>} : memref<16x64xf32, #tpu.memory_space<vmem>>, vector<16xf32>,
    tpu.vector_store %arg11[%swap3A_1036, %swap3A_1037], %gather3A_1034 {strides = array<i32>} : memref<16x64xf32, #tpu.memory_space<vmem>>, vector<16xf32>,
    %add3A_1039 = arith.constant 16 : i32
    %add3A_1040 = vector.broadcast %add3A_1039 : i32 to vector<16xi32>
    %add3A_1041 = arith.addi %add3A_1040, %iota3A : vector<16xi32>
    %gather3A_1042 = arith.constant 2 : i32
    %gather3A_1043 = arith.constant 0 : i32
    %gather3A_1044 = arith.constant 0 : i32
    %gather3A_1045 = tpu.memref_slice %arg10[%gather3A_1042, %gather3A_1043, %gather3A_1044] : memref<4x64x128xf32, #tpu.memory_space<vmem>> -> memref<1x64x128xf32, #tpu.memory_space<vmem>>
    %gather3A_1046 = tpu.memref_squeeze %gather3A_1045 : memref<1x64x128xf32, #tpu.memory_space<vmem>> -> memref<64x128xf32, #tpu.memory_space<vmem>>
    %gather3A_1047 = tpu.vector_load_idx %gather3A_1046[%add3A_1041, %add3A_1025] : memref<64x128xf32, #tpu.memory_space<vmem>>[vector<16xi32>, vector<16xi32>], vector<16xf32>,
    %swap3A_1048 = arith.constant 10 : i32
    %swap3A_1049 = arith.index_cast %swap3A_1048 : i32 to index
    %swap3A_1050 = arith.constant 16 : index
    %swap3A_1051 = tpu.vector_load %arg11[%swap3A_1049, %swap3A_1050] {strides = array<i32>} : memref<16x64xf32, #tpu.memory_space<vmem>>, vector<16xf32>,
    tpu.vector_store %arg11[%swap3A_1049, %swap3A_1050], %gather3A_1047 {strides = array<i32>} : memref<16x64xf32, #tpu.memory_space<vmem>>, vector<16xf32>,
    %add3A_1052 = arith.constant 32 : i32
    %add3A_1053 = vector.broadcast %add3A_1052 : i32 to vector<16xi32>
    %add3A_1054 = arith.addi %add3A_1053, %iota3A : vector<16xi32>
    %gather3A_1055 = arith.constant 2 : i32
    %gather3A_1056 = arith.constant 0 : i32
    %gather3A_1057 = arith.constant 0 : i32
    %gather3A_1058 = tpu.memref_slice %arg10[%gather3A_1055, %gather3A_1056, %gather3A_1057] : memref<4x64x128xf32, #tpu.memory_space<vmem>> -> memref<1x64x128xf32, #tpu.memory_space<vmem>>
    %gather3A_1059 = tpu.memref_squeeze %gather3A_1058 : memref<1x64x128xf32, #tpu.memory_space<vmem>> -> memref<64x128xf32, #tpu.memory_space<vmem>>
    %gather3A_1060 = tpu.vector_load_idx %gather3A_1059[%add3A_1054, %add3A_1025] : memref<64x128xf32, #tpu.memory_space<vmem>>[vector<16xi32>, vector<16xi32>], vector<16xf32>,
    %swap3A_1061 = arith.constant 10 : i32
    %swap3A_1062 = arith.index_cast %swap3A_1061 : i32 to index
    %swap3A_1063 = arith.constant 32 : index
    %swap3A_1064 = tpu.vector_load %arg11[%swap3A_1062, %swap3A_1063] {strides = array<i32>} : memref<16x64xf32, #tpu.memory_space<vmem>>, vector<16xf32>,
    tpu.vector_store %arg11[%swap3A_1062, %swap3A_1063], %gather3A_1060 {strides = array<i32>} : memref<16x64xf32, #tpu.memory_space<vmem>>, vector<16xf32>,
    %add3A_1065 = arith.constant 48 : i32
    %add3A_1066 = vector.broadcast %add3A_1065 : i32 to vector<16xi32>
    %add3A_1067 = arith.addi %add3A_1066, %iota3A : vector<16xi32>
    %gather3A_1068 = arith.constant 2 : i32
    %gather3A_1069 = arith.constant 0 : i32
    %gather3A_1070 = arith.constant 0 : i32
    %gather3A_1071 = tpu.memref_slice %arg10[%gather3A_1068, %gather3A_1069, %gather3A_1070] : memref<4x64x128xf32, #tpu.memory_space<vmem>> -> memref<1x64x128xf32, #tpu.memory_space<vmem>>
    %gather3A_1072 = tpu.memref_squeeze %gather3A_1071 : memref<1x64x128xf32, #tpu.memory_space<vmem>> -> memref<64x128xf32, #tpu.memory_space<vmem>>
    %gather3A_1073 = tpu.vector_load_idx %gather3A_1072[%add3A_1067, %add3A_1025] : memref<64x128xf32, #tpu.memory_space<vmem>>[vector<16xi32>, vector<16xi32>], vector<16xf32>,
    %swap3A_1074 = arith.constant 10 : i32
    %swap3A_1075 = arith.index_cast %swap3A_1074 : i32 to index
    %swap3A_1076 = arith.constant 48 : index
    %swap3A_1077 = tpu.vector_load %arg11[%swap3A_1075, %swap3A_1076] {strides = array<i32>} : memref<16x64xf32, #tpu.memory_space<vmem>>, vector<16xf32>,
    tpu.vector_store %arg11[%swap3A_1075, %swap3A_1076], %gather3A_1073 {strides = array<i32>} : memref<16x64xf32, #tpu.memory_space<vmem>>, vector<16xf32>,
    %shift_right_logical3A_1078 = arith.constant 7 : i32
    %shift_right_logical3A_1079 = arith.shrui %squeeze3A_46, %shift_right_logical3A_1078 : i32
    %shift_left3A_1080 = arith.constant 7 : i32
    %shift_left3A_1081 = arith.shli %shift_right_logical3A_1079, %shift_left3A_1080 : i32
    %multiple_of3A_1082 = tpu.assume_multiple %shift_left3A_1081, 128 : i32
    %dma_start3A_1083 = arith.constant 2 : i32
    %dma_start3A_1084 = arith.constant 0 : i32
    %dma_start3A_1085 = arith.constant 0 : i32
    %dma_start3A_1086 = tpu.memref_slice %arg10[%dma_start3A_1083, %dma_start3A_1084, %dma_start3A_1085] : memref<4x64x128xf32, #tpu.memory_space<vmem>> -> memref<1x64x128xf32, #tpu.memory_space<vmem>>
    %dma_start3A_1087 = tpu.memref_squeeze %dma_start3A_1086 : memref<1x64x128xf32, #tpu.memory_space<vmem>> -> memref<64x128xf32, #tpu.memory_space<vmem>>
    %dma_start3A_1088 = arith.constant 0 : i32
    %dma_start3A_1089 = tpu.memref_slice %arg2[%dma_start3A_1088, %multiple_of3A_1082] : memref<64x1000000xf32, #tpu.memory_space<hbm>> -> memref<64x128xf32, #tpu.memory_space<hbm>>
    %dma_start3A_1090 = arith.constant 0 : i32
    %dma_start3A_1091 = arith.constant 0 : i32
    %dma_start3A_1092 = tpu.memref_slice %arg10[%dma_start3A_1083, %dma_start3A_1090, %dma_start3A_1091] : memref<4x64x128xf32, #tpu.memory_space<vmem>> -> memref<1x64x128xf32, #tpu.memory_space<vmem>>
    %dma_start3A_1093 = tpu.memref_squeeze %dma_start3A_1092 : memref<1x64x128xf32, #tpu.memory_space<vmem>> -> memref<64x128xf32, #tpu.memory_space<vmem>>
    %dma_start3A_1094 = arith.constant 0 : i32
    %dma_start3A_1095 = tpu.memref_slice %arg2[%dma_start3A_1094, %multiple_of3A_1082] : memref<64x1000000xf32, #tpu.memory_space<hbm>> -> memref<64x128xf32, #tpu.memory_space<hbm>>
    tpu.enqueue_dma source(%dma_start3A_1095 : memref<64x128xf32, #tpu.memory_space<hbm>>) target(%dma_start3A_1093 : memref<64x128xf32, #tpu.memory_space<vmem>>) target_semaphore(%arg17 : memref<!tpu.dma_semaphore, #tpu.memory_space<semaphore_mem>>)
    %dma_wait3A_1096 = arith.constant 3 : i32
    %dma_wait3A_1097 = arith.constant 0 : i32
    %dma_wait3A_1098 = arith.constant 0 : i32
    %dma_wait3A_1099 = tpu.memref_slice %arg10[%dma_wait3A_1096, %dma_wait3A_1097, %dma_wait3A_1098] : memref<4x64x128xf32, #tpu.memory_space<vmem>> -> memref<1x64x128xf32, #tpu.memory_space<vmem>>
    %dma_wait3A_1100 = tpu.memref_squeeze %dma_wait3A_1099 : memref<1x64x128xf32, #tpu.memory_space<vmem>> -> memref<64x128xf32, #tpu.memory_space<vmem>>
    %dma_wait3A_1101 = arith.constant 0 : i32
    %dma_wait3A_1102 = tpu.memref_slice %arg2[%dma_wait3A_1101, %multiple_of3A_815] : memref<64x1000000xf32, #tpu.memory_space<hbm>> -> memref<64x128xf32, #tpu.memory_space<hbm>>
    %dma_wait3A_1103 = arith.constant 0 : i32
    %dma_wait3A_1104 = arith.constant 0 : i32
    %dma_wait3A_1105 = tpu.memref_slice %arg10[%dma_wait3A_1096, %dma_wait3A_1103, %dma_wait3A_1104] : memref<4x64x128xf32, #tpu.memory_space<vmem>> -> memref<1x64x128xf32, #tpu.memory_space<vmem>>
    %dma_wait3A_1106 = tpu.memref_squeeze %dma_wait3A_1105 : memref<1x64x128xf32, #tpu.memory_space<vmem>> -> memref<64x128xf32, #tpu.memory_space<vmem>>
    %dma_wait3A_1107 = arith.constant 0 : i32
    %dma_wait3A_1108 = tpu.memref_slice %arg2[%dma_wait3A_1107, %multiple_of3A_815] : memref<64x1000000xf32, #tpu.memory_space<hbm>> -> memref<64x128xf32, #tpu.memory_space<hbm>>
    tpu.wait_dma2 semaphore(%arg17 : memref<!tpu.dma_semaphore, #tpu.memory_space<semaphore_mem>>) src(%dma_wait3A_1108 : memref<64x128xf32, #tpu.memory_space<hbm>>) dst(%dma_wait3A_1106 : memref<64x128xf32, #tpu.memory_space<vmem>>)
    %and3A_1109 = arith.constant 127 : i32
    %and3A_1110 = arith.andi %squeeze3A_40, %and3A_1109 : i32
    %broadcast_in_dim3A_1111 = arith.constant 0 : i32
    %broadcast_in_dim3A_1112 = vector.broadcast %broadcast_in_dim3A_1111 : i32 to vector<16xi32>
    %add3A_1113 = vector.broadcast %and3A_1110 : i32 to vector<16xi32>
    %add3A_1114 = arith.addi %broadcast_in_dim3A_1112, %add3A_1113 : vector<16xi32>
    %add3A_1115 = arith.constant 0 : i32
    %add3A_1116 = vector.broadcast %add3A_1115 : i32 to vector<16xi32>
    %add3A_1117 = arith.addi %add3A_1116, %iota3A : vector<16xi32>
    %gather3A_1118 = arith.constant 3 : i32
    %gather3A_1119 = arith.constant 0 : i32
    %gather3A_1120 = arith.constant 0 : i32
    %gather3A_1121 = tpu.memref_slice %arg10[%gather3A_1118, %gather3A_1119, %gather3A_1120] : memref<4x64x128xf32, #tpu.memory_space<vmem>> -> memref<1x64x128xf32, #tpu.memory_space<vmem>>
    %gather3A_1122 = tpu.memref_squeeze %gather3A_1121 : memref<1x64x128xf32, #tpu.memory_space<vmem>> -> memref<64x128xf32, #tpu.memory_space<vmem>>
    %gather3A_1123 = tpu.vector_load_idx %gather3A_1122[%add3A_1117, %add3A_1114] : memref<64x128xf32, #tpu.memory_space<vmem>>[vector<16xi32>, vector<16xi32>], vector<16xf32>,
    %swap3A_1124 = arith.constant 11 : i32
    %swap3A_1125 = arith.index_cast %swap3A_1124 : i32 to index
    %swap3A_1126 = arith.constant 0 : index
    %swap3A_1127 = tpu.vector_load %arg11[%swap3A_1125, %swap3A_1126] {strides = array<i32>} : memref<16x64xf32, #tpu.memory_space<vmem>>, vector<16xf32>,
    tpu.vector_store %arg11[%swap3A_1125, %swap3A_1126], %gather3A_1123 {strides = array<i32>} : memref<16x64xf32, #tpu.memory_space<vmem>>, vector<16xf32>,
    %add3A_1128 = arith.constant 16 : i32
    %add3A_1129 = vector.broadcast %add3A_1128 : i32 to vector<16xi32>
    %add3A_1130 = arith.addi %add3A_1129, %iota3A : vector<16xi32>
    %gather3A_1131 = arith.constant 3 : i32
    %gather3A_1132 = arith.constant 0 : i32
    %gather3A_1133 = arith.constant 0 : i32
    %gather3A_1134 = tpu.memref_slice %arg10[%gather3A_1131, %gather3A_1132, %gather3A_1133] : memref<4x64x128xf32, #tpu.memory_space<vmem>> -> memref<1x64x128xf32, #tpu.memory_space<vmem>>
    %gather3A_1135 = tpu.memref_squeeze %gather3A_1134 : memref<1x64x128xf32, #tpu.memory_space<vmem>> -> memref<64x128xf32, #tpu.memory_space<vmem>>
    %gather3A_1136 = tpu.vector_load_idx %gather3A_1135[%add3A_1130, %add3A_1114] : memref<64x128xf32, #tpu.memory_space<vmem>>[vector<16xi32>, vector<16xi32>], vector<16xf32>,
    %swap3A_1137 = arith.constant 11 : i32
    %swap3A_1138 = arith.index_cast %swap3A_1137 : i32 to index
    %swap3A_1139 = arith.constant 16 : index
    %swap3A_1140 = tpu.vector_load %arg11[%swap3A_1138, %swap3A_1139] {strides = array<i32>} : memref<16x64xf32, #tpu.memory_space<vmem>>, vector<16xf32>,
    tpu.vector_store %arg11[%swap3A_1138, %swap3A_1139], %gather3A_1136 {strides = array<i32>} : memref<16x64xf32, #tpu.memory_space<vmem>>, vector<16xf32>,
    %add3A_1141 = arith.constant 32 : i32
    %add3A_1142 = vector.broadcast %add3A_1141 : i32 to vector<16xi32>
    %add3A_1143 = arith.addi %add3A_1142, %iota3A : vector<16xi32>
    %gather3A_1144 = arith.constant 3 : i32
    %gather3A_1145 = arith.constant 0 : i32
    %gather3A_1146 = arith.constant 0 : i32
    %gather3A_1147 = tpu.memref_slice %arg10[%gather3A_1144, %gather3A_1145, %gather3A_1146] : memref<4x64x128xf32, #tpu.memory_space<vmem>> -> memref<1x64x128xf32, #tpu.memory_space<vmem>>
    %gather3A_1148 = tpu.memref_squeeze %gather3A_1147 : memref<1x64x128xf32, #tpu.memory_space<vmem>> -> memref<64x128xf32, #tpu.memory_space<vmem>>
    %gather3A_1149 = tpu.vector_load_idx %gather3A_1148[%add3A_1143, %add3A_1114] : memref<64x128xf32, #tpu.memory_space<vmem>>[vector<16xi32>, vector<16xi32>], vector<16xf32>,
    %swap3A_1150 = arith.constant 11 : i32
    %swap3A_1151 = arith.index_cast %swap3A_1150 : i32 to index
    %swap3A_1152 = arith.constant 32 : index
    %swap3A_1153 = tpu.vector_load %arg11[%swap3A_1151, %swap3A_1152] {strides = array<i32>} : memref<16x64xf32, #tpu.memory_space<vmem>>, vector<16xf32>,
    tpu.vector_store %arg11[%swap3A_1151, %swap3A_1152], %gather3A_1149 {strides = array<i32>} : memref<16x64xf32, #tpu.memory_space<vmem>>, vector<16xf32>,
    %add3A_1154 = arith.constant 48 : i32
    %add3A_1155 = vector.broadcast %add3A_1154 : i32 to vector<16xi32>
    %add3A_1156 = arith.addi %add3A_1155, %iota3A : vector<16xi32>
    %gather3A_1157 = arith.constant 3 : i32
    %gather3A_1158 = arith.constant 0 : i32
    %gather3A_1159 = arith.constant 0 : i32
    %gather3A_1160 = tpu.memref_slice %arg10[%gather3A_1157, %gather3A_1158, %gather3A_1159] : memref<4x64x128xf32, #tpu.memory_space<vmem>> -> memref<1x64x128xf32, #tpu.memory_space<vmem>>
    %gather3A_1161 = tpu.memref_squeeze %gather3A_1160 : memref<1x64x128xf32, #tpu.memory_space<vmem>> -> memref<64x128xf32, #tpu.memory_space<vmem>>
    %gather3A_1162 = tpu.vector_load_idx %gather3A_1161[%add3A_1156, %add3A_1114] : memref<64x128xf32, #tpu.memory_space<vmem>>[vector<16xi32>, vector<16xi32>], vector<16xf32>,
    %swap3A_1163 = arith.constant 11 : i32
    %swap3A_1164 = arith.index_cast %swap3A_1163 : i32 to index
    %swap3A_1165 = arith.constant 48 : index
    %swap3A_1166 = tpu.vector_load %arg11[%swap3A_1164, %swap3A_1165] {strides = array<i32>} : memref<16x64xf32, #tpu.memory_space<vmem>>, vector<16xf32>,
    tpu.vector_store %arg11[%swap3A_1164, %swap3A_1165], %gather3A_1162 {strides = array<i32>} : memref<16x64xf32, #tpu.memory_space<vmem>>, vector<16xf32>,
    %shift_right_logical3A_1167 = arith.constant 7 : i32
    %shift_right_logical3A_1168 = arith.shrui %squeeze3A_48, %shift_right_logical3A_1167 : i32
    %shift_left3A_1169 = arith.constant 7 : i32
    %shift_left3A_1170 = arith.shli %shift_right_logical3A_1168, %shift_left3A_1169 : i32
    %multiple_of3A_1171 = tpu.assume_multiple %shift_left3A_1170, 128 : i32
    %dma_start3A_1172 = arith.constant 3 : i32
    %dma_start3A_1173 = arith.constant 0 : i32
    %dma_start3A_1174 = arith.constant 0 : i32
    %dma_start3A_1175 = tpu.memref_slice %arg10[%dma_start3A_1172, %dma_start3A_1173, %dma_start3A_1174] : memref<4x64x128xf32, #tpu.memory_space<vmem>> -> memref<1x64x128xf32, #tpu.memory_space<vmem>>
    %dma_start3A_1176 = tpu.memref_squeeze %dma_start3A_1175 : memref<1x64x128xf32, #tpu.memory_space<vmem>> -> memref<64x128xf32, #tpu.memory_space<vmem>>
    %dma_start3A_1177 = arith.constant 0 : i32
    %dma_start3A_1178 = tpu.memref_slice %arg2[%dma_start3A_1177, %multiple_of3A_1171] : memref<64x1000000xf32, #tpu.memory_space<hbm>> -> memref<64x128xf32, #tpu.memory_space<hbm>>
    %dma_start3A_1179 = arith.constant 0 : i32
    %dma_start3A_1180 = arith.constant 0 : i32
    %dma_start3A_1181 = tpu.memref_slice %arg10[%dma_start3A_1172, %dma_start3A_1179, %dma_start3A_1180] : memref<4x64x128xf32, #tpu.memory_space<vmem>> -> memref<1x64x128xf32, #tpu.memory_space<vmem>>
    %dma_start3A_1182 = tpu.memref_squeeze %dma_start3A_1181 : memref<1x64x128xf32, #tpu.memory_space<vmem>> -> memref<64x128xf32, #tpu.memory_space<vmem>>
    %dma_start3A_1183 = arith.constant 0 : i32
    %dma_start3A_1184 = tpu.memref_slice %arg2[%dma_start3A_1183, %multiple_of3A_1171] : memref<64x1000000xf32, #tpu.memory_space<hbm>> -> memref<64x128xf32, #tpu.memory_space<hbm>>
    tpu.enqueue_dma source(%dma_start3A_1184 : memref<64x128xf32, #tpu.memory_space<hbm>>) target(%dma_start3A_1182 : memref<64x128xf32, #tpu.memory_space<vmem>>) target_semaphore(%arg17 : memref<!tpu.dma_semaphore, #tpu.memory_space<semaphore_mem>>)
    %dma_wait3A_1185 = arith.constant 0 : i32
    %dma_wait3A_1186 = arith.constant 0 : i32
    %dma_wait3A_1187 = arith.constant 0 : i32
    %dma_wait3A_1188 = tpu.memref_slice %arg10[%dma_wait3A_1185, %dma_wait3A_1186, %dma_wait3A_1187] : memref<4x64x128xf32, #tpu.memory_space<vmem>> -> memref<1x64x128xf32, #tpu.memory_space<vmem>>
    %dma_wait3A_1189 = tpu.memref_squeeze %dma_wait3A_1188 : memref<1x64x128xf32, #tpu.memory_space<vmem>> -> memref<64x128xf32, #tpu.memory_space<vmem>>
    %dma_wait3A_1190 = arith.constant 0 : i32
    %dma_wait3A_1191 = tpu.memref_slice %arg2[%dma_wait3A_1190, %multiple_of3A_904] : memref<64x1000000xf32, #tpu.memory_space<hbm>> -> memref<64x128xf32, #tpu.memory_space<hbm>>
    %dma_wait3A_1192 = arith.constant 0 : i32
    %dma_wait3A_1193 = arith.constant 0 : i32
    %dma_wait3A_1194 = tpu.memref_slice %arg10[%dma_wait3A_1185, %dma_wait3A_1192, %dma_wait3A_1193] : memref<4x64x128xf32, #tpu.memory_space<vmem>> -> memref<1x64x128xf32, #tpu.memory_space<vmem>>
    %dma_wait3A_1195 = tpu.memref_squeeze %dma_wait3A_1194 : memref<1x64x128xf32, #tpu.memory_space<vmem>> -> memref<64x128xf32, #tpu.memory_space<vmem>>
    %dma_wait3A_1196 = arith.constant 0 : i32
    %dma_wait3A_1197 = tpu.memref_slice %arg2[%dma_wait3A_1196, %multiple_of3A_904] : memref<64x1000000xf32, #tpu.memory_space<hbm>> -> memref<64x128xf32, #tpu.memory_space<hbm>>
    tpu.wait_dma2 semaphore(%arg17 : memref<!tpu.dma_semaphore, #tpu.memory_space<semaphore_mem>>) src(%dma_wait3A_1197 : memref<64x128xf32, #tpu.memory_space<hbm>>) dst(%dma_wait3A_1195 : memref<64x128xf32, #tpu.memory_space<vmem>>)
    %and3A_1198 = arith.constant 127 : i32
    %and3A_1199 = arith.andi %squeeze3A_42, %and3A_1198 : i32
    %broadcast_in_dim3A_1200 = arith.constant 0 : i32
    %broadcast_in_dim3A_1201 = vector.broadcast %broadcast_in_dim3A_1200 : i32 to vector<16xi32>
    %add3A_1202 = vector.broadcast %and3A_1199 : i32 to vector<16xi32>
    %add3A_1203 = arith.addi %broadcast_in_dim3A_1201, %add3A_1202 : vector<16xi32>
    %add3A_1204 = arith.constant 0 : i32
    %add3A_1205 = vector.broadcast %add3A_1204 : i32 to vector<16xi32>
    %add3A_1206 = arith.addi %add3A_1205, %iota3A : vector<16xi32>
    %gather3A_1207 = arith.constant 0 : i32
    %gather3A_1208 = arith.constant 0 : i32
    %gather3A_1209 = arith.constant 0 : i32
    %gather3A_1210 = tpu.memref_slice %arg10[%gather3A_1207, %gather3A_1208, %gather3A_1209] : memref<4x64x128xf32, #tpu.memory_space<vmem>> -> memref<1x64x128xf32, #tpu.memory_space<vmem>>
    %gather3A_1211 = tpu.memref_squeeze %gather3A_1210 : memref<1x64x128xf32, #tpu.memory_space<vmem>> -> memref<64x128xf32, #tpu.memory_space<vmem>>
    %gather3A_1212 = tpu.vector_load_idx %gather3A_1211[%add3A_1206, %add3A_1203] : memref<64x128xf32, #tpu.memory_space<vmem>>[vector<16xi32>, vector<16xi32>], vector<16xf32>,
    %swap3A_1213 = arith.constant 12 : i32
    %swap3A_1214 = arith.index_cast %swap3A_1213 : i32 to index
    %swap3A_1215 = arith.constant 0 : index
    %swap3A_1216 = tpu.vector_load %arg11[%swap3A_1214, %swap3A_1215] {strides = array<i32>} : memref<16x64xf32, #tpu.memory_space<vmem>>, vector<16xf32>,
    tpu.vector_store %arg11[%swap3A_1214, %swap3A_1215], %gather3A_1212 {strides = array<i32>} : memref<16x64xf32, #tpu.memory_space<vmem>>, vector<16xf32>,
    %add3A_1217 = arith.constant 16 : i32
    %add3A_1218 = vector.broadcast %add3A_1217 : i32 to vector<16xi32>
    %add3A_1219 = arith.addi %add3A_1218, %iota3A : vector<16xi32>
    %gather3A_1220 = arith.constant 0 : i32
    %gather3A_1221 = arith.constant 0 : i32
    %gather3A_1222 = arith.constant 0 : i32
    %gather3A_1223 = tpu.memref_slice %arg10[%gather3A_1220, %gather3A_1221, %gather3A_1222] : memref<4x64x128xf32, #tpu.memory_space<vmem>> -> memref<1x64x128xf32, #tpu.memory_space<vmem>>
    %gather3A_1224 = tpu.memref_squeeze %gather3A_1223 : memref<1x64x128xf32, #tpu.memory_space<vmem>> -> memref<64x128xf32, #tpu.memory_space<vmem>>
    %gather3A_1225 = tpu.vector_load_idx %gather3A_1224[%add3A_1219, %add3A_1203] : memref<64x128xf32, #tpu.memory_space<vmem>>[vector<16xi32>, vector<16xi32>], vector<16xf32>,
    %swap3A_1226 = arith.constant 12 : i32
    %swap3A_1227 = arith.index_cast %swap3A_1226 : i32 to index
    %swap3A_1228 = arith.constant 16 : index
    %swap3A_1229 = tpu.vector_load %arg11[%swap3A_1227, %swap3A_1228] {strides = array<i32>} : memref<16x64xf32, #tpu.memory_space<vmem>>, vector<16xf32>,
    tpu.vector_store %arg11[%swap3A_1227, %swap3A_1228], %gather3A_1225 {strides = array<i32>} : memref<16x64xf32, #tpu.memory_space<vmem>>, vector<16xf32>,
    %add3A_1230 = arith.constant 32 : i32
    %add3A_1231 = vector.broadcast %add3A_1230 : i32 to vector<16xi32>
    %add3A_1232 = arith.addi %add3A_1231, %iota3A : vector<16xi32>
    %gather3A_1233 = arith.constant 0 : i32
    %gather3A_1234 = arith.constant 0 : i32
    %gather3A_1235 = arith.constant 0 : i32
    %gather3A_1236 = tpu.memref_slice %arg10[%gather3A_1233, %gather3A_1234, %gather3A_1235] : memref<4x64x128xf32, #tpu.memory_space<vmem>> -> memref<1x64x128xf32, #tpu.memory_space<vmem>>
    %gather3A_1237 = tpu.memref_squeeze %gather3A_1236 : memref<1x64x128xf32, #tpu.memory_space<vmem>> -> memref<64x128xf32, #tpu.memory_space<vmem>>
    %gather3A_1238 = tpu.vector_load_idx %gather3A_1237[%add3A_1232, %add3A_1203] : memref<64x128xf32, #tpu.memory_space<vmem>>[vector<16xi32>, vector<16xi32>], vector<16xf32>,
    %swap3A_1239 = arith.constant 12 : i32
    %swap3A_1240 = arith.index_cast %swap3A_1239 : i32 to index
    %swap3A_1241 = arith.constant 32 : index
    %swap3A_1242 = tpu.vector_load %arg11[%swap3A_1240, %swap3A_1241] {strides = array<i32>} : memref<16x64xf32, #tpu.memory_space<vmem>>, vector<16xf32>,
    tpu.vector_store %arg11[%swap3A_1240, %swap3A_1241], %gather3A_1238 {strides = array<i32>} : memref<16x64xf32, #tpu.memory_space<vmem>>, vector<16xf32>,
    %add3A_1243 = arith.constant 48 : i32
    %add3A_1244 = vector.broadcast %add3A_1243 : i32 to vector<16xi32>
    %add3A_1245 = arith.addi %add3A_1244, %iota3A : vector<16xi32>
    %gather3A_1246 = arith.constant 0 : i32
    %gather3A_1247 = arith.constant 0 : i32
    %gather3A_1248 = arith.constant 0 : i32
    %gather3A_1249 = tpu.memref_slice %arg10[%gather3A_1246, %gather3A_1247, %gather3A_1248] : memref<4x64x128xf32, #tpu.memory_space<vmem>> -> memref<1x64x128xf32, #tpu.memory_space<vmem>>
    %gather3A_1250 = tpu.memref_squeeze %gather3A_1249 : memref<1x64x128xf32, #tpu.memory_space<vmem>> -> memref<64x128xf32, #tpu.memory_space<vmem>>
    %gather3A_1251 = tpu.vector_load_idx %gather3A_1250[%add3A_1245, %add3A_1203] : memref<64x128xf32, #tpu.memory_space<vmem>>[vector<16xi32>, vector<16xi32>], vector<16xf32>,
    %swap3A_1252 = arith.constant 12 : i32
    %swap3A_1253 = arith.index_cast %swap3A_1252 : i32 to index
    %swap3A_1254 = arith.constant 48 : index
    %swap3A_1255 = tpu.vector_load %arg11[%swap3A_1253, %swap3A_1254] {strides = array<i32>} : memref<16x64xf32, #tpu.memory_space<vmem>>, vector<16xf32>,
    tpu.vector_store %arg11[%swap3A_1253, %swap3A_1254], %gather3A_1251 {strides = array<i32>} : memref<16x64xf32, #tpu.memory_space<vmem>>, vector<16xf32>,
    %shift_right_logical3A_1256 = arith.constant 7 : i32
    %shift_right_logical3A_1257 = arith.shrui %squeeze3A_50, %shift_right_logical3A_1256 : i32
    %shift_left3A_1258 = arith.constant 7 : i32
    %shift_left3A_1259 = arith.shli %shift_right_logical3A_1257, %shift_left3A_1258 : i32
    %multiple_of3A_1260 = tpu.assume_multiple %shift_left3A_1259, 128 : i32
    %dma_start3A_1261 = arith.constant 0 : i32
    %dma_start3A_1262 = arith.constant 0 : i32
    %dma_start3A_1263 = arith.constant 0 : i32
    %dma_start3A_1264 = tpu.memref_slice %arg10[%dma_start3A_1261, %dma_start3A_1262, %dma_start3A_1263] : memref<4x64x128xf32, #tpu.memory_space<vmem>> -> memref<1x64x128xf32, #tpu.memory_space<vmem>>
    %dma_start3A_1265 = tpu.memref_squeeze %dma_start3A_1264 : memref<1x64x128xf32, #tpu.memory_space<vmem>> -> memref<64x128xf32, #tpu.memory_space<vmem>>
    %dma_start3A_1266 = arith.constant 0 : i32
    %dma_start3A_1267 = tpu.memref_slice %arg2[%dma_start3A_1266, %multiple_of3A_1260] : memref<64x1000000xf32, #tpu.memory_space<hbm>> -> memref<64x128xf32, #tpu.memory_space<hbm>>
    %dma_start3A_1268 = arith.constant 0 : i32
    %dma_start3A_1269 = arith.constant 0 : i32
    %dma_start3A_1270 = tpu.memref_slice %arg10[%dma_start3A_1261, %dma_start3A_1268, %dma_start3A_1269] : memref<4x64x128xf32, #tpu.memory_space<vmem>> -> memref<1x64x128xf32, #tpu.memory_space<vmem>>
    %dma_start3A_1271 = tpu.memref_squeeze %dma_start3A_1270 : memref<1x64x128xf32, #tpu.memory_space<vmem>> -> memref<64x128xf32, #tpu.memory_space<vmem>>
    %dma_start3A_1272 = arith.constant 0 : i32
    %dma_start3A_1273 = tpu.memref_slice %arg2[%dma_start3A_1272, %multiple_of3A_1260] : memref<64x1000000xf32, #tpu.memory_space<hbm>> -> memref<64x128xf32, #tpu.memory_space<hbm>>
    tpu.enqueue_dma source(%dma_start3A_1273 : memref<64x128xf32, #tpu.memory_space<hbm>>) target(%dma_start3A_1271 : memref<64x128xf32, #tpu.memory_space<vmem>>) target_semaphore(%arg17 : memref<!tpu.dma_semaphore, #tpu.memory_space<semaphore_mem>>)
    %dma_wait3A_1274 = arith.constant 1 : i32
    %dma_wait3A_1275 = arith.constant 0 : i32
    %dma_wait3A_1276 = arith.constant 0 : i32
    %dma_wait3A_1277 = tpu.memref_slice %arg10[%dma_wait3A_1274, %dma_wait3A_1275, %dma_wait3A_1276] : memref<4x64x128xf32, #tpu.memory_space<vmem>> -> memref<1x64x128xf32, #tpu.memory_space<vmem>>
    %dma_wait3A_1278 = tpu.memref_squeeze %dma_wait3A_1277 : memref<1x64x128xf32, #tpu.memory_space<vmem>> -> memref<64x128xf32, #tpu.memory_space<vmem>>
    %dma_wait3A_1279 = arith.constant 0 : i32
    %dma_wait3A_1280 = tpu.memref_slice %arg2[%dma_wait3A_1279, %multiple_of3A_993] : memref<64x1000000xf32, #tpu.memory_space<hbm>> -> memref<64x128xf32, #tpu.memory_space<hbm>>
    %dma_wait3A_1281 = arith.constant 0 : i32
    %dma_wait3A_1282 = arith.constant 0 : i32
    %dma_wait3A_1283 = tpu.memref_slice %arg10[%dma_wait3A_1274, %dma_wait3A_1281, %dma_wait3A_1282] : memref<4x64x128xf32, #tpu.memory_space<vmem>> -> memref<1x64x128xf32, #tpu.memory_space<vmem>>
    %dma_wait3A_1284 = tpu.memref_squeeze %dma_wait3A_1283 : memref<1x64x128xf32, #tpu.memory_space<vmem>> -> memref<64x128xf32, #tpu.memory_space<vmem>>
    %dma_wait3A_1285 = arith.constant 0 : i32
    %dma_wait3A_1286 = tpu.memref_slice %arg2[%dma_wait3A_1285, %multiple_of3A_993] : memref<64x1000000xf32, #tpu.memory_space<hbm>> -> memref<64x128xf32, #tpu.memory_space<hbm>>
    tpu.wait_dma2 semaphore(%arg17 : memref<!tpu.dma_semaphore, #tpu.memory_space<semaphore_mem>>) src(%dma_wait3A_1286 : memref<64x128xf32, #tpu.memory_space<hbm>>) dst(%dma_wait3A_1284 : memref<64x128xf32, #tpu.memory_space<vmem>>)
    %and3A_1287 = arith.constant 127 : i32
    %and3A_1288 = arith.andi %squeeze3A_44, %and3A_1287 : i32
    %broadcast_in_dim3A_1289 = arith.constant 0 : i32
    %broadcast_in_dim3A_1290 = vector.broadcast %broadcast_in_dim3A_1289 : i32 to vector<16xi32>
    %add3A_1291 = vector.broadcast %and3A_1288 : i32 to vector<16xi32>
    %add3A_1292 = arith.addi %broadcast_in_dim3A_1290, %add3A_1291 : vector<16xi32>
    %add3A_1293 = arith.constant 0 : i32
    %add3A_1294 = vector.broadcast %add3A_1293 : i32 to vector<16xi32>
    %add3A_1295 = arith.addi %add3A_1294, %iota3A : vector<16xi32>
    %gather3A_1296 = arith.constant 1 : i32
    %gather3A_1297 = arith.constant 0 : i32
    %gather3A_1298 = arith.constant 0 : i32
    %gather3A_1299 = tpu.memref_slice %arg10[%gather3A_1296, %gather3A_1297, %gather3A_1298] : memref<4x64x128xf32, #tpu.memory_space<vmem>> -> memref<1x64x128xf32, #tpu.memory_space<vmem>>
    %gather3A_1300 = tpu.memref_squeeze %gather3A_1299 : memref<1x64x128xf32, #tpu.memory_space<vmem>> -> memref<64x128xf32, #tpu.memory_space<vmem>>
    %gather3A_1301 = tpu.vector_load_idx %gather3A_1300[%add3A_1295, %add3A_1292] : memref<64x128xf32, #tpu.memory_space<vmem>>[vector<16xi32>, vector<16xi32>], vector<16xf32>,
    %swap3A_1302 = arith.constant 13 : i32
    %swap3A_1303 = arith.index_cast %swap3A_1302 : i32 to index
    %swap3A_1304 = arith.constant 0 : index
    %swap3A_1305 = tpu.vector_load %arg11[%swap3A_1303, %swap3A_1304] {strides = array<i32>} : memref<16x64xf32, #tpu.memory_space<vmem>>, vector<16xf32>,
    tpu.vector_store %arg11[%swap3A_1303, %swap3A_1304], %gather3A_1301 {strides = array<i32>} : memref<16x64xf32, #tpu.memory_space<vmem>>, vector<16xf32>,
    %add3A_1306 = arith.constant 16 : i32
    %add3A_1307 = vector.broadcast %add3A_1306 : i32 to vector<16xi32>
    %add3A_1308 = arith.addi %add3A_1307, %iota3A : vector<16xi32>
    %gather3A_1309 = arith.constant 1 : i32
    %gather3A_1310 = arith.constant 0 : i32
    %gather3A_1311 = arith.constant 0 : i32
    %gather3A_1312 = tpu.memref_slice %arg10[%gather3A_1309, %gather3A_1310, %gather3A_1311] : memref<4x64x128xf32, #tpu.memory_space<vmem>> -> memref<1x64x128xf32, #tpu.memory_space<vmem>>
    %gather3A_1313 = tpu.memref_squeeze %gather3A_1312 : memref<1x64x128xf32, #tpu.memory_space<vmem>> -> memref<64x128xf32, #tpu.memory_space<vmem>>
    %gather3A_1314 = tpu.vector_load_idx %gather3A_1313[%add3A_1308, %add3A_1292] : memref<64x128xf32, #tpu.memory_space<vmem>>[vector<16xi32>, vector<16xi32>], vector<16xf32>,
    %swap3A_1315 = arith.constant 13 : i32
    %swap3A_1316 = arith.index_cast %swap3A_1315 : i32 to index
    %swap3A_1317 = arith.constant 16 : index
    %swap3A_1318 = tpu.vector_load %arg11[%swap3A_1316, %swap3A_1317] {strides = array<i32>} : memref<16x64xf32, #tpu.memory_space<vmem>>, vector<16xf32>,
    tpu.vector_store %arg11[%swap3A_1316, %swap3A_1317], %gather3A_1314 {strides = array<i32>} : memref<16x64xf32, #tpu.memory_space<vmem>>, vector<16xf32>,
    %add3A_1319 = arith.constant 32 : i32
    %add3A_1320 = vector.broadcast %add3A_1319 : i32 to vector<16xi32>
    %add3A_1321 = arith.addi %add3A_1320, %iota3A : vector<16xi32>
    %gather3A_1322 = arith.constant 1 : i32
    %gather3A_1323 = arith.constant 0 : i32
    %gather3A_1324 = arith.constant 0 : i32
    %gather3A_1325 = tpu.memref_slice %arg10[%gather3A_1322, %gather3A_1323, %gather3A_1324] : memref<4x64x128xf32, #tpu.memory_space<vmem>> -> memref<1x64x128xf32, #tpu.memory_space<vmem>>
    %gather3A_1326 = tpu.memref_squeeze %gather3A_1325 : memref<1x64x128xf32, #tpu.memory_space<vmem>> -> memref<64x128xf32, #tpu.memory_space<vmem>>
    %gather3A_1327 = tpu.vector_load_idx %gather3A_1326[%add3A_1321, %add3A_1292] : memref<64x128xf32, #tpu.memory_space<vmem>>[vector<16xi32>, vector<16xi32>], vector<16xf32>,
    %swap3A_1328 = arith.constant 13 : i32
    %swap3A_1329 = arith.index_cast %swap3A_1328 : i32 to index
    %swap3A_1330 = arith.constant 32 : index
    %swap3A_1331 = tpu.vector_load %arg11[%swap3A_1329, %swap3A_1330] {strides = array<i32>} : memref<16x64xf32, #tpu.memory_space<vmem>>, vector<16xf32>,
    tpu.vector_store %arg11[%swap3A_1329, %swap3A_1330], %gather3A_1327 {strides = array<i32>} : memref<16x64xf32, #tpu.memory_space<vmem>>, vector<16xf32>,
    %add3A_1332 = arith.constant 48 : i32
    %add3A_1333 = vector.broadcast %add3A_1332 : i32 to vector<16xi32>
    %add3A_1334 = arith.addi %add3A_1333, %iota3A : vector<16xi32>
    %gather3A_1335 = arith.constant 1 : i32
    %gather3A_1336 = arith.constant 0 : i32
    %gather3A_1337 = arith.constant 0 : i32
    %gather3A_1338 = tpu.memref_slice %arg10[%gather3A_1335, %gather3A_1336, %gather3A_1337] : memref<4x64x128xf32, #tpu.memory_space<vmem>> -> memref<1x64x128xf32, #tpu.memory_space<vmem>>
    %gather3A_1339 = tpu.memref_squeeze %gather3A_1338 : memref<1x64x128xf32, #tpu.memory_space<vmem>> -> memref<64x128xf32, #tpu.memory_space<vmem>>
    %gather3A_1340 = tpu.vector_load_idx %gather3A_1339[%add3A_1334, %add3A_1292] : memref<64x128xf32, #tpu.memory_space<vmem>>[vector<16xi32>, vector<16xi32>], vector<16xf32>,
    %swap3A_1341 = arith.constant 13 : i32
    %swap3A_1342 = arith.index_cast %swap3A_1341 : i32 to index
    %swap3A_1343 = arith.constant 48 : index
    %swap3A_1344 = tpu.vector_load %arg11[%swap3A_1342, %swap3A_1343] {strides = array<i32>} : memref<16x64xf32, #tpu.memory_space<vmem>>, vector<16xf32>,
    tpu.vector_store %arg11[%swap3A_1342, %swap3A_1343], %gather3A_1340 {strides = array<i32>} : memref<16x64xf32, #tpu.memory_space<vmem>>, vector<16xf32>,
    %dma_wait3A_1345 = arith.constant 2 : i32
    %dma_wait3A_1346 = arith.constant 0 : i32
    %dma_wait3A_1347 = arith.constant 0 : i32
    %dma_wait3A_1348 = tpu.memref_slice %arg10[%dma_wait3A_1345, %dma_wait3A_1346, %dma_wait3A_1347] : memref<4x64x128xf32, #tpu.memory_space<vmem>> -> memref<1x64x128xf32, #tpu.memory_space<vmem>>
    %dma_wait3A_1349 = tpu.memref_squeeze %dma_wait3A_1348 : memref<1x64x128xf32, #tpu.memory_space<vmem>> -> memref<64x128xf32, #tpu.memory_space<vmem>>
    %dma_wait3A_1350 = arith.constant 0 : i32
    %dma_wait3A_1351 = tpu.memref_slice %arg2[%dma_wait3A_1350, %multiple_of3A_1082] : memref<64x1000000xf32, #tpu.memory_space<hbm>> -> memref<64x128xf32, #tpu.memory_space<hbm>>
    %dma_wait3A_1352 = arith.constant 0 : i32
    %dma_wait3A_1353 = arith.constant 0 : i32
    %dma_wait3A_1354 = tpu.memref_slice %arg10[%dma_wait3A_1345, %dma_wait3A_1352, %dma_wait3A_1353] : memref<4x64x128xf32, #tpu.memory_space<vmem>> -> memref<1x64x128xf32, #tpu.memory_space<vmem>>
    %dma_wait3A_1355 = tpu.memref_squeeze %dma_wait3A_1354 : memref<1x64x128xf32, #tpu.memory_space<vmem>> -> memref<64x128xf32, #tpu.memory_space<vmem>>
    %dma_wait3A_1356 = arith.constant 0 : i32
    %dma_wait3A_1357 = tpu.memref_slice %arg2[%dma_wait3A_1356, %multiple_of3A_1082] : memref<64x1000000xf32, #tpu.memory_space<hbm>> -> memref<64x128xf32, #tpu.memory_space<hbm>>
    tpu.wait_dma2 semaphore(%arg17 : memref<!tpu.dma_semaphore, #tpu.memory_space<semaphore_mem>>) src(%dma_wait3A_1357 : memref<64x128xf32, #tpu.memory_space<hbm>>) dst(%dma_wait3A_1355 : memref<64x128xf32, #tpu.memory_space<vmem>>)
    %and3A_1358 = arith.constant 127 : i32
    %and3A_1359 = arith.andi %squeeze3A_46, %and3A_1358 : i32
    %broadcast_in_dim3A_1360 = arith.constant 0 : i32
    %broadcast_in_dim3A_1361 = vector.broadcast %broadcast_in_dim3A_1360 : i32 to vector<16xi32>
    %add3A_1362 = vector.broadcast %and3A_1359 : i32 to vector<16xi32>
    %add3A_1363 = arith.addi %broadcast_in_dim3A_1361, %add3A_1362 : vector<16xi32>
    %add3A_1364 = arith.constant 0 : i32
    %add3A_1365 = vector.broadcast %add3A_1364 : i32 to vector<16xi32>
    %add3A_1366 = arith.addi %add3A_1365, %iota3A : vector<16xi32>
    %gather3A_1367 = arith.constant 2 : i32
    %gather3A_1368 = arith.constant 0 : i32
    %gather3A_1369 = arith.constant 0 : i32
    %gather3A_1370 = tpu.memref_slice %arg10[%gather3A_1367, %gather3A_1368, %gather3A_1369] : memref<4x64x128xf32, #tpu.memory_space<vmem>> -> memref<1x64x128xf32, #tpu.memory_space<vmem>>
    %gather3A_1371 = tpu.memref_squeeze %gather3A_1370 : memref<1x64x128xf32, #tpu.memory_space<vmem>> -> memref<64x128xf32, #tpu.memory_space<vmem>>
    %gather3A_1372 = tpu.vector_load_idx %gather3A_1371[%add3A_1366, %add3A_1363] : memref<64x128xf32, #tpu.memory_space<vmem>>[vector<16xi32>, vector<16xi32>], vector<16xf32>,
    %swap3A_1373 = arith.constant 14 : i32
    %swap3A_1374 = arith.index_cast %swap3A_1373 : i32 to index
    %swap3A_1375 = arith.constant 0 : index
    %swap3A_1376 = tpu.vector_load %arg11[%swap3A_1374, %swap3A_1375] {strides = array<i32>} : memref<16x64xf32, #tpu.memory_space<vmem>>, vector<16xf32>,
    tpu.vector_store %arg11[%swap3A_1374, %swap3A_1375], %gather3A_1372 {strides = array<i32>} : memref<16x64xf32, #tpu.memory_space<vmem>>, vector<16xf32>,
    %add3A_1377 = arith.constant 16 : i32
    %add3A_1378 = vector.broadcast %add3A_1377 : i32 to vector<16xi32>
    %add3A_1379 = arith.addi %add3A_1378, %iota3A : vector<16xi32>
    %gather3A_1380 = arith.constant 2 : i32
    %gather3A_1381 = arith.constant 0 : i32
    %gather3A_1382 = arith.constant 0 : i32
    %gather3A_1383 = tpu.memref_slice %arg10[%gather3A_1380, %gather3A_1381, %gather3A_1382] : memref<4x64x128xf32, #tpu.memory_space<vmem>> -> memref<1x64x128xf32, #tpu.memory_space<vmem>>
    %gather3A_1384 = tpu.memref_squeeze %gather3A_1383 : memref<1x64x128xf32, #tpu.memory_space<vmem>> -> memref<64x128xf32, #tpu.memory_space<vmem>>
    %gather3A_1385 = tpu.vector_load_idx %gather3A_1384[%add3A_1379, %add3A_1363] : memref<64x128xf32, #tpu.memory_space<vmem>>[vector<16xi32>, vector<16xi32>], vector<16xf32>,
    %swap3A_1386 = arith.constant 14 : i32
    %swap3A_1387 = arith.index_cast %swap3A_1386 : i32 to index
    %swap3A_1388 = arith.constant 16 : index
    %swap3A_1389 = tpu.vector_load %arg11[%swap3A_1387, %swap3A_1388] {strides = array<i32>} : memref<16x64xf32, #tpu.memory_space<vmem>>, vector<16xf32>,
    tpu.vector_store %arg11[%swap3A_1387, %swap3A_1388], %gather3A_1385 {strides = array<i32>} : memref<16x64xf32, #tpu.memory_space<vmem>>, vector<16xf32>,
    %add3A_1390 = arith.constant 32 : i32
    %add3A_1391 = vector.broadcast %add3A_1390 : i32 to vector<16xi32>
    %add3A_1392 = arith.addi %add3A_1391, %iota3A : vector<16xi32>
    %gather3A_1393 = arith.constant 2 : i32
    %gather3A_1394 = arith.constant 0 : i32
    %gather3A_1395 = arith.constant 0 : i32
    %gather3A_1396 = tpu.memref_slice %arg10[%gather3A_1393, %gather3A_1394, %gather3A_1395] : memref<4x64x128xf32, #tpu.memory_space<vmem>> -> memref<1x64x128xf32, #tpu.memory_space<vmem>>
    %gather3A_1397 = tpu.memref_squeeze %gather3A_1396 : memref<1x64x128xf32, #tpu.memory_space<vmem>> -> memref<64x128xf32, #tpu.memory_space<vmem>>
    %gather3A_1398 = tpu.vector_load_idx %gather3A_1397[%add3A_1392, %add3A_1363] : memref<64x128xf32, #tpu.memory_space<vmem>>[vector<16xi32>, vector<16xi32>], vector<16xf32>,
    %swap3A_1399 = arith.constant 14 : i32
    %swap3A_1400 = arith.index_cast %swap3A_1399 : i32 to index
    %swap3A_1401 = arith.constant 32 : index
    %swap3A_1402 = tpu.vector_load %arg11[%swap3A_1400, %swap3A_1401] {strides = array<i32>} : memref<16x64xf32, #tpu.memory_space<vmem>>, vector<16xf32>,
    tpu.vector_store %arg11[%swap3A_1400, %swap3A_1401], %gather3A_1398 {strides = array<i32>} : memref<16x64xf32, #tpu.memory_space<vmem>>, vector<16xf32>,
    %add3A_1403 = arith.constant 48 : i32
    %add3A_1404 = vector.broadcast %add3A_1403 : i32 to vector<16xi32>
    %add3A_1405 = arith.addi %add3A_1404, %iota3A : vector<16xi32>
    %gather3A_1406 = arith.constant 2 : i32
    %gather3A_1407 = arith.constant 0 : i32
    %gather3A_1408 = arith.constant 0 : i32
    %gather3A_1409 = tpu.memref_slice %arg10[%gather3A_1406, %gather3A_1407, %gather3A_1408] : memref<4x64x128xf32, #tpu.memory_space<vmem>> -> memref<1x64x128xf32, #tpu.memory_space<vmem>>
    %gather3A_1410 = tpu.memref_squeeze %gather3A_1409 : memref<1x64x128xf32, #tpu.memory_space<vmem>> -> memref<64x128xf32, #tpu.memory_space<vmem>>
    %gather3A_1411 = tpu.vector_load_idx %gather3A_1410[%add3A_1405, %add3A_1363] : memref<64x128xf32, #tpu.memory_space<vmem>>[vector<16xi32>, vector<16xi32>], vector<16xf32>,
    %swap3A_1412 = arith.constant 14 : i32
    %swap3A_1413 = arith.index_cast %swap3A_1412 : i32 to index
    %swap3A_1414 = arith.constant 48 : index
    %swap3A_1415 = tpu.vector_load %arg11[%swap3A_1413, %swap3A_1414] {strides = array<i32>} : memref<16x64xf32, #tpu.memory_space<vmem>>, vector<16xf32>,
    tpu.vector_store %arg11[%swap3A_1413, %swap3A_1414], %gather3A_1411 {strides = array<i32>} : memref<16x64xf32, #tpu.memory_space<vmem>>, vector<16xf32>,
    %dma_wait3A_1416 = arith.constant 3 : i32
    %dma_wait3A_1417 = arith.constant 0 : i32
    %dma_wait3A_1418 = arith.constant 0 : i32
    %dma_wait3A_1419 = tpu.memref_slice %arg10[%dma_wait3A_1416, %dma_wait3A_1417, %dma_wait3A_1418] : memref<4x64x128xf32, #tpu.memory_space<vmem>> -> memref<1x64x128xf32, #tpu.memory_space<vmem>>
    %dma_wait3A_1420 = tpu.memref_squeeze %dma_wait3A_1419 : memref<1x64x128xf32, #tpu.memory_space<vmem>> -> memref<64x128xf32, #tpu.memory_space<vmem>>
    %dma_wait3A_1421 = arith.constant 0 : i32
    %dma_wait3A_1422 = tpu.memref_slice %arg2[%dma_wait3A_1421, %multiple_of3A_1171] : memref<64x1000000xf32, #tpu.memory_space<hbm>> -> memref<64x128xf32, #tpu.memory_space<hbm>>
    %dma_wait3A_1423 = arith.constant 0 : i32
    %dma_wait3A_1424 = arith.constant 0 : i32
    %dma_wait3A_1425 = tpu.memref_slice %arg10[%dma_wait3A_1416, %dma_wait3A_1423, %dma_wait3A_1424] : memref<4x64x128xf32, #tpu.memory_space<vmem>> -> memref<1x64x128xf32, #tpu.memory_space<vmem>>
    %dma_wait3A_1426 = tpu.memref_squeeze %dma_wait3A_1425 : memref<1x64x128xf32, #tpu.memory_space<vmem>> -> memref<64x128xf32, #tpu.memory_space<vmem>>
    %dma_wait3A_1427 = arith.constant 0 : i32
    %dma_wait3A_1428 = tpu.memref_slice %arg2[%dma_wait3A_1427, %multiple_of3A_1171] : memref<64x1000000xf32, #tpu.memory_space<hbm>> -> memref<64x128xf32, #tpu.memory_space<hbm>>
    tpu.wait_dma2 semaphore(%arg17 : memref<!tpu.dma_semaphore, #tpu.memory_space<semaphore_mem>>) src(%dma_wait3A_1428 : memref<64x128xf32, #tpu.memory_space<hbm>>) dst(%dma_wait3A_1426 : memref<64x128xf32, #tpu.memory_space<vmem>>)
    %and3A_1429 = arith.constant 127 : i32
    %and3A_1430 = arith.andi %squeeze3A_48, %and3A_1429 : i32
    %broadcast_in_dim3A_1431 = arith.constant 0 : i32
    %broadcast_in_dim3A_1432 = vector.broadcast %broadcast_in_dim3A_1431 : i32 to vector<16xi32>
    %add3A_1433 = vector.broadcast %and3A_1430 : i32 to vector<16xi32>
    %add3A_1434 = arith.addi %broadcast_in_dim3A_1432, %add3A_1433 : vector<16xi32>
    %add3A_1435 = arith.constant 0 : i32
    %add3A_1436 = vector.broadcast %add3A_1435 : i32 to vector<16xi32>
    %add3A_1437 = arith.addi %add3A_1436, %iota3A : vector<16xi32>
    %gather3A_1438 = arith.constant 3 : i32
    %gather3A_1439 = arith.constant 0 : i32
    %gather3A_1440 = arith.constant 0 : i32
    %gather3A_1441 = tpu.memref_slice %arg10[%gather3A_1438, %gather3A_1439, %gather3A_1440] : memref<4x64x128xf32, #tpu.memory_space<vmem>> -> memref<1x64x128xf32, #tpu.memory_space<vmem>>
    %gather3A_1442 = tpu.memref_squeeze %gather3A_1441 : memref<1x64x128xf32, #tpu.memory_space<vmem>> -> memref<64x128xf32, #tpu.memory_space<vmem>>
    %gather3A_1443 = tpu.vector_load_idx %gather3A_1442[%add3A_1437, %add3A_1434] : memref<64x128xf32, #tpu.memory_space<vmem>>[vector<16xi32>, vector<16xi32>], vector<16xf32>,
    %swap3A_1444 = arith.constant 15 : i32
    %swap3A_1445 = arith.index_cast %swap3A_1444 : i32 to index
    %swap3A_1446 = arith.constant 0 : index
    %swap3A_1447 = tpu.vector_load %arg11[%swap3A_1445, %swap3A_1446] {strides = array<i32>} : memref<16x64xf32, #tpu.memory_space<vmem>>, vector<16xf32>,
    tpu.vector_store %arg11[%swap3A_1445, %swap3A_1446], %gather3A_1443 {strides = array<i32>} : memref<16x64xf32, #tpu.memory_space<vmem>>, vector<16xf32>,
    %add3A_1448 = arith.constant 16 : i32
    %add3A_1449 = vector.broadcast %add3A_1448 : i32 to vector<16xi32>
    %add3A_1450 = arith.addi %add3A_1449, %iota3A : vector<16xi32>
    %gather3A_1451 = arith.constant 3 : i32
    %gather3A_1452 = arith.constant 0 : i32
    %gather3A_1453 = arith.constant 0 : i32
    %gather3A_1454 = tpu.memref_slice %arg10[%gather3A_1451, %gather3A_1452, %gather3A_1453] : memref<4x64x128xf32, #tpu.memory_space<vmem>> -> memref<1x64x128xf32, #tpu.memory_space<vmem>>
    %gather3A_1455 = tpu.memref_squeeze %gather3A_1454 : memref<1x64x128xf32, #tpu.memory_space<vmem>> -> memref<64x128xf32, #tpu.memory_space<vmem>>
    %gather3A_1456 = tpu.vector_load_idx %gather3A_1455[%add3A_1450, %add3A_1434] : memref<64x128xf32, #tpu.memory_space<vmem>>[vector<16xi32>, vector<16xi32>], vector<16xf32>,
    %swap3A_1457 = arith.constant 15 : i32
    %swap3A_1458 = arith.index_cast %swap3A_1457 : i32 to index
    %swap3A_1459 = arith.constant 16 : index
    %swap3A_1460 = tpu.vector_load %arg11[%swap3A_1458, %swap3A_1459] {strides = array<i32>} : memref<16x64xf32, #tpu.memory_space<vmem>>, vector<16xf32>,
    tpu.vector_store %arg11[%swap3A_1458, %swap3A_1459], %gather3A_1456 {strides = array<i32>} : memref<16x64xf32, #tpu.memory_space<vmem>>, vector<16xf32>,
    %add3A_1461 = arith.constant 32 : i32
    %add3A_1462 = vector.broadcast %add3A_1461 : i32 to vector<16xi32>
    %add3A_1463 = arith.addi %add3A_1462, %iota3A : vector<16xi32>
    %gather3A_1464 = arith.constant 3 : i32
    %gather3A_1465 = arith.constant 0 : i32
    %gather3A_1466 = arith.constant 0 : i32
    %gather3A_1467 = tpu.memref_slice %arg10[%gather3A_1464, %gather3A_1465, %gather3A_1466] : memref<4x64x128xf32, #tpu.memory_space<vmem>> -> memref<1x64x128xf32, #tpu.memory_space<vmem>>
    %gather3A_1468 = tpu.memref_squeeze %gather3A_1467 : memref<1x64x128xf32, #tpu.memory_space<vmem>> -> memref<64x128xf32, #tpu.memory_space<vmem>>
    %gather3A_1469 = tpu.vector_load_idx %gather3A_1468[%add3A_1463, %add3A_1434] : memref<64x128xf32, #tpu.memory_space<vmem>>[vector<16xi32>, vector<16xi32>], vector<16xf32>,
    %swap3A_1470 = arith.constant 15 : i32
    %swap3A_1471 = arith.index_cast %swap3A_1470 : i32 to index
    %swap3A_1472 = arith.constant 32 : index
    %swap3A_1473 = tpu.vector_load %arg11[%swap3A_1471, %swap3A_1472] {strides = array<i32>} : memref<16x64xf32, #tpu.memory_space<vmem>>, vector<16xf32>,
    tpu.vector_store %arg11[%swap3A_1471, %swap3A_1472], %gather3A_1469 {strides = array<i32>} : memref<16x64xf32, #tpu.memory_space<vmem>>, vector<16xf32>,
    %add3A_1474 = arith.constant 48 : i32
    %add3A_1475 = vector.broadcast %add3A_1474 : i32 to vector<16xi32>
    %add3A_1476 = arith.addi %add3A_1475, %iota3A : vector<16xi32>
    %gather3A_1477 = arith.constant 3 : i32
    %gather3A_1478 = arith.constant 0 : i32
    %gather3A_1479 = arith.constant 0 : i32
    %gather3A_1480 = tpu.memref_slice %arg10[%gather3A_1477, %gather3A_1478, %gather3A_1479] : memref<4x64x128xf32, #tpu.memory_space<vmem>> -> memref<1x64x128xf32, #tpu.memory_space<vmem>>
    %gather3A_1481 = tpu.memref_squeeze %gather3A_1480 : memref<1x64x128xf32, #tpu.memory_space<vmem>> -> memref<64x128xf32, #tpu.memory_space<vmem>>
    %gather3A_1482 = tpu.vector_load_idx %gather3A_1481[%add3A_1476, %add3A_1434] : memref<64x128xf32, #tpu.memory_space<vmem>>[vector<16xi32>, vector<16xi32>], vector<16xf32>,
    %swap3A_1483 = arith.constant 15 : i32
    %swap3A_1484 = arith.index_cast %swap3A_1483 : i32 to index
    %swap3A_1485 = arith.constant 48 : index
    %swap3A_1486 = tpu.vector_load %arg11[%swap3A_1484, %swap3A_1485] {strides = array<i32>} : memref<16x64xf32, #tpu.memory_space<vmem>>, vector<16xf32>,
    tpu.vector_store %arg11[%swap3A_1484, %swap3A_1485], %gather3A_1482 {strides = array<i32>} : memref<16x64xf32, #tpu.memory_space<vmem>>, vector<16xf32>,
    %dma_wait3A_1487 = arith.constant 0 : i32
    %dma_wait3A_1488 = arith.constant 0 : i32
    %dma_wait3A_1489 = arith.constant 0 : i32
    %dma_wait3A_1490 = tpu.memref_slice %arg10[%dma_wait3A_1487, %dma_wait3A_1488, %dma_wait3A_1489] : memref<4x64x128xf32, #tpu.memory_space<vmem>> -> memref<1x64x128xf32, #tpu.memory_space<vmem>>
    %dma_wait3A_1491 = tpu.memref_squeeze %dma_wait3A_1490 : memref<1x64x128xf32, #tpu.memory_space<vmem>> -> memref<64x128xf32, #tpu.memory_space<vmem>>
    %dma_wait3A_1492 = arith.constant 0 : i32
    %dma_wait3A_1493 = tpu.memref_slice %arg2[%dma_wait3A_1492, %multiple_of3A_1260] : memref<64x1000000xf32, #tpu.memory_space<hbm>> -> memref<64x128xf32, #tpu.memory_space<hbm>>
    %dma_wait3A_1494 = arith.constant 0 : i32
    %dma_wait3A_1495 = arith.constant 0 : i32
    %dma_wait3A_1496 = tpu.memref_slice %arg10[%dma_wait3A_1487, %dma_wait3A_1494, %dma_wait3A_1495] : memref<4x64x128xf32, #tpu.memory_space<vmem>> -> memref<1x64x128xf32, #tpu.memory_space<vmem>>
    %dma_wait3A_1497 = tpu.memref_squeeze %dma_wait3A_1496 : memref<1x64x128xf32, #tpu.memory_space<vmem>> -> memref<64x128xf32, #tpu.memory_space<vmem>>
    %dma_wait3A_1498 = arith.constant 0 : i32
    %dma_wait3A_1499 = tpu.memref_slice %arg2[%dma_wait3A_1498, %multiple_of3A_1260] : memref<64x1000000xf32, #tpu.memory_space<hbm>> -> memref<64x128xf32, #tpu.memory_space<hbm>>
    tpu.wait_dma2 semaphore(%arg17 : memref<!tpu.dma_semaphore, #tpu.memory_space<semaphore_mem>>) src(%dma_wait3A_1499 : memref<64x128xf32, #tpu.memory_space<hbm>>) dst(%dma_wait3A_1497 : memref<64x128xf32, #tpu.memory_space<vmem>>)
    %and3A_1500 = arith.constant 127 : i32
    %and3A_1501 = arith.andi %squeeze3A_50, %and3A_1500 : i32
    %broadcast_in_dim3A_1502 = arith.constant 0 : i32
    %broadcast_in_dim3A_1503 = vector.broadcast %broadcast_in_dim3A_1502 : i32 to vector<16xi32>
    %add3A_1504 = vector.broadcast %and3A_1501 : i32 to vector<16xi32>
    %add3A_1505 = arith.addi %broadcast_in_dim3A_1503, %add3A_1504 : vector<16xi32>
    %add3A_1506 = arith.constant 0 : i32
    %add3A_1507 = vector.broadcast %add3A_1506 : i32 to vector<16xi32>
    %add3A_1508 = arith.addi %add3A_1507, %iota3A : vector<16xi32>
    %gather3A_1509 = arith.constant 0 : i32
    %gather3A_1510 = arith.constant 0 : i32
    %gather3A_1511 = arith.constant 0 : i32
    %gather3A_1512 = tpu.memref_slice %arg10[%gather3A_1509, %gather3A_1510, %gather3A_1511] : memref<4x64x128xf32, #tpu.memory_space<vmem>> -> memref<1x64x128xf32, #tpu.memory_space<vmem>>
    %gather3A_1513 = tpu.memref_squeeze %gather3A_1512 : memref<1x64x128xf32, #tpu.memory_space<vmem>> -> memref<64x128xf32, #tpu.memory_space<vmem>>
    %gather3A_1514 = tpu.vector_load_idx %gather3A_1513[%add3A_1508, %add3A_1505] : memref<64x128xf32, #tpu.memory_space<vmem>>[vector<16xi32>, vector<16xi32>], vector<16xf32>,
    %swap3A_1515 = arith.constant 0 : i32
    %swap3A_1516 = arith.index_cast %swap3A_1515 : i32 to index
    %swap3A_1517 = arith.constant 0 : index
    %swap3A_1518 = tpu.vector_load %arg12[%swap3A_1516, %swap3A_1517] {strides = array<i32>} : memref<1x64xf32, #tpu.memory_space<vmem>>, vector<16xf32>,
    tpu.vector_store %arg12[%swap3A_1516, %swap3A_1517], %gather3A_1514 {strides = array<i32>} : memref<1x64xf32, #tpu.memory_space<vmem>>, vector<16xf32>,
    %add3A_1519 = arith.constant 16 : i32
    %add3A_1520 = vector.broadcast %add3A_1519 : i32 to vector<16xi32>
    %add3A_1521 = arith.addi %add3A_1520, %iota3A : vector<16xi32>
    %gather3A_1522 = arith.constant 0 : i32
    %gather3A_1523 = arith.constant 0 : i32
    %gather3A_1524 = arith.constant 0 : i32
    %gather3A_1525 = tpu.memref_slice %arg10[%gather3A_1522, %gather3A_1523, %gather3A_1524] : memref<4x64x128xf32, #tpu.memory_space<vmem>> -> memref<1x64x128xf32, #tpu.memory_space<vmem>>
    %gather3A_1526 = tpu.memref_squeeze %gather3A_1525 : memref<1x64x128xf32, #tpu.memory_space<vmem>> -> memref<64x128xf32, #tpu.memory_space<vmem>>
    %gather3A_1527 = tpu.vector_load_idx %gather3A_1526[%add3A_1521, %add3A_1505] : memref<64x128xf32, #tpu.memory_space<vmem>>[vector<16xi32>, vector<16xi32>], vector<16xf32>,
    %swap3A_1528 = arith.constant 0 : i32
    %swap3A_1529 = arith.index_cast %swap3A_1528 : i32 to index
    %swap3A_1530 = arith.constant 16 : index
    %swap3A_1531 = tpu.vector_load %arg12[%swap3A_1529, %swap3A_1530] {strides = array<i32>} : memref<1x64xf32, #tpu.memory_space<vmem>>, vector<16xf32>,
    tpu.vector_store %arg12[%swap3A_1529, %swap3A_1530], %gather3A_1527 {strides = array<i32>} : memref<1x64xf32, #tpu.memory_space<vmem>>, vector<16xf32>,
    %add3A_1532 = arith.constant 32 : i32
    %add3A_1533 = vector.broadcast %add3A_1532 : i32 to vector<16xi32>
    %add3A_1534 = arith.addi %add3A_1533, %iota3A : vector<16xi32>
    %gather3A_1535 = arith.constant 0 : i32
    %gather3A_1536 = arith.constant 0 : i32
    %gather3A_1537 = arith.constant 0 : i32
    %gather3A_1538 = tpu.memref_slice %arg10[%gather3A_1535, %gather3A_1536, %gather3A_1537] : memref<4x64x128xf32, #tpu.memory_space<vmem>> -> memref<1x64x128xf32, #tpu.memory_space<vmem>>
    %gather3A_1539 = tpu.memref_squeeze %gather3A_1538 : memref<1x64x128xf32, #tpu.memory_space<vmem>> -> memref<64x128xf32, #tpu.memory_space<vmem>>
    %gather3A_1540 = tpu.vector_load_idx %gather3A_1539[%add3A_1534, %add3A_1505] : memref<64x128xf32, #tpu.memory_space<vmem>>[vector<16xi32>, vector<16xi32>], vector<16xf32>,
    %swap3A_1541 = arith.constant 0 : i32
    %swap3A_1542 = arith.index_cast %swap3A_1541 : i32 to index
    %swap3A_1543 = arith.constant 32 : index
    %swap3A_1544 = tpu.vector_load %arg12[%swap3A_1542, %swap3A_1543] {strides = array<i32>} : memref<1x64xf32, #tpu.memory_space<vmem>>, vector<16xf32>,
    tpu.vector_store %arg12[%swap3A_1542, %swap3A_1543], %gather3A_1540 {strides = array<i32>} : memref<1x64xf32, #tpu.memory_space<vmem>>, vector<16xf32>,
    %add3A_1545 = arith.constant 48 : i32
    %add3A_1546 = vector.broadcast %add3A_1545 : i32 to vector<16xi32>
    %add3A_1547 = arith.addi %add3A_1546, %iota3A : vector<16xi32>
    %gather3A_1548 = arith.constant 0 : i32
    %gather3A_1549 = arith.constant 0 : i32
    %gather3A_1550 = arith.constant 0 : i32
    %gather3A_1551 = tpu.memref_slice %arg10[%gather3A_1548, %gather3A_1549, %gather3A_1550] : memref<4x64x128xf32, #tpu.memory_space<vmem>> -> memref<1x64x128xf32, #tpu.memory_space<vmem>>
    %gather3A_1552 = tpu.memref_squeeze %gather3A_1551 : memref<1x64x128xf32, #tpu.memory_space<vmem>> -> memref<64x128xf32, #tpu.memory_space<vmem>>
    %gather3A_1553 = tpu.vector_load_idx %gather3A_1552[%add3A_1547, %add3A_1505] : memref<64x128xf32, #tpu.memory_space<vmem>>[vector<16xi32>, vector<16xi32>], vector<16xf32>,
    %swap3A_1554 = arith.constant 0 : i32
    %swap3A_1555 = arith.index_cast %swap3A_1554 : i32 to index
    %swap3A_1556 = arith.constant 48 : index
    %swap3A_1557 = tpu.vector_load %arg12[%swap3A_1555, %swap3A_1556] {strides = array<i32>} : memref<1x64xf32, #tpu.memory_space<vmem>>, vector<16xf32>,
    tpu.vector_store %arg12[%swap3A_1555, %swap3A_1556], %gather3A_1553 {strides = array<i32>} : memref<1x64xf32, #tpu.memory_space<vmem>>, vector<16xf32>,
    %broadcast_in_dim3A_1558 = arith.constant 0.000000e+00 : f32
    %broadcast_in_dim3A_1559 = vector.broadcast %broadcast_in_dim3A_1558 : f32 to vector<16xf32>
    %get3A = arith.constant 0 : i32
    %get3A_1560 = arith.index_cast %get3A : i32 to index
    %get3A_1561 = arith.constant 0 : index
    %get3A_1562 = tpu.vector_load %arg12[%get3A_1560, %get3A_1561] {strides = array<i32>} : memref<1x64xf32, #tpu.memory_space<vmem>>, vector<16xf32>,
    %bitcast3A = vector.bitcast %get3A_1562 : vector<16xf32> to vector<16xi32>
    %add3A_1563 = arith.constant 32767 : i32
    %add3A_1564 = vector.broadcast %add3A_1563 : i32 to vector<16xi32>
    %add3A_1565 = arith.addi %bitcast3A, %add3A_1564 : vector<16xi32>
    %shift_right_logical3A_1566 = arith.constant 16 : i32
    %shift_right_logical3A_1567 = vector.broadcast %shift_right_logical3A_1566 : i32 to vector<16xi32>
    %shift_right_logical3A_1568 = arith.shrui %bitcast3A, %shift_right_logical3A_1567 : vector<16xi32>
    %and3A_1569 = arith.constant 1 : i32
    %and3A_1570 = vector.broadcast %and3A_1569 : i32 to vector<16xi32>
    %and3A_1571 = arith.andi %shift_right_logical3A_1568, %and3A_1570 : vector<16xi32>
    %add3A_1572 = arith.addi %add3A_1565, %and3A_1571 : vector<16xi32>
    %and3A_1573 = arith.constant -65536 : i32
    %and3A_1574 = vector.broadcast %and3A_1573 : i32 to vector<16xi32>
    %and3A_1575 = arith.andi %add3A_1572, %and3A_1574 : vector<16xi32>
    %bitcast3A_1576 = vector.bitcast %and3A_1575 : vector<16xi32> to vector<16xf32>
    %get3A_1577 = arith.constant 0 : i32
    %get3A_1578 = arith.index_cast %get3A_1577 : i32 to index
    %get3A_1579 = arith.constant 16 : index
    %get3A_1580 = tpu.vector_load %arg12[%get3A_1578, %get3A_1579] {strides = array<i32>} : memref<1x64xf32, #tpu.memory_space<vmem>>, vector<16xf32>,
    %bitcast3A_1581 = vector.bitcast %get3A_1580 : vector<16xf32> to vector<16xi32>
    %add3A_1582 = arith.constant 32767 : i32
    %add3A_1583 = vector.broadcast %add3A_1582 : i32 to vector<16xi32>
    %add3A_1584 = arith.addi %bitcast3A_1581, %add3A_1583 : vector<16xi32>
    %shift_right_logical3A_1585 = arith.constant 16 : i32
    %shift_right_logical3A_1586 = vector.broadcast %shift_right_logical3A_1585 : i32 to vector<16xi32>
    %shift_right_logical3A_1587 = arith.shrui %bitcast3A_1581, %shift_right_logical3A_1586 : vector<16xi32>
    %and3A_1588 = arith.constant 1 : i32
    %and3A_1589 = vector.broadcast %and3A_1588 : i32 to vector<16xi32>
    %and3A_1590 = arith.andi %shift_right_logical3A_1587, %and3A_1589 : vector<16xi32>
    %add3A_1591 = arith.addi %add3A_1584, %and3A_1590 : vector<16xi32>
    %and3A_1592 = arith.constant -65536 : i32
    %and3A_1593 = vector.broadcast %and3A_1592 : i32 to vector<16xi32>
    %and3A_1594 = arith.andi %add3A_1591, %and3A_1593 : vector<16xi32>
    %bitcast3A_1595 = vector.bitcast %and3A_1594 : vector<16xi32> to vector<16xf32>
    %get3A_1596 = arith.constant 0 : i32
    %get3A_1597 = arith.index_cast %get3A_1596 : i32 to index
    %get3A_1598 = arith.constant 32 : index
    %get3A_1599 = tpu.vector_load %arg12[%get3A_1597, %get3A_1598] {strides = array<i32>} : memref<1x64xf32, #tpu.memory_space<vmem>>, vector<16xf32>,
    %bitcast3A_1600 = vector.bitcast %get3A_1599 : vector<16xf32> to vector<16xi32>
    %add3A_1601 = arith.constant 32767 : i32
    %add3A_1602 = vector.broadcast %add3A_1601 : i32 to vector<16xi32>
    %add3A_1603 = arith.addi %bitcast3A_1600, %add3A_1602 : vector<16xi32>
    %shift_right_logical3A_1604 = arith.constant 16 : i32
    %shift_right_logical3A_1605 = vector.broadcast %shift_right_logical3A_1604 : i32 to vector<16xi32>
    %shift_right_logical3A_1606 = arith.shrui %bitcast3A_1600, %shift_right_logical3A_1605 : vector<16xi32>
    %and3A_1607 = arith.constant 1 : i32
    %and3A_1608 = vector.broadcast %and3A_1607 : i32 to vector<16xi32>
    %and3A_1609 = arith.andi %shift_right_logical3A_1606, %and3A_1608 : vector<16xi32>
    %add3A_1610 = arith.addi %add3A_1603, %and3A_1609 : vector<16xi32>
    %and3A_1611 = arith.constant -65536 : i32
    %and3A_1612 = vector.broadcast %and3A_1611 : i32 to vector<16xi32>
    %and3A_1613 = arith.andi %add3A_1610, %and3A_1612 : vector<16xi32>
    %bitcast3A_1614 = vector.bitcast %and3A_1613 : vector<16xi32> to vector<16xf32>
    %get3A_1615 = arith.constant 0 : i32
    %get3A_1616 = arith.index_cast %get3A_1615 : i32 to index
    %get3A_1617 = arith.constant 48 : index
    %get3A_1618 = tpu.vector_load %arg12[%get3A_1616, %get3A_1617] {strides = array<i32>} : memref<1x64xf32, #tpu.memory_space<vmem>>, vector<16xf32>,
    %bitcast3A_1619 = vector.bitcast %get3A_1618 : vector<16xf32> to vector<16xi32>
    %add3A_1620 = arith.constant 32767 : i32
    %add3A_1621 = vector.broadcast %add3A_1620 : i32 to vector<16xi32>
    %add3A_1622 = arith.addi %bitcast3A_1619, %add3A_1621 : vector<16xi32>
    %shift_right_logical3A_1623 = arith.constant 16 : i32
    %shift_right_logical3A_1624 = vector.broadcast %shift_right_logical3A_1623 : i32 to vector<16xi32>
    %shift_right_logical3A_1625 = arith.shrui %bitcast3A_1619, %shift_right_logical3A_1624 : vector<16xi32>
    %and3A_1626 = arith.constant 1 : i32
    %and3A_1627 = vector.broadcast %and3A_1626 : i32 to vector<16xi32>
    %and3A_1628 = arith.andi %shift_right_logical3A_1625, %and3A_1627 : vector<16xi32>
    %add3A_1629 = arith.addi %add3A_1622, %and3A_1628 : vector<16xi32>
    %and3A_1630 = arith.constant -65536 : i32
    %and3A_1631 = vector.broadcast %and3A_1630 : i32 to vector<16xi32>
    %and3A_1632 = arith.andi %add3A_1629, %and3A_1631 : vector<16xi32>
    %bitcast3A_1633 = vector.bitcast %and3A_1632 : vector<16xi32> to vector<16xf32>
    %broadcast_in_dim3A_1634 = arith.constant 0 : i32
    %broadcast_in_dim3A_1635 = vector.broadcast %broadcast_in_dim3A_1634 : i32 to vector<16xi32>
    %gather3A_1636 = tpu.vector_load_idx %arg11[%iota3A, %broadcast_in_dim3A_1635] : memref<16x64xf32, #tpu.memory_space<vmem>>[vector<16xi32>, vector<16xi32>], vector<16xf32>,
    %bitcast3A_1637 = vector.bitcast %gather3A_1636 : vector<16xf32> to vector<16xi32>
    %add3A_1638 = arith.constant 32767 : i32
    %add3A_1639 = vector.broadcast %add3A_1638 : i32 to vector<16xi32>
    %add3A_1640 = arith.addi %bitcast3A_1637, %add3A_1639 : vector<16xi32>
    %shift_right_logical3A_1641 = arith.constant 16 : i32
    %shift_right_logical3A_1642 = vector.broadcast %shift_right_logical3A_1641 : i32 to vector<16xi32>
    %shift_right_logical3A_1643 = arith.shrui %bitcast3A_1637, %shift_right_logical3A_1642 : vector<16xi32>
    %and3A_1644 = arith.constant 1 : i32
    %and3A_1645 = vector.broadcast %and3A_1644 : i32 to vector<16xi32>
    %and3A_1646 = arith.andi %shift_right_logical3A_1643, %and3A_1645 : vector<16xi32>
    %add3A_1647 = arith.addi %add3A_1640, %and3A_1646 : vector<16xi32>
    %and3A_1648 = arith.constant -65536 : i32
    %and3A_1649 = vector.broadcast %and3A_1648 : i32 to vector<16xi32>
    %and3A_1650 = arith.andi %add3A_1647, %and3A_1649 : vector<16xi32>
    %bitcast3A_1651 = vector.bitcast %and3A_1650 : vector<16xi32> to vector<16xf32>
    %slice3A_1652 = vector.extract_strided_slice %bitcast3A_1576 {offsets = [0], sizes = [1], strides = [1]} : vector<16xf32> to vector<1xf32>
    %squeeze3A_1653 = vector.extract %slice3A_1652[0] : f32 from vector<1xf32>
    %mul3A_1654 = vector.broadcast %squeeze3A_1653 : f32 to vector<16xf32>
    %mul3A_1655 = arith.mulf %bitcast3A_1651, %mul3A_1654 : vector<16xf32>
    %add3A_1656 = arith.addf %broadcast_in_dim3A_1559, %mul3A_1655 : vector<16xf32>
    %broadcast_in_dim3A_1657 = arith.constant 1 : i32
    %broadcast_in_dim3A_1658 = vector.broadcast %broadcast_in_dim3A_1657 : i32 to vector<16xi32>
    %gather3A_1659 = tpu.vector_load_idx %arg11[%iota3A, %broadcast_in_dim3A_1658] : memref<16x64xf32, #tpu.memory_space<vmem>>[vector<16xi32>, vector<16xi32>], vector<16xf32>,
    %bitcast3A_1660 = vector.bitcast %gather3A_1659 : vector<16xf32> to vector<16xi32>
    %add3A_1661 = arith.constant 32767 : i32
    %add3A_1662 = vector.broadcast %add3A_1661 : i32 to vector<16xi32>
    %add3A_1663 = arith.addi %bitcast3A_1660, %add3A_1662 : vector<16xi32>
    %shift_right_logical3A_1664 = arith.constant 16 : i32
    %shift_right_logical3A_1665 = vector.broadcast %shift_right_logical3A_1664 : i32 to vector<16xi32>
    %shift_right_logical3A_1666 = arith.shrui %bitcast3A_1660, %shift_right_logical3A_1665 : vector<16xi32>
    %and3A_1667 = arith.constant 1 : i32
    %and3A_1668 = vector.broadcast %and3A_1667 : i32 to vector<16xi32>
    %and3A_1669 = arith.andi %shift_right_logical3A_1666, %and3A_1668 : vector<16xi32>
    %add3A_1670 = arith.addi %add3A_1663, %and3A_1669 : vector<16xi32>
    %and3A_1671 = arith.constant -65536 : i32
    %and3A_1672 = vector.broadcast %and3A_1671 : i32 to vector<16xi32>
    %and3A_1673 = arith.andi %add3A_1670, %and3A_1672 : vector<16xi32>
    %bitcast3A_1674 = vector.bitcast %and3A_1673 : vector<16xi32> to vector<16xf32>
    %slice3A_1675 = vector.extract_strided_slice %bitcast3A_1576 {offsets = [1], sizes = [1], strides = [1]} : vector<16xf32> to vector<1xf32>
    %squeeze3A_1676 = vector.extract %slice3A_1675[0] : f32 from vector<1xf32>
    %mul3A_1677 = vector.broadcast %squeeze3A_1676 : f32 to vector<16xf32>
    %mul3A_1678 = arith.mulf %bitcast3A_1674, %mul3A_1677 : vector<16xf32>
    %add3A_1679 = arith.addf %add3A_1656, %mul3A_1678 : vector<16xf32>
    %broadcast_in_dim3A_1680 = arith.constant 2 : i32
    %broadcast_in_dim3A_1681 = vector.broadcast %broadcast_in_dim3A_1680 : i32 to vector<16xi32>
    %gather3A_1682 = tpu.vector_load_idx %arg11[%iota3A, %broadcast_in_dim3A_1681] : memref<16x64xf32, #tpu.memory_space<vmem>>[vector<16xi32>, vector<16xi32>], vector<16xf32>,
    %bitcast3A_1683 = vector.bitcast %gather3A_1682 : vector<16xf32> to vector<16xi32>
    %add3A_1684 = arith.constant 32767 : i32
    %add3A_1685 = vector.broadcast %add3A_1684 : i32 to vector<16xi32>
    %add3A_1686 = arith.addi %bitcast3A_1683, %add3A_1685 : vector<16xi32>
    %shift_right_logical3A_1687 = arith.constant 16 : i32
    %shift_right_logical3A_1688 = vector.broadcast %shift_right_logical3A_1687 : i32 to vector<16xi32>
    %shift_right_logical3A_1689 = arith.shrui %bitcast3A_1683, %shift_right_logical3A_1688 : vector<16xi32>
    %and3A_1690 = arith.constant 1 : i32
    %and3A_1691 = vector.broadcast %and3A_1690 : i32 to vector<16xi32>
    %and3A_1692 = arith.andi %shift_right_logical3A_1689, %and3A_1691 : vector<16xi32>
    %add3A_1693 = arith.addi %add3A_1686, %and3A_1692 : vector<16xi32>
    %and3A_1694 = arith.constant -65536 : i32
    %and3A_1695 = vector.broadcast %and3A_1694 : i32 to vector<16xi32>
    %and3A_1696 = arith.andi %add3A_1693, %and3A_1695 : vector<16xi32>
    %bitcast3A_1697 = vector.bitcast %and3A_1696 : vector<16xi32> to vector<16xf32>
    %slice3A_1698 = vector.extract_strided_slice %bitcast3A_1576 {offsets = [2], sizes = [1], strides = [1]} : vector<16xf32> to vector<1xf32>
    %squeeze3A_1699 = vector.extract %slice3A_1698[0] : f32 from vector<1xf32>
    %mul3A_1700 = vector.broadcast %squeeze3A_1699 : f32 to vector<16xf32>
    %mul3A_1701 = arith.mulf %bitcast3A_1697, %mul3A_1700 : vector<16xf32>
    %add3A_1702 = arith.addf %add3A_1679, %mul3A_1701 : vector<16xf32>
    %broadcast_in_dim3A_1703 = arith.constant 3 : i32
    %broadcast_in_dim3A_1704 = vector.broadcast %broadcast_in_dim3A_1703 : i32 to vector<16xi32>
    %gather3A_1705 = tpu.vector_load_idx %arg11[%iota3A, %broadcast_in_dim3A_1704] : memref<16x64xf32, #tpu.memory_space<vmem>>[vector<16xi32>, vector<16xi32>], vector<16xf32>,
    %bitcast3A_1706 = vector.bitcast %gather3A_1705 : vector<16xf32> to vector<16xi32>
    %add3A_1707 = arith.constant 32767 : i32
    %add3A_1708 = vector.broadcast %add3A_1707 : i32 to vector<16xi32>
    %add3A_1709 = arith.addi %bitcast3A_1706, %add3A_1708 : vector<16xi32>
    %shift_right_logical3A_1710 = arith.constant 16 : i32
    %shift_right_logical3A_1711 = vector.broadcast %shift_right_logical3A_1710 : i32 to vector<16xi32>
    %shift_right_logical3A_1712 = arith.shrui %bitcast3A_1706, %shift_right_logical3A_1711 : vector<16xi32>
    %and3A_1713 = arith.constant 1 : i32
    %and3A_1714 = vector.broadcast %and3A_1713 : i32 to vector<16xi32>
    %and3A_1715 = arith.andi %shift_right_logical3A_1712, %and3A_1714 : vector<16xi32>
    %add3A_1716 = arith.addi %add3A_1709, %and3A_1715 : vector<16xi32>
    %and3A_1717 = arith.constant -65536 : i32
    %and3A_1718 = vector.broadcast %and3A_1717 : i32 to vector<16xi32>
    %and3A_1719 = arith.andi %add3A_1716, %and3A_1718 : vector<16xi32>
    %bitcast3A_1720 = vector.bitcast %and3A_1719 : vector<16xi32> to vector<16xf32>
    %slice3A_1721 = vector.extract_strided_slice %bitcast3A_1576 {offsets = [3], sizes = [1], strides = [1]} : vector<16xf32> to vector<1xf32>
    %squeeze3A_1722 = vector.extract %slice3A_1721[0] : f32 from vector<1xf32>
    %mul3A_1723 = vector.broadcast %squeeze3A_1722 : f32 to vector<16xf32>
    %mul3A_1724 = arith.mulf %bitcast3A_1720, %mul3A_1723 : vector<16xf32>
    %add3A_1725 = arith.addf %add3A_1702, %mul3A_1724 : vector<16xf32>
    %broadcast_in_dim3A_1726 = arith.constant 4 : i32
    %broadcast_in_dim3A_1727 = vector.broadcast %broadcast_in_dim3A_1726 : i32 to vector<16xi32>
    %gather3A_1728 = tpu.vector_load_idx %arg11[%iota3A, %broadcast_in_dim3A_1727] : memref<16x64xf32, #tpu.memory_space<vmem>>[vector<16xi32>, vector<16xi32>], vector<16xf32>,
    %bitcast3A_1729 = vector.bitcast %gather3A_1728 : vector<16xf32> to vector<16xi32>
    %add3A_1730 = arith.constant 32767 : i32
    %add3A_1731 = vector.broadcast %add3A_1730 : i32 to vector<16xi32>
    %add3A_1732 = arith.addi %bitcast3A_1729, %add3A_1731 : vector<16xi32>
    %shift_right_logical3A_1733 = arith.constant 16 : i32
    %shift_right_logical3A_1734 = vector.broadcast %shift_right_logical3A_1733 : i32 to vector<16xi32>
    %shift_right_logical3A_1735 = arith.shrui %bitcast3A_1729, %shift_right_logical3A_1734 : vector<16xi32>
    %and3A_1736 = arith.constant 1 : i32
    %and3A_1737 = vector.broadcast %and3A_1736 : i32 to vector<16xi32>
    %and3A_1738 = arith.andi %shift_right_logical3A_1735, %and3A_1737 : vector<16xi32>
    %add3A_1739 = arith.addi %add3A_1732, %and3A_1738 : vector<16xi32>
    %and3A_1740 = arith.constant -65536 : i32
    %and3A_1741 = vector.broadcast %and3A_1740 : i32 to vector<16xi32>
    %and3A_1742 = arith.andi %add3A_1739, %and3A_1741 : vector<16xi32>
    %bitcast3A_1743 = vector.bitcast %and3A_1742 : vector<16xi32> to vector<16xf32>
    %slice3A_1744 = vector.extract_strided_slice %bitcast3A_1576 {offsets = [4], sizes = [1], strides = [1]} : vector<16xf32> to vector<1xf32>
    %squeeze3A_1745 = vector.extract %slice3A_1744[0] : f32 from vector<1xf32>
    %mul3A_1746 = vector.broadcast %squeeze3A_1745 : f32 to vector<16xf32>
    %mul3A_1747 = arith.mulf %bitcast3A_1743, %mul3A_1746 : vector<16xf32>
    %add3A_1748 = arith.addf %add3A_1725, %mul3A_1747 : vector<16xf32>
    %broadcast_in_dim3A_1749 = arith.constant 5 : i32
    %broadcast_in_dim3A_1750 = vector.broadcast %broadcast_in_dim3A_1749 : i32 to vector<16xi32>
    %gather3A_1751 = tpu.vector_load_idx %arg11[%iota3A, %broadcast_in_dim3A_1750] : memref<16x64xf32, #tpu.memory_space<vmem>>[vector<16xi32>, vector<16xi32>], vector<16xf32>,
    %bitcast3A_1752 = vector.bitcast %gather3A_1751 : vector<16xf32> to vector<16xi32>
    %add3A_1753 = arith.constant 32767 : i32
    %add3A_1754 = vector.broadcast %add3A_1753 : i32 to vector<16xi32>
    %add3A_1755 = arith.addi %bitcast3A_1752, %add3A_1754 : vector<16xi32>
    %shift_right_logical3A_1756 = arith.constant 16 : i32
    %shift_right_logical3A_1757 = vector.broadcast %shift_right_logical3A_1756 : i32 to vector<16xi32>
    %shift_right_logical3A_1758 = arith.shrui %bitcast3A_1752, %shift_right_logical3A_1757 : vector<16xi32>
    %and3A_1759 = arith.constant 1 : i32
    %and3A_1760 = vector.broadcast %and3A_1759 : i32 to vector<16xi32>
    %and3A_1761 = arith.andi %shift_right_logical3A_1758, %and3A_1760 : vector<16xi32>
    %add3A_1762 = arith.addi %add3A_1755, %and3A_1761 : vector<16xi32>
    %and3A_1763 = arith.constant -65536 : i32
    %and3A_1764 = vector.broadcast %and3A_1763 : i32 to vector<16xi32>
    %and3A_1765 = arith.andi %add3A_1762, %and3A_1764 : vector<16xi32>
    %bitcast3A_1766 = vector.bitcast %and3A_1765 : vector<16xi32> to vector<16xf32>
    %slice3A_1767 = vector.extract_strided_slice %bitcast3A_1576 {offsets = [5], sizes = [1], strides = [1]} : vector<16xf32> to vector<1xf32>
    %squeeze3A_1768 = vector.extract %slice3A_1767[0] : f32 from vector<1xf32>
    %mul3A_1769 = vector.broadcast %squeeze3A_1768 : f32 to vector<16xf32>
    %mul3A_1770 = arith.mulf %bitcast3A_1766, %mul3A_1769 : vector<16xf32>
    %add3A_1771 = arith.addf %add3A_1748, %mul3A_1770 : vector<16xf32>
    %broadcast_in_dim3A_1772 = arith.constant 6 : i32
    %broadcast_in_dim3A_1773 = vector.broadcast %broadcast_in_dim3A_1772 : i32 to vector<16xi32>
    %gather3A_1774 = tpu.vector_load_idx %arg11[%iota3A, %broadcast_in_dim3A_1773] : memref<16x64xf32, #tpu.memory_space<vmem>>[vector<16xi32>, vector<16xi32>], vector<16xf32>,
    %bitcast3A_1775 = vector.bitcast %gather3A_1774 : vector<16xf32> to vector<16xi32>
    %add3A_1776 = arith.constant 32767 : i32
    %add3A_1777 = vector.broadcast %add3A_1776 : i32 to vector<16xi32>
    %add3A_1778 = arith.addi %bitcast3A_1775, %add3A_1777 : vector<16xi32>
    %shift_right_logical3A_1779 = arith.constant 16 : i32
    %shift_right_logical3A_1780 = vector.broadcast %shift_right_logical3A_1779 : i32 to vector<16xi32>
    %shift_right_logical3A_1781 = arith.shrui %bitcast3A_1775, %shift_right_logical3A_1780 : vector<16xi32>
    %and3A_1782 = arith.constant 1 : i32
    %and3A_1783 = vector.broadcast %and3A_1782 : i32 to vector<16xi32>
    %and3A_1784 = arith.andi %shift_right_logical3A_1781, %and3A_1783 : vector<16xi32>
    %add3A_1785 = arith.addi %add3A_1778, %and3A_1784 : vector<16xi32>
    %and3A_1786 = arith.constant -65536 : i32
    %and3A_1787 = vector.broadcast %and3A_1786 : i32 to vector<16xi32>
    %and3A_1788 = arith.andi %add3A_1785, %and3A_1787 : vector<16xi32>
    %bitcast3A_1789 = vector.bitcast %and3A_1788 : vector<16xi32> to vector<16xf32>
    %slice3A_1790 = vector.extract_strided_slice %bitcast3A_1576 {offsets = [6], sizes = [1], strides = [1]} : vector<16xf32> to vector<1xf32>
    %squeeze3A_1791 = vector.extract %slice3A_1790[0] : f32 from vector<1xf32>
    %mul3A_1792 = vector.broadcast %squeeze3A_1791 : f32 to vector<16xf32>
    %mul3A_1793 = arith.mulf %bitcast3A_1789, %mul3A_1792 : vector<16xf32>
    %add3A_1794 = arith.addf %add3A_1771, %mul3A_1793 : vector<16xf32>
    %broadcast_in_dim3A_1795 = arith.constant 7 : i32
    %broadcast_in_dim3A_1796 = vector.broadcast %broadcast_in_dim3A_1795 : i32 to vector<16xi32>
    %gather3A_1797 = tpu.vector_load_idx %arg11[%iota3A, %broadcast_in_dim3A_1796] : memref<16x64xf32, #tpu.memory_space<vmem>>[vector<16xi32>, vector<16xi32>], vector<16xf32>,
    %bitcast3A_1798 = vector.bitcast %gather3A_1797 : vector<16xf32> to vector<16xi32>
    %add3A_1799 = arith.constant 32767 : i32
    %add3A_1800 = vector.broadcast %add3A_1799 : i32 to vector<16xi32>
    %add3A_1801 = arith.addi %bitcast3A_1798, %add3A_1800 : vector<16xi32>
    %shift_right_logical3A_1802 = arith.constant 16 : i32
    %shift_right_logical3A_1803 = vector.broadcast %shift_right_logical3A_1802 : i32 to vector<16xi32>
    %shift_right_logical3A_1804 = arith.shrui %bitcast3A_1798, %shift_right_logical3A_1803 : vector<16xi32>
    %and3A_1805 = arith.constant 1 : i32
    %and3A_1806 = vector.broadcast %and3A_1805 : i32 to vector<16xi32>
    %and3A_1807 = arith.andi %shift_right_logical3A_1804, %and3A_1806 : vector<16xi32>
    %add3A_1808 = arith.addi %add3A_1801, %and3A_1807 : vector<16xi32>
    %and3A_1809 = arith.constant -65536 : i32
    %and3A_1810 = vector.broadcast %and3A_1809 : i32 to vector<16xi32>
    %and3A_1811 = arith.andi %add3A_1808, %and3A_1810 : vector<16xi32>
    %bitcast3A_1812 = vector.bitcast %and3A_1811 : vector<16xi32> to vector<16xf32>
    %slice3A_1813 = vector.extract_strided_slice %bitcast3A_1576 {offsets = [7], sizes = [1], strides = [1]} : vector<16xf32> to vector<1xf32>
    %squeeze3A_1814 = vector.extract %slice3A_1813[0] : f32 from vector<1xf32>
    %mul3A_1815 = vector.broadcast %squeeze3A_1814 : f32 to vector<16xf32>
    %mul3A_1816 = arith.mulf %bitcast3A_1812, %mul3A_1815 : vector<16xf32>
    %add3A_1817 = arith.addf %add3A_1794, %mul3A_1816 : vector<16xf32>
    %broadcast_in_dim3A_1818 = arith.constant 8 : i32
    %broadcast_in_dim3A_1819 = vector.broadcast %broadcast_in_dim3A_1818 : i32 to vector<16xi32>
    %gather3A_1820 = tpu.vector_load_idx %arg11[%iota3A, %broadcast_in_dim3A_1819] : memref<16x64xf32, #tpu.memory_space<vmem>>[vector<16xi32>, vector<16xi32>], vector<16xf32>,
    %bitcast3A_1821 = vector.bitcast %gather3A_1820 : vector<16xf32> to vector<16xi32>
    %add3A_1822 = arith.constant 32767 : i32
    %add3A_1823 = vector.broadcast %add3A_1822 : i32 to vector<16xi32>
    %add3A_1824 = arith.addi %bitcast3A_1821, %add3A_1823 : vector<16xi32>
    %shift_right_logical3A_1825 = arith.constant 16 : i32
    %shift_right_logical3A_1826 = vector.broadcast %shift_right_logical3A_1825 : i32 to vector<16xi32>
    %shift_right_logical3A_1827 = arith.shrui %bitcast3A_1821, %shift_right_logical3A_1826 : vector<16xi32>
    %and3A_1828 = arith.constant 1 : i32
    %and3A_1829 = vector.broadcast %and3A_1828 : i32 to vector<16xi32>
    %and3A_1830 = arith.andi %shift_right_logical3A_1827, %and3A_1829 : vector<16xi32>
    %add3A_1831 = arith.addi %add3A_1824, %and3A_1830 : vector<16xi32>
    %and3A_1832 = arith.constant -65536 : i32
    %and3A_1833 = vector.broadcast %and3A_1832 : i32 to vector<16xi32>
    %and3A_1834 = arith.andi %add3A_1831, %and3A_1833 : vector<16xi32>
    %bitcast3A_1835 = vector.bitcast %and3A_1834 : vector<16xi32> to vector<16xf32>
    %slice3A_1836 = vector.extract_strided_slice %bitcast3A_1576 {offsets = [8], sizes = [1], strides = [1]} : vector<16xf32> to vector<1xf32>
    %squeeze3A_1837 = vector.extract %slice3A_1836[0] : f32 from vector<1xf32>
    %mul3A_1838 = vector.broadcast %squeeze3A_1837 : f32 to vector<16xf32>
    %mul3A_1839 = arith.mulf %bitcast3A_1835, %mul3A_1838 : vector<16xf32>
    %add3A_1840 = arith.addf %add3A_1817, %mul3A_1839 : vector<16xf32>
    %broadcast_in_dim3A_1841 = arith.constant 9 : i32
    %broadcast_in_dim3A_1842 = vector.broadcast %broadcast_in_dim3A_1841 : i32 to vector<16xi32>
    %gather3A_1843 = tpu.vector_load_idx %arg11[%iota3A, %broadcast_in_dim3A_1842] : memref<16x64xf32, #tpu.memory_space<vmem>>[vector<16xi32>, vector<16xi32>], vector<16xf32>,
    %bitcast3A_1844 = vector.bitcast %gather3A_1843 : vector<16xf32> to vector<16xi32>
    %add3A_1845 = arith.constant 32767 : i32
    %add3A_1846 = vector.broadcast %add3A_1845 : i32 to vector<16xi32>
    %add3A_1847 = arith.addi %bitcast3A_1844, %add3A_1846 : vector<16xi32>
    %shift_right_logical3A_1848 = arith.constant 16 : i32
    %shift_right_logical3A_1849 = vector.broadcast %shift_right_logical3A_1848 : i32 to vector<16xi32>
    %shift_right_logical3A_1850 = arith.shrui %bitcast3A_1844, %shift_right_logical3A_1849 : vector<16xi32>
    %and3A_1851 = arith.constant 1 : i32
    %and3A_1852 = vector.broadcast %and3A_1851 : i32 to vector<16xi32>
    %and3A_1853 = arith.andi %shift_right_logical3A_1850, %and3A_1852 : vector<16xi32>
    %add3A_1854 = arith.addi %add3A_1847, %and3A_1853 : vector<16xi32>
    %and3A_1855 = arith.constant -65536 : i32
    %and3A_1856 = vector.broadcast %and3A_1855 : i32 to vector<16xi32>
    %and3A_1857 = arith.andi %add3A_1854, %and3A_1856 : vector<16xi32>
    %bitcast3A_1858 = vector.bitcast %and3A_1857 : vector<16xi32> to vector<16xf32>
    %slice3A_1859 = vector.extract_strided_slice %bitcast3A_1576 {offsets = [9], sizes = [1], strides = [1]} : vector<16xf32> to vector<1xf32>
    %squeeze3A_1860 = vector.extract %slice3A_1859[0] : f32 from vector<1xf32>
    %mul3A_1861 = vector.broadcast %squeeze3A_1860 : f32 to vector<16xf32>
    %mul3A_1862 = arith.mulf %bitcast3A_1858, %mul3A_1861 : vector<16xf32>
    %add3A_1863 = arith.addf %add3A_1840, %mul3A_1862 : vector<16xf32>
    %broadcast_in_dim3A_1864 = arith.constant 10 : i32
    %broadcast_in_dim3A_1865 = vector.broadcast %broadcast_in_dim3A_1864 : i32 to vector<16xi32>
    %gather3A_1866 = tpu.vector_load_idx %arg11[%iota3A, %broadcast_in_dim3A_1865] : memref<16x64xf32, #tpu.memory_space<vmem>>[vector<16xi32>, vector<16xi32>], vector<16xf32>,
    %bitcast3A_1867 = vector.bitcast %gather3A_1866 : vector<16xf32> to vector<16xi32>
    %add3A_1868 = arith.constant 32767 : i32
    %add3A_1869 = vector.broadcast %add3A_1868 : i32 to vector<16xi32>
    %add3A_1870 = arith.addi %bitcast3A_1867, %add3A_1869 : vector<16xi32>
    %shift_right_logical3A_1871 = arith.constant 16 : i32
    %shift_right_logical3A_1872 = vector.broadcast %shift_right_logical3A_1871 : i32 to vector<16xi32>
    %shift_right_logical3A_1873 = arith.shrui %bitcast3A_1867, %shift_right_logical3A_1872 : vector<16xi32>
    %and3A_1874 = arith.constant 1 : i32
    %and3A_1875 = vector.broadcast %and3A_1874 : i32 to vector<16xi32>
    %and3A_1876 = arith.andi %shift_right_logical3A_1873, %and3A_1875 : vector<16xi32>
    %add3A_1877 = arith.addi %add3A_1870, %and3A_1876 : vector<16xi32>
    %and3A_1878 = arith.constant -65536 : i32
    %and3A_1879 = vector.broadcast %and3A_1878 : i32 to vector<16xi32>
    %and3A_1880 = arith.andi %add3A_1877, %and3A_1879 : vector<16xi32>
    %bitcast3A_1881 = vector.bitcast %and3A_1880 : vector<16xi32> to vector<16xf32>
    %slice3A_1882 = vector.extract_strided_slice %bitcast3A_1576 {offsets = [10], sizes = [1], strides = [1]} : vector<16xf32> to vector<1xf32>
    %squeeze3A_1883 = vector.extract %slice3A_1882[0] : f32 from vector<1xf32>
    %mul3A_1884 = vector.broadcast %squeeze3A_1883 : f32 to vector<16xf32>
    %mul3A_1885 = arith.mulf %bitcast3A_1881, %mul3A_1884 : vector<16xf32>
    %add3A_1886 = arith.addf %add3A_1863, %mul3A_1885 : vector<16xf32>
    %broadcast_in_dim3A_1887 = arith.constant 11 : i32
    %broadcast_in_dim3A_1888 = vector.broadcast %broadcast_in_dim3A_1887 : i32 to vector<16xi32>
    %gather3A_1889 = tpu.vector_load_idx %arg11[%iota3A, %broadcast_in_dim3A_1888] : memref<16x64xf32, #tpu.memory_space<vmem>>[vector<16xi32>, vector<16xi32>], vector<16xf32>,
    %bitcast3A_1890 = vector.bitcast %gather3A_1889 : vector<16xf32> to vector<16xi32>
    %add3A_1891 = arith.constant 32767 : i32
    %add3A_1892 = vector.broadcast %add3A_1891 : i32 to vector<16xi32>
    %add3A_1893 = arith.addi %bitcast3A_1890, %add3A_1892 : vector<16xi32>
    %shift_right_logical3A_1894 = arith.constant 16 : i32
    %shift_right_logical3A_1895 = vector.broadcast %shift_right_logical3A_1894 : i32 to vector<16xi32>
    %shift_right_logical3A_1896 = arith.shrui %bitcast3A_1890, %shift_right_logical3A_1895 : vector<16xi32>
    %and3A_1897 = arith.constant 1 : i32
    %and3A_1898 = vector.broadcast %and3A_1897 : i32 to vector<16xi32>
    %and3A_1899 = arith.andi %shift_right_logical3A_1896, %and3A_1898 : vector<16xi32>
    %add3A_1900 = arith.addi %add3A_1893, %and3A_1899 : vector<16xi32>
    %and3A_1901 = arith.constant -65536 : i32
    %and3A_1902 = vector.broadcast %and3A_1901 : i32 to vector<16xi32>
    %and3A_1903 = arith.andi %add3A_1900, %and3A_1902 : vector<16xi32>
    %bitcast3A_1904 = vector.bitcast %and3A_1903 : vector<16xi32> to vector<16xf32>
    %slice3A_1905 = vector.extract_strided_slice %bitcast3A_1576 {offsets = [11], sizes = [1], strides = [1]} : vector<16xf32> to vector<1xf32>
    %squeeze3A_1906 = vector.extract %slice3A_1905[0] : f32 from vector<1xf32>
    %mul3A_1907 = vector.broadcast %squeeze3A_1906 : f32 to vector<16xf32>
    %mul3A_1908 = arith.mulf %bitcast3A_1904, %mul3A_1907 : vector<16xf32>
    %add3A_1909 = arith.addf %add3A_1886, %mul3A_1908 : vector<16xf32>
    %broadcast_in_dim3A_1910 = arith.constant 12 : i32
    %broadcast_in_dim3A_1911 = vector.broadcast %broadcast_in_dim3A_1910 : i32 to vector<16xi32>
    %gather3A_1912 = tpu.vector_load_idx %arg11[%iota3A, %broadcast_in_dim3A_1911] : memref<16x64xf32, #tpu.memory_space<vmem>>[vector<16xi32>, vector<16xi32>], vector<16xf32>,
    %bitcast3A_1913 = vector.bitcast %gather3A_1912 : vector<16xf32> to vector<16xi32>
    %add3A_1914 = arith.constant 32767 : i32
    %add3A_1915 = vector.broadcast %add3A_1914 : i32 to vector<16xi32>
    %add3A_1916 = arith.addi %bitcast3A_1913, %add3A_1915 : vector<16xi32>
    %shift_right_logical3A_1917 = arith.constant 16 : i32
    %shift_right_logical3A_1918 = vector.broadcast %shift_right_logical3A_1917 : i32 to vector<16xi32>
    %shift_right_logical3A_1919 = arith.shrui %bitcast3A_1913, %shift_right_logical3A_1918 : vector<16xi32>
    %and3A_1920 = arith.constant 1 : i32
    %and3A_1921 = vector.broadcast %and3A_1920 : i32 to vector<16xi32>
    %and3A_1922 = arith.andi %shift_right_logical3A_1919, %and3A_1921 : vector<16xi32>
    %add3A_1923 = arith.addi %add3A_1916, %and3A_1922 : vector<16xi32>
    %and3A_1924 = arith.constant -65536 : i32
    %and3A_1925 = vector.broadcast %and3A_1924 : i32 to vector<16xi32>
    %and3A_1926 = arith.andi %add3A_1923, %and3A_1925 : vector<16xi32>
    %bitcast3A_1927 = vector.bitcast %and3A_1926 : vector<16xi32> to vector<16xf32>
    %slice3A_1928 = vector.extract_strided_slice %bitcast3A_1576 {offsets = [12], sizes = [1], strides = [1]} : vector<16xf32> to vector<1xf32>
    %squeeze3A_1929 = vector.extract %slice3A_1928[0] : f32 from vector<1xf32>
    %mul3A_1930 = vector.broadcast %squeeze3A_1929 : f32 to vector<16xf32>
    %mul3A_1931 = arith.mulf %bitcast3A_1927, %mul3A_1930 : vector<16xf32>
    %add3A_1932 = arith.addf %add3A_1909, %mul3A_1931 : vector<16xf32>
    %broadcast_in_dim3A_1933 = arith.constant 13 : i32
    %broadcast_in_dim3A_1934 = vector.broadcast %broadcast_in_dim3A_1933 : i32 to vector<16xi32>
    %gather3A_1935 = tpu.vector_load_idx %arg11[%iota3A, %broadcast_in_dim3A_1934] : memref<16x64xf32, #tpu.memory_space<vmem>>[vector<16xi32>, vector<16xi32>], vector<16xf32>,
    %bitcast3A_1936 = vector.bitcast %gather3A_1935 : vector<16xf32> to vector<16xi32>
    %add3A_1937 = arith.constant 32767 : i32
    %add3A_1938 = vector.broadcast %add3A_1937 : i32 to vector<16xi32>
    %add3A_1939 = arith.addi %bitcast3A_1936, %add3A_1938 : vector<16xi32>
    %shift_right_logical3A_1940 = arith.constant 16 : i32
    %shift_right_logical3A_1941 = vector.broadcast %shift_right_logical3A_1940 : i32 to vector<16xi32>
    %shift_right_logical3A_1942 = arith.shrui %bitcast3A_1936, %shift_right_logical3A_1941 : vector<16xi32>
    %and3A_1943 = arith.constant 1 : i32
    %and3A_1944 = vector.broadcast %and3A_1943 : i32 to vector<16xi32>
    %and3A_1945 = arith.andi %shift_right_logical3A_1942, %and3A_1944 : vector<16xi32>
    %add3A_1946 = arith.addi %add3A_1939, %and3A_1945 : vector<16xi32>
    %and3A_1947 = arith.constant -65536 : i32
    %and3A_1948 = vector.broadcast %and3A_1947 : i32 to vector<16xi32>
    %and3A_1949 = arith.andi %add3A_1946, %and3A_1948 : vector<16xi32>
    %bitcast3A_1950 = vector.bitcast %and3A_1949 : vector<16xi32> to vector<16xf32>
    %slice3A_1951 = vector.extract_strided_slice %bitcast3A_1576 {offsets = [13], sizes = [1], strides = [1]} : vector<16xf32> to vector<1xf32>
    %squeeze3A_1952 = vector.extract %slice3A_1951[0] : f32 from vector<1xf32>
    %mul3A_1953 = vector.broadcast %squeeze3A_1952 : f32 to vector<16xf32>
    %mul3A_1954 = arith.mulf %bitcast3A_1950, %mul3A_1953 : vector<16xf32>
    %add3A_1955 = arith.addf %add3A_1932, %mul3A_1954 : vector<16xf32>
    %broadcast_in_dim3A_1956 = arith.constant 14 : i32
    %broadcast_in_dim3A_1957 = vector.broadcast %broadcast_in_dim3A_1956 : i32 to vector<16xi32>
    %gather3A_1958 = tpu.vector_load_idx %arg11[%iota3A, %broadcast_in_dim3A_1957] : memref<16x64xf32, #tpu.memory_space<vmem>>[vector<16xi32>, vector<16xi32>], vector<16xf32>,
    %bitcast3A_1959 = vector.bitcast %gather3A_1958 : vector<16xf32> to vector<16xi32>
    %add3A_1960 = arith.constant 32767 : i32
    %add3A_1961 = vector.broadcast %add3A_1960 : i32 to vector<16xi32>
    %add3A_1962 = arith.addi %bitcast3A_1959, %add3A_1961 : vector<16xi32>
    %shift_right_logical3A_1963 = arith.constant 16 : i32
    %shift_right_logical3A_1964 = vector.broadcast %shift_right_logical3A_1963 : i32 to vector<16xi32>
    %shift_right_logical3A_1965 = arith.shrui %bitcast3A_1959, %shift_right_logical3A_1964 : vector<16xi32>
    %and3A_1966 = arith.constant 1 : i32
    %and3A_1967 = vector.broadcast %and3A_1966 : i32 to vector<16xi32>
    %and3A_1968 = arith.andi %shift_right_logical3A_1965, %and3A_1967 : vector<16xi32>
    %add3A_1969 = arith.addi %add3A_1962, %and3A_1968 : vector<16xi32>
    %and3A_1970 = arith.constant -65536 : i32
    %and3A_1971 = vector.broadcast %and3A_1970 : i32 to vector<16xi32>
    %and3A_1972 = arith.andi %add3A_1969, %and3A_1971 : vector<16xi32>
    %bitcast3A_1973 = vector.bitcast %and3A_1972 : vector<16xi32> to vector<16xf32>
    %slice3A_1974 = vector.extract_strided_slice %bitcast3A_1576 {offsets = [14], sizes = [1], strides = [1]} : vector<16xf32> to vector<1xf32>
    %squeeze3A_1975 = vector.extract %slice3A_1974[0] : f32 from vector<1xf32>
    %mul3A_1976 = vector.broadcast %squeeze3A_1975 : f32 to vector<16xf32>
    %mul3A_1977 = arith.mulf %bitcast3A_1973, %mul3A_1976 : vector<16xf32>
    %add3A_1978 = arith.addf %add3A_1955, %mul3A_1977 : vector<16xf32>
    %broadcast_in_dim3A_1979 = arith.constant 15 : i32
    %broadcast_in_dim3A_1980 = vector.broadcast %broadcast_in_dim3A_1979 : i32 to vector<16xi32>
    %gather3A_1981 = tpu.vector_load_idx %arg11[%iota3A, %broadcast_in_dim3A_1980] : memref<16x64xf32, #tpu.memory_space<vmem>>[vector<16xi32>, vector<16xi32>], vector<16xf32>,
    %bitcast3A_1982 = vector.bitcast %gather3A_1981 : vector<16xf32> to vector<16xi32>
    %add3A_1983 = arith.constant 32767 : i32
    %add3A_1984 = vector.broadcast %add3A_1983 : i32 to vector<16xi32>
    %add3A_1985 = arith.addi %bitcast3A_1982, %add3A_1984 : vector<16xi32>
    %shift_right_logical3A_1986 = arith.constant 16 : i32
    %shift_right_logical3A_1987 = vector.broadcast %shift_right_logical3A_1986 : i32 to vector<16xi32>
    %shift_right_logical3A_1988 = arith.shrui %bitcast3A_1982, %shift_right_logical3A_1987 : vector<16xi32>
    %and3A_1989 = arith.constant 1 : i32
    %and3A_1990 = vector.broadcast %and3A_1989 : i32 to vector<16xi32>
    %and3A_1991 = arith.andi %shift_right_logical3A_1988, %and3A_1990 : vector<16xi32>
    %add3A_1992 = arith.addi %add3A_1985, %and3A_1991 : vector<16xi32>
    %and3A_1993 = arith.constant -65536 : i32
    %and3A_1994 = vector.broadcast %and3A_1993 : i32 to vector<16xi32>
    %and3A_1995 = arith.andi %add3A_1992, %and3A_1994 : vector<16xi32>
    %bitcast3A_1996 = vector.bitcast %and3A_1995 : vector<16xi32> to vector<16xf32>
    %slice3A_1997 = vector.extract_strided_slice %bitcast3A_1576 {offsets = [15], sizes = [1], strides = [1]} : vector<16xf32> to vector<1xf32>
    %squeeze3A_1998 = vector.extract %slice3A_1997[0] : f32 from vector<1xf32>
    %mul3A_1999 = vector.broadcast %squeeze3A_1998 : f32 to vector<16xf32>
    %mul3A_2000 = arith.mulf %bitcast3A_1996, %mul3A_1999 : vector<16xf32>
    %add3A_2001 = arith.addf %add3A_1978, %mul3A_2000 : vector<16xf32>
    %broadcast_in_dim3A_2002 = arith.constant 16 : i32
    %broadcast_in_dim3A_2003 = vector.broadcast %broadcast_in_dim3A_2002 : i32 to vector<16xi32>
    %gather3A_2004 = tpu.vector_load_idx %arg11[%iota3A, %broadcast_in_dim3A_2003] : memref<16x64xf32, #tpu.memory_space<vmem>>[vector<16xi32>, vector<16xi32>], vector<16xf32>,
    %bitcast3A_2005 = vector.bitcast %gather3A_2004 : vector<16xf32> to vector<16xi32>
    %add3A_2006 = arith.constant 32767 : i32
    %add3A_2007 = vector.broadcast %add3A_2006 : i32 to vector<16xi32>
    %add3A_2008 = arith.addi %bitcast3A_2005, %add3A_2007 : vector<16xi32>
    %shift_right_logical3A_2009 = arith.constant 16 : i32
    %shift_right_logical3A_2010 = vector.broadcast %shift_right_logical3A_2009 : i32 to vector<16xi32>
    %shift_right_logical3A_2011 = arith.shrui %bitcast3A_2005, %shift_right_logical3A_2010 : vector<16xi32>
    %and3A_2012 = arith.constant 1 : i32
    %and3A_2013 = vector.broadcast %and3A_2012 : i32 to vector<16xi32>
    %and3A_2014 = arith.andi %shift_right_logical3A_2011, %and3A_2013 : vector<16xi32>
    %add3A_2015 = arith.addi %add3A_2008, %and3A_2014 : vector<16xi32>
    %and3A_2016 = arith.constant -65536 : i32
    %and3A_2017 = vector.broadcast %and3A_2016 : i32 to vector<16xi32>
    %and3A_2018 = arith.andi %add3A_2015, %and3A_2017 : vector<16xi32>
    %bitcast3A_2019 = vector.bitcast %and3A_2018 : vector<16xi32> to vector<16xf32>
    %slice3A_2020 = vector.extract_strided_slice %bitcast3A_1595 {offsets = [0], sizes = [1], strides = [1]} : vector<16xf32> to vector<1xf32>
    %squeeze3A_2021 = vector.extract %slice3A_2020[0] : f32 from vector<1xf32>
    %mul3A_2022 = vector.broadcast %squeeze3A_2021 : f32 to vector<16xf32>
    %mul3A_2023 = arith.mulf %bitcast3A_2019, %mul3A_2022 : vector<16xf32>
    %add3A_2024 = arith.addf %add3A_2001, %mul3A_2023 : vector<16xf32>
    %broadcast_in_dim3A_2025 = arith.constant 17 : i32
    %broadcast_in_dim3A_2026 = vector.broadcast %broadcast_in_dim3A_2025 : i32 to vector<16xi32>
    %gather3A_2027 = tpu.vector_load_idx %arg11[%iota3A, %broadcast_in_dim3A_2026] : memref<16x64xf32, #tpu.memory_space<vmem>>[vector<16xi32>, vector<16xi32>], vector<16xf32>,
    %bitcast3A_2028 = vector.bitcast %gather3A_2027 : vector<16xf32> to vector<16xi32>
    %add3A_2029 = arith.constant 32767 : i32
    %add3A_2030 = vector.broadcast %add3A_2029 : i32 to vector<16xi32>
    %add3A_2031 = arith.addi %bitcast3A_2028, %add3A_2030 : vector<16xi32>
    %shift_right_logical3A_2032 = arith.constant 16 : i32
    %shift_right_logical3A_2033 = vector.broadcast %shift_right_logical3A_2032 : i32 to vector<16xi32>
    %shift_right_logical3A_2034 = arith.shrui %bitcast3A_2028, %shift_right_logical3A_2033 : vector<16xi32>
    %and3A_2035 = arith.constant 1 : i32
    %and3A_2036 = vector.broadcast %and3A_2035 : i32 to vector<16xi32>
    %and3A_2037 = arith.andi %shift_right_logical3A_2034, %and3A_2036 : vector<16xi32>
    %add3A_2038 = arith.addi %add3A_2031, %and3A_2037 : vector<16xi32>
    %and3A_2039 = arith.constant -65536 : i32
    %and3A_2040 = vector.broadcast %and3A_2039 : i32 to vector<16xi32>
    %and3A_2041 = arith.andi %add3A_2038, %and3A_2040 : vector<16xi32>
    %bitcast3A_2042 = vector.bitcast %and3A_2041 : vector<16xi32> to vector<16xf32>
    %slice3A_2043 = vector.extract_strided_slice %bitcast3A_1595 {offsets = [1], sizes = [1], strides = [1]} : vector<16xf32> to vector<1xf32>
    %squeeze3A_2044 = vector.extract %slice3A_2043[0] : f32 from vector<1xf32>
    %mul3A_2045 = vector.broadcast %squeeze3A_2044 : f32 to vector<16xf32>
    %mul3A_2046 = arith.mulf %bitcast3A_2042, %mul3A_2045 : vector<16xf32>
    %add3A_2047 = arith.addf %add3A_2024, %mul3A_2046 : vector<16xf32>
    %broadcast_in_dim3A_2048 = arith.constant 18 : i32
    %broadcast_in_dim3A_2049 = vector.broadcast %broadcast_in_dim3A_2048 : i32 to vector<16xi32>
    %gather3A_2050 = tpu.vector_load_idx %arg11[%iota3A, %broadcast_in_dim3A_2049] : memref<16x64xf32, #tpu.memory_space<vmem>>[vector<16xi32>, vector<16xi32>], vector<16xf32>,
    %bitcast3A_2051 = vector.bitcast %gather3A_2050 : vector<16xf32> to vector<16xi32>
    %add3A_2052 = arith.constant 32767 : i32
    %add3A_2053 = vector.broadcast %add3A_2052 : i32 to vector<16xi32>
    %add3A_2054 = arith.addi %bitcast3A_2051, %add3A_2053 : vector<16xi32>
    %shift_right_logical3A_2055 = arith.constant 16 : i32
    %shift_right_logical3A_2056 = vector.broadcast %shift_right_logical3A_2055 : i32 to vector<16xi32>
    %shift_right_logical3A_2057 = arith.shrui %bitcast3A_2051, %shift_right_logical3A_2056 : vector<16xi32>
    %and3A_2058 = arith.constant 1 : i32
    %and3A_2059 = vector.broadcast %and3A_2058 : i32 to vector<16xi32>
    %and3A_2060 = arith.andi %shift_right_logical3A_2057, %and3A_2059 : vector<16xi32>
    %add3A_2061 = arith.addi %add3A_2054, %and3A_2060 : vector<16xi32>
    %and3A_2062 = arith.constant -65536 : i32
    %and3A_2063 = vector.broadcast %and3A_2062 : i32 to vector<16xi32>
    %and3A_2064 = arith.andi %add3A_2061, %and3A_2063 : vector<16xi32>
    %bitcast3A_2065 = vector.bitcast %and3A_2064 : vector<16xi32> to vector<16xf32>
    %slice3A_2066 = vector.extract_strided_slice %bitcast3A_1595 {offsets = [2], sizes = [1], strides = [1]} : vector<16xf32> to vector<1xf32>
    %squeeze3A_2067 = vector.extract %slice3A_2066[0] : f32 from vector<1xf32>
    %mul3A_2068 = vector.broadcast %squeeze3A_2067 : f32 to vector<16xf32>
    %mul3A_2069 = arith.mulf %bitcast3A_2065, %mul3A_2068 : vector<16xf32>
    %add3A_2070 = arith.addf %add3A_2047, %mul3A_2069 : vector<16xf32>
    %broadcast_in_dim3A_2071 = arith.constant 19 : i32
    %broadcast_in_dim3A_2072 = vector.broadcast %broadcast_in_dim3A_2071 : i32 to vector<16xi32>
    %gather3A_2073 = tpu.vector_load_idx %arg11[%iota3A, %broadcast_in_dim3A_2072] : memref<16x64xf32, #tpu.memory_space<vmem>>[vector<16xi32>, vector<16xi32>], vector<16xf32>,
    %bitcast3A_2074 = vector.bitcast %gather3A_2073 : vector<16xf32> to vector<16xi32>
    %add3A_2075 = arith.constant 32767 : i32
    %add3A_2076 = vector.broadcast %add3A_2075 : i32 to vector<16xi32>
    %add3A_2077 = arith.addi %bitcast3A_2074, %add3A_2076 : vector<16xi32>
    %shift_right_logical3A_2078 = arith.constant 16 : i32
    %shift_right_logical3A_2079 = vector.broadcast %shift_right_logical3A_2078 : i32 to vector<16xi32>
    %shift_right_logical3A_2080 = arith.shrui %bitcast3A_2074, %shift_right_logical3A_2079 : vector<16xi32>
    %and3A_2081 = arith.constant 1 : i32
    %and3A_2082 = vector.broadcast %and3A_2081 : i32 to vector<16xi32>
    %and3A_2083 = arith.andi %shift_right_logical3A_2080, %and3A_2082 : vector<16xi32>
    %add3A_2084 = arith.addi %add3A_2077, %and3A_2083 : vector<16xi32>
    %and3A_2085 = arith.constant -65536 : i32
    %and3A_2086 = vector.broadcast %and3A_2085 : i32 to vector<16xi32>
    %and3A_2087 = arith.andi %add3A_2084, %and3A_2086 : vector<16xi32>
    %bitcast3A_2088 = vector.bitcast %and3A_2087 : vector<16xi32> to vector<16xf32>
    %slice3A_2089 = vector.extract_strided_slice %bitcast3A_1595 {offsets = [3], sizes = [1], strides = [1]} : vector<16xf32> to vector<1xf32>
    %squeeze3A_2090 = vector.extract %slice3A_2089[0] : f32 from vector<1xf32>
    %mul3A_2091 = vector.broadcast %squeeze3A_2090 : f32 to vector<16xf32>
    %mul3A_2092 = arith.mulf %bitcast3A_2088, %mul3A_2091 : vector<16xf32>
    %add3A_2093 = arith.addf %add3A_2070, %mul3A_2092 : vector<16xf32>
    %broadcast_in_dim3A_2094 = arith.constant 20 : i32
    %broadcast_in_dim3A_2095 = vector.broadcast %broadcast_in_dim3A_2094 : i32 to vector<16xi32>
    %gather3A_2096 = tpu.vector_load_idx %arg11[%iota3A, %broadcast_in_dim3A_2095] : memref<16x64xf32, #tpu.memory_space<vmem>>[vector<16xi32>, vector<16xi32>], vector<16xf32>,
    %bitcast3A_2097 = vector.bitcast %gather3A_2096 : vector<16xf32> to vector<16xi32>
    %add3A_2098 = arith.constant 32767 : i32
    %add3A_2099 = vector.broadcast %add3A_2098 : i32 to vector<16xi32>
    %add3A_2100 = arith.addi %bitcast3A_2097, %add3A_2099 : vector<16xi32>
    %shift_right_logical3A_2101 = arith.constant 16 : i32
    %shift_right_logical3A_2102 = vector.broadcast %shift_right_logical3A_2101 : i32 to vector<16xi32>
    %shift_right_logical3A_2103 = arith.shrui %bitcast3A_2097, %shift_right_logical3A_2102 : vector<16xi32>
    %and3A_2104 = arith.constant 1 : i32
    %and3A_2105 = vector.broadcast %and3A_2104 : i32 to vector<16xi32>
    %and3A_2106 = arith.andi %shift_right_logical3A_2103, %and3A_2105 : vector<16xi32>
    %add3A_2107 = arith.addi %add3A_2100, %and3A_2106 : vector<16xi32>
    %and3A_2108 = arith.constant -65536 : i32
    %and3A_2109 = vector.broadcast %and3A_2108 : i32 to vector<16xi32>
    %and3A_2110 = arith.andi %add3A_2107, %and3A_2109 : vector<16xi32>
    %bitcast3A_2111 = vector.bitcast %and3A_2110 : vector<16xi32> to vector<16xf32>
    %slice3A_2112 = vector.extract_strided_slice %bitcast3A_1595 {offsets = [4], sizes = [1], strides = [1]} : vector<16xf32> to vector<1xf32>
    %squeeze3A_2113 = vector.extract %slice3A_2112[0] : f32 from vector<1xf32>
    %mul3A_2114 = vector.broadcast %squeeze3A_2113 : f32 to vector<16xf32>
    %mul3A_2115 = arith.mulf %bitcast3A_2111, %mul3A_2114 : vector<16xf32>
    %add3A_2116 = arith.addf %add3A_2093, %mul3A_2115 : vector<16xf32>
    %broadcast_in_dim3A_2117 = arith.constant 21 : i32
    %broadcast_in_dim3A_2118 = vector.broadcast %broadcast_in_dim3A_2117 : i32 to vector<16xi32>
    %gather3A_2119 = tpu.vector_load_idx %arg11[%iota3A, %broadcast_in_dim3A_2118] : memref<16x64xf32, #tpu.memory_space<vmem>>[vector<16xi32>, vector<16xi32>], vector<16xf32>,
    %bitcast3A_2120 = vector.bitcast %gather3A_2119 : vector<16xf32> to vector<16xi32>
    %add3A_2121 = arith.constant 32767 : i32
    %add3A_2122 = vector.broadcast %add3A_2121 : i32 to vector<16xi32>
    %add3A_2123 = arith.addi %bitcast3A_2120, %add3A_2122 : vector<16xi32>
    %shift_right_logical3A_2124 = arith.constant 16 : i32
    %shift_right_logical3A_2125 = vector.broadcast %shift_right_logical3A_2124 : i32 to vector<16xi32>
    %shift_right_logical3A_2126 = arith.shrui %bitcast3A_2120, %shift_right_logical3A_2125 : vector<16xi32>
    %and3A_2127 = arith.constant 1 : i32
    %and3A_2128 = vector.broadcast %and3A_2127 : i32 to vector<16xi32>
    %and3A_2129 = arith.andi %shift_right_logical3A_2126, %and3A_2128 : vector<16xi32>
    %add3A_2130 = arith.addi %add3A_2123, %and3A_2129 : vector<16xi32>
    %and3A_2131 = arith.constant -65536 : i32
    %and3A_2132 = vector.broadcast %and3A_2131 : i32 to vector<16xi32>
    %and3A_2133 = arith.andi %add3A_2130, %and3A_2132 : vector<16xi32>
    %bitcast3A_2134 = vector.bitcast %and3A_2133 : vector<16xi32> to vector<16xf32>
    %slice3A_2135 = vector.extract_strided_slice %bitcast3A_1595 {offsets = [5], sizes = [1], strides = [1]} : vector<16xf32> to vector<1xf32>
    %squeeze3A_2136 = vector.extract %slice3A_2135[0] : f32 from vector<1xf32>
    %mul3A_2137 = vector.broadcast %squeeze3A_2136 : f32 to vector<16xf32>
    %mul3A_2138 = arith.mulf %bitcast3A_2134, %mul3A_2137 : vector<16xf32>
    %add3A_2139 = arith.addf %add3A_2116, %mul3A_2138 : vector<16xf32>
    %broadcast_in_dim3A_2140 = arith.constant 22 : i32
    %broadcast_in_dim3A_2141 = vector.broadcast %broadcast_in_dim3A_2140 : i32 to vector<16xi32>
    %gather3A_2142 = tpu.vector_load_idx %arg11[%iota3A, %broadcast_in_dim3A_2141] : memref<16x64xf32, #tpu.memory_space<vmem>>[vector<16xi32>, vector<16xi32>], vector<16xf32>,
    %bitcast3A_2143 = vector.bitcast %gather3A_2142 : vector<16xf32> to vector<16xi32>
    %add3A_2144 = arith.constant 32767 : i32
    %add3A_2145 = vector.broadcast %add3A_2144 : i32 to vector<16xi32>
    %add3A_2146 = arith.addi %bitcast3A_2143, %add3A_2145 : vector<16xi32>
    %shift_right_logical3A_2147 = arith.constant 16 : i32
    %shift_right_logical3A_2148 = vector.broadcast %shift_right_logical3A_2147 : i32 to vector<16xi32>
    %shift_right_logical3A_2149 = arith.shrui %bitcast3A_2143, %shift_right_logical3A_2148 : vector<16xi32>
    %and3A_2150 = arith.constant 1 : i32
    %and3A_2151 = vector.broadcast %and3A_2150 : i32 to vector<16xi32>
    %and3A_2152 = arith.andi %shift_right_logical3A_2149, %and3A_2151 : vector<16xi32>
    %add3A_2153 = arith.addi %add3A_2146, %and3A_2152 : vector<16xi32>
    %and3A_2154 = arith.constant -65536 : i32
    %and3A_2155 = vector.broadcast %and3A_2154 : i32 to vector<16xi32>
    %and3A_2156 = arith.andi %add3A_2153, %and3A_2155 : vector<16xi32>
    %bitcast3A_2157 = vector.bitcast %and3A_2156 : vector<16xi32> to vector<16xf32>
    %slice3A_2158 = vector.extract_strided_slice %bitcast3A_1595 {offsets = [6], sizes = [1], strides = [1]} : vector<16xf32> to vector<1xf32>
    %squeeze3A_2159 = vector.extract %slice3A_2158[0] : f32 from vector<1xf32>
    %mul3A_2160 = vector.broadcast %squeeze3A_2159 : f32 to vector<16xf32>
    %mul3A_2161 = arith.mulf %bitcast3A_2157, %mul3A_2160 : vector<16xf32>
    %add3A_2162 = arith.addf %add3A_2139, %mul3A_2161 : vector<16xf32>
    %broadcast_in_dim3A_2163 = arith.constant 23 : i32
    %broadcast_in_dim3A_2164 = vector.broadcast %broadcast_in_dim3A_2163 : i32 to vector<16xi32>
    %gather3A_2165 = tpu.vector_load_idx %arg11[%iota3A, %broadcast_in_dim3A_2164] : memref<16x64xf32, #tpu.memory_space<vmem>>[vector<16xi32>, vector<16xi32>], vector<16xf32>,
    %bitcast3A_2166 = vector.bitcast %gather3A_2165 : vector<16xf32> to vector<16xi32>
    %add3A_2167 = arith.constant 32767 : i32
    %add3A_2168 = vector.broadcast %add3A_2167 : i32 to vector<16xi32>
    %add3A_2169 = arith.addi %bitcast3A_2166, %add3A_2168 : vector<16xi32>
    %shift_right_logical3A_2170 = arith.constant 16 : i32
    %shift_right_logical3A_2171 = vector.broadcast %shift_right_logical3A_2170 : i32 to vector<16xi32>
    %shift_right_logical3A_2172 = arith.shrui %bitcast3A_2166, %shift_right_logical3A_2171 : vector<16xi32>
    %and3A_2173 = arith.constant 1 : i32
    %and3A_2174 = vector.broadcast %and3A_2173 : i32 to vector<16xi32>
    %and3A_2175 = arith.andi %shift_right_logical3A_2172, %and3A_2174 : vector<16xi32>
    %add3A_2176 = arith.addi %add3A_2169, %and3A_2175 : vector<16xi32>
    %and3A_2177 = arith.constant -65536 : i32
    %and3A_2178 = vector.broadcast %and3A_2177 : i32 to vector<16xi32>
    %and3A_2179 = arith.andi %add3A_2176, %and3A_2178 : vector<16xi32>
    %bitcast3A_2180 = vector.bitcast %and3A_2179 : vector<16xi32> to vector<16xf32>
    %slice3A_2181 = vector.extract_strided_slice %bitcast3A_1595 {offsets = [7], sizes = [1], strides = [1]} : vector<16xf32> to vector<1xf32>
    %squeeze3A_2182 = vector.extract %slice3A_2181[0] : f32 from vector<1xf32>
    %mul3A_2183 = vector.broadcast %squeeze3A_2182 : f32 to vector<16xf32>
    %mul3A_2184 = arith.mulf %bitcast3A_2180, %mul3A_2183 : vector<16xf32>
    %add3A_2185 = arith.addf %add3A_2162, %mul3A_2184 : vector<16xf32>
    %broadcast_in_dim3A_2186 = arith.constant 24 : i32
    %broadcast_in_dim3A_2187 = vector.broadcast %broadcast_in_dim3A_2186 : i32 to vector<16xi32>
    %gather3A_2188 = tpu.vector_load_idx %arg11[%iota3A, %broadcast_in_dim3A_2187] : memref<16x64xf32, #tpu.memory_space<vmem>>[vector<16xi32>, vector<16xi32>], vector<16xf32>,
    %bitcast3A_2189 = vector.bitcast %gather3A_2188 : vector<16xf32> to vector<16xi32>
    %add3A_2190 = arith.constant 32767 : i32
    %add3A_2191 = vector.broadcast %add3A_2190 : i32 to vector<16xi32>
    %add3A_2192 = arith.addi %bitcast3A_2189, %add3A_2191 : vector<16xi32>
    %shift_right_logical3A_2193 = arith.constant 16 : i32
    %shift_right_logical3A_2194 = vector.broadcast %shift_right_logical3A_2193 : i32 to vector<16xi32>
    %shift_right_logical3A_2195 = arith.shrui %bitcast3A_2189, %shift_right_logical3A_2194 : vector<16xi32>
    %and3A_2196 = arith.constant 1 : i32
    %and3A_2197 = vector.broadcast %and3A_2196 : i32 to vector<16xi32>
    %and3A_2198 = arith.andi %shift_right_logical3A_2195, %and3A_2197 : vector<16xi32>
    %add3A_2199 = arith.addi %add3A_2192, %and3A_2198 : vector<16xi32>
    %and3A_2200 = arith.constant -65536 : i32
    %and3A_2201 = vector.broadcast %and3A_2200 : i32 to vector<16xi32>
    %and3A_2202 = arith.andi %add3A_2199, %and3A_2201 : vector<16xi32>
    %bitcast3A_2203 = vector.bitcast %and3A_2202 : vector<16xi32> to vector<16xf32>
    %slice3A_2204 = vector.extract_strided_slice %bitcast3A_1595 {offsets = [8], sizes = [1], strides = [1]} : vector<16xf32> to vector<1xf32>
    %squeeze3A_2205 = vector.extract %slice3A_2204[0] : f32 from vector<1xf32>
    %mul3A_2206 = vector.broadcast %squeeze3A_2205 : f32 to vector<16xf32>
    %mul3A_2207 = arith.mulf %bitcast3A_2203, %mul3A_2206 : vector<16xf32>
    %add3A_2208 = arith.addf %add3A_2185, %mul3A_2207 : vector<16xf32>
    %broadcast_in_dim3A_2209 = arith.constant 25 : i32
    %broadcast_in_dim3A_2210 = vector.broadcast %broadcast_in_dim3A_2209 : i32 to vector<16xi32>
    %gather3A_2211 = tpu.vector_load_idx %arg11[%iota3A, %broadcast_in_dim3A_2210] : memref<16x64xf32, #tpu.memory_space<vmem>>[vector<16xi32>, vector<16xi32>], vector<16xf32>,
    %bitcast3A_2212 = vector.bitcast %gather3A_2211 : vector<16xf32> to vector<16xi32>
    %add3A_2213 = arith.constant 32767 : i32
    %add3A_2214 = vector.broadcast %add3A_2213 : i32 to vector<16xi32>
    %add3A_2215 = arith.addi %bitcast3A_2212, %add3A_2214 : vector<16xi32>
    %shift_right_logical3A_2216 = arith.constant 16 : i32
    %shift_right_logical3A_2217 = vector.broadcast %shift_right_logical3A_2216 : i32 to vector<16xi32>
    %shift_right_logical3A_2218 = arith.shrui %bitcast3A_2212, %shift_right_logical3A_2217 : vector<16xi32>
    %and3A_2219 = arith.constant 1 : i32
    %and3A_2220 = vector.broadcast %and3A_2219 : i32 to vector<16xi32>
    %and3A_2221 = arith.andi %shift_right_logical3A_2218, %and3A_2220 : vector<16xi32>
    %add3A_2222 = arith.addi %add3A_2215, %and3A_2221 : vector<16xi32>
    %and3A_2223 = arith.constant -65536 : i32
    %and3A_2224 = vector.broadcast %and3A_2223 : i32 to vector<16xi32>
    %and3A_2225 = arith.andi %add3A_2222, %and3A_2224 : vector<16xi32>
    %bitcast3A_2226 = vector.bitcast %and3A_2225 : vector<16xi32> to vector<16xf32>
    %slice3A_2227 = vector.extract_strided_slice %bitcast3A_1595 {offsets = [9], sizes = [1], strides = [1]} : vector<16xf32> to vector<1xf32>
    %squeeze3A_2228 = vector.extract %slice3A_2227[0] : f32 from vector<1xf32>
    %mul3A_2229 = vector.broadcast %squeeze3A_2228 : f32 to vector<16xf32>
    %mul3A_2230 = arith.mulf %bitcast3A_2226, %mul3A_2229 : vector<16xf32>
    %add3A_2231 = arith.addf %add3A_2208, %mul3A_2230 : vector<16xf32>
    %broadcast_in_dim3A_2232 = arith.constant 26 : i32
    %broadcast_in_dim3A_2233 = vector.broadcast %broadcast_in_dim3A_2232 : i32 to vector<16xi32>
    %gather3A_2234 = tpu.vector_load_idx %arg11[%iota3A, %broadcast_in_dim3A_2233] : memref<16x64xf32, #tpu.memory_space<vmem>>[vector<16xi32>, vector<16xi32>], vector<16xf32>,
    %bitcast3A_2235 = vector.bitcast %gather3A_2234 : vector<16xf32> to vector<16xi32>
    %add3A_2236 = arith.constant 32767 : i32
    %add3A_2237 = vector.broadcast %add3A_2236 : i32 to vector<16xi32>
    %add3A_2238 = arith.addi %bitcast3A_2235, %add3A_2237 : vector<16xi32>
    %shift_right_logical3A_2239 = arith.constant 16 : i32
    %shift_right_logical3A_2240 = vector.broadcast %shift_right_logical3A_2239 : i32 to vector<16xi32>
    %shift_right_logical3A_2241 = arith.shrui %bitcast3A_2235, %shift_right_logical3A_2240 : vector<16xi32>
    %and3A_2242 = arith.constant 1 : i32
    %and3A_2243 = vector.broadcast %and3A_2242 : i32 to vector<16xi32>
    %and3A_2244 = arith.andi %shift_right_logical3A_2241, %and3A_2243 : vector<16xi32>
    %add3A_2245 = arith.addi %add3A_2238, %and3A_2244 : vector<16xi32>
    %and3A_2246 = arith.constant -65536 : i32
    %and3A_2247 = vector.broadcast %and3A_2246 : i32 to vector<16xi32>
    %and3A_2248 = arith.andi %add3A_2245, %and3A_2247 : vector<16xi32>
    %bitcast3A_2249 = vector.bitcast %and3A_2248 : vector<16xi32> to vector<16xf32>
    %slice3A_2250 = vector.extract_strided_slice %bitcast3A_1595 {offsets = [10], sizes = [1], strides = [1]} : vector<16xf32> to vector<1xf32>
    %squeeze3A_2251 = vector.extract %slice3A_2250[0] : f32 from vector<1xf32>
    %mul3A_2252 = vector.broadcast %squeeze3A_2251 : f32 to vector<16xf32>
    %mul3A_2253 = arith.mulf %bitcast3A_2249, %mul3A_2252 : vector<16xf32>
    %add3A_2254 = arith.addf %add3A_2231, %mul3A_2253 : vector<16xf32>
    %broadcast_in_dim3A_2255 = arith.constant 27 : i32
    %broadcast_in_dim3A_2256 = vector.broadcast %broadcast_in_dim3A_2255 : i32 to vector<16xi32>
    %gather3A_2257 = tpu.vector_load_idx %arg11[%iota3A, %broadcast_in_dim3A_2256] : memref<16x64xf32, #tpu.memory_space<vmem>>[vector<16xi32>, vector<16xi32>], vector<16xf32>,
    %bitcast3A_2258 = vector.bitcast %gather3A_2257 : vector<16xf32> to vector<16xi32>
    %add3A_2259 = arith.constant 32767 : i32
    %add3A_2260 = vector.broadcast %add3A_2259 : i32 to vector<16xi32>
    %add3A_2261 = arith.addi %bitcast3A_2258, %add3A_2260 : vector<16xi32>
    %shift_right_logical3A_2262 = arith.constant 16 : i32
    %shift_right_logical3A_2263 = vector.broadcast %shift_right_logical3A_2262 : i32 to vector<16xi32>
    %shift_right_logical3A_2264 = arith.shrui %bitcast3A_2258, %shift_right_logical3A_2263 : vector<16xi32>
    %and3A_2265 = arith.constant 1 : i32
    %and3A_2266 = vector.broadcast %and3A_2265 : i32 to vector<16xi32>
    %and3A_2267 = arith.andi %shift_right_logical3A_2264, %and3A_2266 : vector<16xi32>
    %add3A_2268 = arith.addi %add3A_2261, %and3A_2267 : vector<16xi32>
    %and3A_2269 = arith.constant -65536 : i32
    %and3A_2270 = vector.broadcast %and3A_2269 : i32 to vector<16xi32>
    %and3A_2271 = arith.andi %add3A_2268, %and3A_2270 : vector<16xi32>
    %bitcast3A_2272 = vector.bitcast %and3A_2271 : vector<16xi32> to vector<16xf32>
    %slice3A_2273 = vector.extract_strided_slice %bitcast3A_1595 {offsets = [11], sizes = [1], strides = [1]} : vector<16xf32> to vector<1xf32>
    %squeeze3A_2274 = vector.extract %slice3A_2273[0] : f32 from vector<1xf32>
    %mul3A_2275 = vector.broadcast %squeeze3A_2274 : f32 to vector<16xf32>
    %mul3A_2276 = arith.mulf %bitcast3A_2272, %mul3A_2275 : vector<16xf32>
    %add3A_2277 = arith.addf %add3A_2254, %mul3A_2276 : vector<16xf32>
    %broadcast_in_dim3A_2278 = arith.constant 28 : i32
    %broadcast_in_dim3A_2279 = vector.broadcast %broadcast_in_dim3A_2278 : i32 to vector<16xi32>
    %gather3A_2280 = tpu.vector_load_idx %arg11[%iota3A, %broadcast_in_dim3A_2279] : memref<16x64xf32, #tpu.memory_space<vmem>>[vector<16xi32>, vector<16xi32>], vector<16xf32>,
    %bitcast3A_2281 = vector.bitcast %gather3A_2280 : vector<16xf32> to vector<16xi32>
    %add3A_2282 = arith.constant 32767 : i32
    %add3A_2283 = vector.broadcast %add3A_2282 : i32 to vector<16xi32>
    %add3A_2284 = arith.addi %bitcast3A_2281, %add3A_2283 : vector<16xi32>
    %shift_right_logical3A_2285 = arith.constant 16 : i32
    %shift_right_logical3A_2286 = vector.broadcast %shift_right_logical3A_2285 : i32 to vector<16xi32>
    %shift_right_logical3A_2287 = arith.shrui %bitcast3A_2281, %shift_right_logical3A_2286 : vector<16xi32>
    %and3A_2288 = arith.constant 1 : i32
    %and3A_2289 = vector.broadcast %and3A_2288 : i32 to vector<16xi32>
    %and3A_2290 = arith.andi %shift_right_logical3A_2287, %and3A_2289 : vector<16xi32>
    %add3A_2291 = arith.addi %add3A_2284, %and3A_2290 : vector<16xi32>
    %and3A_2292 = arith.constant -65536 : i32
    %and3A_2293 = vector.broadcast %and3A_2292 : i32 to vector<16xi32>
    %and3A_2294 = arith.andi %add3A_2291, %and3A_2293 : vector<16xi32>
    %bitcast3A_2295 = vector.bitcast %and3A_2294 : vector<16xi32> to vector<16xf32>
    %slice3A_2296 = vector.extract_strided_slice %bitcast3A_1595 {offsets = [12], sizes = [1], strides = [1]} : vector<16xf32> to vector<1xf32>
    %squeeze3A_2297 = vector.extract %slice3A_2296[0] : f32 from vector<1xf32>
    %mul3A_2298 = vector.broadcast %squeeze3A_2297 : f32 to vector<16xf32>
    %mul3A_2299 = arith.mulf %bitcast3A_2295, %mul3A_2298 : vector<16xf32>
    %add3A_2300 = arith.addf %add3A_2277, %mul3A_2299 : vector<16xf32>
    %broadcast_in_dim3A_2301 = arith.constant 29 : i32
    %broadcast_in_dim3A_2302 = vector.broadcast %broadcast_in_dim3A_2301 : i32 to vector<16xi32>
    %gather3A_2303 = tpu.vector_load_idx %arg11[%iota3A, %broadcast_in_dim3A_2302] : memref<16x64xf32, #tpu.memory_space<vmem>>[vector<16xi32>, vector<16xi32>], vector<16xf32>,
    %bitcast3A_2304 = vector.bitcast %gather3A_2303 : vector<16xf32> to vector<16xi32>
    %add3A_2305 = arith.constant 32767 : i32
    %add3A_2306 = vector.broadcast %add3A_2305 : i32 to vector<16xi32>
    %add3A_2307 = arith.addi %bitcast3A_2304, %add3A_2306 : vector<16xi32>
    %shift_right_logical3A_2308 = arith.constant 16 : i32
    %shift_right_logical3A_2309 = vector.broadcast %shift_right_logical3A_2308 : i32 to vector<16xi32>
    %shift_right_logical3A_2310 = arith.shrui %bitcast3A_2304, %shift_right_logical3A_2309 : vector<16xi32>
    %and3A_2311 = arith.constant 1 : i32
    %and3A_2312 = vector.broadcast %and3A_2311 : i32 to vector<16xi32>
    %and3A_2313 = arith.andi %shift_right_logical3A_2310, %and3A_2312 : vector<16xi32>
    %add3A_2314 = arith.addi %add3A_2307, %and3A_2313 : vector<16xi32>
    %and3A_2315 = arith.constant -65536 : i32
    %and3A_2316 = vector.broadcast %and3A_2315 : i32 to vector<16xi32>
    %and3A_2317 = arith.andi %add3A_2314, %and3A_2316 : vector<16xi32>
    %bitcast3A_2318 = vector.bitcast %and3A_2317 : vector<16xi32> to vector<16xf32>
    %slice3A_2319 = vector.extract_strided_slice %bitcast3A_1595 {offsets = [13], sizes = [1], strides = [1]} : vector<16xf32> to vector<1xf32>
    %squeeze3A_2320 = vector.extract %slice3A_2319[0] : f32 from vector<1xf32>
    %mul3A_2321 = vector.broadcast %squeeze3A_2320 : f32 to vector<16xf32>
    %mul3A_2322 = arith.mulf %bitcast3A_2318, %mul3A_2321 : vector<16xf32>
    %add3A_2323 = arith.addf %add3A_2300, %mul3A_2322 : vector<16xf32>
    %broadcast_in_dim3A_2324 = arith.constant 30 : i32
    %broadcast_in_dim3A_2325 = vector.broadcast %broadcast_in_dim3A_2324 : i32 to vector<16xi32>
    %gather3A_2326 = tpu.vector_load_idx %arg11[%iota3A, %broadcast_in_dim3A_2325] : memref<16x64xf32, #tpu.memory_space<vmem>>[vector<16xi32>, vector<16xi32>], vector<16xf32>,
    %bitcast3A_2327 = vector.bitcast %gather3A_2326 : vector<16xf32> to vector<16xi32>
    %add3A_2328 = arith.constant 32767 : i32
    %add3A_2329 = vector.broadcast %add3A_2328 : i32 to vector<16xi32>
    %add3A_2330 = arith.addi %bitcast3A_2327, %add3A_2329 : vector<16xi32>
    %shift_right_logical3A_2331 = arith.constant 16 : i32
    %shift_right_logical3A_2332 = vector.broadcast %shift_right_logical3A_2331 : i32 to vector<16xi32>
    %shift_right_logical3A_2333 = arith.shrui %bitcast3A_2327, %shift_right_logical3A_2332 : vector<16xi32>
    %and3A_2334 = arith.constant 1 : i32
    %and3A_2335 = vector.broadcast %and3A_2334 : i32 to vector<16xi32>
    %and3A_2336 = arith.andi %shift_right_logical3A_2333, %and3A_2335 : vector<16xi32>
    %add3A_2337 = arith.addi %add3A_2330, %and3A_2336 : vector<16xi32>
    %and3A_2338 = arith.constant -65536 : i32
    %and3A_2339 = vector.broadcast %and3A_2338 : i32 to vector<16xi32>
    %and3A_2340 = arith.andi %add3A_2337, %and3A_2339 : vector<16xi32>
    %bitcast3A_2341 = vector.bitcast %and3A_2340 : vector<16xi32> to vector<16xf32>
    %slice3A_2342 = vector.extract_strided_slice %bitcast3A_1595 {offsets = [14], sizes = [1], strides = [1]} : vector<16xf32> to vector<1xf32>
    %squeeze3A_2343 = vector.extract %slice3A_2342[0] : f32 from vector<1xf32>
    %mul3A_2344 = vector.broadcast %squeeze3A_2343 : f32 to vector<16xf32>
    %mul3A_2345 = arith.mulf %bitcast3A_2341, %mul3A_2344 : vector<16xf32>
    %add3A_2346 = arith.addf %add3A_2323, %mul3A_2345 : vector<16xf32>
    %broadcast_in_dim3A_2347 = arith.constant 31 : i32
    %broadcast_in_dim3A_2348 = vector.broadcast %broadcast_in_dim3A_2347 : i32 to vector<16xi32>
    %gather3A_2349 = tpu.vector_load_idx %arg11[%iota3A, %broadcast_in_dim3A_2348] : memref<16x64xf32, #tpu.memory_space<vmem>>[vector<16xi32>, vector<16xi32>], vector<16xf32>,
    %bitcast3A_2350 = vector.bitcast %gather3A_2349 : vector<16xf32> to vector<16xi32>
    %add3A_2351 = arith.constant 32767 : i32
    %add3A_2352 = vector.broadcast %add3A_2351 : i32 to vector<16xi32>
    %add3A_2353 = arith.addi %bitcast3A_2350, %add3A_2352 : vector<16xi32>
    %shift_right_logical3A_2354 = arith.constant 16 : i32
    %shift_right_logical3A_2355 = vector.broadcast %shift_right_logical3A_2354 : i32 to vector<16xi32>
    %shift_right_logical3A_2356 = arith.shrui %bitcast3A_2350, %shift_right_logical3A_2355 : vector<16xi32>
    %and3A_2357 = arith.constant 1 : i32
    %and3A_2358 = vector.broadcast %and3A_2357 : i32 to vector<16xi32>
    %and3A_2359 = arith.andi %shift_right_logical3A_2356, %and3A_2358 : vector<16xi32>
    %add3A_2360 = arith.addi %add3A_2353, %and3A_2359 : vector<16xi32>
    %and3A_2361 = arith.constant -65536 : i32
    %and3A_2362 = vector.broadcast %and3A_2361 : i32 to vector<16xi32>
    %and3A_2363 = arith.andi %add3A_2360, %and3A_2362 : vector<16xi32>
    %bitcast3A_2364 = vector.bitcast %and3A_2363 : vector<16xi32> to vector<16xf32>
    %slice3A_2365 = vector.extract_strided_slice %bitcast3A_1595 {offsets = [15], sizes = [1], strides = [1]} : vector<16xf32> to vector<1xf32>
    %squeeze3A_2366 = vector.extract %slice3A_2365[0] : f32 from vector<1xf32>
    %mul3A_2367 = vector.broadcast %squeeze3A_2366 : f32 to vector<16xf32>
    %mul3A_2368 = arith.mulf %bitcast3A_2364, %mul3A_2367 : vector<16xf32>
    %add3A_2369 = arith.addf %add3A_2346, %mul3A_2368 : vector<16xf32>
    %broadcast_in_dim3A_2370 = arith.constant 32 : i32
    %broadcast_in_dim3A_2371 = vector.broadcast %broadcast_in_dim3A_2370 : i32 to vector<16xi32>
    %gather3A_2372 = tpu.vector_load_idx %arg11[%iota3A, %broadcast_in_dim3A_2371] : memref<16x64xf32, #tpu.memory_space<vmem>>[vector<16xi32>, vector<16xi32>], vector<16xf32>,
    %bitcast3A_2373 = vector.bitcast %gather3A_2372 : vector<16xf32> to vector<16xi32>
    %add3A_2374 = arith.constant 32767 : i32
    %add3A_2375 = vector.broadcast %add3A_2374 : i32 to vector<16xi32>
    %add3A_2376 = arith.addi %bitcast3A_2373, %add3A_2375 : vector<16xi32>
    %shift_right_logical3A_2377 = arith.constant 16 : i32
    %shift_right_logical3A_2378 = vector.broadcast %shift_right_logical3A_2377 : i32 to vector<16xi32>
    %shift_right_logical3A_2379 = arith.shrui %bitcast3A_2373, %shift_right_logical3A_2378 : vector<16xi32>
    %and3A_2380 = arith.constant 1 : i32
    %and3A_2381 = vector.broadcast %and3A_2380 : i32 to vector<16xi32>
    %and3A_2382 = arith.andi %shift_right_logical3A_2379, %and3A_2381 : vector<16xi32>
    %add3A_2383 = arith.addi %add3A_2376, %and3A_2382 : vector<16xi32>
    %and3A_2384 = arith.constant -65536 : i32
    %and3A_2385 = vector.broadcast %and3A_2384 : i32 to vector<16xi32>
    %and3A_2386 = arith.andi %add3A_2383, %and3A_2385 : vector<16xi32>
    %bitcast3A_2387 = vector.bitcast %and3A_2386 : vector<16xi32> to vector<16xf32>
    %slice3A_2388 = vector.extract_strided_slice %bitcast3A_1614 {offsets = [0], sizes = [1], strides = [1]} : vector<16xf32> to vector<1xf32>
    %squeeze3A_2389 = vector.extract %slice3A_2388[0] : f32 from vector<1xf32>
    %mul3A_2390 = vector.broadcast %squeeze3A_2389 : f32 to vector<16xf32>
    %mul3A_2391 = arith.mulf %bitcast3A_2387, %mul3A_2390 : vector<16xf32>
    %add3A_2392 = arith.addf %add3A_2369, %mul3A_2391 : vector<16xf32>
    %broadcast_in_dim3A_2393 = arith.constant 33 : i32
    %broadcast_in_dim3A_2394 = vector.broadcast %broadcast_in_dim3A_2393 : i32 to vector<16xi32>
    %gather3A_2395 = tpu.vector_load_idx %arg11[%iota3A, %broadcast_in_dim3A_2394] : memref<16x64xf32, #tpu.memory_space<vmem>>[vector<16xi32>, vector<16xi32>], vector<16xf32>,
    %bitcast3A_2396 = vector.bitcast %gather3A_2395 : vector<16xf32> to vector<16xi32>
    %add3A_2397 = arith.constant 32767 : i32
    %add3A_2398 = vector.broadcast %add3A_2397 : i32 to vector<16xi32>
    %add3A_2399 = arith.addi %bitcast3A_2396, %add3A_2398 : vector<16xi32>
    %shift_right_logical3A_2400 = arith.constant 16 : i32
    %shift_right_logical3A_2401 = vector.broadcast %shift_right_logical3A_2400 : i32 to vector<16xi32>
    %shift_right_logical3A_2402 = arith.shrui %bitcast3A_2396, %shift_right_logical3A_2401 : vector<16xi32>
    %and3A_2403 = arith.constant 1 : i32
    %and3A_2404 = vector.broadcast %and3A_2403 : i32 to vector<16xi32>
    %and3A_2405 = arith.andi %shift_right_logical3A_2402, %and3A_2404 : vector<16xi32>
    %add3A_2406 = arith.addi %add3A_2399, %and3A_2405 : vector<16xi32>
    %and3A_2407 = arith.constant -65536 : i32
    %and3A_2408 = vector.broadcast %and3A_2407 : i32 to vector<16xi32>
    %and3A_2409 = arith.andi %add3A_2406, %and3A_2408 : vector<16xi32>
    %bitcast3A_2410 = vector.bitcast %and3A_2409 : vector<16xi32> to vector<16xf32>
    %slice3A_2411 = vector.extract_strided_slice %bitcast3A_1614 {offsets = [1], sizes = [1], strides = [1]} : vector<16xf32> to vector<1xf32>
    %squeeze3A_2412 = vector.extract %slice3A_2411[0] : f32 from vector<1xf32>
    %mul3A_2413 = vector.broadcast %squeeze3A_2412 : f32 to vector<16xf32>
    %mul3A_2414 = arith.mulf %bitcast3A_2410, %mul3A_2413 : vector<16xf32>
    %add3A_2415 = arith.addf %add3A_2392, %mul3A_2414 : vector<16xf32>
    %broadcast_in_dim3A_2416 = arith.constant 34 : i32
    %broadcast_in_dim3A_2417 = vector.broadcast %broadcast_in_dim3A_2416 : i32 to vector<16xi32>
    %gather3A_2418 = tpu.vector_load_idx %arg11[%iota3A, %broadcast_in_dim3A_2417] : memref<16x64xf32, #tpu.memory_space<vmem>>[vector<16xi32>, vector<16xi32>], vector<16xf32>,
    %bitcast3A_2419 = vector.bitcast %gather3A_2418 : vector<16xf32> to vector<16xi32>
    %add3A_2420 = arith.constant 32767 : i32
    %add3A_2421 = vector.broadcast %add3A_2420 : i32 to vector<16xi32>
    %add3A_2422 = arith.addi %bitcast3A_2419, %add3A_2421 : vector<16xi32>
    %shift_right_logical3A_2423 = arith.constant 16 : i32
    %shift_right_logical3A_2424 = vector.broadcast %shift_right_logical3A_2423 : i32 to vector<16xi32>
    %shift_right_logical3A_2425 = arith.shrui %bitcast3A_2419, %shift_right_logical3A_2424 : vector<16xi32>
    %and3A_2426 = arith.constant 1 : i32
    %and3A_2427 = vector.broadcast %and3A_2426 : i32 to vector<16xi32>
    %and3A_2428 = arith.andi %shift_right_logical3A_2425, %and3A_2427 : vector<16xi32>
    %add3A_2429 = arith.addi %add3A_2422, %and3A_2428 : vector<16xi32>
    %and3A_2430 = arith.constant -65536 : i32
    %and3A_2431 = vector.broadcast %and3A_2430 : i32 to vector<16xi32>
    %and3A_2432 = arith.andi %add3A_2429, %and3A_2431 : vector<16xi32>
    %bitcast3A_2433 = vector.bitcast %and3A_2432 : vector<16xi32> to vector<16xf32>
    %slice3A_2434 = vector.extract_strided_slice %bitcast3A_1614 {offsets = [2], sizes = [1], strides = [1]} : vector<16xf32> to vector<1xf32>
    %squeeze3A_2435 = vector.extract %slice3A_2434[0] : f32 from vector<1xf32>
    %mul3A_2436 = vector.broadcast %squeeze3A_2435 : f32 to vector<16xf32>
    %mul3A_2437 = arith.mulf %bitcast3A_2433, %mul3A_2436 : vector<16xf32>
    %add3A_2438 = arith.addf %add3A_2415, %mul3A_2437 : vector<16xf32>
    %broadcast_in_dim3A_2439 = arith.constant 35 : i32
    %broadcast_in_dim3A_2440 = vector.broadcast %broadcast_in_dim3A_2439 : i32 to vector<16xi32>
    %gather3A_2441 = tpu.vector_load_idx %arg11[%iota3A, %broadcast_in_dim3A_2440] : memref<16x64xf32, #tpu.memory_space<vmem>>[vector<16xi32>, vector<16xi32>], vector<16xf32>,
    %bitcast3A_2442 = vector.bitcast %gather3A_2441 : vector<16xf32> to vector<16xi32>
    %add3A_2443 = arith.constant 32767 : i32
    %add3A_2444 = vector.broadcast %add3A_2443 : i32 to vector<16xi32>
    %add3A_2445 = arith.addi %bitcast3A_2442, %add3A_2444 : vector<16xi32>
    %shift_right_logical3A_2446 = arith.constant 16 : i32
    %shift_right_logical3A_2447 = vector.broadcast %shift_right_logical3A_2446 : i32 to vector<16xi32>
    %shift_right_logical3A_2448 = arith.shrui %bitcast3A_2442, %shift_right_logical3A_2447 : vector<16xi32>
    %and3A_2449 = arith.constant 1 : i32
    %and3A_2450 = vector.broadcast %and3A_2449 : i32 to vector<16xi32>
    %and3A_2451 = arith.andi %shift_right_logical3A_2448, %and3A_2450 : vector<16xi32>
    %add3A_2452 = arith.addi %add3A_2445, %and3A_2451 : vector<16xi32>
    %and3A_2453 = arith.constant -65536 : i32
    %and3A_2454 = vector.broadcast %and3A_2453 : i32 to vector<16xi32>
    %and3A_2455 = arith.andi %add3A_2452, %and3A_2454 : vector<16xi32>
    %bitcast3A_2456 = vector.bitcast %and3A_2455 : vector<16xi32> to vector<16xf32>
    %slice3A_2457 = vector.extract_strided_slice %bitcast3A_1614 {offsets = [3], sizes = [1], strides = [1]} : vector<16xf32> to vector<1xf32>
    %squeeze3A_2458 = vector.extract %slice3A_2457[0] : f32 from vector<1xf32>
    %mul3A_2459 = vector.broadcast %squeeze3A_2458 : f32 to vector<16xf32>
    %mul3A_2460 = arith.mulf %bitcast3A_2456, %mul3A_2459 : vector<16xf32>
    %add3A_2461 = arith.addf %add3A_2438, %mul3A_2460 : vector<16xf32>
    %broadcast_in_dim3A_2462 = arith.constant 36 : i32
    %broadcast_in_dim3A_2463 = vector.broadcast %broadcast_in_dim3A_2462 : i32 to vector<16xi32>
    %gather3A_2464 = tpu.vector_load_idx %arg11[%iota3A, %broadcast_in_dim3A_2463] : memref<16x64xf32, #tpu.memory_space<vmem>>[vector<16xi32>, vector<16xi32>], vector<16xf32>,
    %bitcast3A_2465 = vector.bitcast %gather3A_2464 : vector<16xf32> to vector<16xi32>
    %add3A_2466 = arith.constant 32767 : i32
    %add3A_2467 = vector.broadcast %add3A_2466 : i32 to vector<16xi32>
    %add3A_2468 = arith.addi %bitcast3A_2465, %add3A_2467 : vector<16xi32>
    %shift_right_logical3A_2469 = arith.constant 16 : i32
    %shift_right_logical3A_2470 = vector.broadcast %shift_right_logical3A_2469 : i32 to vector<16xi32>
    %shift_right_logical3A_2471 = arith.shrui %bitcast3A_2465, %shift_right_logical3A_2470 : vector<16xi32>
    %and3A_2472 = arith.constant 1 : i32
    %and3A_2473 = vector.broadcast %and3A_2472 : i32 to vector<16xi32>
    %and3A_2474 = arith.andi %shift_right_logical3A_2471, %and3A_2473 : vector<16xi32>
    %add3A_2475 = arith.addi %add3A_2468, %and3A_2474 : vector<16xi32>
    %and3A_2476 = arith.constant -65536 : i32
    %and3A_2477 = vector.broadcast %and3A_2476 : i32 to vector<16xi32>
    %and3A_2478 = arith.andi %add3A_2475, %and3A_2477 : vector<16xi32>
    %bitcast3A_2479 = vector.bitcast %and3A_2478 : vector<16xi32> to vector<16xf32>
    %slice3A_2480 = vector.extract_strided_slice %bitcast3A_1614 {offsets = [4], sizes = [1], strides = [1]} : vector<16xf32> to vector<1xf32>
    %squeeze3A_2481 = vector.extract %slice3A_2480[0] : f32 from vector<1xf32>
    %mul3A_2482 = vector.broadcast %squeeze3A_2481 : f32 to vector<16xf32>
    %mul3A_2483 = arith.mulf %bitcast3A_2479, %mul3A_2482 : vector<16xf32>
    %add3A_2484 = arith.addf %add3A_2461, %mul3A_2483 : vector<16xf32>
    %broadcast_in_dim3A_2485 = arith.constant 37 : i32
    %broadcast_in_dim3A_2486 = vector.broadcast %broadcast_in_dim3A_2485 : i32 to vector<16xi32>
    %gather3A_2487 = tpu.vector_load_idx %arg11[%iota3A, %broadcast_in_dim3A_2486] : memref<16x64xf32, #tpu.memory_space<vmem>>[vector<16xi32>, vector<16xi32>], vector<16xf32>,
    %bitcast3A_2488 = vector.bitcast %gather3A_2487 : vector<16xf32> to vector<16xi32>
    %add3A_2489 = arith.constant 32767 : i32
    %add3A_2490 = vector.broadcast %add3A_2489 : i32 to vector<16xi32>
    %add3A_2491 = arith.addi %bitcast3A_2488, %add3A_2490 : vector<16xi32>
    %shift_right_logical3A_2492 = arith.constant 16 : i32
    %shift_right_logical3A_2493 = vector.broadcast %shift_right_logical3A_2492 : i32 to vector<16xi32>
    %shift_right_logical3A_2494 = arith.shrui %bitcast3A_2488, %shift_right_logical3A_2493 : vector<16xi32>
    %and3A_2495 = arith.constant 1 : i32
    %and3A_2496 = vector.broadcast %and3A_2495 : i32 to vector<16xi32>
    %and3A_2497 = arith.andi %shift_right_logical3A_2494, %and3A_2496 : vector<16xi32>
    %add3A_2498 = arith.addi %add3A_2491, %and3A_2497 : vector<16xi32>
    %and3A_2499 = arith.constant -65536 : i32
    %and3A_2500 = vector.broadcast %and3A_2499 : i32 to vector<16xi32>
    %and3A_2501 = arith.andi %add3A_2498, %and3A_2500 : vector<16xi32>
    %bitcast3A_2502 = vector.bitcast %and3A_2501 : vector<16xi32> to vector<16xf32>
    %slice3A_2503 = vector.extract_strided_slice %bitcast3A_1614 {offsets = [5], sizes = [1], strides = [1]} : vector<16xf32> to vector<1xf32>
    %squeeze3A_2504 = vector.extract %slice3A_2503[0] : f32 from vector<1xf32>
    %mul3A_2505 = vector.broadcast %squeeze3A_2504 : f32 to vector<16xf32>
    %mul3A_2506 = arith.mulf %bitcast3A_2502, %mul3A_2505 : vector<16xf32>
    %add3A_2507 = arith.addf %add3A_2484, %mul3A_2506 : vector<16xf32>
    %broadcast_in_dim3A_2508 = arith.constant 38 : i32
    %broadcast_in_dim3A_2509 = vector.broadcast %broadcast_in_dim3A_2508 : i32 to vector<16xi32>
    %gather3A_2510 = tpu.vector_load_idx %arg11[%iota3A, %broadcast_in_dim3A_2509] : memref<16x64xf32, #tpu.memory_space<vmem>>[vector<16xi32>, vector<16xi32>], vector<16xf32>,
    %bitcast3A_2511 = vector.bitcast %gather3A_2510 : vector<16xf32> to vector<16xi32>
    %add3A_2512 = arith.constant 32767 : i32
    %add3A_2513 = vector.broadcast %add3A_2512 : i32 to vector<16xi32>
    %add3A_2514 = arith.addi %bitcast3A_2511, %add3A_2513 : vector<16xi32>
    %shift_right_logical3A_2515 = arith.constant 16 : i32
    %shift_right_logical3A_2516 = vector.broadcast %shift_right_logical3A_2515 : i32 to vector<16xi32>
    %shift_right_logical3A_2517 = arith.shrui %bitcast3A_2511, %shift_right_logical3A_2516 : vector<16xi32>
    %and3A_2518 = arith.constant 1 : i32
    %and3A_2519 = vector.broadcast %and3A_2518 : i32 to vector<16xi32>
    %and3A_2520 = arith.andi %shift_right_logical3A_2517, %and3A_2519 : vector<16xi32>
    %add3A_2521 = arith.addi %add3A_2514, %and3A_2520 : vector<16xi32>
    %and3A_2522 = arith.constant -65536 : i32
    %and3A_2523 = vector.broadcast %and3A_2522 : i32 to vector<16xi32>
    %and3A_2524 = arith.andi %add3A_2521, %and3A_2523 : vector<16xi32>
    %bitcast3A_2525 = vector.bitcast %and3A_2524 : vector<16xi32> to vector<16xf32>
    %slice3A_2526 = vector.extract_strided_slice %bitcast3A_1614 {offsets = [6], sizes = [1], strides = [1]} : vector<16xf32> to vector<1xf32>
    %squeeze3A_2527 = vector.extract %slice3A_2526[0] : f32 from vector<1xf32>
    %mul3A_2528 = vector.broadcast %squeeze3A_2527 : f32 to vector<16xf32>
    %mul3A_2529 = arith.mulf %bitcast3A_2525, %mul3A_2528 : vector<16xf32>
    %add3A_2530 = arith.addf %add3A_2507, %mul3A_2529 : vector<16xf32>
    %broadcast_in_dim3A_2531 = arith.constant 39 : i32
    %broadcast_in_dim3A_2532 = vector.broadcast %broadcast_in_dim3A_2531 : i32 to vector<16xi32>
    %gather3A_2533 = tpu.vector_load_idx %arg11[%iota3A, %broadcast_in_dim3A_2532] : memref<16x64xf32, #tpu.memory_space<vmem>>[vector<16xi32>, vector<16xi32>], vector<16xf32>,
    %bitcast3A_2534 = vector.bitcast %gather3A_2533 : vector<16xf32> to vector<16xi32>
    %add3A_2535 = arith.constant 32767 : i32
    %add3A_2536 = vector.broadcast %add3A_2535 : i32 to vector<16xi32>
    %add3A_2537 = arith.addi %bitcast3A_2534, %add3A_2536 : vector<16xi32>
    %shift_right_logical3A_2538 = arith.constant 16 : i32
    %shift_right_logical3A_2539 = vector.broadcast %shift_right_logical3A_2538 : i32 to vector<16xi32>
    %shift_right_logical3A_2540 = arith.shrui %bitcast3A_2534, %shift_right_logical3A_2539 : vector<16xi32>
    %and3A_2541 = arith.constant 1 : i32
    %and3A_2542 = vector.broadcast %and3A_2541 : i32 to vector<16xi32>
    %and3A_2543 = arith.andi %shift_right_logical3A_2540, %and3A_2542 : vector<16xi32>
    %add3A_2544 = arith.addi %add3A_2537, %and3A_2543 : vector<16xi32>
    %and3A_2545 = arith.constant -65536 : i32
    %and3A_2546 = vector.broadcast %and3A_2545 : i32 to vector<16xi32>
    %and3A_2547 = arith.andi %add3A_2544, %and3A_2546 : vector<16xi32>
    %bitcast3A_2548 = vector.bitcast %and3A_2547 : vector<16xi32> to vector<16xf32>
    %slice3A_2549 = vector.extract_strided_slice %bitcast3A_1614 {offsets = [7], sizes = [1], strides = [1]} : vector<16xf32> to vector<1xf32>
    %squeeze3A_2550 = vector.extract %slice3A_2549[0] : f32 from vector<1xf32>
    %mul3A_2551 = vector.broadcast %squeeze3A_2550 : f32 to vector<16xf32>
    %mul3A_2552 = arith.mulf %bitcast3A_2548, %mul3A_2551 : vector<16xf32>
    %add3A_2553 = arith.addf %add3A_2530, %mul3A_2552 : vector<16xf32>
    %broadcast_in_dim3A_2554 = arith.constant 40 : i32
    %broadcast_in_dim3A_2555 = vector.broadcast %broadcast_in_dim3A_2554 : i32 to vector<16xi32>
    %gather3A_2556 = tpu.vector_load_idx %arg11[%iota3A, %broadcast_in_dim3A_2555] : memref<16x64xf32, #tpu.memory_space<vmem>>[vector<16xi32>, vector<16xi32>], vector<16xf32>,
    %bitcast3A_2557 = vector.bitcast %gather3A_2556 : vector<16xf32> to vector<16xi32>
    %add3A_2558 = arith.constant 32767 : i32
    %add3A_2559 = vector.broadcast %add3A_2558 : i32 to vector<16xi32>
    %add3A_2560 = arith.addi %bitcast3A_2557, %add3A_2559 : vector<16xi32>
    %shift_right_logical3A_2561 = arith.constant 16 : i32
    %shift_right_logical3A_2562 = vector.broadcast %shift_right_logical3A_2561 : i32 to vector<16xi32>
    %shift_right_logical3A_2563 = arith.shrui %bitcast3A_2557, %shift_right_logical3A_2562 : vector<16xi32>
    %and3A_2564 = arith.constant 1 : i32
    %and3A_2565 = vector.broadcast %and3A_2564 : i32 to vector<16xi32>
    %and3A_2566 = arith.andi %shift_right_logical3A_2563, %and3A_2565 : vector<16xi32>
    %add3A_2567 = arith.addi %add3A_2560, %and3A_2566 : vector<16xi32>
    %and3A_2568 = arith.constant -65536 : i32
    %and3A_2569 = vector.broadcast %and3A_2568 : i32 to vector<16xi32>
    %and3A_2570 = arith.andi %add3A_2567, %and3A_2569 : vector<16xi32>
    %bitcast3A_2571 = vector.bitcast %and3A_2570 : vector<16xi32> to vector<16xf32>
    %slice3A_2572 = vector.extract_strided_slice %bitcast3A_1614 {offsets = [8], sizes = [1], strides = [1]} : vector<16xf32> to vector<1xf32>
    %squeeze3A_2573 = vector.extract %slice3A_2572[0] : f32 from vector<1xf32>
    %mul3A_2574 = vector.broadcast %squeeze3A_2573 : f32 to vector<16xf32>
    %mul3A_2575 = arith.mulf %bitcast3A_2571, %mul3A_2574 : vector<16xf32>
    %add3A_2576 = arith.addf %add3A_2553, %mul3A_2575 : vector<16xf32>
    %broadcast_in_dim3A_2577 = arith.constant 41 : i32
    %broadcast_in_dim3A_2578 = vector.broadcast %broadcast_in_dim3A_2577 : i32 to vector<16xi32>
    %gather3A_2579 = tpu.vector_load_idx %arg11[%iota3A, %broadcast_in_dim3A_2578] : memref<16x64xf32, #tpu.memory_space<vmem>>[vector<16xi32>, vector<16xi32>], vector<16xf32>,
    %bitcast3A_2580 = vector.bitcast %gather3A_2579 : vector<16xf32> to vector<16xi32>
    %add3A_2581 = arith.constant 32767 : i32
    %add3A_2582 = vector.broadcast %add3A_2581 : i32 to vector<16xi32>
    %add3A_2583 = arith.addi %bitcast3A_2580, %add3A_2582 : vector<16xi32>
    %shift_right_logical3A_2584 = arith.constant 16 : i32
    %shift_right_logical3A_2585 = vector.broadcast %shift_right_logical3A_2584 : i32 to vector<16xi32>
    %shift_right_logical3A_2586 = arith.shrui %bitcast3A_2580, %shift_right_logical3A_2585 : vector<16xi32>
    %and3A_2587 = arith.constant 1 : i32
    %and3A_2588 = vector.broadcast %and3A_2587 : i32 to vector<16xi32>
    %and3A_2589 = arith.andi %shift_right_logical3A_2586, %and3A_2588 : vector<16xi32>
    %add3A_2590 = arith.addi %add3A_2583, %and3A_2589 : vector<16xi32>
    %and3A_2591 = arith.constant -65536 : i32
    %and3A_2592 = vector.broadcast %and3A_2591 : i32 to vector<16xi32>
    %and3A_2593 = arith.andi %add3A_2590, %and3A_2592 : vector<16xi32>
    %bitcast3A_2594 = vector.bitcast %and3A_2593 : vector<16xi32> to vector<16xf32>
    %slice3A_2595 = vector.extract_strided_slice %bitcast3A_1614 {offsets = [9], sizes = [1], strides = [1]} : vector<16xf32> to vector<1xf32>
    %squeeze3A_2596 = vector.extract %slice3A_2595[0] : f32 from vector<1xf32>
    %mul3A_2597 = vector.broadcast %squeeze3A_2596 : f32 to vector<16xf32>
    %mul3A_2598 = arith.mulf %bitcast3A_2594, %mul3A_2597 : vector<16xf32>
    %add3A_2599 = arith.addf %add3A_2576, %mul3A_2598 : vector<16xf32>
    %broadcast_in_dim3A_2600 = arith.constant 42 : i32
    %broadcast_in_dim3A_2601 = vector.broadcast %broadcast_in_dim3A_2600 : i32 to vector<16xi32>
    %gather3A_2602 = tpu.vector_load_idx %arg11[%iota3A, %broadcast_in_dim3A_2601] : memref<16x64xf32, #tpu.memory_space<vmem>>[vector<16xi32>, vector<16xi32>], vector<16xf32>,
    %bitcast3A_2603 = vector.bitcast %gather3A_2602 : vector<16xf32> to vector<16xi32>
    %add3A_2604 = arith.constant 32767 : i32
    %add3A_2605 = vector.broadcast %add3A_2604 : i32 to vector<16xi32>
    %add3A_2606 = arith.addi %bitcast3A_2603, %add3A_2605 : vector<16xi32>
    %shift_right_logical3A_2607 = arith.constant 16 : i32
    %shift_right_logical3A_2608 = vector.broadcast %shift_right_logical3A_2607 : i32 to vector<16xi32>
    %shift_right_logical3A_2609 = arith.shrui %bitcast3A_2603, %shift_right_logical3A_2608 : vector<16xi32>
    %and3A_2610 = arith.constant 1 : i32
    %and3A_2611 = vector.broadcast %and3A_2610 : i32 to vector<16xi32>
    %and3A_2612 = arith.andi %shift_right_logical3A_2609, %and3A_2611 : vector<16xi32>
    %add3A_2613 = arith.addi %add3A_2606, %and3A_2612 : vector<16xi32>
    %and3A_2614 = arith.constant -65536 : i32
    %and3A_2615 = vector.broadcast %and3A_2614 : i32 to vector<16xi32>
    %and3A_2616 = arith.andi %add3A_2613, %and3A_2615 : vector<16xi32>
    %bitcast3A_2617 = vector.bitcast %and3A_2616 : vector<16xi32> to vector<16xf32>
    %slice3A_2618 = vector.extract_strided_slice %bitcast3A_1614 {offsets = [10], sizes = [1], strides = [1]} : vector<16xf32> to vector<1xf32>
    %squeeze3A_2619 = vector.extract %slice3A_2618[0] : f32 from vector<1xf32>
    %mul3A_2620 = vector.broadcast %squeeze3A_2619 : f32 to vector<16xf32>
    %mul3A_2621 = arith.mulf %bitcast3A_2617, %mul3A_2620 : vector<16xf32>
    %add3A_2622 = arith.addf %add3A_2599, %mul3A_2621 : vector<16xf32>
    %broadcast_in_dim3A_2623 = arith.constant 43 : i32
    %broadcast_in_dim3A_2624 = vector.broadcast %broadcast_in_dim3A_2623 : i32 to vector<16xi32>
    %gather3A_2625 = tpu.vector_load_idx %arg11[%iota3A, %broadcast_in_dim3A_2624] : memref<16x64xf32, #tpu.memory_space<vmem>>[vector<16xi32>, vector<16xi32>], vector<16xf32>,
    %bitcast3A_2626 = vector.bitcast %gather3A_2625 : vector<16xf32> to vector<16xi32>
    %add3A_2627 = arith.constant 32767 : i32
    %add3A_2628 = vector.broadcast %add3A_2627 : i32 to vector<16xi32>
    %add3A_2629 = arith.addi %bitcast3A_2626, %add3A_2628 : vector<16xi32>
    %shift_right_logical3A_2630 = arith.constant 16 : i32
    %shift_right_logical3A_2631 = vector.broadcast %shift_right_logical3A_2630 : i32 to vector<16xi32>
    %shift_right_logical3A_2632 = arith.shrui %bitcast3A_2626, %shift_right_logical3A_2631 : vector<16xi32>
    %and3A_2633 = arith.constant 1 : i32
    %and3A_2634 = vector.broadcast %and3A_2633 : i32 to vector<16xi32>
    %and3A_2635 = arith.andi %shift_right_logical3A_2632, %and3A_2634 : vector<16xi32>
    %add3A_2636 = arith.addi %add3A_2629, %and3A_2635 : vector<16xi32>
    %and3A_2637 = arith.constant -65536 : i32
    %and3A_2638 = vector.broadcast %and3A_2637 : i32 to vector<16xi32>
    %and3A_2639 = arith.andi %add3A_2636, %and3A_2638 : vector<16xi32>
    %bitcast3A_2640 = vector.bitcast %and3A_2639 : vector<16xi32> to vector<16xf32>
    %slice3A_2641 = vector.extract_strided_slice %bitcast3A_1614 {offsets = [11], sizes = [1], strides = [1]} : vector<16xf32> to vector<1xf32>
    %squeeze3A_2642 = vector.extract %slice3A_2641[0] : f32 from vector<1xf32>
    %mul3A_2643 = vector.broadcast %squeeze3A_2642 : f32 to vector<16xf32>
    %mul3A_2644 = arith.mulf %bitcast3A_2640, %mul3A_2643 : vector<16xf32>
    %add3A_2645 = arith.addf %add3A_2622, %mul3A_2644 : vector<16xf32>
    %broadcast_in_dim3A_2646 = arith.constant 44 : i32
    %broadcast_in_dim3A_2647 = vector.broadcast %broadcast_in_dim3A_2646 : i32 to vector<16xi32>
    %gather3A_2648 = tpu.vector_load_idx %arg11[%iota3A, %broadcast_in_dim3A_2647] : memref<16x64xf32, #tpu.memory_space<vmem>>[vector<16xi32>, vector<16xi32>], vector<16xf32>,
    %bitcast3A_2649 = vector.bitcast %gather3A_2648 : vector<16xf32> to vector<16xi32>
    %add3A_2650 = arith.constant 32767 : i32
    %add3A_2651 = vector.broadcast %add3A_2650 : i32 to vector<16xi32>
    %add3A_2652 = arith.addi %bitcast3A_2649, %add3A_2651 : vector<16xi32>
    %shift_right_logical3A_2653 = arith.constant 16 : i32
    %shift_right_logical3A_2654 = vector.broadcast %shift_right_logical3A_2653 : i32 to vector<16xi32>
    %shift_right_logical3A_2655 = arith.shrui %bitcast3A_2649, %shift_right_logical3A_2654 : vector<16xi32>
    %and3A_2656 = arith.constant 1 : i32
    %and3A_2657 = vector.broadcast %and3A_2656 : i32 to vector<16xi32>
    %and3A_2658 = arith.andi %shift_right_logical3A_2655, %and3A_2657 : vector<16xi32>
    %add3A_2659 = arith.addi %add3A_2652, %and3A_2658 : vector<16xi32>
    %and3A_2660 = arith.constant -65536 : i32
    %and3A_2661 = vector.broadcast %and3A_2660 : i32 to vector<16xi32>
    %and3A_2662 = arith.andi %add3A_2659, %and3A_2661 : vector<16xi32>
    %bitcast3A_2663 = vector.bitcast %and3A_2662 : vector<16xi32> to vector<16xf32>
    %slice3A_2664 = vector.extract_strided_slice %bitcast3A_1614 {offsets = [12], sizes = [1], strides = [1]} : vector<16xf32> to vector<1xf32>
    %squeeze3A_2665 = vector.extract %slice3A_2664[0] : f32 from vector<1xf32>
    %mul3A_2666 = vector.broadcast %squeeze3A_2665 : f32 to vector<16xf32>
    %mul3A_2667 = arith.mulf %bitcast3A_2663, %mul3A_2666 : vector<16xf32>
    %add3A_2668 = arith.addf %add3A_2645, %mul3A_2667 : vector<16xf32>
    %broadcast_in_dim3A_2669 = arith.constant 45 : i32
    %broadcast_in_dim3A_2670 = vector.broadcast %broadcast_in_dim3A_2669 : i32 to vector<16xi32>
    %gather3A_2671 = tpu.vector_load_idx %arg11[%iota3A, %broadcast_in_dim3A_2670] : memref<16x64xf32, #tpu.memory_space<vmem>>[vector<16xi32>, vector<16xi32>], vector<16xf32>,
    %bitcast3A_2672 = vector.bitcast %gather3A_2671 : vector<16xf32> to vector<16xi32>
    %add3A_2673 = arith.constant 32767 : i32
    %add3A_2674 = vector.broadcast %add3A_2673 : i32 to vector<16xi32>
    %add3A_2675 = arith.addi %bitcast3A_2672, %add3A_2674 : vector<16xi32>
    %shift_right_logical3A_2676 = arith.constant 16 : i32
    %shift_right_logical3A_2677 = vector.broadcast %shift_right_logical3A_2676 : i32 to vector<16xi32>
    %shift_right_logical3A_2678 = arith.shrui %bitcast3A_2672, %shift_right_logical3A_2677 : vector<16xi32>
    %and3A_2679 = arith.constant 1 : i32
    %and3A_2680 = vector.broadcast %and3A_2679 : i32 to vector<16xi32>
    %and3A_2681 = arith.andi %shift_right_logical3A_2678, %and3A_2680 : vector<16xi32>
    %add3A_2682 = arith.addi %add3A_2675, %and3A_2681 : vector<16xi32>
    %and3A_2683 = arith.constant -65536 : i32
    %and3A_2684 = vector.broadcast %and3A_2683 : i32 to vector<16xi32>
    %and3A_2685 = arith.andi %add3A_2682, %and3A_2684 : vector<16xi32>
    %bitcast3A_2686 = vector.bitcast %and3A_2685 : vector<16xi32> to vector<16xf32>
    %slice3A_2687 = vector.extract_strided_slice %bitcast3A_1614 {offsets = [13], sizes = [1], strides = [1]} : vector<16xf32> to vector<1xf32>
    %squeeze3A_2688 = vector.extract %slice3A_2687[0] : f32 from vector<1xf32>
    %mul3A_2689 = vector.broadcast %squeeze3A_2688 : f32 to vector<16xf32>
    %mul3A_2690 = arith.mulf %bitcast3A_2686, %mul3A_2689 : vector<16xf32>
    %add3A_2691 = arith.addf %add3A_2668, %mul3A_2690 : vector<16xf32>
    %broadcast_in_dim3A_2692 = arith.constant 46 : i32
    %broadcast_in_dim3A_2693 = vector.broadcast %broadcast_in_dim3A_2692 : i32 to vector<16xi32>
    %gather3A_2694 = tpu.vector_load_idx %arg11[%iota3A, %broadcast_in_dim3A_2693] : memref<16x64xf32, #tpu.memory_space<vmem>>[vector<16xi32>, vector<16xi32>], vector<16xf32>,
    %bitcast3A_2695 = vector.bitcast %gather3A_2694 : vector<16xf32> to vector<16xi32>
    %add3A_2696 = arith.constant 32767 : i32
    %add3A_2697 = vector.broadcast %add3A_2696 : i32 to vector<16xi32>
    %add3A_2698 = arith.addi %bitcast3A_2695, %add3A_2697 : vector<16xi32>
    %shift_right_logical3A_2699 = arith.constant 16 : i32
    %shift_right_logical3A_2700 = vector.broadcast %shift_right_logical3A_2699 : i32 to vector<16xi32>
    %shift_right_logical3A_2701 = arith.shrui %bitcast3A_2695, %shift_right_logical3A_2700 : vector<16xi32>
    %and3A_2702 = arith.constant 1 : i32
    %and3A_2703 = vector.broadcast %and3A_2702 : i32 to vector<16xi32>
    %and3A_2704 = arith.andi %shift_right_logical3A_2701, %and3A_2703 : vector<16xi32>
    %add3A_2705 = arith.addi %add3A_2698, %and3A_2704 : vector<16xi32>
    %and3A_2706 = arith.constant -65536 : i32
    %and3A_2707 = vector.broadcast %and3A_2706 : i32 to vector<16xi32>
    %and3A_2708 = arith.andi %add3A_2705, %and3A_2707 : vector<16xi32>
    %bitcast3A_2709 = vector.bitcast %and3A_2708 : vector<16xi32> to vector<16xf32>
    %slice3A_2710 = vector.extract_strided_slice %bitcast3A_1614 {offsets = [14], sizes = [1], strides = [1]} : vector<16xf32> to vector<1xf32>
    %squeeze3A_2711 = vector.extract %slice3A_2710[0] : f32 from vector<1xf32>
    %mul3A_2712 = vector.broadcast %squeeze3A_2711 : f32 to vector<16xf32>
    %mul3A_2713 = arith.mulf %bitcast3A_2709, %mul3A_2712 : vector<16xf32>
    %add3A_2714 = arith.addf %add3A_2691, %mul3A_2713 : vector<16xf32>
    %broadcast_in_dim3A_2715 = arith.constant 47 : i32
    %broadcast_in_dim3A_2716 = vector.broadcast %broadcast_in_dim3A_2715 : i32 to vector<16xi32>
    %gather3A_2717 = tpu.vector_load_idx %arg11[%iota3A, %broadcast_in_dim3A_2716] : memref<16x64xf32, #tpu.memory_space<vmem>>[vector<16xi32>, vector<16xi32>], vector<16xf32>,
    %bitcast3A_2718 = vector.bitcast %gather3A_2717 : vector<16xf32> to vector<16xi32>
    %add3A_2719 = arith.constant 32767 : i32
    %add3A_2720 = vector.broadcast %add3A_2719 : i32 to vector<16xi32>
    %add3A_2721 = arith.addi %bitcast3A_2718, %add3A_2720 : vector<16xi32>
    %shift_right_logical3A_2722 = arith.constant 16 : i32
    %shift_right_logical3A_2723 = vector.broadcast %shift_right_logical3A_2722 : i32 to vector<16xi32>
    %shift_right_logical3A_2724 = arith.shrui %bitcast3A_2718, %shift_right_logical3A_2723 : vector<16xi32>
    %and3A_2725 = arith.constant 1 : i32
    %and3A_2726 = vector.broadcast %and3A_2725 : i32 to vector<16xi32>
    %and3A_2727 = arith.andi %shift_right_logical3A_2724, %and3A_2726 : vector<16xi32>
    %add3A_2728 = arith.addi %add3A_2721, %and3A_2727 : vector<16xi32>
    %and3A_2729 = arith.constant -65536 : i32
    %and3A_2730 = vector.broadcast %and3A_2729 : i32 to vector<16xi32>
    %and3A_2731 = arith.andi %add3A_2728, %and3A_2730 : vector<16xi32>
    %bitcast3A_2732 = vector.bitcast %and3A_2731 : vector<16xi32> to vector<16xf32>
    %slice3A_2733 = vector.extract_strided_slice %bitcast3A_1614 {offsets = [15], sizes = [1], strides = [1]} : vector<16xf32> to vector<1xf32>
    %squeeze3A_2734 = vector.extract %slice3A_2733[0] : f32 from vector<1xf32>
    %mul3A_2735 = vector.broadcast %squeeze3A_2734 : f32 to vector<16xf32>
    %mul3A_2736 = arith.mulf %bitcast3A_2732, %mul3A_2735 : vector<16xf32>
    %add3A_2737 = arith.addf %add3A_2714, %mul3A_2736 : vector<16xf32>
    %broadcast_in_dim3A_2738 = arith.constant 48 : i32
    %broadcast_in_dim3A_2739 = vector.broadcast %broadcast_in_dim3A_2738 : i32 to vector<16xi32>
    %gather3A_2740 = tpu.vector_load_idx %arg11[%iota3A, %broadcast_in_dim3A_2739] : memref<16x64xf32, #tpu.memory_space<vmem>>[vector<16xi32>, vector<16xi32>], vector<16xf32>,
    %bitcast3A_2741 = vector.bitcast %gather3A_2740 : vector<16xf32> to vector<16xi32>
    %add3A_2742 = arith.constant 32767 : i32
    %add3A_2743 = vector.broadcast %add3A_2742 : i32 to vector<16xi32>
    %add3A_2744 = arith.addi %bitcast3A_2741, %add3A_2743 : vector<16xi32>
    %shift_right_logical3A_2745 = arith.constant 16 : i32
    %shift_right_logical3A_2746 = vector.broadcast %shift_right_logical3A_2745 : i32 to vector<16xi32>
    %shift_right_logical3A_2747 = arith.shrui %bitcast3A_2741, %shift_right_logical3A_2746 : vector<16xi32>
    %and3A_2748 = arith.constant 1 : i32
    %and3A_2749 = vector.broadcast %and3A_2748 : i32 to vector<16xi32>
    %and3A_2750 = arith.andi %shift_right_logical3A_2747, %and3A_2749 : vector<16xi32>
    %add3A_2751 = arith.addi %add3A_2744, %and3A_2750 : vector<16xi32>
    %and3A_2752 = arith.constant -65536 : i32
    %and3A_2753 = vector.broadcast %and3A_2752 : i32 to vector<16xi32>
    %and3A_2754 = arith.andi %add3A_2751, %and3A_2753 : vector<16xi32>
    %bitcast3A_2755 = vector.bitcast %and3A_2754 : vector<16xi32> to vector<16xf32>
    %slice3A_2756 = vector.extract_strided_slice %bitcast3A_1633 {offsets = [0], sizes = [1], strides = [1]} : vector<16xf32> to vector<1xf32>
    %squeeze3A_2757 = vector.extract %slice3A_2756[0] : f32 from vector<1xf32>
    %mul3A_2758 = vector.broadcast %squeeze3A_2757 : f32 to vector<16xf32>
    %mul3A_2759 = arith.mulf %bitcast3A_2755, %mul3A_2758 : vector<16xf32>
    %add3A_2760 = arith.addf %add3A_2737, %mul3A_2759 : vector<16xf32>
    %broadcast_in_dim3A_2761 = arith.constant 49 : i32
    %broadcast_in_dim3A_2762 = vector.broadcast %broadcast_in_dim3A_2761 : i32 to vector<16xi32>
    %gather3A_2763 = tpu.vector_load_idx %arg11[%iota3A, %broadcast_in_dim3A_2762] : memref<16x64xf32, #tpu.memory_space<vmem>>[vector<16xi32>, vector<16xi32>], vector<16xf32>,
    %bitcast3A_2764 = vector.bitcast %gather3A_2763 : vector<16xf32> to vector<16xi32>
    %add3A_2765 = arith.constant 32767 : i32
    %add3A_2766 = vector.broadcast %add3A_2765 : i32 to vector<16xi32>
    %add3A_2767 = arith.addi %bitcast3A_2764, %add3A_2766 : vector<16xi32>
    %shift_right_logical3A_2768 = arith.constant 16 : i32
    %shift_right_logical3A_2769 = vector.broadcast %shift_right_logical3A_2768 : i32 to vector<16xi32>
    %shift_right_logical3A_2770 = arith.shrui %bitcast3A_2764, %shift_right_logical3A_2769 : vector<16xi32>
    %and3A_2771 = arith.constant 1 : i32
    %and3A_2772 = vector.broadcast %and3A_2771 : i32 to vector<16xi32>
    %and3A_2773 = arith.andi %shift_right_logical3A_2770, %and3A_2772 : vector<16xi32>
    %add3A_2774 = arith.addi %add3A_2767, %and3A_2773 : vector<16xi32>
    %and3A_2775 = arith.constant -65536 : i32
    %and3A_2776 = vector.broadcast %and3A_2775 : i32 to vector<16xi32>
    %and3A_2777 = arith.andi %add3A_2774, %and3A_2776 : vector<16xi32>
    %bitcast3A_2778 = vector.bitcast %and3A_2777 : vector<16xi32> to vector<16xf32>
    %slice3A_2779 = vector.extract_strided_slice %bitcast3A_1633 {offsets = [1], sizes = [1], strides = [1]} : vector<16xf32> to vector<1xf32>
    %squeeze3A_2780 = vector.extract %slice3A_2779[0] : f32 from vector<1xf32>
    %mul3A_2781 = vector.broadcast %squeeze3A_2780 : f32 to vector<16xf32>
    %mul3A_2782 = arith.mulf %bitcast3A_2778, %mul3A_2781 : vector<16xf32>
    %add3A_2783 = arith.addf %add3A_2760, %mul3A_2782 : vector<16xf32>
    %broadcast_in_dim3A_2784 = arith.constant 50 : i32
    %broadcast_in_dim3A_2785 = vector.broadcast %broadcast_in_dim3A_2784 : i32 to vector<16xi32>
    %gather3A_2786 = tpu.vector_load_idx %arg11[%iota3A, %broadcast_in_dim3A_2785] : memref<16x64xf32, #tpu.memory_space<vmem>>[vector<16xi32>, vector<16xi32>], vector<16xf32>,
    %bitcast3A_2787 = vector.bitcast %gather3A_2786 : vector<16xf32> to vector<16xi32>
    %add3A_2788 = arith.constant 32767 : i32
    %add3A_2789 = vector.broadcast %add3A_2788 : i32 to vector<16xi32>
    %add3A_2790 = arith.addi %bitcast3A_2787, %add3A_2789 : vector<16xi32>
    %shift_right_logical3A_2791 = arith.constant 16 : i32
    %shift_right_logical3A_2792 = vector.broadcast %shift_right_logical3A_2791 : i32 to vector<16xi32>
    %shift_right_logical3A_2793 = arith.shrui %bitcast3A_2787, %shift_right_logical3A_2792 : vector<16xi32>
    %and3A_2794 = arith.constant 1 : i32
    %and3A_2795 = vector.broadcast %and3A_2794 : i32 to vector<16xi32>
    %and3A_2796 = arith.andi %shift_right_logical3A_2793, %and3A_2795 : vector<16xi32>
    %add3A_2797 = arith.addi %add3A_2790, %and3A_2796 : vector<16xi32>
    %and3A_2798 = arith.constant -65536 : i32
    %and3A_2799 = vector.broadcast %and3A_2798 : i32 to vector<16xi32>
    %and3A_2800 = arith.andi %add3A_2797, %and3A_2799 : vector<16xi32>
    %bitcast3A_2801 = vector.bitcast %and3A_2800 : vector<16xi32> to vector<16xf32>
    %slice3A_2802 = vector.extract_strided_slice %bitcast3A_1633 {offsets = [2], sizes = [1], strides = [1]} : vector<16xf32> to vector<1xf32>
    %squeeze3A_2803 = vector.extract %slice3A_2802[0] : f32 from vector<1xf32>
    %mul3A_2804 = vector.broadcast %squeeze3A_2803 : f32 to vector<16xf32>
    %mul3A_2805 = arith.mulf %bitcast3A_2801, %mul3A_2804 : vector<16xf32>
    %add3A_2806 = arith.addf %add3A_2783, %mul3A_2805 : vector<16xf32>
    %broadcast_in_dim3A_2807 = arith.constant 51 : i32
    %broadcast_in_dim3A_2808 = vector.broadcast %broadcast_in_dim3A_2807 : i32 to vector<16xi32>
    %gather3A_2809 = tpu.vector_load_idx %arg11[%iota3A, %broadcast_in_dim3A_2808] : memref<16x64xf32, #tpu.memory_space<vmem>>[vector<16xi32>, vector<16xi32>], vector<16xf32>,
    %bitcast3A_2810 = vector.bitcast %gather3A_2809 : vector<16xf32> to vector<16xi32>
    %add3A_2811 = arith.constant 32767 : i32
    %add3A_2812 = vector.broadcast %add3A_2811 : i32 to vector<16xi32>
    %add3A_2813 = arith.addi %bitcast3A_2810, %add3A_2812 : vector<16xi32>
    %shift_right_logical3A_2814 = arith.constant 16 : i32
    %shift_right_logical3A_2815 = vector.broadcast %shift_right_logical3A_2814 : i32 to vector<16xi32>
    %shift_right_logical3A_2816 = arith.shrui %bitcast3A_2810, %shift_right_logical3A_2815 : vector<16xi32>
    %and3A_2817 = arith.constant 1 : i32
    %and3A_2818 = vector.broadcast %and3A_2817 : i32 to vector<16xi32>
    %and3A_2819 = arith.andi %shift_right_logical3A_2816, %and3A_2818 : vector<16xi32>
    %add3A_2820 = arith.addi %add3A_2813, %and3A_2819 : vector<16xi32>
    %and3A_2821 = arith.constant -65536 : i32
    %and3A_2822 = vector.broadcast %and3A_2821 : i32 to vector<16xi32>
    %and3A_2823 = arith.andi %add3A_2820, %and3A_2822 : vector<16xi32>
    %bitcast3A_2824 = vector.bitcast %and3A_2823 : vector<16xi32> to vector<16xf32>
    %slice3A_2825 = vector.extract_strided_slice %bitcast3A_1633 {offsets = [3], sizes = [1], strides = [1]} : vector<16xf32> to vector<1xf32>
    %squeeze3A_2826 = vector.extract %slice3A_2825[0] : f32 from vector<1xf32>
    %mul3A_2827 = vector.broadcast %squeeze3A_2826 : f32 to vector<16xf32>
    %mul3A_2828 = arith.mulf %bitcast3A_2824, %mul3A_2827 : vector<16xf32>
    %add3A_2829 = arith.addf %add3A_2806, %mul3A_2828 : vector<16xf32>
    %broadcast_in_dim3A_2830 = arith.constant 52 : i32
    %broadcast_in_dim3A_2831 = vector.broadcast %broadcast_in_dim3A_2830 : i32 to vector<16xi32>
    %gather3A_2832 = tpu.vector_load_idx %arg11[%iota3A, %broadcast_in_dim3A_2831] : memref<16x64xf32, #tpu.memory_space<vmem>>[vector<16xi32>, vector<16xi32>], vector<16xf32>,
    %bitcast3A_2833 = vector.bitcast %gather3A_2832 : vector<16xf32> to vector<16xi32>
    %add3A_2834 = arith.constant 32767 : i32
    %add3A_2835 = vector.broadcast %add3A_2834 : i32 to vector<16xi32>
    %add3A_2836 = arith.addi %bitcast3A_2833, %add3A_2835 : vector<16xi32>
    %shift_right_logical3A_2837 = arith.constant 16 : i32
    %shift_right_logical3A_2838 = vector.broadcast %shift_right_logical3A_2837 : i32 to vector<16xi32>
    %shift_right_logical3A_2839 = arith.shrui %bitcast3A_2833, %shift_right_logical3A_2838 : vector<16xi32>
    %and3A_2840 = arith.constant 1 : i32
    %and3A_2841 = vector.broadcast %and3A_2840 : i32 to vector<16xi32>
    %and3A_2842 = arith.andi %shift_right_logical3A_2839, %and3A_2841 : vector<16xi32>
    %add3A_2843 = arith.addi %add3A_2836, %and3A_2842 : vector<16xi32>
    %and3A_2844 = arith.constant -65536 : i32
    %and3A_2845 = vector.broadcast %and3A_2844 : i32 to vector<16xi32>
    %and3A_2846 = arith.andi %add3A_2843, %and3A_2845 : vector<16xi32>
    %bitcast3A_2847 = vector.bitcast %and3A_2846 : vector<16xi32> to vector<16xf32>
    %slice3A_2848 = vector.extract_strided_slice %bitcast3A_1633 {offsets = [4], sizes = [1], strides = [1]} : vector<16xf32> to vector<1xf32>
    %squeeze3A_2849 = vector.extract %slice3A_2848[0] : f32 from vector<1xf32>
    %mul3A_2850 = vector.broadcast %squeeze3A_2849 : f32 to vector<16xf32>
    %mul3A_2851 = arith.mulf %bitcast3A_2847, %mul3A_2850 : vector<16xf32>
    %add3A_2852 = arith.addf %add3A_2829, %mul3A_2851 : vector<16xf32>
    %broadcast_in_dim3A_2853 = arith.constant 53 : i32
    %broadcast_in_dim3A_2854 = vector.broadcast %broadcast_in_dim3A_2853 : i32 to vector<16xi32>
    %gather3A_2855 = tpu.vector_load_idx %arg11[%iota3A, %broadcast_in_dim3A_2854] : memref<16x64xf32, #tpu.memory_space<vmem>>[vector<16xi32>, vector<16xi32>], vector<16xf32>,
    %bitcast3A_2856 = vector.bitcast %gather3A_2855 : vector<16xf32> to vector<16xi32>
    %add3A_2857 = arith.constant 32767 : i32
    %add3A_2858 = vector.broadcast %add3A_2857 : i32 to vector<16xi32>
    %add3A_2859 = arith.addi %bitcast3A_2856, %add3A_2858 : vector<16xi32>
    %shift_right_logical3A_2860 = arith.constant 16 : i32
    %shift_right_logical3A_2861 = vector.broadcast %shift_right_logical3A_2860 : i32 to vector<16xi32>
    %shift_right_logical3A_2862 = arith.shrui %bitcast3A_2856, %shift_right_logical3A_2861 : vector<16xi32>
    %and3A_2863 = arith.constant 1 : i32
    %and3A_2864 = vector.broadcast %and3A_2863 : i32 to vector<16xi32>
    %and3A_2865 = arith.andi %shift_right_logical3A_2862, %and3A_2864 : vector<16xi32>
    %add3A_2866 = arith.addi %add3A_2859, %and3A_2865 : vector<16xi32>
    %and3A_2867 = arith.constant -65536 : i32
    %and3A_2868 = vector.broadcast %and3A_2867 : i32 to vector<16xi32>
    %and3A_2869 = arith.andi %add3A_2866, %and3A_2868 : vector<16xi32>
    %bitcast3A_2870 = vector.bitcast %and3A_2869 : vector<16xi32> to vector<16xf32>
    %slice3A_2871 = vector.extract_strided_slice %bitcast3A_1633 {offsets = [5], sizes = [1], strides = [1]} : vector<16xf32> to vector<1xf32>
    %squeeze3A_2872 = vector.extract %slice3A_2871[0] : f32 from vector<1xf32>
    %mul3A_2873 = vector.broadcast %squeeze3A_2872 : f32 to vector<16xf32>
    %mul3A_2874 = arith.mulf %bitcast3A_2870, %mul3A_2873 : vector<16xf32>
    %add3A_2875 = arith.addf %add3A_2852, %mul3A_2874 : vector<16xf32>
    %broadcast_in_dim3A_2876 = arith.constant 54 : i32
    %broadcast_in_dim3A_2877 = vector.broadcast %broadcast_in_dim3A_2876 : i32 to vector<16xi32>
    %gather3A_2878 = tpu.vector_load_idx %arg11[%iota3A, %broadcast_in_dim3A_2877] : memref<16x64xf32, #tpu.memory_space<vmem>>[vector<16xi32>, vector<16xi32>], vector<16xf32>,
    %bitcast3A_2879 = vector.bitcast %gather3A_2878 : vector<16xf32> to vector<16xi32>
    %add3A_2880 = arith.constant 32767 : i32
    %add3A_2881 = vector.broadcast %add3A_2880 : i32 to vector<16xi32>
    %add3A_2882 = arith.addi %bitcast3A_2879, %add3A_2881 : vector<16xi32>
    %shift_right_logical3A_2883 = arith.constant 16 : i32
    %shift_right_logical3A_2884 = vector.broadcast %shift_right_logical3A_2883 : i32 to vector<16xi32>
    %shift_right_logical3A_2885 = arith.shrui %bitcast3A_2879, %shift_right_logical3A_2884 : vector<16xi32>
    %and3A_2886 = arith.constant 1 : i32
    %and3A_2887 = vector.broadcast %and3A_2886 : i32 to vector<16xi32>
    %and3A_2888 = arith.andi %shift_right_logical3A_2885, %and3A_2887 : vector<16xi32>
    %add3A_2889 = arith.addi %add3A_2882, %and3A_2888 : vector<16xi32>
    %and3A_2890 = arith.constant -65536 : i32
    %and3A_2891 = vector.broadcast %and3A_2890 : i32 to vector<16xi32>
    %and3A_2892 = arith.andi %add3A_2889, %and3A_2891 : vector<16xi32>
    %bitcast3A_2893 = vector.bitcast %and3A_2892 : vector<16xi32> to vector<16xf32>
    %slice3A_2894 = vector.extract_strided_slice %bitcast3A_1633 {offsets = [6], sizes = [1], strides = [1]} : vector<16xf32> to vector<1xf32>
    %squeeze3A_2895 = vector.extract %slice3A_2894[0] : f32 from vector<1xf32>
    %mul3A_2896 = vector.broadcast %squeeze3A_2895 : f32 to vector<16xf32>
    %mul3A_2897 = arith.mulf %bitcast3A_2893, %mul3A_2896 : vector<16xf32>
    %add3A_2898 = arith.addf %add3A_2875, %mul3A_2897 : vector<16xf32>
    %broadcast_in_dim3A_2899 = arith.constant 55 : i32
    %broadcast_in_dim3A_2900 = vector.broadcast %broadcast_in_dim3A_2899 : i32 to vector<16xi32>
    %gather3A_2901 = tpu.vector_load_idx %arg11[%iota3A, %broadcast_in_dim3A_2900] : memref<16x64xf32, #tpu.memory_space<vmem>>[vector<16xi32>, vector<16xi32>], vector<16xf32>,
    %bitcast3A_2902 = vector.bitcast %gather3A_2901 : vector<16xf32> to vector<16xi32>
    %add3A_2903 = arith.constant 32767 : i32
    %add3A_2904 = vector.broadcast %add3A_2903 : i32 to vector<16xi32>
    %add3A_2905 = arith.addi %bitcast3A_2902, %add3A_2904 : vector<16xi32>
    %shift_right_logical3A_2906 = arith.constant 16 : i32
    %shift_right_logical3A_2907 = vector.broadcast %shift_right_logical3A_2906 : i32 to vector<16xi32>
    %shift_right_logical3A_2908 = arith.shrui %bitcast3A_2902, %shift_right_logical3A_2907 : vector<16xi32>
    %and3A_2909 = arith.constant 1 : i32
    %and3A_2910 = vector.broadcast %and3A_2909 : i32 to vector<16xi32>
    %and3A_2911 = arith.andi %shift_right_logical3A_2908, %and3A_2910 : vector<16xi32>
    %add3A_2912 = arith.addi %add3A_2905, %and3A_2911 : vector<16xi32>
    %and3A_2913 = arith.constant -65536 : i32
    %and3A_2914 = vector.broadcast %and3A_2913 : i32 to vector<16xi32>
    %and3A_2915 = arith.andi %add3A_2912, %and3A_2914 : vector<16xi32>
    %bitcast3A_2916 = vector.bitcast %and3A_2915 : vector<16xi32> to vector<16xf32>
    %slice3A_2917 = vector.extract_strided_slice %bitcast3A_1633 {offsets = [7], sizes = [1], strides = [1]} : vector<16xf32> to vector<1xf32>
    %squeeze3A_2918 = vector.extract %slice3A_2917[0] : f32 from vector<1xf32>
    %mul3A_2919 = vector.broadcast %squeeze3A_2918 : f32 to vector<16xf32>
    %mul3A_2920 = arith.mulf %bitcast3A_2916, %mul3A_2919 : vector<16xf32>
    %add3A_2921 = arith.addf %add3A_2898, %mul3A_2920 : vector<16xf32>
    %broadcast_in_dim3A_2922 = arith.constant 56 : i32
    %broadcast_in_dim3A_2923 = vector.broadcast %broadcast_in_dim3A_2922 : i32 to vector<16xi32>
    %gather3A_2924 = tpu.vector_load_idx %arg11[%iota3A, %broadcast_in_dim3A_2923] : memref<16x64xf32, #tpu.memory_space<vmem>>[vector<16xi32>, vector<16xi32>], vector<16xf32>,
    %bitcast3A_2925 = vector.bitcast %gather3A_2924 : vector<16xf32> to vector<16xi32>
    %add3A_2926 = arith.constant 32767 : i32
    %add3A_2927 = vector.broadcast %add3A_2926 : i32 to vector<16xi32>
    %add3A_2928 = arith.addi %bitcast3A_2925, %add3A_2927 : vector<16xi32>
    %shift_right_logical3A_2929 = arith.constant 16 : i32
    %shift_right_logical3A_2930 = vector.broadcast %shift_right_logical3A_2929 : i32 to vector<16xi32>
    %shift_right_logical3A_2931 = arith.shrui %bitcast3A_2925, %shift_right_logical3A_2930 : vector<16xi32>
    %and3A_2932 = arith.constant 1 : i32
    %and3A_2933 = vector.broadcast %and3A_2932 : i32 to vector<16xi32>
    %and3A_2934 = arith.andi %shift_right_logical3A_2931, %and3A_2933 : vector<16xi32>
    %add3A_2935 = arith.addi %add3A_2928, %and3A_2934 : vector<16xi32>
    %and3A_2936 = arith.constant -65536 : i32
    %and3A_2937 = vector.broadcast %and3A_2936 : i32 to vector<16xi32>
    %and3A_2938 = arith.andi %add3A_2935, %and3A_2937 : vector<16xi32>
    %bitcast3A_2939 = vector.bitcast %and3A_2938 : vector<16xi32> to vector<16xf32>
    %slice3A_2940 = vector.extract_strided_slice %bitcast3A_1633 {offsets = [8], sizes = [1], strides = [1]} : vector<16xf32> to vector<1xf32>
    %squeeze3A_2941 = vector.extract %slice3A_2940[0] : f32 from vector<1xf32>
    %mul3A_2942 = vector.broadcast %squeeze3A_2941 : f32 to vector<16xf32>
    %mul3A_2943 = arith.mulf %bitcast3A_2939, %mul3A_2942 : vector<16xf32>
    %add3A_2944 = arith.addf %add3A_2921, %mul3A_2943 : vector<16xf32>
    %broadcast_in_dim3A_2945 = arith.constant 57 : i32
    %broadcast_in_dim3A_2946 = vector.broadcast %broadcast_in_dim3A_2945 : i32 to vector<16xi32>
    %gather3A_2947 = tpu.vector_load_idx %arg11[%iota3A, %broadcast_in_dim3A_2946] : memref<16x64xf32, #tpu.memory_space<vmem>>[vector<16xi32>, vector<16xi32>], vector<16xf32>,
    %bitcast3A_2948 = vector.bitcast %gather3A_2947 : vector<16xf32> to vector<16xi32>
    %add3A_2949 = arith.constant 32767 : i32
    %add3A_2950 = vector.broadcast %add3A_2949 : i32 to vector<16xi32>
    %add3A_2951 = arith.addi %bitcast3A_2948, %add3A_2950 : vector<16xi32>
    %shift_right_logical3A_2952 = arith.constant 16 : i32
    %shift_right_logical3A_2953 = vector.broadcast %shift_right_logical3A_2952 : i32 to vector<16xi32>
    %shift_right_logical3A_2954 = arith.shrui %bitcast3A_2948, %shift_right_logical3A_2953 : vector<16xi32>
    %and3A_2955 = arith.constant 1 : i32
    %and3A_2956 = vector.broadcast %and3A_2955 : i32 to vector<16xi32>
    %and3A_2957 = arith.andi %shift_right_logical3A_2954, %and3A_2956 : vector<16xi32>
    %add3A_2958 = arith.addi %add3A_2951, %and3A_2957 : vector<16xi32>
    %and3A_2959 = arith.constant -65536 : i32
    %and3A_2960 = vector.broadcast %and3A_2959 : i32 to vector<16xi32>
    %and3A_2961 = arith.andi %add3A_2958, %and3A_2960 : vector<16xi32>
    %bitcast3A_2962 = vector.bitcast %and3A_2961 : vector<16xi32> to vector<16xf32>
    %slice3A_2963 = vector.extract_strided_slice %bitcast3A_1633 {offsets = [9], sizes = [1], strides = [1]} : vector<16xf32> to vector<1xf32>
    %squeeze3A_2964 = vector.extract %slice3A_2963[0] : f32 from vector<1xf32>
    %mul3A_2965 = vector.broadcast %squeeze3A_2964 : f32 to vector<16xf32>
    %mul3A_2966 = arith.mulf %bitcast3A_2962, %mul3A_2965 : vector<16xf32>
    %add3A_2967 = arith.addf %add3A_2944, %mul3A_2966 : vector<16xf32>
    %broadcast_in_dim3A_2968 = arith.constant 58 : i32
    %broadcast_in_dim3A_2969 = vector.broadcast %broadcast_in_dim3A_2968 : i32 to vector<16xi32>
    %gather3A_2970 = tpu.vector_load_idx %arg11[%iota3A, %broadcast_in_dim3A_2969] : memref<16x64xf32, #tpu.memory_space<vmem>>[vector<16xi32>, vector<16xi32>], vector<16xf32>,
    %bitcast3A_2971 = vector.bitcast %gather3A_2970 : vector<16xf32> to vector<16xi32>
    %add3A_2972 = arith.constant 32767 : i32
    %add3A_2973 = vector.broadcast %add3A_2972 : i32 to vector<16xi32>
    %add3A_2974 = arith.addi %bitcast3A_2971, %add3A_2973 : vector<16xi32>
    %shift_right_logical3A_2975 = arith.constant 16 : i32
    %shift_right_logical3A_2976 = vector.broadcast %shift_right_logical3A_2975 : i32 to vector<16xi32>
    %shift_right_logical3A_2977 = arith.shrui %bitcast3A_2971, %shift_right_logical3A_2976 : vector<16xi32>
    %and3A_2978 = arith.constant 1 : i32
    %and3A_2979 = vector.broadcast %and3A_2978 : i32 to vector<16xi32>
    %and3A_2980 = arith.andi %shift_right_logical3A_2977, %and3A_2979 : vector<16xi32>
    %add3A_2981 = arith.addi %add3A_2974, %and3A_2980 : vector<16xi32>
    %and3A_2982 = arith.constant -65536 : i32
    %and3A_2983 = vector.broadcast %and3A_2982 : i32 to vector<16xi32>
    %and3A_2984 = arith.andi %add3A_2981, %and3A_2983 : vector<16xi32>
    %bitcast3A_2985 = vector.bitcast %and3A_2984 : vector<16xi32> to vector<16xf32>
    %slice3A_2986 = vector.extract_strided_slice %bitcast3A_1633 {offsets = [10], sizes = [1], strides = [1]} : vector<16xf32> to vector<1xf32>
    %squeeze3A_2987 = vector.extract %slice3A_2986[0] : f32 from vector<1xf32>
    %mul3A_2988 = vector.broadcast %squeeze3A_2987 : f32 to vector<16xf32>
    %mul3A_2989 = arith.mulf %bitcast3A_2985, %mul3A_2988 : vector<16xf32>
    %add3A_2990 = arith.addf %add3A_2967, %mul3A_2989 : vector<16xf32>
    %broadcast_in_dim3A_2991 = arith.constant 59 : i32
    %broadcast_in_dim3A_2992 = vector.broadcast %broadcast_in_dim3A_2991 : i32 to vector<16xi32>
    %gather3A_2993 = tpu.vector_load_idx %arg11[%iota3A, %broadcast_in_dim3A_2992] : memref<16x64xf32, #tpu.memory_space<vmem>>[vector<16xi32>, vector<16xi32>], vector<16xf32>,
    %bitcast3A_2994 = vector.bitcast %gather3A_2993 : vector<16xf32> to vector<16xi32>
    %add3A_2995 = arith.constant 32767 : i32
    %add3A_2996 = vector.broadcast %add3A_2995 : i32 to vector<16xi32>
    %add3A_2997 = arith.addi %bitcast3A_2994, %add3A_2996 : vector<16xi32>
    %shift_right_logical3A_2998 = arith.constant 16 : i32
    %shift_right_logical3A_2999 = vector.broadcast %shift_right_logical3A_2998 : i32 to vector<16xi32>
    %shift_right_logical3A_3000 = arith.shrui %bitcast3A_2994, %shift_right_logical3A_2999 : vector<16xi32>
    %and3A_3001 = arith.constant 1 : i32
    %and3A_3002 = vector.broadcast %and3A_3001 : i32 to vector<16xi32>
    %and3A_3003 = arith.andi %shift_right_logical3A_3000, %and3A_3002 : vector<16xi32>
    %add3A_3004 = arith.addi %add3A_2997, %and3A_3003 : vector<16xi32>
    %and3A_3005 = arith.constant -65536 : i32
    %and3A_3006 = vector.broadcast %and3A_3005 : i32 to vector<16xi32>
    %and3A_3007 = arith.andi %add3A_3004, %and3A_3006 : vector<16xi32>
    %bitcast3A_3008 = vector.bitcast %and3A_3007 : vector<16xi32> to vector<16xf32>
    %slice3A_3009 = vector.extract_strided_slice %bitcast3A_1633 {offsets = [11], sizes = [1], strides = [1]} : vector<16xf32> to vector<1xf32>
    %squeeze3A_3010 = vector.extract %slice3A_3009[0] : f32 from vector<1xf32>
    %mul3A_3011 = vector.broadcast %squeeze3A_3010 : f32 to vector<16xf32>
    %mul3A_3012 = arith.mulf %bitcast3A_3008, %mul3A_3011 : vector<16xf32>
    %add3A_3013 = arith.addf %add3A_2990, %mul3A_3012 : vector<16xf32>
    %broadcast_in_dim3A_3014 = arith.constant 60 : i32
    %broadcast_in_dim3A_3015 = vector.broadcast %broadcast_in_dim3A_3014 : i32 to vector<16xi32>
    %gather3A_3016 = tpu.vector_load_idx %arg11[%iota3A, %broadcast_in_dim3A_3015] : memref<16x64xf32, #tpu.memory_space<vmem>>[vector<16xi32>, vector<16xi32>], vector<16xf32>,
    %bitcast3A_3017 = vector.bitcast %gather3A_3016 : vector<16xf32> to vector<16xi32>
    %add3A_3018 = arith.constant 32767 : i32
    %add3A_3019 = vector.broadcast %add3A_3018 : i32 to vector<16xi32>
    %add3A_3020 = arith.addi %bitcast3A_3017, %add3A_3019 : vector<16xi32>
    %shift_right_logical3A_3021 = arith.constant 16 : i32
    %shift_right_logical3A_3022 = vector.broadcast %shift_right_logical3A_3021 : i32 to vector<16xi32>
    %shift_right_logical3A_3023 = arith.shrui %bitcast3A_3017, %shift_right_logical3A_3022 : vector<16xi32>
    %and3A_3024 = arith.constant 1 : i32
    %and3A_3025 = vector.broadcast %and3A_3024 : i32 to vector<16xi32>
    %and3A_3026 = arith.andi %shift_right_logical3A_3023, %and3A_3025 : vector<16xi32>
    %add3A_3027 = arith.addi %add3A_3020, %and3A_3026 : vector<16xi32>
    %and3A_3028 = arith.constant -65536 : i32
    %and3A_3029 = vector.broadcast %and3A_3028 : i32 to vector<16xi32>
    %and3A_3030 = arith.andi %add3A_3027, %and3A_3029 : vector<16xi32>
    %bitcast3A_3031 = vector.bitcast %and3A_3030 : vector<16xi32> to vector<16xf32>
    %slice3A_3032 = vector.extract_strided_slice %bitcast3A_1633 {offsets = [12], sizes = [1], strides = [1]} : vector<16xf32> to vector<1xf32>
    %squeeze3A_3033 = vector.extract %slice3A_3032[0] : f32 from vector<1xf32>
    %mul3A_3034 = vector.broadcast %squeeze3A_3033 : f32 to vector<16xf32>
    %mul3A_3035 = arith.mulf %bitcast3A_3031, %mul3A_3034 : vector<16xf32>
    %add3A_3036 = arith.addf %add3A_3013, %mul3A_3035 : vector<16xf32>
    %broadcast_in_dim3A_3037 = arith.constant 61 : i32
    %broadcast_in_dim3A_3038 = vector.broadcast %broadcast_in_dim3A_3037 : i32 to vector<16xi32>
    %gather3A_3039 = tpu.vector_load_idx %arg11[%iota3A, %broadcast_in_dim3A_3038] : memref<16x64xf32, #tpu.memory_space<vmem>>[vector<16xi32>, vector<16xi32>], vector<16xf32>,
    %bitcast3A_3040 = vector.bitcast %gather3A_3039 : vector<16xf32> to vector<16xi32>
    %add3A_3041 = arith.constant 32767 : i32
    %add3A_3042 = vector.broadcast %add3A_3041 : i32 to vector<16xi32>
    %add3A_3043 = arith.addi %bitcast3A_3040, %add3A_3042 : vector<16xi32>
    %shift_right_logical3A_3044 = arith.constant 16 : i32
    %shift_right_logical3A_3045 = vector.broadcast %shift_right_logical3A_3044 : i32 to vector<16xi32>
    %shift_right_logical3A_3046 = arith.shrui %bitcast3A_3040, %shift_right_logical3A_3045 : vector<16xi32>
    %and3A_3047 = arith.constant 1 : i32
    %and3A_3048 = vector.broadcast %and3A_3047 : i32 to vector<16xi32>
    %and3A_3049 = arith.andi %shift_right_logical3A_3046, %and3A_3048 : vector<16xi32>
    %add3A_3050 = arith.addi %add3A_3043, %and3A_3049 : vector<16xi32>
    %and3A_3051 = arith.constant -65536 : i32
    %and3A_3052 = vector.broadcast %and3A_3051 : i32 to vector<16xi32>
    %and3A_3053 = arith.andi %add3A_3050, %and3A_3052 : vector<16xi32>
    %bitcast3A_3054 = vector.bitcast %and3A_3053 : vector<16xi32> to vector<16xf32>
    %slice3A_3055 = vector.extract_strided_slice %bitcast3A_1633 {offsets = [13], sizes = [1], strides = [1]} : vector<16xf32> to vector<1xf32>
    %squeeze3A_3056 = vector.extract %slice3A_3055[0] : f32 from vector<1xf32>
    %mul3A_3057 = vector.broadcast %squeeze3A_3056 : f32 to vector<16xf32>
    %mul3A_3058 = arith.mulf %bitcast3A_3054, %mul3A_3057 : vector<16xf32>
    %add3A_3059 = arith.addf %add3A_3036, %mul3A_3058 : vector<16xf32>
    %broadcast_in_dim3A_3060 = arith.constant 62 : i32
    %broadcast_in_dim3A_3061 = vector.broadcast %broadcast_in_dim3A_3060 : i32 to vector<16xi32>
    %gather3A_3062 = tpu.vector_load_idx %arg11[%iota3A, %broadcast_in_dim3A_3061] : memref<16x64xf32, #tpu.memory_space<vmem>>[vector<16xi32>, vector<16xi32>], vector<16xf32>,
    %bitcast3A_3063 = vector.bitcast %gather3A_3062 : vector<16xf32> to vector<16xi32>
    %add3A_3064 = arith.constant 32767 : i32
    %add3A_3065 = vector.broadcast %add3A_3064 : i32 to vector<16xi32>
    %add3A_3066 = arith.addi %bitcast3A_3063, %add3A_3065 : vector<16xi32>
    %shift_right_logical3A_3067 = arith.constant 16 : i32
    %shift_right_logical3A_3068 = vector.broadcast %shift_right_logical3A_3067 : i32 to vector<16xi32>
    %shift_right_logical3A_3069 = arith.shrui %bitcast3A_3063, %shift_right_logical3A_3068 : vector<16xi32>
    %and3A_3070 = arith.constant 1 : i32
    %and3A_3071 = vector.broadcast %and3A_3070 : i32 to vector<16xi32>
    %and3A_3072 = arith.andi %shift_right_logical3A_3069, %and3A_3071 : vector<16xi32>
    %add3A_3073 = arith.addi %add3A_3066, %and3A_3072 : vector<16xi32>
    %and3A_3074 = arith.constant -65536 : i32
    %and3A_3075 = vector.broadcast %and3A_3074 : i32 to vector<16xi32>
    %and3A_3076 = arith.andi %add3A_3073, %and3A_3075 : vector<16xi32>
    %bitcast3A_3077 = vector.bitcast %and3A_3076 : vector<16xi32> to vector<16xf32>
    %slice3A_3078 = vector.extract_strided_slice %bitcast3A_1633 {offsets = [14], sizes = [1], strides = [1]} : vector<16xf32> to vector<1xf32>
    %squeeze3A_3079 = vector.extract %slice3A_3078[0] : f32 from vector<1xf32>
    %mul3A_3080 = vector.broadcast %squeeze3A_3079 : f32 to vector<16xf32>
    %mul3A_3081 = arith.mulf %bitcast3A_3077, %mul3A_3080 : vector<16xf32>
    %add3A_3082 = arith.addf %add3A_3059, %mul3A_3081 : vector<16xf32>
    %broadcast_in_dim3A_3083 = arith.constant 63 : i32
    %broadcast_in_dim3A_3084 = vector.broadcast %broadcast_in_dim3A_3083 : i32 to vector<16xi32>
    %gather3A_3085 = tpu.vector_load_idx %arg11[%iota3A, %broadcast_in_dim3A_3084] : memref<16x64xf32, #tpu.memory_space<vmem>>[vector<16xi32>, vector<16xi32>], vector<16xf32>,
    %bitcast3A_3086 = vector.bitcast %gather3A_3085 : vector<16xf32> to vector<16xi32>
    %add3A_3087 = arith.constant 32767 : i32
    %add3A_3088 = vector.broadcast %add3A_3087 : i32 to vector<16xi32>
    %add3A_3089 = arith.addi %bitcast3A_3086, %add3A_3088 : vector<16xi32>
    %shift_right_logical3A_3090 = arith.constant 16 : i32
    %shift_right_logical3A_3091 = vector.broadcast %shift_right_logical3A_3090 : i32 to vector<16xi32>
    %shift_right_logical3A_3092 = arith.shrui %bitcast3A_3086, %shift_right_logical3A_3091 : vector<16xi32>
    %and3A_3093 = arith.constant 1 : i32
    %and3A_3094 = vector.broadcast %and3A_3093 : i32 to vector<16xi32>
    %and3A_3095 = arith.andi %shift_right_logical3A_3092, %and3A_3094 : vector<16xi32>
    %add3A_3096 = arith.addi %add3A_3089, %and3A_3095 : vector<16xi32>
    %and3A_3097 = arith.constant -65536 : i32
    %and3A_3098 = vector.broadcast %and3A_3097 : i32 to vector<16xi32>
    %and3A_3099 = arith.andi %add3A_3096, %and3A_3098 : vector<16xi32>
    %bitcast3A_3100 = vector.bitcast %and3A_3099 : vector<16xi32> to vector<16xf32>
    %slice3A_3101 = vector.extract_strided_slice %bitcast3A_1633 {offsets = [15], sizes = [1], strides = [1]} : vector<16xf32> to vector<1xf32>
    %squeeze3A_3102 = vector.extract %slice3A_3101[0] : f32 from vector<1xf32>
    %mul3A_3103 = vector.broadcast %squeeze3A_3102 : f32 to vector<16xf32>
    %mul3A_3104 = arith.mulf %bitcast3A_3100, %mul3A_3103 : vector<16xf32>
    %add3A_3105 = arith.addf %add3A_3082, %mul3A_3104 : vector<16xf32>
    %exp3A = math.exp %add3A_3105 : vector<16xf32>
    %add3A_3106 = arith.constant 1.000000e+00 : f32
    %add3A_3107 = vector.broadcast %add3A_3106 : f32 to vector<16xf32>
    %add3A_3108 = arith.addf %add3A_3107, %exp3A : vector<16xf32>
    %div3A = arith.constant 1.000000e+00 : f32
    %div3A_3109 = vector.broadcast %div3A : f32 to vector<16xf32>
    %div3A_3110 = arith.divf %div3A_3109, %add3A_3108 : vector<16xf32>
    %lt3A_3111 = arith.constant 200 : i32
    %lt3A_3112 = vector.broadcast %lt3A_3111 : i32 to vector<16xi32>
    %lt3A_3113 = arith.cmpi slt, %add3A_1, %lt3A_3112 : vector<16xi32>
    %jit3A_3114 = arith.constant 0.000000e+00 : f32
    %broadcast_in_dim3A_3115 = vector.broadcast %jit3A_3114 : f32 to vector<16xf32>
    %select_n3A_3116 = arith.select %lt3A_3113, %div3A_3110, %broadcast_in_dim3A_3115 : vector<16xi1>, vector<16xf32>
    %swap3A_3117 = arith.constant 0 : i32
    %swap3A_3118 = arith.index_cast %swap3A_3117 : i32 to index
    %swap3A_3119 = arith.constant 0 : index
    %swap3A_3120 = tpu.vector_load %arg13[%swap3A_3118, %swap3A_3119] {strides = array<i32>} : memref<2x16xf32, #tpu.memory_space<vmem>>, vector<16xf32>,
    tpu.vector_store %arg13[%swap3A_3118, %swap3A_3119], %select_n3A_3116 {strides = array<i32>} : memref<2x16xf32, #tpu.memory_space<vmem>>, vector<16xf32>,
    %ge3A = arith.constant 200 : i32
    %ge3A_3121 = vector.broadcast %ge3A : i32 to vector<16xi32>
    %ge3A_3122 = arith.cmpi sge, %add3A_1, %ge3A_3121 : vector<16xi32>
    %lt3A_3123 = arith.constant 250 : i32
    %lt3A_3124 = vector.broadcast %lt3A_3123 : i32 to vector<16xi32>
    %lt3A_3125 = arith.cmpi slt, %add3A_1, %lt3A_3124 : vector<16xi32>
    %and3A_3126 = arith.andi %ge3A_3122, %lt3A_3125 : vector<16xi1>
    %jit3A_3127 = arith.constant 0.000000e+00 : f32
    %broadcast_in_dim3A_3128 = vector.broadcast %jit3A_3127 : f32 to vector<16xf32>
    %select_n3A_3129 = arith.select %and3A_3126, %add3A_3105, %broadcast_in_dim3A_3128 : vector<16xi1>, vector<16xf32>
    %swap3A_3130 = arith.constant 1 : i32
    %swap3A_3131 = arith.index_cast %swap3A_3130 : i32 to index
    %swap3A_3132 = arith.constant 0 : index
    %swap3A_3133 = tpu.vector_load %arg13[%swap3A_3131, %swap3A_3132] {strides = array<i32>} : memref<2x16xf32, #tpu.memory_space<vmem>>, vector<16xf32>,
    tpu.vector_store %arg13[%swap3A_3131, %swap3A_3132], %select_n3A_3129 {strides = array<i32>} : memref<2x16xf32, #tpu.memory_space<vmem>>, vector<16xf32>,
    %mul3A_3134 = arith.constant 2 : i32
    %mul3A_3135 = arith.muli %mul3A_3134, %arg1 : i32
    "tpu.region"() ({
      %run_scoped3A = tpu.sem_alloc : memref<!tpu.dma_semaphore, #tpu.memory_space<semaphore_mem>>
      %dma_start3A_3138 = arith.constant 0 : i32
      %dma_start3A_3139 = tpu.memref_slice %arg16[%mul3A_3135, %dma_start3A_3138] : memref<32x16xf32, #tpu.memory_space<vmem_shared>> -> memref<2x16xf32, #tpu.memory_space<vmem_shared>>
      %dma_start3A_3140 = arith.constant 0 : i32
      %dma_start3A_3141 = tpu.memref_slice %arg16[%mul3A_3135, %dma_start3A_3140] : memref<32x16xf32, #tpu.memory_space<vmem_shared>> -> memref<2x16xf32, #tpu.memory_space<vmem_shared>>
      tpu.enqueue_dma source(%arg13 : memref<2x16xf32, #tpu.memory_space<vmem>>) target(%dma_start3A_3141 : memref<2x16xf32, #tpu.memory_space<vmem_shared>>) target_semaphore(%run_scoped3A : memref<!tpu.dma_semaphore, #tpu.memory_space<semaphore_mem>>)
      %dma_wait3A_3142 = arith.constant 0 : i32
      %dma_wait3A_3143 = tpu.memref_slice %arg16[%mul3A_3135, %dma_wait3A_3142] : memref<32x16xf32, #tpu.memory_space<vmem_shared>> -> memref<2x16xf32, #tpu.memory_space<vmem_shared>>
      %dma_wait3A_3144 = arith.constant 0 : i32
      %dma_wait3A_3145 = tpu.memref_slice %arg16[%mul3A_3135, %dma_wait3A_3144] : memref<32x16xf32, #tpu.memory_space<vmem_shared>> -> memref<2x16xf32, #tpu.memory_space<vmem_shared>>
      tpu.wait_dma2 semaphore(%run_scoped3A : memref<!tpu.dma_semaphore, #tpu.memory_space<semaphore_mem>>) src(%arg13 : memref<2x16xf32, #tpu.memory_space<vmem>>) dst(%dma_wait3A_3145 : memref<2x16xf32, #tpu.memory_space<vmem_shared>>)
      tpu.yield
    }) : () -> ()
    %barrier3A = arith.constant 0 : index
    tpu.barrier barrier_id(%barrier3A)
    %eq3A = arith.constant 0 : i32
    %eq3A_3136 = arith.cmpi eq, %arg1, %eq3A : i32
    %convert_element_type3A = arith.extui %eq3A_3136 : i1 to i32
    %cond3A = arith.constant 0 : i32
    %cond3A_3137 = arith.cmpi ne, %convert_element_type3A, %cond3A : i32
    scf.if %cond3A_3137 {
      "tpu.region"() ({
        %run_scoped3A = tpu.sem_alloc : memref<!tpu.dma_semaphore, #tpu.memory_space<semaphore_mem>>
        tpu.enqueue_dma source(%arg16 : memref<32x16xf32, #tpu.memory_space<vmem_shared>>) target(%arg14 : memref<32x16xf32, #tpu.memory_space<vmem>>) target_semaphore(%run_scoped3A : memref<!tpu.dma_semaphore, #tpu.memory_space<semaphore_mem>>)
        tpu.wait_dma2 semaphore(%run_scoped3A : memref<!tpu.dma_semaphore, #tpu.memory_space<semaphore_mem>>) src(%arg16 : memref<32x16xf32, #tpu.memory_space<vmem_shared>>) dst(%arg14 : memref<32x16xf32, #tpu.memory_space<vmem>>)
        tpu.yield
      }) : () -> ()
      %broadcast_in_dim3A_3138 = arith.constant 0.000000e+00 : f32
      %broadcast_in_dim3A_3139 = vector.broadcast %broadcast_in_dim3A_3138 : f32 to vector<16xf32>
      %broadcast_in_dim3A_3140 = arith.constant 0.000000e+00 : f32
      %broadcast_in_dim3A_3141 = vector.broadcast %broadcast_in_dim3A_3140 : f32 to vector<16xf32>
      %get3A_3142 = arith.constant 0 : i32
      %get3A_3143 = arith.index_cast %get3A_3142 : i32 to index
      %get3A_3144 = arith.constant 0 : index
      %get3A_3145 = tpu.vector_load %arg14[%get3A_3143, %get3A_3144] {strides = array<i32>} : memref<32x16xf32, #tpu.memory_space<vmem>>, vector<16xf32>,
      %add3A_3146 = arith.addf %broadcast_in_dim3A_3139, %get3A_3145 : vector<16xf32>
      %get3A_3147 = arith.constant 1 : i32
      %get3A_3148 = arith.index_cast %get3A_3147 : i32 to index
      %get3A_3149 = arith.constant 0 : index
      %get3A_3150 = tpu.vector_load %arg14[%get3A_3148, %get3A_3149] {strides = array<i32>} : memref<32x16xf32, #tpu.memory_space<vmem>>, vector<16xf32>,
      %add3A_3151 = arith.addf %broadcast_in_dim3A_3141, %get3A_3150 : vector<16xf32>
      %get3A_3152 = arith.constant 2 : i32
      %get3A_3153 = arith.index_cast %get3A_3152 : i32 to index
      %get3A_3154 = arith.constant 0 : index
      %get3A_3155 = tpu.vector_load %arg14[%get3A_3153, %get3A_3154] {strides = array<i32>} : memref<32x16xf32, #tpu.memory_space<vmem>>, vector<16xf32>,
      %add3A_3156 = arith.addf %add3A_3146, %get3A_3155 : vector<16xf32>
      %get3A_3157 = arith.constant 3 : i32
      %get3A_3158 = arith.index_cast %get3A_3157 : i32 to index
      %get3A_3159 = arith.constant 0 : index
      %get3A_3160 = tpu.vector_load %arg14[%get3A_3158, %get3A_3159] {strides = array<i32>} : memref<32x16xf32, #tpu.memory_space<vmem>>, vector<16xf32>,
      %add3A_3161 = arith.addf %add3A_3151, %get3A_3160 : vector<16xf32>
      %get3A_3162 = arith.constant 4 : i32
      %get3A_3163 = arith.index_cast %get3A_3162 : i32 to index
      %get3A_3164 = arith.constant 0 : index
      %get3A_3165 = tpu.vector_load %arg14[%get3A_3163, %get3A_3164] {strides = array<i32>} : memref<32x16xf32, #tpu.memory_space<vmem>>, vector<16xf32>,
      %add3A_3166 = arith.addf %add3A_3156, %get3A_3165 : vector<16xf32>
      %get3A_3167 = arith.constant 5 : i32
      %get3A_3168 = arith.index_cast %get3A_3167 : i32 to index
      %get3A_3169 = arith.constant 0 : index
      %get3A_3170 = tpu.vector_load %arg14[%get3A_3168, %get3A_3169] {strides = array<i32>} : memref<32x16xf32, #tpu.memory_space<vmem>>, vector<16xf32>,
      %add3A_3171 = arith.addf %add3A_3161, %get3A_3170 : vector<16xf32>
      %get3A_3172 = arith.constant 6 : i32
      %get3A_3173 = arith.index_cast %get3A_3172 : i32 to index
      %get3A_3174 = arith.constant 0 : index
      %get3A_3175 = tpu.vector_load %arg14[%get3A_3173, %get3A_3174] {strides = array<i32>} : memref<32x16xf32, #tpu.memory_space<vmem>>, vector<16xf32>,
      %add3A_3176 = arith.addf %add3A_3166, %get3A_3175 : vector<16xf32>
      %get3A_3177 = arith.constant 7 : i32
      %get3A_3178 = arith.index_cast %get3A_3177 : i32 to index
      %get3A_3179 = arith.constant 0 : index
      %get3A_3180 = tpu.vector_load %arg14[%get3A_3178, %get3A_3179] {strides = array<i32>} : memref<32x16xf32, #tpu.memory_space<vmem>>, vector<16xf32>,
      %add3A_3181 = arith.addf %add3A_3171, %get3A_3180 : vector<16xf32>
      %get3A_3182 = arith.constant 8 : i32
      %get3A_3183 = arith.index_cast %get3A_3182 : i32 to index
      %get3A_3184 = arith.constant 0 : index
      %get3A_3185 = tpu.vector_load %arg14[%get3A_3183, %get3A_3184] {strides = array<i32>} : memref<32x16xf32, #tpu.memory_space<vmem>>, vector<16xf32>,
      %add3A_3186 = arith.addf %add3A_3176, %get3A_3185 : vector<16xf32>
      %get3A_3187 = arith.constant 9 : i32
      %get3A_3188 = arith.index_cast %get3A_3187 : i32 to index
      %get3A_3189 = arith.constant 0 : index
      %get3A_3190 = tpu.vector_load %arg14[%get3A_3188, %get3A_3189] {strides = array<i32>} : memref<32x16xf32, #tpu.memory_space<vmem>>, vector<16xf32>,
      %add3A_3191 = arith.addf %add3A_3181, %get3A_3190 : vector<16xf32>
      %get3A_3192 = arith.constant 10 : i32
      %get3A_3193 = arith.index_cast %get3A_3192 : i32 to index
      %get3A_3194 = arith.constant 0 : index
      %get3A_3195 = tpu.vector_load %arg14[%get3A_3193, %get3A_3194] {strides = array<i32>} : memref<32x16xf32, #tpu.memory_space<vmem>>, vector<16xf32>,
      %add3A_3196 = arith.addf %add3A_3186, %get3A_3195 : vector<16xf32>
      %get3A_3197 = arith.constant 11 : i32
      %get3A_3198 = arith.index_cast %get3A_3197 : i32 to index
      %get3A_3199 = arith.constant 0 : index
      %get3A_3200 = tpu.vector_load %arg14[%get3A_3198, %get3A_3199] {strides = array<i32>} : memref<32x16xf32, #tpu.memory_space<vmem>>, vector<16xf32>,
      %add3A_3201 = arith.addf %add3A_3191, %get3A_3200 : vector<16xf32>
      %get3A_3202 = arith.constant 12 : i32
      %get3A_3203 = arith.index_cast %get3A_3202 : i32 to index
      %get3A_3204 = arith.constant 0 : index
      %get3A_3205 = tpu.vector_load %arg14[%get3A_3203, %get3A_3204] {strides = array<i32>} : memref<32x16xf32, #tpu.memory_space<vmem>>, vector<16xf32>,
      %add3A_3206 = arith.addf %add3A_3196, %get3A_3205 : vector<16xf32>
      %get3A_3207 = arith.constant 13 : i32
      %get3A_3208 = arith.index_cast %get3A_3207 : i32 to index
      %get3A_3209 = arith.constant 0 : index
      %get3A_3210 = tpu.vector_load %arg14[%get3A_3208, %get3A_3209] {strides = array<i32>} : memref<32x16xf32, #tpu.memory_space<vmem>>, vector<16xf32>,
      %add3A_3211 = arith.addf %add3A_3201, %get3A_3210 : vector<16xf32>
      %get3A_3212 = arith.constant 14 : i32
      %get3A_3213 = arith.index_cast %get3A_3212 : i32 to index
      %get3A_3214 = arith.constant 0 : index
      %get3A_3215 = tpu.vector_load %arg14[%get3A_3213, %get3A_3214] {strides = array<i32>} : memref<32x16xf32, #tpu.memory_space<vmem>>, vector<16xf32>,
      %add3A_3216 = arith.addf %add3A_3206, %get3A_3215 : vector<16xf32>
      %get3A_3217 = arith.constant 15 : i32
      %get3A_3218 = arith.index_cast %get3A_3217 : i32 to index
      %get3A_3219 = arith.constant 0 : index
      %get3A_3220 = tpu.vector_load %arg14[%get3A_3218, %get3A_3219] {strides = array<i32>} : memref<32x16xf32, #tpu.memory_space<vmem>>, vector<16xf32>,
      %add3A_3221 = arith.addf %add3A_3211, %get3A_3220 : vector<16xf32>
      %get3A_3222 = arith.constant 16 : i32
      %get3A_3223 = arith.index_cast %get3A_3222 : i32 to index
      %get3A_3224 = arith.constant 0 : index
      %get3A_3225 = tpu.vector_load %arg14[%get3A_3223, %get3A_3224] {strides = array<i32>} : memref<32x16xf32, #tpu.memory_space<vmem>>, vector<16xf32>,
      %add3A_3226 = arith.addf %add3A_3216, %get3A_3225 : vector<16xf32>
      %get3A_3227 = arith.constant 17 : i32
      %get3A_3228 = arith.index_cast %get3A_3227 : i32 to index
      %get3A_3229 = arith.constant 0 : index
      %get3A_3230 = tpu.vector_load %arg14[%get3A_3228, %get3A_3229] {strides = array<i32>} : memref<32x16xf32, #tpu.memory_space<vmem>>, vector<16xf32>,
      %add3A_3231 = arith.addf %add3A_3221, %get3A_3230 : vector<16xf32>
      %get3A_3232 = arith.constant 18 : i32
      %get3A_3233 = arith.index_cast %get3A_3232 : i32 to index
      %get3A_3234 = arith.constant 0 : index
      %get3A_3235 = tpu.vector_load %arg14[%get3A_3233, %get3A_3234] {strides = array<i32>} : memref<32x16xf32, #tpu.memory_space<vmem>>, vector<16xf32>,
      %add3A_3236 = arith.addf %add3A_3226, %get3A_3235 : vector<16xf32>
      %get3A_3237 = arith.constant 19 : i32
      %get3A_3238 = arith.index_cast %get3A_3237 : i32 to index
      %get3A_3239 = arith.constant 0 : index
      %get3A_3240 = tpu.vector_load %arg14[%get3A_3238, %get3A_3239] {strides = array<i32>} : memref<32x16xf32, #tpu.memory_space<vmem>>, vector<16xf32>,
      %add3A_3241 = arith.addf %add3A_3231, %get3A_3240 : vector<16xf32>
      %get3A_3242 = arith.constant 20 : i32
      %get3A_3243 = arith.index_cast %get3A_3242 : i32 to index
      %get3A_3244 = arith.constant 0 : index
      %get3A_3245 = tpu.vector_load %arg14[%get3A_3243, %get3A_3244] {strides = array<i32>} : memref<32x16xf32, #tpu.memory_space<vmem>>, vector<16xf32>,
      %add3A_3246 = arith.addf %add3A_3236, %get3A_3245 : vector<16xf32>
      %get3A_3247 = arith.constant 21 : i32
      %get3A_3248 = arith.index_cast %get3A_3247 : i32 to index
      %get3A_3249 = arith.constant 0 : index
      %get3A_3250 = tpu.vector_load %arg14[%get3A_3248, %get3A_3249] {strides = array<i32>} : memref<32x16xf32, #tpu.memory_space<vmem>>, vector<16xf32>,
      %add3A_3251 = arith.addf %add3A_3241, %get3A_3250 : vector<16xf32>
      %get3A_3252 = arith.constant 22 : i32
      %get3A_3253 = arith.index_cast %get3A_3252 : i32 to index
      %get3A_3254 = arith.constant 0 : index
      %get3A_3255 = tpu.vector_load %arg14[%get3A_3253, %get3A_3254] {strides = array<i32>} : memref<32x16xf32, #tpu.memory_space<vmem>>, vector<16xf32>,
      %add3A_3256 = arith.addf %add3A_3246, %get3A_3255 : vector<16xf32>
      %get3A_3257 = arith.constant 23 : i32
      %get3A_3258 = arith.index_cast %get3A_3257 : i32 to index
      %get3A_3259 = arith.constant 0 : index
      %get3A_3260 = tpu.vector_load %arg14[%get3A_3258, %get3A_3259] {strides = array<i32>} : memref<32x16xf32, #tpu.memory_space<vmem>>, vector<16xf32>,
      %add3A_3261 = arith.addf %add3A_3251, %get3A_3260 : vector<16xf32>
      %get3A_3262 = arith.constant 24 : i32
      %get3A_3263 = arith.index_cast %get3A_3262 : i32 to index
      %get3A_3264 = arith.constant 0 : index
      %get3A_3265 = tpu.vector_load %arg14[%get3A_3263, %get3A_3264] {strides = array<i32>} : memref<32x16xf32, #tpu.memory_space<vmem>>, vector<16xf32>,
      %add3A_3266 = arith.addf %add3A_3256, %get3A_3265 : vector<16xf32>
      %get3A_3267 = arith.constant 25 : i32
      %get3A_3268 = arith.index_cast %get3A_3267 : i32 to index
      %get3A_3269 = arith.constant 0 : index
      %get3A_3270 = tpu.vector_load %arg14[%get3A_3268, %get3A_3269] {strides = array<i32>} : memref<32x16xf32, #tpu.memory_space<vmem>>, vector<16xf32>,
      %add3A_3271 = arith.addf %add3A_3261, %get3A_3270 : vector<16xf32>
      %get3A_3272 = arith.constant 26 : i32
      %get3A_3273 = arith.index_cast %get3A_3272 : i32 to index
      %get3A_3274 = arith.constant 0 : index
      %get3A_3275 = tpu.vector_load %arg14[%get3A_3273, %get3A_3274] {strides = array<i32>} : memref<32x16xf32, #tpu.memory_space<vmem>>, vector<16xf32>,
      %add3A_3276 = arith.addf %add3A_3266, %get3A_3275 : vector<16xf32>
      %get3A_3277 = arith.constant 27 : i32
      %get3A_3278 = arith.index_cast %get3A_3277 : i32 to index
      %get3A_3279 = arith.constant 0 : index
      %get3A_3280 = tpu.vector_load %arg14[%get3A_3278, %get3A_3279] {strides = array<i32>} : memref<32x16xf32, #tpu.memory_space<vmem>>, vector<16xf32>,
      %add3A_3281 = arith.addf %add3A_3271, %get3A_3280 : vector<16xf32>
      %get3A_3282 = arith.constant 28 : i32
      %get3A_3283 = arith.index_cast %get3A_3282 : i32 to index
      %get3A_3284 = arith.constant 0 : index
      %get3A_3285 = tpu.vector_load %arg14[%get3A_3283, %get3A_3284] {strides = array<i32>} : memref<32x16xf32, #tpu.memory_space<vmem>>, vector<16xf32>,
      %add3A_3286 = arith.addf %add3A_3276, %get3A_3285 : vector<16xf32>
      %get3A_3287 = arith.constant 29 : i32
      %get3A_3288 = arith.index_cast %get3A_3287 : i32 to index
      %get3A_3289 = arith.constant 0 : index
      %get3A_3290 = tpu.vector_load %arg14[%get3A_3288, %get3A_3289] {strides = array<i32>} : memref<32x16xf32, #tpu.memory_space<vmem>>, vector<16xf32>,
      %add3A_3291 = arith.addf %add3A_3281, %get3A_3290 : vector<16xf32>
      %get3A_3292 = arith.constant 30 : i32
      %get3A_3293 = arith.index_cast %get3A_3292 : i32 to index
      %get3A_3294 = arith.constant 0 : index
      %get3A_3295 = tpu.vector_load %arg14[%get3A_3293, %get3A_3294] {strides = array<i32>} : memref<32x16xf32, #tpu.memory_space<vmem>>, vector<16xf32>,
      %add3A_3296 = arith.addf %add3A_3286, %get3A_3295 : vector<16xf32>
      %get3A_3297 = arith.constant 31 : i32
      %get3A_3298 = arith.index_cast %get3A_3297 : i32 to index
      %get3A_3299 = arith.constant 0 : index
      %get3A_3300 = tpu.vector_load %arg14[%get3A_3298, %get3A_3299] {strides = array<i32>} : memref<32x16xf32, #tpu.memory_space<vmem>>, vector<16xf32>,
      %add3A_3301 = arith.addf %add3A_3291, %get3A_3300 : vector<16xf32>
      %broadcast_in_dim3A_3302 = arith.constant 0.000000e+00 : f32
      %broadcast_in_dim3A_3303 = vector.broadcast %broadcast_in_dim3A_3302 : f32 to vector<16xf32>
      %reduce_sum3A = arith.constant true
      %reduce_sum3A_3304 = vector.broadcast %reduce_sum3A : i1 to vector<16xi1>
      %reduce_sum3A_3305 = tpu.scan <sum>, %add3A_3296 masked %reduce_sum3A_3304 : vector<16xf32>, vector<16xi1> -> vector<16xf32>
      %reduce_sum3A_3306 = vector.extract %reduce_sum3A_3305[15] : f32 from vector<16xf32>
      %add3A_3307 = vector.broadcast %reduce_sum3A_3306 : f32 to vector<16xf32>
      %add3A_3308 = arith.addf %broadcast_in_dim3A_3303, %add3A_3307 : vector<16xf32>
      %broadcast_in_dim3A_3309 = arith.constant 0.000000e+00 : f32
      %broadcast_in_dim3A_3310 = vector.broadcast %broadcast_in_dim3A_3309 : f32 to vector<16xf32>
      %reduce_sum3A_3311 = arith.constant true
      %reduce_sum3A_3312 = vector.broadcast %reduce_sum3A_3311 : i1 to vector<16xi1>
      %reduce_sum3A_3313 = tpu.scan <sum>, %add3A_3301 masked %reduce_sum3A_3312 : vector<16xf32>, vector<16xi1> -> vector<16xf32>
      %reduce_sum3A_3314 = vector.extract %reduce_sum3A_3313[15] : f32 from vector<16xf32>
      %add3A_3315 = vector.broadcast %reduce_sum3A_3314 : f32 to vector<16xf32>
      %add3A_3316 = arith.addf %broadcast_in_dim3A_3310, %add3A_3315 : vector<16xf32>
      %neg3A = arith.constant 0.000000e+00 : f32
      %neg3A_3317 = vector.broadcast %neg3A : f32 to vector<16xf32>
      %neg3A_3318 = arith.subf %neg3A_3317, %add3A_3316 : vector<16xf32>
      %exp3A_3319 = math.exp %neg3A_3318 : vector<16xf32>
      %add3A_3320 = arith.constant 1.000000e+00 : f32
      %add3A_3321 = vector.broadcast %add3A_3320 : f32 to vector<16xf32>
      %add3A_3322 = arith.addf %add3A_3321, %exp3A_3319 : vector<16xf32>
      %div3A_3323 = arith.constant 1.000000e+00 : f32
      %div3A_3324 = vector.broadcast %div3A_3323 : f32 to vector<16xf32>
      %div3A_3325 = arith.divf %div3A_3324, %add3A_3322 : vector<16xf32>
      %jit3A_3326 = arith.constant 1.000000e-07 : f32
      %jit3A_3327 = arith.constant 0.99999988 : f32
      %max3A_3328 = vector.broadcast %jit3A_3326 : f32 to vector<16xf32>
      %max3A_3329 = arith.maximumf %max3A_3328, %div3A_3325 : vector<16xf32>
      %min3A_3330 = vector.broadcast %jit3A_3327 : f32 to vector<16xf32>
      %min3A_3331 = arith.minimumf %min3A_3330, %max3A_3329 : vector<16xf32>
      %jit3A_3332 = arith.constant 1.000000e-07 : f32
      %jit3A_3333 = arith.constant 0.99999988 : f32
      %max3A_3334 = vector.broadcast %jit3A_3332 : f32 to vector<16xf32>
      %max3A_3335 = arith.maximumf %max3A_3334, %add3A_3308 : vector<16xf32>
      %min3A_3336 = vector.broadcast %jit3A_3333 : f32 to vector<16xf32>
      %min3A_3337 = arith.minimumf %min3A_3336, %max3A_3335 : vector<16xf32>
      %bitcast3A_3338 = vector.bitcast %min3A_3331 : vector<16xf32> to vector<16xi32>
      %shift_right_logical3A_3339 = arith.constant 23 : i32
      %shift_right_logical3A_3340 = vector.broadcast %shift_right_logical3A_3339 : i32 to vector<16xi32>
      %shift_right_logical3A_3341 = arith.shrui %bitcast3A_3338, %shift_right_logical3A_3340 : vector<16xi32>
      %sub3A_3342 = arith.constant 127 : i32
      %sub3A_3343 = vector.broadcast %sub3A_3342 : i32 to vector<16xi32>
      %sub3A_3344 = arith.subi %shift_right_logical3A_3341, %sub3A_3343 : vector<16xi32>
      %and3A_3345 = arith.constant 8388607 : i32
      %and3A_3346 = vector.broadcast %and3A_3345 : i32 to vector<16xi32>
      %and3A_3347 = arith.andi %bitcast3A_3338, %and3A_3346 : vector<16xi32>
      %or3A = arith.constant 1065353216 : i32
      %or3A_3348 = vector.broadcast %or3A : i32 to vector<16xi32>
      %or3A_3349 = arith.ori %and3A_3347, %or3A_3348 : vector<16xi32>
      %bitcast3A_3350 = vector.bitcast %or3A_3349 : vector<16xi32> to vector<16xf32>
      %sub3A_3351 = arith.constant 1.000000e+00 : f32
      %sub3A_3352 = vector.broadcast %sub3A_3351 : f32 to vector<16xf32>
      %sub3A_3353 = arith.subf %bitcast3A_3350, %sub3A_3352 : vector<16xf32>
      %add3A_3354 = arith.constant 1.000000e+00 : f32
      %add3A_3355 = vector.broadcast %add3A_3354 : f32 to vector<16xf32>
      %add3A_3356 = arith.addf %bitcast3A_3350, %add3A_3355 : vector<16xf32>
      %div3A_3357 = arith.divf %sub3A_3353, %add3A_3356 : vector<16xf32>
      %mul3A_3358 = arith.mulf %div3A_3357, %div3A_3357 : vector<16xf32>
      %mul3A_3359 = arith.constant 2.000000e+00 : f32
      %mul3A_3360 = vector.broadcast %mul3A_3359 : f32 to vector<16xf32>
      %mul3A_3361 = arith.mulf %mul3A_3360, %div3A_3357 : vector<16xf32>
      %mul3A_3362 = arith.constant 0.111111112 : f32
      %mul3A_3363 = vector.broadcast %mul3A_3362 : f32 to vector<16xf32>
      %mul3A_3364 = arith.mulf %mul3A_3358, %mul3A_3363 : vector<16xf32>
      %add3A_3365 = arith.constant 0.142857149 : f32
      %add3A_3366 = vector.broadcast %add3A_3365 : f32 to vector<16xf32>
      %add3A_3367 = arith.addf %add3A_3366, %mul3A_3364 : vector<16xf32>
      %mul3A_3368 = arith.mulf %mul3A_3358, %add3A_3367 : vector<16xf32>
      %add3A_3369 = arith.constant 2.000000e-01 : f32
      %add3A_3370 = vector.broadcast %add3A_3369 : f32 to vector<16xf32>
      %add3A_3371 = arith.addf %add3A_3370, %mul3A_3368 : vector<16xf32>
      %mul3A_3372 = arith.mulf %mul3A_3358, %add3A_3371 : vector<16xf32>
      %add3A_3373 = arith.constant 0.333333343 : f32
      %add3A_3374 = vector.broadcast %add3A_3373 : f32 to vector<16xf32>
      %add3A_3375 = arith.addf %add3A_3374, %mul3A_3372 : vector<16xf32>
      %mul3A_3376 = arith.mulf %mul3A_3358, %add3A_3375 : vector<16xf32>
      %add3A_3377 = arith.constant 1.000000e+00 : f32
      %add3A_3378 = vector.broadcast %add3A_3377 : f32 to vector<16xf32>
      %add3A_3379 = arith.addf %add3A_3378, %mul3A_3376 : vector<16xf32>
      %mul3A_3380 = arith.mulf %mul3A_3361, %add3A_3379 : vector<16xf32>
      %convert_element_type3A_3381 = arith.sitofp %sub3A_3344 : vector<16xi32> to vector<16xf32>
      %mul3A_3382 = arith.constant 0.693147182 : f32
      %mul3A_3383 = vector.broadcast %mul3A_3382 : f32 to vector<16xf32>
      %mul3A_3384 = arith.mulf %convert_element_type3A_3381, %mul3A_3383 : vector<16xf32>
      %add3A_3385 = arith.addf %mul3A_3384, %mul3A_3380 : vector<16xf32>
      %neg3A_3386 = arith.constant 0.000000e+00 : f32
      %neg3A_3387 = vector.broadcast %neg3A_3386 : f32 to vector<16xf32>
      %neg3A_3388 = arith.subf %neg3A_3387, %add3A_3385 : vector<16xf32>
      %sub3A_3389 = arith.subf %neg3A_3388, %min3A_3337 : vector<16xf32>
      %swap3A_3390 = arith.constant 0 : index
      %swap3A_3391 = tpu.vector_load %arg15[%swap3A_3390] {strides = array<i32>} : memref<16xf32, #tpu.memory_space<vmem>>, vector<16xf32>,
      tpu.vector_store %arg15[%swap3A_3390], %sub3A_3389 {strides = array<i32>} : memref<16xf32, #tpu.memory_space<vmem>>, vector<16xf32>,
      "tpu.region"() ({
        %run_scoped3A = tpu.sem_alloc : memref<!tpu.dma_semaphore, #tpu.memory_space<semaphore_mem>>
        %dma_start3A_3392 = arith.constant 0 : i32
        %dma_start3A_3393 = tpu.memref_slice %arg15[%dma_start3A_3392] : memref<16xf32, #tpu.memory_space<vmem>> -> memref<8xf32, #tpu.memory_space<vmem>>
        %dma_start3A_3394 = arith.constant 0 : i32
        %dma_start3A_3395 = tpu.memref_slice %arg15[%dma_start3A_3394] : memref<16xf32, #tpu.memory_space<vmem>> -> memref<8xf32, #tpu.memory_space<vmem>>
        tpu.enqueue_dma source(%dma_start3A_3395 : memref<8xf32, #tpu.memory_space<vmem>>) target(%arg6 : memref<8xf32, #tpu.memory_space<hbm>>) target_semaphore(%run_scoped3A : memref<!tpu.dma_semaphore, #tpu.memory_space<semaphore_mem>>)
        %dma_wait3A_3396 = arith.constant 0 : i32
        %dma_wait3A_3397 = tpu.memref_slice %arg15[%dma_wait3A_3396] : memref<16xf32, #tpu.memory_space<vmem>> -> memref<8xf32, #tpu.memory_space<vmem>>
        %dma_wait3A_3398 = arith.constant 0 : i32
        %dma_wait3A_3399 = tpu.memref_slice %arg15[%dma_wait3A_3398] : memref<16xf32, #tpu.memory_space<vmem>> -> memref<8xf32, #tpu.memory_space<vmem>>
        tpu.wait_dma2 semaphore(%run_scoped3A : memref<!tpu.dma_semaphore, #tpu.memory_space<semaphore_mem>>) src(%dma_wait3A_3399 : memref<8xf32, #tpu.memory_space<vmem>>) dst(%arg6 : memref<8xf32, #tpu.memory_space<hbm>>)
        tpu.yield
      }) : () -> ()
    } else {
    }
    return
  }
}

</mosaic_0001>

<sc_bundles>
// kernel: _sc_loss.3.cloned.1.call-start
scs
__scs_entry_jumppad:
0x0: {  	(pc) =	sbr.rel $0x88, $3  }
0x1: {  	(tag) =	ssettag $0x0;
	lr =	simm.s32 $0x1  }
0x2: {  	[smem:$0x3F9D] =	sst lr;
	_ =	strace $0xD0000000  }
0x3: {  	_ = 	snop  }
0x4: {  	_ = 	snop  }
0x5: {  	_ = 	snop  }
0x6: {  	_ = 	snop  }
0x7: {  	_ = 	snop  }
__scs_overlays_trampoline_lowered:
0x8: {  	[smem:$0x3FAC] =	sst s0  }
0x9: {  	[smem:$0x3FAD] =	sst s1  }
0xa: {  	[smem:$0x3FAE] =	sst s2  }
0xb: {  	[smem:$0x3FAF] =	sst s3  }
0xc: {  	[smem:$0x3FB0] =	sst s4  }
0xd: {  	[smem:$0x3FB1] =	sst s5  }
0xe: {  	[smem:$0x3FB2] =	sst s6  }
0xf: {  	[smem:$0x3FB3] =	sst s7  }
0x10: {  	[smem:$0x3FB4] =	sst s8  }
0x11: {  	[smem:$0x3FB5] =	sst s9;
	s0 =	simm.s32 @!p0 $0x0  }
0x12: {  	s1 =	sld [smem:$0x3F9B];
	s0 =	simm.s32 @p0 $0x1  }
0x13: {  	[smem:$0x3FB6] =	sst s0;
	s0 =	simm.s32 @!p1 $0x0  }
0x14: {  	s2 =	sld [smem:$0x3F9A];
	s0 =	simm.s32 @p1 $0x1  }
0x15: {  	[smem:$0x3FB7] =	sst s0;
	s0 =	simm.s32 @!p2 $0x0  }
0x16: {  	s3 =	sld [smem:$0x3FDB];
	s0 =	simm.s32 @p2 $0x1  }
0x17: {  	s4 =	simm.s32 $0x1BF5;
	[smem:$0x3FB9] =	sst s0  }
0x18: {  	s0 =	sld [smem:$0x3F9C];
	_ =	swait.ge [sflag:s4], $0x0  }
0x19: {  	s7 =	sld [smem:$0x3F9D]  }
0x1a: {  	s8 =	sadd.s32 $0xFFFFE003, lr  }
0x1b: {  	s9 =	sadd.s32 $0xFFFFFEF7, lr;
	s5 =	simm.s32 $0xFFFFFFFF;
	p2 =	slt.u32 s8, $0xFFFFF086  }
0x1c: {  	p1 =	slt.u32 s9, $0xF7A;
	s5 =	simm.s32 @!p2 $0x0  }
0x1d: {  	s5 =	simm.s32 @p1 $0x1;
	p0 =	seq.s32 s7, s2  }
0x1e: {  	s7 =	smul.u32 @!p0 $0xF7A, s2;
	p2 =	seq.s32 @!p0 s5, $0x0  }
0x1f: {  	s9 =	smul.u32 $0xF7A, s1;
	s8 =	simm.s32 @!p0 $0x1BF5;
	p2 =	por !p2, p0  }
0x20: {  	[sflag:s8] =	ssyncset.s32 @!p0 $0xFFFFF086;
	s6 =	sadd.s32 @!p0 s3, s7;
	s7 =	simm.s32 @!p0 $0x108  }
0x21: {  	s3 =	sadd.s32 s3, s9;
	s6 =	sadd.s32 @!p0 $0x88, s6;
	s7 =	simm.s32 @p2 $0x1082  }
0x22: {  	[simem:s7], [sflag:s8] =	dma.local @!p0 [hbm:s6], $0xF7A  }
0x23: {  	s9 =	sor.u32 $0xD0000000, s2;
	s6 =	simm.s32 $0x108;
	_ =	swait.ge @!p0 [sflag:s8], $0x0  }
0x24: {  	s3 =	sadd.s32 $0x88, s3;
	s6 =	simm.s32 @!p1 $0x1082;
	[sflag:s4] =	ssyncset.s32 $0xFFFFF086  }
0x25: {  	[simem:s6], [sflag:s4] =	dma.local [hbm:s3], $0xF7A  }
0x26: {  	[smem:$0x3F9D] =	sst s1;
	(tag) =	ssettag s2;
	_ =	strace s9  }
0x27: {  	s1 =	sld [smem:$0x3FAD]  }
0x28: {  	s2 =	sld [smem:$0x3FAE]  }
0x29: {  	s4 =	sld [smem:$0x3FB0]  }
0x2a: {  	p0 =	seq.s32 s5, $0x0;
	s5 =	sld [smem:$0x3FB1]  }
0x2b: {  	s6 =	sld [smem:$0x3FB2]  }
0x2c: {  	s7 =	sld [smem:$0x3FB3]  }
0x2d: {  	s3 =	simm.s32 $0x108;
	s8 =	sld [smem:$0x3FB4]  }
0x2e: {  	s3 =	simm.s32 @!p0 $0x1082;
	s9 =	sld [smem:$0x3FB5]  }
0x2f: {  	lr =	sadd.s32 s0, s3;
	s0 =	sld [smem:$0x3FAC]  }
0x30: {  	s3 =	sld [smem:$0x3FAF]  }
0x31: {  	[smem:$0x3FB8] =	sst s10  }
0x32: {  	s10 =	sld [smem:$0x3FB6];
	_ =	sdelay $0x3  }
0x33: {  	p0 =	seq.s32 s10, $0x1;
	s10 =	sld [smem:$0x3FB8];
	_ =	sdelay $0x3  }
0x34: {  	[smem:$0x3FB8] =	sst s10  }
0x35: {  	s10 =	sld [smem:$0x3FB7];
	_ =	sdelay $0x3  }
0x36: {  	p1 =	seq.s32 s10, $0x1;
	s10 =	sld [smem:$0x3FB8];
	_ =	sdelay $0x3  }
0x37: {  	[smem:$0x3FB8] =	sst s10  }
0x38: {  	s10 =	sld [smem:$0x3FB9]  }
0x39: {  	_ = 	snop;
	(pc) =	sbr.ind lr, $3  }
0x3a: {  	_ = 	snop  }
0x3b: {  	_ = 	snop  }
0x3c: {  	p2 =	seq.s32 s10, $0x1;
	s10 =	sld [smem:$0x3FB8]  }
0x3d: {  	_ =	shalt  }
0x3e: {  	_ =	shalt  }
0x3f: {  	_ =	shalt  }
0x40: {  	_ =	shalt  }
0x41: {  	_ =	shalt  }
0x42: {  	_ =	shalt  }
0x43: {  	_ =	shalt  }
0x44: {  	_ =	shalt  }
0x45: {  	_ =	shalt  }
0x46: {  	_ =	shalt  }
0x47: {  	_ =	shalt  }
0x48: {  	_ =	shalt  }
0x49: {  	_ =	shalt  }
0x4a: {  	_ =	shalt  }
0x4b: {  	_ =	shalt  }
0x4c: {  	_ =	shalt  }
0x4d: {  	_ =	shalt  }
0x4e: {  	_ =	shalt  }
0x4f: {  	_ =	shalt  }
0x50: {  	_ =	shalt  }
0x51: {  	_ =	shalt  }
0x52: {  	_ =	shalt  }
0x53: {  	_ =	shalt  }
0x54: {  	_ =	shalt  }
0x55: {  	_ =	shalt  }
0x56: {  	_ =	shalt  }
0x57: {  	_ =	shalt  }
0x58: {  	_ =	shalt  }
0x59: {  	_ =	shalt  }
0x5a: {  	_ =	shalt  }
0x5b: {  	_ =	shalt  }
0x5c: {  	_ =	shalt  }
0x5d: {  	_ =	shalt  }
0x5e: {  	_ =	shalt  }
0x5f: {  	_ =	shalt  }
0x60: {  	_ =	shalt  }
0x61: {  	_ =	shalt  }
0x62: {  	_ =	shalt  }
0x63: {  	_ =	shalt  }
0x64: {  	_ =	shalt  }
0x65: {  	_ =	shalt  }
0x66: {  	_ =	shalt  }
0x67: {  	_ =	shalt  }
0x68: {  	_ =	shalt  }
0x69: {  	_ =	shalt  }
0x6a: {  	_ =	shalt  }
0x6b: {  	_ =	shalt  }
0x6c: {  	_ =	shalt  }
0x6d: {  	_ =	shalt  }
0x6e: {  	_ =	shalt  }
0x6f: {  	_ =	shalt  }
0x70: {  	_ =	shalt  }
0x71: {  	_ =	shalt  }
0x72: {  	_ =	shalt  }
0x73: {  	_ =	shalt  }
0x74: {  	_ =	shalt  }
0x75: {  	_ =	shalt  }
0x76: {  	_ =	shalt  }
0x77: {  	_ =	shalt  }
0x78: {  	_ =	shalt  }
0x79: {  	_ =	shalt  }
0x7a: {  	_ =	shalt  }
0x7b: {  	_ =	shalt  }
0x7c: {  	_ =	shalt  }
0x7d: {  	_ =	shalt  }
0x7e: {  	_ =	shalt  }
0x7f: {  	_ =	shalt  }
0x80: {  	_ =	shalt  }
0x81: {  	_ =	shalt  }
0x82: {  	_ =	shalt  }
0x83: {  	_ =	shalt  }
0x84: {  	_ =	shalt  }
0x85: {  	_ =	shalt  }
0x86: {  	_ =	shalt  }
0x87: {  	_ =	shalt  }
.Lfunc_end0:
.L_simem_size_0:
called_computation_lowered:
.L_overlay_start_0:
0x88: {  	s0 =	sld [smem:$0x3FD9]  }
0x89: {  	s1 =	sld [smem:$0x3FFE];
	_ =	sdelay $0x3  }
0x8a: {  	s0 =	sadd.s32 s1, s0  }
0x8b: {  	[smem:$0x3FC4] =	sst s0  }
0x8c: {  	_ = 	snop  }
0x8d: {  	s0 =	sld [smem:$0x3FC9]  }
0x8e: {  	s17 =	sld [smem:$0x3FC8]  }
0x8f: {  	s2 =	sld [smem:$0x3FC7]  }
0x90: {  	s3 =	sld [smem:$0x3FC6]  }
0x91: {  	s4 =	sld [smem:$0x3FD0];
	(tm) =	ssettm $0x1  }
0x92: {  	s5 =	sld [smem:$0x3FFB];
	_ =	sdelay $0x3  }
0x93: {  	_ =	strace s5  }
0x94: {  	s5 =	sld [smem:$0x3FFC];
	_ =	sdelay $0x3  }
0x95: {  	_ =	strace s5  }
0x96: {  	s5 =	sld [smem:$0x3FFD];
	_ =	sdelay $0x3  }
0x97: {  	_ =	strace s5  }
0x98: {  	_ =	strace $0x8FFFFFFF  }
0x99: {  	s18 =	sld [smem:$0x3FDB];
	_ =	sdelay $0x1  }
0x9a: {  	s6 =	simm.s32 $_scs_section_size  }
0x9b: {  	s7 =	simm.s32 $_size__tile_overlayer_lowered;
	s8 =	simm.s32 $_tile_overlayer_lowered  }
0x9c: {  	s21 =	simm.s32 $0x1BFF;
	s20 =	sshll.u32 s8, $0x1;
	s5 =	sadd.s32 s6, s18  }
0x9d: {  	s9 =	simm.s32 $0x0;
	s19 =	sshll.u32 s7, $0x1;
	s7 =	sadd.s32 s20, s5  }
0x9e: {  	[timem:s9], [sflag:s21] =	dma.local [hbm:s7], s19  }
0x9f: {  	_ =	swait.ge [sflag:s21], s19  }
0xa0: {  	s6 =	ssub.s32 $0x0, s19;
	[sflag:s21] =	ssyncset.done $0x0  }
0xa1: {  	[sflag:s21] =	ssyncadd.s32 s6;
	_ =	sdelay $0x1  }
0xa2: {  	s22 =	simm.s32 $0x1B8B  }
0xa3: {  	_ =	swait.ge [sflag:s22], $0x1  }
0xa4: {  	[sflag:s22] =	ssyncset.done $0x0  }
0xa5: {  	s23 =	simm.s32 $0x1B8E;
	[sflag:s22] =	ssyncadd.s32 $0xFFFFFFFF  }
0xa6: {  	s24 =	simm.s32 $execute0_lowered;
	[smem:$0x3FD2] =	sst s23  }
0xa7: {  	s6 =	sshll.u32 s24, $0x1;
	_ =	strace $0x80000046;
	[dreg:$0x1] =	wrdreg $0xFFFFFFFF  }
0xa8: {  	s25 =	simm.s32 $_size_execute0_lowered;
	s5 =	sadd.s32 s5, s6;
	[dreg:$0x0] =	wrdreg $0x0  }
0xa9: {  	s6 =	sshll.u32 s25, $0x1;
	[dreg:$0x2] =	wrdreg s5  }
0xaa: {  	[dreg:$0x3] =	wrdreg s6  }
0xab: {  	[dreg:$0x4] =	wrdreg $0xC0  }
0xac: {  	_ =	task [dreg:s9], $0x5FFFF  }
0xad: {  	[dreg:$0x1] =	wrdreg $0xFFFFFFFF  }
0xae: {  	[dreg:$0x0] =	wrdreg $0x60  }
0xaf: {  	[dreg:$0x2] =	wrdreg s0  }
0xb0: {  	[dreg:$0x3] =	wrdreg s17  }
0xb1: {  	[dreg:$0x4] =	wrdreg s2  }
0xb2: {  	[dreg:$0x5] =	wrdreg s3  }
0xb3: {  	[dreg:$0x6] =	wrdreg s4  }
0xb4: {  	[dreg:$0x7] =	wrdreg $0x9C000  }
0xb5: {  	[dreg:$0x8] =	wrdreg $0x9  }
0xb6: {  	_ =	task.clear_ibuf [dreg:s9], $0x9FFFF;
	_ =	strace $0x90000046  }
0xb7: {  	s26 =	simm.s32 $0x9;
	_ =	strace $0x80000048  }
0xb8: {  	_ =	swait.ge [sflag:s26], $0x1  }
0xb9: {  	[sflag:s26] =	ssyncadd.s32 $0xFFFFFFFF  }
0xba: {  	_ =	strace $0x90000048  }
0xbb: {  	_ =	sfence  }
0xbc: {  	s28 =	sld [smem:$0x0];
	_ =	sdelay $0x1  }
0xbd: {  	s29 =	srdreg.scid  }
0xbe: {  	s30 =	sshll.u32 s29, $0xD;
	s31 =	sshrl.u32 s29, $0x2  }
0xbf: {  	s1 =	sand.u32 $0x1, s29;
	s2 =	sand.u32 $0x4000, s30;
	s0 =	sadd.s32 s31, s28  }
0xc0: {  	s1 =	sor.u32 s2, s1;
	s0 =	sshll.u32 s0, $0x11  }
0xc1: {  	s0 =	sor.u32 s0, s1  }
0xc2: {  	s0 =	sadd.s32 $0x8F2B, s0  }
0xc3: {  	[sflag:s0] =	ssyncadd.remote.s32 $0x1  }
0xc4: {  	_ =	sfence.sel $0xFFFF  }
0xc5: {  	[dreg:$0x0] =	wrdreg $0xFFFFFFFF;
	(pc) =	sbr.abs _section_cstart, $3  }
0xc6: {  	[dreg:$0x1] =	wrdreg $0xFFFFFFFF  }
0xc7: {  	_ =	task.clear_ibuf [dreg:s9], $0x2FFFF;
	_ =	strace $0x9FFFFFFF  }
0xc8: {  	(tm) =	ssettm $0x7FFFFFFF  }
0xc9: {  	_ =	shalt  }
tec
execute0_lowered:
.L_overlay_start_1:
0x0: {  	(tag) =	ssettag $0x1  }
0x1: {  	s6 =	rddreg [dreg:$0x0]  }
0x2: {  	s3 =	rddreg [dreg:$0x1]  }
0x3: {  	s7 =	rddreg [dreg:$0x2]  }
0x4: {  	s8 =	rddreg [dreg:$0x3]  }
0x5: {  	s1 =	rddreg [dreg:$0x4]  }
0x6: {  	s4 =	rddreg [dreg:$0x5];
	s2 =	simm.s32 $0x0  }
0x7: {  	[smem:$0x7FF] =	sst s2  }
0x8: {  	s0 =	rddreg [dreg:$0x6];
	_ =	strace $0x80000047  }
0x9: {  	[tilespmem:s2], [sflag:$0x2] =	stream.linear.gather [hbm4b:s3+s2], $0x100, $0x38;
	[tilespmem:$0x9C20] =	vst v63  }
0xa: {  	s3 =	simm.s32 $0x2  }
0xb: {  	_ =	swait.ge [sflag:s3], $0x100  }
0xc: {  	s5 =	stileid.u32;
	v1 =	vlaneseq.u32;
	[sflag:s3] =	ssyncset.done $0x0  }
0xd: {  	s10 =	simm.s32 $0x100;
	s9 =	sshll.u32 s5, $0x4;
	v0 =	vadd.s32 $0xFFFFFF38, v1;
	[sflag:s3] =	ssyncadd.s32 $0xFFFFFF00  }
0xe: {  	v0 =	vadd.s32 s9, v0;
	[tilespmem:s10], [sflag:$0x2] =	stream.linear.gather [hbm4b:s7+s2], $0x80, $0x38;
	[tilespmem:$0x9C20] =	vst v63  }
0xf: {  	vm0 =	vgt.s32 v0, $0x0;
	_ =	swait.ge [sflag:s3], $0x80  }
0x10: {  	v2 =	vnsel vm0, $0x0, v0;
	[sflag:s3] =	ssyncset.done $0x0  }
0x11: {  	s30 =	simm.s32 $0x180;
	v2 =	vmin.u32 v2, $0x31;
	[sflag:s3] =	ssyncadd.s32 $0xFFFFFF80  }
0x12: {  	v3 =	vor.u32 s9, v1;
	[tilespmem:s30], [sflag:$0x2] =	stream.linear.gather [hbm4b:s8+s2], $0x80, $0x38;
	[tilespmem:$0x9C20] =	vst v63  }
0x13: {  	v4 =	vmin.u32 v3, $0xC7;
	_ =	swait.ge [sflag:s3], $0x80  }
0x14: {  	[sflag:s3] =	ssyncset.done $0x0  }
0x15: {  	[sflag:s3] =	ssyncadd.s32 $0xFFFFFF80  }
0x16: {  	v2 =	vld.idx.msk [tilespmem:v2+s10+$0x0], $0xffff  }
0x17: {  	v5 =	vld.msk [tilespmem:s30+$0x0], $0xffff  }
0x18: {  	v4 =	vld.idx.msk [tilespmem:v4+s2+$0x0], $0xffff;
	_ =	sdelay $0x2  }
0x19: {  	vm1 =	vlt.u32 v3, $0xFA  }
0x1a: {  	vm14 =	vlt.u32 v3, $0xC8;
	v2 =	vsel vm1, v2, v5  }
0x1b: {  	v2 =	vsel vm14, v4, v2  }
0x1c: {  	(v2sf) =	vpush v2, $0x0  }
0x1d: {  	(v2sf) =	vpush v2, $0x1  }
0x1e: {  	(v2sf) =	vpush v2, $0x2  }
0x1f: {  	(v2sf) =	vpush v2, $0x3;
	_ =	sdelay $0x1  }
0x20: {  	(v2sf) =	vpush v2, $0x4  }
0x21: {  	(v2sf) =	vpush v2, $0x5;
	_ =	sdelay $0x2  }
0x22: {  	(v2sf) =	vpush v2, $0x6  }
0x23: {  	(v2sf) =	vpush v2, $0x7;
	_ =	sdelay $0x1  }
0x24: {  	(v2sf) =	vpush v2, $0x8  }
0x25: {  	(v2sf) =	vpush v2, $0x9;
	_ =	sdelay $0x1  }
0x26: {  	(v2sf) =	vpush v2, $0xA;
	s31 =	spop (v2sf)  }
0x27: {  	s14 =	simm.s32 $0x400;
	(v2sf) =	vpush v2, $0xB;
	s30 =	spop (v2sf)  }
0x28: {  	s15 =	simm.s32 $0x7A1400;
	(v2sf) =	vpush v2, $0xC;
	s11 =	sand.u32 $0xFFFFF80, s31;
	s29 =	spop (v2sf)  }
0x29: {  	s7 =	simm.s32 $0x200;
	(v2sf) =	vpush v2, $0xD;
	s12 =	sadd.s32 s6, s11;
	s28 =	spop (v2sf)  }
0x2a: {  	(v2sf) =	vpush v2, $0xE;
	[tilespmem:s7], [sflag:$0x1] =	stream.strided.gather [hbm4b:s12+s14], $0x2000, s15, s14, $0x38;
	[tilespmem:$0x9C20] =	vst v63  }
0x2b: {  	s26 =	spop (v2sf);
	(v2sf) =	vpush v2, $0xF  }
0x2c: {  	s13 =	sand.u32 $0xFFFFF80, s30;
	s25 =	spop (v2sf);
	(v2sf) =	vpush v5, $0x0  }
0x2d: {  	s8 =	sadd.s32 s6, s13;
	s12 =	simm.s32 $0x2200  }
0x2e: {  	[tilespmem:s12], [sflag:$0x1] =	stream.strided.gather [hbm4b:s8+s14], $0x2000, s15, s14, $0x38;
	[tilespmem:$0x9C20] =	vst v63  }
0x2f: {  	s16 =	sand.u32 $0xFFFFF80, s29;
	s24 =	spop (v2sf)  }
0x30: {  	s11 =	simm.s32 $0x4200;
	s8 =	sadd.s32 s6, s16;
	s23 =	spop (v2sf)  }
0x31: {  	[tilespmem:s11], [sflag:$0x1] =	stream.strided.gather [hbm4b:s8+s14], $0x2000, s15, s14, $0x38;
	[tilespmem:$0x9C20] =	vst v63  }
0x32: {  	s17 =	sand.u32 $0xFFFFF80, s28;
	s22 =	spop (v2sf)  }
0x33: {  	s18 =	sadd.s32 s6, s17;
	s8 =	simm.s32 $0x6200;
	s21 =	spop (v2sf)  }
0x34: {  	[tilespmem:s8], [sflag:$0x1] =	stream.strided.gather [hbm4b:s18+s14], $0x2000, s15, s14, $0x38;
	[tilespmem:$0x9C20] =	vst v63  }
0x35: {  	s20 =	spop (v2sf)  }
0x36: {  	s19 =	spop (v2sf)  }
0x37: {  	s18 =	spop (v2sf)  }
0x38: {  	v1 =	vmul.u32 $0x80, v1;
	s17 =	spop (v2sf)  }
0x39: {  	s31 =	sand.u32 $0x7F, s31;
	s16 =	spop (v2sf)  }
0x3a: {  	v20 =	vor.u32 s31, v1;
	s13 =	spop (v2sf)  }
0x3b: {  	s9 =	simm.s32 $0x1;
	s10 =	spop (v2sf)  }
0x3c: {  	_ =	swait.ge [sflag:s9], $0x2000  }
0x3d: {  	[sflag:s9] =	ssyncset.done $0x0  }
0x3e: {  	[sflag:s9] =	ssyncadd.s32 $0xFFFFE000  }
0x3f: {  	v2 =	vor.u32 $0x800, v1;
	v21 =	vld.idx.msk [tilespmem:v20+s7+$0x0], $0xffff  }
0x40: {  	v22 =	vor.u32 s31, v2;
	_ =	sdelay $0x3  }
0x41: {  	[tilespmem:$0x8200] =	vst v21  }
0x42: {  	v3 =	vor.u32 $0x1000, v1;
	v4 =	vld.idx.msk [tilespmem:v22+s7+$0x0], $0xffff  }
0x43: {  	v23 =	vor.u32 s31, v3;
	_ =	sdelay $0x3  }
0x44: {  	[tilespmem:$0x8210] =	vst v4  }
0x45: {  	v4 =	vor.u32 $0x1800, v1;
	v5 =	vld.idx.msk [tilespmem:v23+s7+$0x0], $0xffff  }
0x46: {  	v6 =	vor.u32 s31, v4;
	_ =	sdelay $0x3  }
0x47: {  	[tilespmem:$0x8220] =	vst v5  }
0x48: {  	v5 =	vld.idx.msk [tilespmem:v6+s7+$0x0], $0xffff;
	_ =	sdelay $0x3  }
0x49: {  	s30 =	sand.u32 $0x7F, s30;
	s31 =	sand.u32 $0xFFFFF80, s26  }
0x4a: {  	v24 =	vor.u32 s30, v1;
	s31 =	sadd.s32 s6, s31;
	[tilespmem:$0x8230] =	vst v5  }
0x4b: {  	[tilespmem:s7], [sflag:$0x1] =	stream.strided.gather [hbm4b:s31+s14], $0x2000, s15, s14, $0x38;
	[tilespmem:$0x9C20] =	vst v63  }
0x4c: {  	_ =	swait.ge [sflag:s9], $0x2000  }
0x4d: {  	[sflag:s9] =	ssyncset.done $0x0  }
0x4e: {  	[sflag:s9] =	ssyncadd.s32 $0xFFFFE000  }
0x4f: {  	v5 =	vld.idx.msk [tilespmem:v24+s12+$0x0], $0xffff  }
0x50: {  	v25 =	vor.u32 s30, v2;
	_ =	sdelay $0x3  }
0x51: {  	[tilespmem:$0x8280] =	vst v5  }
0x52: {  	v5 =	vld.idx.msk [tilespmem:v25+s12+$0x0], $0xffff  }
0x53: {  	v26 =	vor.u32 s30, v3;
	_ =	sdelay $0x3  }
0x54: {  	[tilespmem:$0x8290] =	vst v5  }
0x55: {  	v5 =	vld.idx.msk [tilespmem:v26+s12+$0x0], $0xffff  }
0x56: {  	v27 =	vor.u32 s30, v4;
	_ =	sdelay $0x3  }
0x57: {  	[tilespmem:$0x82A0] =	vst v5  }
0x58: {  	v5 =	vld.idx.msk [tilespmem:v27+s12+$0x0], $0xffff;
	_ =	sdelay $0x3  }
0x59: {  	s29 =	sand.u32 $0x7F, s29;
	s31 =	sand.u32 $0xFFFFF80, s25  }
0x5a: {  	v28 =	vor.u32 s29, v1;
	s30 =	sadd.s32 s6, s31;
	[tilespmem:$0x82B0] =	vst v5  }
0x5b: {  	[tilespmem:s12], [sflag:$0x1] =	stream.strided.gather [hbm4b:s30+s14], $0x2000, s15, s14, $0x38;
	[tilespmem:$0x9C20] =	vst v63  }
0x5c: {  	_ =	swait.ge [sflag:s9], $0x2000  }
0x5d: {  	[sflag:s9] =	ssyncset.done $0x0  }
0x5e: {  	[sflag:s9] =	ssyncadd.s32 $0xFFFFE000  }
0x5f: {  	v5 =	vld.idx.msk [tilespmem:v28+s11+$0x0], $0xffff  }
0x60: {  	v29 =	vor.u32 s29, v2;
	_ =	sdelay $0x3  }
0x61: {  	[tilespmem:$0x8300] =	vst v5  }
0x62: {  	v5 =	vld.idx.msk [tilespmem:v29+s11+$0x0], $0xffff  }
0x63: {  	v30 =	vor.u32 s29, v3;
	_ =	sdelay $0x3  }
0x64: {  	[tilespmem:$0x8310] =	vst v5  }
0x65: {  	v5 =	vld.idx.msk [tilespmem:v30+s11+$0x0], $0xffff  }
0x66: {  	v31 =	vor.u32 s29, v4;
	_ =	sdelay $0x3  }
0x67: {  	[tilespmem:$0x8320] =	vst v5  }
0x68: {  	v5 =	vld.idx.msk [tilespmem:v31+s11+$0x0], $0xffff;
	_ =	sdelay $0x3  }
0x69: {  	s28 =	sand.u32 $0x7F, s28;
	s31 =	sand.u32 $0xFFFFF80, s24  }
0x6a: {  	v32 =	vor.u32 s28, v1;
	s29 =	sadd.s32 s6, s31;
	[tilespmem:$0x8330] =	vst v5  }
0x6b: {  	[tilespmem:s11], [sflag:$0x1] =	stream.strided.gather [hbm4b:s29+s14], $0x2000, s15, s14, $0x38;
	[tilespmem:$0x9C20] =	vst v63  }
0x6c: {  	_ =	swait.ge [sflag:s9], $0x2000  }
0x6d: {  	[sflag:s9] =	ssyncset.done $0x0  }
0x6e: {  	[sflag:s9] =	ssyncadd.s32 $0xFFFFE000  }
0x6f: {  	v5 =	vld.idx.msk [tilespmem:v32+s8+$0x0], $0xffff  }
0x70: {  	v33 =	vor.u32 s28, v2;
	_ =	sdelay $0x3  }
0x71: {  	[tilespmem:$0x8380] =	vst v5  }
0x72: {  	v5 =	vld.idx.msk [tilespmem:v33+s8+$0x0], $0xffff  }
0x73: {  	v34 =	vor.u32 s28, v3;
	_ =	sdelay $0x3  }
0x74: {  	[tilespmem:$0x8390] =	vst v5  }
0x75: {  	v5 =	vld.idx.msk [tilespmem:v34+s8+$0x0], $0xffff  }
0x76: {  	v35 =	vor.u32 s28, v4;
	_ =	sdelay $0x3  }
0x77: {  	[tilespmem:$0x83A0] =	vst v5  }
0x78: {  	v5 =	vld.idx.msk [tilespmem:v35+s8+$0x0], $0xffff;
	_ =	sdelay $0x3  }
0x79: {  	s26 =	sand.u32 $0x7F, s26;
	s30 =	sand.u32 $0xFFFFF80, s23  }
0x7a: {  	v36 =	vor.u32 s26, v1;
	s28 =	sadd.s32 s6, s30;
	[tilespmem:$0x83B0] =	vst v5  }
0x7b: {  	[tilespmem:s8], [sflag:$0x1] =	stream.strided.gather [hbm4b:s28+s14], $0x2000, s15, s14, $0x38;
	[tilespmem:$0x9C20] =	vst v63  }
0x7c: {  	_ =	swait.ge [sflag:s9], $0x2000  }
0x7d: {  	[sflag:s9] =	ssyncset.done $0x0  }
0x7e: {  	[sflag:s9] =	ssyncadd.s32 $0xFFFFE000  }
0x7f: {  	v5 =	vld.idx.msk [tilespmem:v36+s7+$0x0], $0xffff  }
0x80: {  	v37 =	vor.u32 s26, v2;
	_ =	sdelay $0x3  }
0x81: {  	[tilespmem:$0x8400] =	vst v5  }
0x82: {  	v5 =	vld.idx.msk [tilespmem:v37+s7+$0x0], $0xffff  }
0x83: {  	v38 =	vor.u32 s26, v3;
	_ =	sdelay $0x3  }
0x84: {  	[tilespmem:$0x8410] =	vst v5  }
0x85: {  	v5 =	vld.idx.msk [tilespmem:v38+s7+$0x0], $0xffff  }
0x86: {  	v39 =	vor.u32 s26, v4;
	_ =	sdelay $0x3  }
0x87: {  	[tilespmem:$0x8420] =	vst v5  }
0x88: {  	v5 =	vld.idx.msk [tilespmem:v39+s7+$0x0], $0xffff;
	_ =	sdelay $0x3  }
0x89: {  	s25 =	sand.u32 $0x7F, s25;
	s31 =	sand.u32 $0xFFFFF80, s22  }
0x8a: {  	v40 =	vor.u32 s25, v1;
	s26 =	sadd.s32 s6, s31;
	[tilespmem:$0x8430] =	vst v5  }
0x8b: {  	[tilespmem:s7], [sflag:$0x1] =	stream.strided.gather [hbm4b:s26+s14], $0x2000, s15, s14, $0x38;
	[tilespmem:$0x9C20] =	vst v63  }
0x8c: {  	_ =	swait.ge [sflag:s9], $0x2000  }
0x8d: {  	[sflag:s9] =	ssyncset.done $0x0  }
0x8e: {  	[sflag:s9] =	ssyncadd.s32 $0xFFFFE000  }
0x8f: {  	v5 =	vld.idx.msk [tilespmem:v40+s12+$0x0], $0xffff  }
0x90: {  	v41 =	vor.u32 s25, v2;
	_ =	sdelay $0x3  }
0x91: {  	[tilespmem:$0x8480] =	vst v5  }
0x92: {  	v5 =	vld.idx.msk [tilespmem:v41+s12+$0x0], $0xffff  }
0x93: {  	v42 =	vor.u32 s25, v3;
	_ =	sdelay $0x3  }
0x94: {  	[tilespmem:$0x8490] =	vst v5  }
0x95: {  	v5 =	vld.idx.msk [tilespmem:v42+s12+$0x0], $0xffff  }
0x96: {  	v43 =	vor.u32 s25, v4;
	_ =	sdelay $0x3  }
0x97: {  	[tilespmem:$0x84A0] =	vst v5  }
0x98: {  	v5 =	vld.idx.msk [tilespmem:v43+s12+$0x0], $0xffff;
	_ =	sdelay $0x3  }
0x99: {  	s24 =	sand.u32 $0x7F, s24;
	s26 =	sand.u32 $0xFFFFF80, s21  }
0x9a: {  	v44 =	vor.u32 s24, v1;
	s25 =	sadd.s32 s6, s26;
	[tilespmem:$0x84B0] =	vst v5  }
0x9b: {  	[tilespmem:s12], [sflag:$0x1] =	stream.strided.gather [hbm4b:s25+s14], $0x2000, s15, s14, $0x38;
	[tilespmem:$0x9C20] =	vst v63  }
0x9c: {  	_ =	swait.ge [sflag:s9], $0x2000  }
0x9d: {  	[sflag:s9] =	ssyncset.done $0x0  }
0x9e: {  	[sflag:s9] =	ssyncadd.s32 $0xFFFFE000  }
0x9f: {  	v5 =	vld.idx.msk [tilespmem:v44+s11+$0x0], $0xffff  }
0xa0: {  	v45 =	vor.u32 s24, v2;
	_ =	sdelay $0x3  }
0xa1: {  	[tilespmem:$0x8500] =	vst v5  }
0xa2: {  	v5 =	vld.idx.msk [tilespmem:v45+s11+$0x0], $0xffff  }
0xa3: {  	v46 =	vor.u32 s24, v3;
	_ =	sdelay $0x3  }
0xa4: {  	[tilespmem:$0x8510] =	vst v5  }
0xa5: {  	v5 =	vld.idx.msk [tilespmem:v46+s11+$0x0], $0xffff  }
0xa6: {  	v47 =	vor.u32 s24, v4;
	_ =	sdelay $0x3  }
0xa7: {  	[tilespmem:$0x8520] =	vst v5  }
0xa8: {  	v5 =	vld.idx.msk [tilespmem:v47+s11+$0x0], $0xffff;
	_ =	sdelay $0x3  }
0xa9: {  	s23 =	sand.u32 $0x7F, s23;
	s28 =	sand.u32 $0xFFFFF80, s20  }
0xaa: {  	v48 =	vor.u32 s23, v1;
	s24 =	sadd.s32 s6, s28;
	[tilespmem:$0x8530] =	vst v5  }
0xab: {  	[tilespmem:s11], [sflag:$0x1] =	stream.strided.gather [hbm4b:s24+s14], $0x2000, s15, s14, $0x38;
	[tilespmem:$0x9C20] =	vst v63  }
0xac: {  	_ =	swait.ge [sflag:s9], $0x2000  }
0xad: {  	[sflag:s9] =	ssyncset.done $0x0  }
0xae: {  	[sflag:s9] =	ssyncadd.s32 $0xFFFFE000  }
0xaf: {  	v5 =	vld.idx.msk [tilespmem:v48+s8+$0x0], $0xffff  }
0xb0: {  	v49 =	vor.u32 s23, v2;
	_ =	sdelay $0x3  }
0xb1: {  	[tilespmem:$0x8580] =	vst v5  }
0xb2: {  	v5 =	vld.idx.msk [tilespmem:v49+s8+$0x0], $0xffff  }
0xb3: {  	v50 =	vor.u32 s23, v3;
	_ =	sdelay $0x3  }
0xb4: {  	[tilespmem:$0x8590] =	vst v5  }
0xb5: {  	v5 =	vld.idx.msk [tilespmem:v50+s8+$0x0], $0xffff  }
0xb6: {  	v51 =	vor.u32 s23, v4;
	_ =	sdelay $0x3  }
0xb7: {  	[tilespmem:$0x85A0] =	vst v5  }
0xb8: {  	v5 =	vld.idx.msk [tilespmem:v51+s8+$0x0], $0xffff;
	_ =	sdelay $0x3  }
0xb9: {  	s22 =	sand.u32 $0x7F, s22;
	s29 =	sand.u32 $0xFFFFF80, s19  }
0xba: {  	v52 =	vor.u32 s22, v1;
	s23 =	sadd.s32 s6, s29;
	[tilespmem:$0x85B0] =	vst v5  }
0xbb: {  	[tilespmem:s8], [sflag:$0x1] =	stream.strided.gather [hbm4b:s23+s14], $0x2000, s15, s14, $0x38;
	[tilespmem:$0x9C20] =	vst v63  }
0xbc: {  	_ =	swait.ge [sflag:s9], $0x2000  }
0xbd: {  	[sflag:s9] =	ssyncset.done $0x0  }
0xbe: {  	[sflag:s9] =	ssyncadd.s32 $0xFFFFE000  }
0xbf: {  	v5 =	vld.idx.msk [tilespmem:v52+s7+$0x0], $0xffff  }
0xc0: {  	v53 =	vor.u32 s22, v2;
	_ =	sdelay $0x3  }
0xc1: {  	[tilespmem:$0x8600] =	vst v5  }
0xc2: {  	v5 =	vld.idx.msk [tilespmem:v53+s7+$0x0], $0xffff  }
0xc3: {  	v54 =	vor.u32 s22, v3;
	_ =	sdelay $0x3  }
0xc4: {  	[tilespmem:$0x8610] =	vst v5  }
0xc5: {  	v5 =	vld.idx.msk [tilespmem:v54+s7+$0x0], $0xffff  }
0xc6: {  	v55 =	vor.u32 s22, v4;
	_ =	sdelay $0x3  }
0xc7: {  	[tilespmem:$0x8620] =	vst v5  }
0xc8: {  	v5 =	vld.idx.msk [tilespmem:v55+s7+$0x0], $0xffff;
	_ =	sdelay $0x3  }
0xc9: {  	s30 =	sand.u32 $0xFFFFF80, s18;
	s21 =	sand.u32 $0x7F, s21  }
0xca: {  	s22 =	sadd.s32 s6, s30;
	v56 =	vor.u32 s21, v1;
	[tilespmem:$0x8630] =	vst v5  }
0xcb: {  	[tilespmem:s7], [sflag:$0x1] =	stream.strided.gather [hbm4b:s22+s14], $0x2000, s15, s14, $0x38;
	[tilespmem:$0x9C20] =	vst v63  }
0xcc: {  	_ =	swait.ge [sflag:s9], $0x2000  }
0xcd: {  	[sflag:s9] =	ssyncset.done $0x0  }
0xce: {  	[sflag:s9] =	ssyncadd.s32 $0xFFFFE000  }
0xcf: {  	v5 =	vld.idx.msk [tilespmem:v56+s12+$0x0], $0xffff  }
0xd0: {  	v57 =	vor.u32 s21, v2;
	_ =	sdelay $0x3  }
0xd1: {  	[tilespmem:$0x8680] =	vst v5  }
0xd2: {  	v5 =	vld.idx.msk [tilespmem:v57+s12+$0x0], $0xffff  }
0xd3: {  	v58 =	vor.u32 s21, v3;
	_ =	sdelay $0x3  }
0xd4: {  	[tilespmem:$0x8690] =	vst v5  }
0xd5: {  	v5 =	vld.idx.msk [tilespmem:v58+s12+$0x0], $0xffff  }
0xd6: {  	v59 =	vor.u32 s21, v4;
	_ =	sdelay $0x3  }
0xd7: {  	[tilespmem:$0x86A0] =	vst v5  }
0xd8: {  	v5 =	vld.idx.msk [tilespmem:v59+s12+$0x0], $0xffff;
	_ =	sdelay $0x3  }
0xd9: {  	s31 =	sand.u32 $0xFFFFF80, s17;
	s20 =	sand.u32 $0x7F, s20  }
0xda: {  	v60 =	vor.u32 s20, v1;
	s21 =	sadd.s32 s6, s31;
	[tilespmem:$0x86B0] =	vst v5  }
0xdb: {  	[tilespmem:s12], [sflag:$0x1] =	stream.strided.gather [hbm4b:s21+s14], $0x2000, s15, s14, $0x38;
	[tilespmem:$0x9C20] =	vst v63  }
0xdc: {  	_ =	swait.ge [sflag:s9], $0x2000  }
0xdd: {  	[sflag:s9] =	ssyncset.done $0x0  }
0xde: {  	[sflag:s9] =	ssyncadd.s32 $0xFFFFE000  }
0xdf: {  	v5 =	vld.idx.msk [tilespmem:v60+s11+$0x0], $0xffff  }
0xe0: {  	v61 =	vor.u32 s20, v2;
	_ =	sdelay $0x3  }
0xe1: {  	[tilespmem:$0x8700] =	vst v5  }
0xe2: {  	v5 =	vld.idx.msk [tilespmem:v61+s11+$0x0], $0xffff  }
0xe3: {  	v62 =	vor.u32 s20, v3;
	_ =	sdelay $0x3  }
0xe4: {  	[tilespmem:$0x8710] =	vst v5  }
0xe5: {  	v5 =	vld.idx.msk [tilespmem:v62+s11+$0x0], $0xffff  }
0xe6: {  	v63 =	vor.u32 s20, v4;
	_ =	sdelay $0x3  }
0xe7: {  	[tilespmem:$0x8720] =	vst v5  }
0xe8: {  	v5 =	vld.idx.msk [tilespmem:v63+s11+$0x0], $0xffff;
	_ =	sdelay $0x3  }
0xe9: {  	s19 =	sand.u32 $0x7F, s19;
	s22 =	sand.u32 $0xFFFFF80, s16  }
0xea: {  	v8 =	vor.u32 s19, v1;
	s20 =	sadd.s32 s6, s22;
	[tilespmem:$0x8730] =	vst v5  }
0xeb: {  	[tilespmem:s11], [sflag:$0x1] =	stream.strided.gather [hbm4b:s20+s14], $0x2000, s15, s14, $0x38;
	[tilespmem:$0x9C20] =	vst v63  }
0xec: {  	_ =	swait.ge [sflag:s9], $0x2000  }
0xed: {  	[sflag:s9] =	ssyncset.done $0x0  }
0xee: {  	[sflag:s9] =	ssyncadd.s32 $0xFFFFE000  }
0xef: {  	v5 =	vld.idx.msk [tilespmem:v8+s8+$0x0], $0xffff  }
0xf0: {  	v9 =	vor.u32 s19, v2;
	_ =	sdelay $0x3  }
0xf1: {  	[tilespmem:$0x8780] =	vst v5  }
0xf2: {  	v5 =	vld.idx.msk [tilespmem:v9+s8+$0x0], $0xffff  }
0xf3: {  	v10 =	vor.u32 s19, v3;
	_ =	sdelay $0x3  }
0xf4: {  	[tilespmem:$0x8790] =	vst v5  }
0xf5: {  	v5 =	vld.idx.msk [tilespmem:v10+s8+$0x0], $0xffff  }
0xf6: {  	v11 =	vor.u32 s19, v4;
	_ =	sdelay $0x3  }
0xf7: {  	[tilespmem:$0x87A0] =	vst v5  }
0xf8: {  	v5 =	vld.idx.msk [tilespmem:v11+s8+$0x0], $0xffff;
	_ =	sdelay $0x3  }
0xf9: {  	s18 =	sand.u32 $0x7F, s18;
	s23 =	sand.u32 $0xFFFFF80, s13  }
0xfa: {  	v12 =	vor.u32 s18, v1;
	s19 =	sadd.s32 s6, s23;
	[tilespmem:$0x87B0] =	vst v5  }
0xfb: {  	[tilespmem:s8], [sflag:$0x1] =	stream.strided.gather [hbm4b:s19+s14], $0x2000, s15, s14, $0x38;
	[tilespmem:$0x9C20] =	vst v63  }
0xfc: {  	_ =	swait.ge [sflag:s9], $0x2000  }
0xfd: {  	[sflag:s9] =	ssyncset.done $0x0  }
0xfe: {  	[sflag:s9] =	ssyncadd.s32 $0xFFFFE000  }
0xff: {  	v5 =	vld.idx.msk [tilespmem:v12+s7+$0x0], $0xffff  }
0x100: {  	v13 =	vor.u32 s18, v2;
	_ =	sdelay $0x3  }
0x101: {  	[tilespmem:$0x8800] =	vst v5  }
0x102: {  	v5 =	vld.idx.msk [tilespmem:v13+s7+$0x0], $0xffff  }
0x103: {  	v14 =	vor.u32 s18, v3;
	_ =	sdelay $0x3  }
0x104: {  	[tilespmem:$0x8810] =	vst v5  }
0x105: {  	v5 =	vld.idx.msk [tilespmem:v14+s7+$0x0], $0xffff  }
0x106: {  	v15 =	vor.u32 s18, v4;
	_ =	sdelay $0x3  }
0x107: {  	[tilespmem:$0x8820] =	vst v5  }
0x108: {  	v5 =	vld.idx.msk [tilespmem:v15+s7+$0x0], $0xffff;
	_ =	sdelay $0x3  }
0x109: {  	s17 =	sand.u32 $0x7F, s17;
	s24 =	sand.u32 $0xFFFFF80, s10  }
0x10a: {  	v16 =	vor.u32 s17, v1;
	s6 =	sadd.s32 s6, s24;
	[tilespmem:$0x8830] =	vst v5  }
0x10b: {  	[tilespmem:s7], [sflag:$0x1] =	stream.strided.gather [hbm4b:s6+s14], $0x2000, s15, s14, $0x38;
	[tilespmem:$0x9C20] =	vst v63  }
0x10c: {  	_ =	swait.ge [sflag:s9], $0x2000  }
0x10d: {  	[sflag:s9] =	ssyncset.done $0x0  }
0x10e: {  	[sflag:s9] =	ssyncadd.s32 $0xFFFFE000  }
0x10f: {  	v5 =	vld.idx.msk [tilespmem:v16+s12+$0x0], $0xffff  }
0x110: {  	v17 =	vor.u32 s17, v2;
	_ =	sdelay $0x3  }
0x111: {  	[tilespmem:$0x8880] =	vst v5  }
0x112: {  	v5 =	vld.idx.msk [tilespmem:v17+s12+$0x0], $0xffff  }
0x113: {  	v18 =	vor.u32 s17, v3;
	_ =	sdelay $0x3  }
0x114: {  	[tilespmem:$0x8890] =	vst v5  }
0x115: {  	v5 =	vld.idx.msk [tilespmem:v18+s12+$0x0], $0xffff  }
0x116: {  	v19 =	vor.u32 s17, v4;
	_ =	sdelay $0x3  }
0x117: {  	[tilespmem:$0x88A0] =	vst v5  }
0x118: {  	v5 =	vld.idx.msk [tilespmem:v19+s12+$0x0], $0xffff;
	_ =	sdelay $0x2  }
0x119: {  	s25 =	sand.u32 $0x7F, s16  }
0x11a: {  	v20 =	vor.u32 s25, v1  }
0x11b: {  	[tilespmem:$0x88B0] =	vst v5  }
0x11c: {  	_ =	swait.ge [sflag:s9], $0x2000  }
0x11d: {  	[sflag:s9] =	ssyncset.done $0x0  }
0x11e: {  	[sflag:s9] =	ssyncadd.s32 $0xFFFFE000  }
0x11f: {  	v21 =	vld.idx.msk [tilespmem:v20+s11+$0x0], $0xffff  }
0x120: {  	v22 =	vor.u32 s25, v2;
	_ =	sdelay $0x3  }
0x121: {  	[tilespmem:$0x8900] =	vst v21  }
0x122: {  	v5 =	vld.idx.msk [tilespmem:v22+s11+$0x0], $0xffff  }
0x123: {  	v23 =	vor.u32 s25, v3;
	_ =	sdelay $0x3  }
0x124: {  	[tilespmem:$0x8910] =	vst v5  }
0x125: {  	v5 =	vld.idx.msk [tilespmem:v23+s11+$0x0], $0xffff  }
0x126: {  	v24 =	vor.u32 s25, v4;
	_ =	sdelay $0x3  }
0x127: {  	[tilespmem:$0x8920] =	vst v5  }
0x128: {  	v5 =	vld.idx.msk [tilespmem:v24+s11+$0x0], $0xffff;
	_ =	sdelay $0x2  }
0x129: {  	s26 =	sand.u32 $0x7F, s13  }
0x12a: {  	v25 =	vor.u32 s26, v1  }
0x12b: {  	[tilespmem:$0x8930] =	vst v5  }
0x12c: {  	_ =	swait.ge [sflag:s9], $0x2000  }
0x12d: {  	[sflag:s9] =	ssyncset.done $0x0  }
0x12e: {  	[sflag:s9] =	ssyncadd.s32 $0xFFFFE000  }
0x12f: {  	v26 =	vld.idx.msk [tilespmem:v25+s8+$0x0], $0xffff  }
0x130: {  	v27 =	vor.u32 s26, v2;
	_ =	sdelay $0x3  }
0x131: {  	[tilespmem:$0x8980] =	vst v26  }
0x132: {  	v5 =	vld.idx.msk [tilespmem:v27+s8+$0x0], $0xffff  }
0x133: {  	v28 =	vor.u32 s26, v3;
	_ =	sdelay $0x3  }
0x134: {  	[tilespmem:$0x8990] =	vst v5  }
0x135: {  	v5 =	vld.idx.msk [tilespmem:v28+s8+$0x0], $0xffff  }
0x136: {  	v29 =	vor.u32 s26, v4;
	_ =	sdelay $0x3  }
0x137: {  	[tilespmem:$0x89A0] =	vst v5  }
0x138: {  	v5 =	vld.idx.msk [tilespmem:v29+s8+$0x0], $0xffff;
	_ =	sdelay $0x2  }
0x139: {  	s28 =	sand.u32 $0x7F, s10  }
0x13a: {  	v30 =	vor.u32 s28, v1  }
0x13b: {  	[tilespmem:$0x89B0] =	vst v5  }
0x13c: {  	_ =	swait.ge [sflag:s9], $0x2000  }
0x13d: {  	[sflag:s9] =	ssyncset.done $0x0  }
0x13e: {  	[sflag:s9] =	ssyncadd.s32 $0xFFFFE000  }
0x13f: {  	v31 =	vld.idx.msk [tilespmem:v30+s7+$0x0], $0xffff  }
0x140: {  	v2 =	vor.u32 s28, v2;
	_ =	sdelay $0x3  }
0x141: {  	[tilespmem:$0x8A00] =	vst v31  }
0x142: {  	v32 =	vld.idx.msk [tilespmem:v2+s7+$0x0], $0xffff  }
0x143: {  	v33 =	vor.u32 s28, v3;
	_ =	sdelay $0x3  }
0x144: {  	[tilespmem:$0x8A10] =	vst v32  }
0x145: {  	v3 =	vld.idx.msk [tilespmem:v33+s7+$0x0], $0xffff  }
0x146: {  	v34 =	vor.u32 s28, v4;
	_ =	sdelay $0x3  }
0x147: {  	[tilespmem:$0x8A20] =	vst v3  }
0x148: {  	v2 =	vld.idx.msk [tilespmem:v34+s7+$0x0], $0xffff;
	_ =	sdelay $0x1  }
0x149: {  	v35 =	vor.u32 $0x1, v1;
	v38 =	vor.u32 $0x3, v1;
	v9 =	vshrl.u32 v31, $0x10  }
0x14a: {  	v41 =	vor.u32 $0x4, v1;
	v8 =	vor.u32 $0x2, v1;
	v9 =	vand.u32 $0x1, v9  }
0x14b: {  	v44 =	vor.u32 $0x5, v1;
	v46 =	vor.u32 $0x6, v1;
	v36 =	vadd.s32 v9, v31  }
0x14c: {  	s29 =	simm.s32 $0x8200;
	v49 =	vor.u32 $0x7, v1;
	v54 =	vor.u32 $0x8, v1;
	v4 =	vadd.s32 $0x7FFF, v36;
	[tilespmem:$0x8A30] =	vst v2  }
0x14d: {  	v58 =	vor.u32 $0x9, v1;
	v63 =	vor.u32 $0xA, v1;
	v5 =	vand.u32 $0xFFFF0000, v4;
	v7 =	vld.idx.msk [tilespmem:v1+s29+$0x0], $0xffff  }
0x14e: {  	v20 =	vor.u32 $0xB, v1;
	v25 =	vor.u32 $0xC, v1;
	v42 =	vbroadcast v5, $0x0;
	v10 =	vld.idx.msk [tilespmem:v35+s29+$0x0], $0xffff  }
0x14f: {  	v45 =	vbroadcast v5, $0x1;
	v47 =	vbroadcast v5, $0x2;
	v37 =	vshrl.u32 v32, $0x10;
	v8 =	vld.idx.msk [tilespmem:v8+s29+$0x0], $0xffff  }
0x150: {  	v50 =	vbroadcast v5, $0x3;
	v55 =	vbroadcast v5, $0x4;
	v11 =	vand.u32 $0x1, v37;
	v9 =	vld.idx.msk [tilespmem:v38+s29+$0x0], $0xffff  }
0x151: {  	v59 =	vbroadcast v5, $0x5;
	v16 =	vbroadcast v5, $0x6;
	v39 =	vadd.s32 v11, v32;
	v11 =	vld.idx.msk [tilespmem:v44+s29+$0x0], $0xffff  }
0x152: {  	v30 =	vor.u32 $0xD, v1;
	v21 =	vbroadcast v5, $0x7;
	v26 =	vbroadcast v5, $0x8  }
0x153: {  	v31 =	vbroadcast v5, $0x9;
	v36 =	vbroadcast v5, $0xA;
	v4 =	vadd.s32 $0x7FFF, v39  }
0x154: {  	v4 =	vand.u32 $0xFFFF0000, v4;
	v35 =	vor.u32 $0xE, v1;
	v12 =	vshrl.u32 v7, $0x10  }
0x155: {  	v43 =	vshrl.u32 v10, $0x10;
	v13 =	vshrl.u32 v8, $0x10;
	v14 =	vshrl.u32 v9, $0x10  }
0x156: {  	v56 =	vshrl.u32 v11, $0x10;
	v40 =	vand.u32 $0x1, v12;
	v12 =	vand.u32 $0x1, v43  }
0x157: {  	v13 =	vand.u32 $0x1, v13;
	v48 =	vand.u32 $0x1, v14;
	v57 =	vand.u32 $0x1, v56  }
0x158: {  	v56 =	vbroadcast v5, $0xE;
	v6 =	vadd.s32 v40, v7;
	v10 =	vadd.s32 v12, v10  }
0x159: {  	v7 =	vld.idx.msk [tilespmem:v41+s29+$0x0], $0xffff;
	v8 =	vadd.s32 v13, v8;
	v9 =	vadd.s32 v48, v9;
	v40 =	vor.u32 $0xF, v1  }
0x15a: {  	v12 =	vld.idx.msk [tilespmem:v46+s29+$0x0], $0xffff;
	v41 =	vbroadcast v5, $0xB;
	v46 =	vbroadcast v5, $0xC;
	v6 =	vadd.s32 $0x7FFF, v6  }
0x15b: {  	v10 =	vadd.s32 $0x7FFF, v10;
	v8 =	vadd.s32 $0x7FFF, v8;
	v6 =	vand.u32 $0xFFFF0000, v6  }
0x15c: {  	v9 =	vadd.s32 $0x7FFF, v9;
	v10 =	vand.u32 $0xFFFF0000, v10;
	v6 =	vmul.f32 v6, v42  }
0x15d: {  	v8 =	vand.u32 $0xFFFF0000, v8;
	v52 =	vand.u32 $0xFFFF0000, v9;
	v9 =	vld.idx.msk [tilespmem:v54+s29+$0x0], $0xffff;
	v10 =	vmul.f32 v10, v45  }
0x15e: {  	v8 =	vmul.f32 v8, v47;
	v6 =	vadd.f32 $0.0e+00, v6;
	v51 =	vshrl.u32 v7, $0x10  }
0x15f: {  	v45 =	vor.u32 $0x10, v1;
	v60 =	vshrl.u32 v12, $0x10;
	v53 =	vand.u32 $0x1, v51  }
0x160: {  	v62 =	vand.u32 $0x1, v60;
	v51 =	vbroadcast v5, $0xD;
	v6 =	vadd.f32 v10, v6  }
0x161: {  	v60 =	vor.u32 $0x13, v1;
	v5 =	vbroadcast v5, $0xF;
	v7 =	vadd.s32 v53, v7;
	v10 =	vld.idx.msk [tilespmem:v49+s29+$0x0], $0xffff  }
0x162: {  	v22 =	vshrl.u32 v9, $0x10;
	v6 =	vadd.f32 v8, v6;
	v8 =	vmul.f32 v52, v50  }
0x163: {  	v7 =	vadd.s32 $0x7FFF, v7;
	v24 =	vand.u32 $0x1, v22;
	v22 =	vor.u32 $0x15, v1  }
0x164: {  	v7 =	vand.u32 $0xFFFF0000, v7;
	v6 =	vadd.f32 v8, v6;
	v8 =	vadd.s32 v57, v11  }
0x165: {  	v50 =	vor.u32 $0x11, v1;
	v7 =	vmul.f32 v7, v55;
	v11 =	vld.idx.msk [tilespmem:v58+s29+$0x0], $0xffff;
	v8 =	vadd.s32 $0x7FFF, v8  }
0x166: {  	v55 =	vor.u32 $0x12, v1;
	v17 =	vshrl.u32 v10, $0x10;
	v61 =	vand.u32 $0xFFFF0000, v8  }
0x167: {  	v6 =	vadd.f32 v7, v6;
	v8 =	vadd.s32 v62, v12;
	v7 =	vmul.f32 v61, v59  }
0x168: {  	v19 =	vand.u32 $0x1, v17;
	v12 =	vld.idx.msk [tilespmem:v63+s29+$0x0], $0xffff;
	v17 =	vor.u32 $0x14, v1;
	v8 =	vadd.s32 $0x7FFF, v8  }
0x169: {  	v18 =	vand.u32 $0xFFFF0000, v8;
	v8 =	vadd.s32 v19, v10;
	v6 =	vadd.f32 v7, v6  }
0x16a: {  	v7 =	vmul.f32 v18, v16;
	v8 =	vadd.s32 $0x7FFF, v8;
	v27 =	vshrl.u32 v11, $0x10  }
0x16b: {  	v10 =	vld.idx.msk [tilespmem:v20+s29+$0x0], $0xffff;
	v18 =	vbroadcast v4, $0x0;
	v23 =	vand.u32 $0xFFFF0000, v8;
	v8 =	vadd.s32 v24, v9  }
0x16c: {  	v29 =	vand.u32 $0x1, v27;
	v27 =	vor.u32 $0x16, v1;
	v6 =	vadd.f32 v7, v6  }
0x16d: {  	v7 =	vmul.f32 v23, v21;
	v8 =	vadd.s32 $0x7FFF, v8;
	v32 =	vshrl.u32 v12, $0x10  }
0x16e: {  	v9 =	vld.idx.msk [tilespmem:v25+s29+$0x0], $0xffff;
	v23 =	vbroadcast v4, $0x1;
	v28 =	vand.u32 $0xFFFF0000, v8;
	v8 =	vadd.s32 v29, v11  }
0x16f: {  	v34 =	vand.u32 $0x1, v32;
	v32 =	vor.u32 $0x17, v1;
	v6 =	vadd.f32 v7, v6  }
0x170: {  	v7 =	vmul.f32 v28, v26;
	v8 =	vadd.s32 $0x7FFF, v8;
	v37 =	vshrl.u32 v10, $0x10  }
0x171: {  	v11 =	vld.idx.msk [tilespmem:v30+s29+$0x0], $0xffff;
	v28 =	vbroadcast v4, $0x2;
	v33 =	vand.u32 $0xFFFF0000, v8;
	v8 =	vadd.s32 v34, v12  }
0x172: {  	v39 =	vand.u32 $0x1, v37;
	v12 =	vld.idx.msk [tilespmem:v35+s29+$0x0], $0xffff;
	v35 =	vor.u32 $0x18, v1;
	v6 =	vadd.f32 v7, v6  }
0x173: {  	v7 =	vmul.f32 v33, v31;
	v8 =	vadd.s32 $0x7FFF, v8;
	v42 =	vshrl.u32 v9, $0x10  }
0x174: {  	v33 =	vbroadcast v4, $0x3;
	v38 =	vand.u32 $0xFFFF0000, v8;
	v8 =	vadd.s32 v39, v10  }
0x175: {  	v44 =	vand.u32 $0x1, v42;
	v42 =	vor.u32 $0x19, v1;
	v6 =	vadd.f32 v7, v6  }
0x176: {  	v7 =	vmul.f32 v38, v36;
	v8 =	vadd.s32 $0x7FFF, v8;
	v47 =	vshrl.u32 v11, $0x10  }
0x177: {  	v10 =	vld.idx.msk [tilespmem:v40+s29+$0x0], $0xffff;
	v38 =	vbroadcast v4, $0x4;
	v43 =	vand.u32 $0xFFFF0000, v8;
	v8 =	vadd.s32 v44, v9  }
0x178: {  	v49 =	vand.u32 $0x1, v47;
	v6 =	vadd.f32 v7, v6;
	v7 =	vmul.f32 v43, v41  }
0x179: {  	v9 =	vld.idx.msk [tilespmem:v45+s29+$0x0], $0xffff;
	v8 =	vadd.s32 $0x7FFF, v8;
	v52 =	vshrl.u32 v12, $0x10;
	v43 =	vbroadcast v4, $0x5  }
0x17a: {  	v45 =	vld.idx.msk [tilespmem:v35+s29+$0x0], $0xffff;
	v35 =	vshrl.u32 v3, $0x10;
	v48 =	vand.u32 $0xFFFF0000, v8;
	v8 =	vadd.s32 v49, v11  }
0x17b: {  	v54 =	vand.u32 $0x1, v52;
	v49 =	vbroadcast v4, $0x6;
	v6 =	vadd.f32 v7, v6  }
0x17c: {  	v7 =	vmul.f32 v48, v46;
	v8 =	vadd.s32 $0x7FFF, v8;
	v57 =	vshrl.u32 v10, $0x10  }
0x17d: {  	v11 =	vld.idx.msk [tilespmem:v50+s29+$0x0], $0xffff;
	v48 =	vor.u32 $0x1A, v1;
	v53 =	vand.u32 $0xFFFF0000, v8;
	v8 =	vadd.s32 v54, v12  }
0x17e: {  	v59 =	vand.u32 $0x1, v57;
	v12 =	vld.idx.msk [tilespmem:v55+s29+$0x0], $0xffff;
	v54 =	vbroadcast v4, $0x7;
	v55 =	vor.u32 $0x1B, v1  }
0x17f: {  	v6 =	vadd.f32 v7, v6;
	v7 =	vmul.f32 v53, v51;
	v8 =	vadd.s32 $0x7FFF, v8  }
0x180: {  	v61 =	vshrl.u32 v9, $0x10;
	v58 =	vand.u32 $0xFFFF0000, v8;
	v8 =	vadd.s32 v59, v10  }
0x181: {  	v63 =	vand.u32 $0x1, v61;
	v10 =	vld.idx.msk [tilespmem:v60+s29+$0x0], $0xffff;
	v53 =	vshrl.u32 v45, $0x10;
	v60 =	vor.u32 $0x1C, v1  }
0x182: {  	v6 =	vadd.f32 v7, v6;
	v7 =	vmul.f32 v58, v56;
	v8 =	vadd.s32 $0x7FFF, v8  }
0x183: {  	v16 =	vadd.s32 v63, v9;
	v19 =	vshrl.u32 v11, $0x10;
	v58 =	vbroadcast v4, $0x8  }
0x184: {  	v9 =	vld.idx.msk [tilespmem:v22+s29+$0x0], $0xffff;
	v63 =	vbroadcast v4, $0x9;
	v22 =	vbroadcast v4, $0xA;
	v62 =	vand.u32 $0xFFFF0000, v8  }
0x185: {  	v21 =	vand.u32 $0x1, v19;
	v8 =	vld.idx.msk [tilespmem:v17+s29+$0x0], $0xffff;
	v6 =	vadd.f32 v7, v6;
	v5 =	vmul.f32 v62, v5  }
0x186: {  	v7 =	vadd.s32 $0x7FFF, v16;
	v24 =	vshrl.u32 v12, $0x10;
	v17 =	vld.idx.msk [tilespmem:v55+s29+$0x0], $0xffff;
	v55 =	vor.u32 $0x24, v1  }
0x187: {  	v20 =	vand.u32 $0xFFFF0000, v7;
	v7 =	vadd.s32 v21, v11;
	v26 =	vand.u32 $0x1, v24  }
0x188: {  	v5 =	vadd.f32 v5, v6;
	v6 =	vmul.f32 v20, v18;
	v7 =	vadd.s32 $0x7FFF, v7  }
0x189: {  	v29 =	vshrl.u32 v10, $0x10;
	v18 =	vor.u32 $0x1D, v1;
	v25 =	vand.u32 $0xFFFF0000, v7  }
0x18a: {  	v7 =	vadd.s32 v26, v12;
	v31 =	vand.u32 $0x1, v29;
	v39 =	vshrl.u32 v9, $0x10  }
0x18b: {  	v29 =	vbroadcast v4, $0xB;
	v5 =	vadd.f32 v6, v5;
	v6 =	vmul.f32 v25, v23  }
0x18c: {  	v11 =	vld.idx.msk [tilespmem:v27+s29+$0x0], $0xffff;
	v7 =	vadd.s32 $0x7FFF, v7;
	v34 =	vshrl.u32 v8, $0x10;
	v41 =	vand.u32 $0x1, v39  }
0x18d: {  	v21 =	vld.idx.msk [tilespmem:v60+s29+$0x0], $0xffff;
	v25 =	vor.u32 $0x1E, v1;
	v39 =	vor.u32 $0x21, v1;
	v30 =	vand.u32 $0xFFFF0000, v7  }
0x18e: {  	v7 =	vadd.s32 v31, v10;
	v13 =	vand.u32 $0x1, v34;
	v24 =	vshrl.u32 v17, $0x10  }
0x18f: {  	v10 =	vld.idx.msk [tilespmem:v32+s29+$0x0], $0xffff;
	v31 =	vbroadcast v4, $0xC;
	v32 =	vor.u32 $0x20, v1;
	v5 =	vadd.f32 v6, v5  }
0x190: {  	v6 =	vmul.f32 v30, v28;
	v7 =	vadd.s32 $0x7FFF, v7;
	v37 =	vadd.s32 v13, v8  }
0x191: {  	v44 =	vshrl.u32 v11, $0x10;
	v30 =	vor.u32 $0x1F, v1;
	v7 =	vand.u32 $0xFFFF0000, v7  }
0x192: {  	v47 =	vand.u32 $0x1, v44;
	v28 =	vshrl.u32 v21, $0x10;
	v44 =	vbroadcast v4, $0xE  }
0x193: {  	v8 =	vld.idx.msk [tilespmem:v42+s29+$0x0], $0xffff;
	v5 =	vadd.f32 v6, v5;
	v36 =	vmul.f32 v7, v33;
	v7 =	vadd.s32 $0x7FFF, v37  }
0x194: {  	v37 =	vbroadcast v4, $0xD;
	v4 =	vbroadcast v4, $0xF;
	v40 =	vand.u32 $0xFFFF0000, v7  }
0x195: {  	v26 =	vld.idx.msk [tilespmem:v18+s29+$0x0], $0xffff;
	v7 =	vadd.s32 v41, v9;
	v5 =	vadd.f32 v36, v5;
	v6 =	vmul.f32 v40, v38  }
0x196: {  	v7 =	vadd.s32 $0x7FFF, v7;
	v50 =	vshrl.u32 v10, $0x10;
	v40 =	vand.u32 $0x1, v35  }
0x197: {  	v46 =	vand.u32 $0xFFFF0000, v7;
	v7 =	vadd.s32 v47, v11;
	v52 =	vand.u32 $0x1, v50  }
0x198: {  	v59 =	vshrl.u32 v8, $0x10;
	v3 =	vadd.s32 v40, v3;
	v50 =	vor.u32 $0x23, v1  }
0x199: {  	v5 =	vadd.f32 v6, v5;
	v6 =	vmul.f32 v46, v43;
	v7 =	vadd.s32 $0x7FFF, v7  }
0x19a: {  	v9 =	vld.idx.msk [tilespmem:v48+s29+$0x0], $0xffff;
	v11 =	vand.u32 $0x1, v59;
	v12 =	vshrl.u32 v26, $0x10;
	v46 =	vor.u32 $0x22, v1  }
0x19b: {  	v3 =	vadd.s32 $0x7FFF, v3;
	v59 =	vor.u32 $0x25, v1;
	v51 =	vand.u32 $0xFFFF0000, v7  }
0x19c: {  	v41 =	vld.idx.msk [tilespmem:v32+s29+$0x0], $0xffff;
	v7 =	vadd.s32 v52, v10;
	v10 =	vand.u32 $0x1, v53;
	v62 =	vadd.s32 v11, v8  }
0x19d: {  	v34 =	vand.u32 $0x1, v12;
	v3 =	vand.u32 $0xFFFF0000, v3;
	v5 =	vadd.f32 v6, v5  }
0x19e: {  	v48 =	vld.idx.msk [tilespmem:v39+s29+$0x0], $0xffff;
	v6 =	vmul.f32 v51, v49;
	v7 =	vadd.s32 $0x7FFF, v7;
	v10 =	vadd.s32 v10, v45  }
0x19f: {  	v16 =	vshrl.u32 v9, $0x10;
	v53 =	vbroadcast v3, $0x0;
	v32 =	vbroadcast v3, $0x5  }
0x1a0: {  	v8 =	vld.idx.msk [tilespmem:v30+s29+$0x0], $0xffff;
	v7 =	vand.u32 $0xFFFF0000, v7;
	v57 =	vadd.s32 $0x7FFF, v10;
	v10 =	vand.u32 $0x1, v16  }
0x1a1: {  	v49 =	vshrl.u32 v41, $0x10;
	v16 =	vor.u32 $0x26, v1;
	v5 =	vadd.f32 v6, v5  }
0x1a2: {  	v56 =	vmul.f32 v7, v54;
	v7 =	vand.u32 $0xFFFF0000, v57;
	v20 =	vadd.s32 v10, v9  }
0x1a3: {  	v9 =	vld.idx.msk [tilespmem:v25+s29+$0x0], $0xffff;
	v54 =	vshrl.u32 v48, $0x10;
	v61 =	vmul.f32 v7, v58;
	v7 =	vadd.s32 $0x7FFF, v62  }
0x1a4: {  	v12 =	vld.idx.msk [tilespmem:v50+s29+$0x0], $0xffff;
	v25 =	vor.u32 $0x28, v1;
	v58 =	vbroadcast v3, $0x1;
	v7 =	vand.u32 $0xFFFF0000, v7  }
0x1a5: {  	v5 =	vadd.f32 v56, v5;
	v45 =	vshrl.u32 v8, $0x10;
	v19 =	vmul.f32 v7, v63  }
0x1a6: {  	v52 =	vld.idx.msk [tilespmem:v46+s29+$0x0], $0xffff;
	v7 =	vadd.s32 $0x7FFF, v20;
	v47 =	vand.u32 $0x1, v45;
	v20 =	vbroadcast v3, $0x3  }
0x1a7: {  	v63 =	vld.idx.msk [tilespmem:v55+s29+$0x0], $0xffff;
	v55 =	vor.u32 $0x2D, v1;
	v23 =	vand.u32 $0xFFFF0000, v7;
	v7 =	vand.u32 $0x1, v24  }
0x1a8: {  	v5 =	vadd.f32 v61, v5;
	v6 =	vmul.f32 v23, v22;
	v27 =	vadd.s32 v7, v17  }
0x1a9: {  	v7 =	vand.u32 $0x1, v28;
	v38 =	vshrl.u32 v9, $0x10;
	v15 =	vshrl.u32 v12, $0x10  }
0x1aa: {  	v17 =	vbroadcast v3, $0x2;
	v22 =	vor.u32 $0x27, v1;
	v5 =	vadd.f32 v19, v5  }
0x1ab: {  	v7 =	vadd.s32 v7, v21;
	v10 =	vand.u32 $0x1, v38;
	v60 =	vshrl.u32 v52, $0x10  }
0x1ac: {  	v7 =	vadd.s32 $0x7FFF, v7;
	v42 =	vadd.s32 v10, v9;
	v10 =	vand.u32 $0x1, v54  }
0x1ad: {  	v62 =	vand.u32 $0x1, v60;
	v9 =	vld.idx.msk [tilespmem:v59+s29+$0x0], $0xffff;
	v59 =	vbroadcast v3, $0xA;
	v5 =	vadd.f32 v6, v5  }
0x1ae: {  	v6 =	vadd.s32 $0x7FFF, v27;
	v7 =	vand.u32 $0xFFFF0000, v7;
	v43 =	vadd.s32 $0x7FFF, v42  }
0x1af: {  	v57 =	vadd.s32 v10, v48;
	v21 =	vshrl.u32 v63, $0x10;
	v42 =	vor.u32 $0x2B, v1  }
0x1b0: {  	v10 =	vld.idx.msk [tilespmem:v16+s29+$0x0], $0xffff;
	v48 =	vbroadcast v3, $0x8;
	v16 =	vor.u32 $0x2E, v1;
	v6 =	vand.u32 $0xFFFF0000, v6  }
0x1b1: {  	v33 =	vmul.f32 v7, v31;
	v7 =	vadd.s32 v34, v26;
	v24 =	vand.u32 $0x1, v21  }
0x1b2: {  	v26 =	vbroadcast v3, $0x4;
	v31 =	vor.u32 $0x29, v1;
	v21 =	vshrl.u32 v2, $0x10  }
0x1b3: {  	v6 =	vmul.f32 v6, v29;
	v36 =	vadd.s32 $0x7FFF, v7;
	v7 =	vadd.s32 v47, v8  }
0x1b4: {  	v8 =	vand.u32 $0x1, v49;
	v49 =	vor.u32 $0x2C, v1;
	v7 =	vadd.s32 $0x7FFF, v7  }
0x1b5: {  	v8 =	vadd.s32 v8, v41;
	v5 =	vadd.f32 v6, v5;
	v6 =	vand.u32 $0xFFFF0000, v36  }
0x1b6: {  	v30 =	vld.idx.msk [tilespmem:v22+s29+$0x0], $0xffff;
	v7 =	vand.u32 $0xFFFF0000, v7;
	v51 =	vadd.s32 $0x7FFF, v8;
	v36 =	vbroadcast v3, $0x6  }
0x1b7: {  	v27 =	vshrl.u32 v9, $0x10;
	v6 =	vmul.f32 v6, v37;
	v4 =	vmul.f32 v7, v4  }
0x1b8: {  	v7 =	vand.u32 $0x1, v15;
	v29 =	vand.u32 $0x1, v27;
	v37 =	vor.u32 $0x2A, v1  }
0x1b9: {  	v27 =	vand.u32 $0x1, v21;
	v21 =	vor.u32 $0x3A, v1;
	v5 =	vadd.f32 v33, v5  }
0x1ba: {  	v7 =	vadd.s32 v7, v12;
	v33 =	vshrl.u32 v10, $0x10;
	v2 =	vadd.s32 v27, v2  }
0x1bb: {  	v50 =	vld.idx.msk [tilespmem:v42+s29+$0x0], $0xffff;
	v19 =	vadd.s32 $0x7FFF, v7;
	v12 =	vand.u32 $0x1, v33;
	v38 =	vshrl.u32 v30, $0x10  }
0x1bc: {  	v7 =	vld.idx.msk [tilespmem:v25+s29+$0x0], $0xffff;
	v25 =	vbroadcast v3, $0xC;
	v2 =	vadd.s32 $0x7FFF, v2;
	v5 =	vadd.f32 v6, v5  }
0x1bd: {  	v6 =	vand.u32 $0xFFFF0000, v43;
	v23 =	vand.u32 $0xFFFF0000, v19;
	v35 =	vadd.s32 v12, v10  }
0x1be: {  	v40 =	vand.u32 $0x1, v38;
	v2 =	vand.u32 $0xFFFF0000, v2;
	v6 =	vmul.f32 v6, v44  }
0x1bf: {  	v43 =	vbroadcast v3, $0x7;
	v38 =	vor.u32 $0x33, v1;
	v12 =	vbroadcast v2, $0x4  }
0x1c0: {  	v27 =	vbroadcast v2, $0x7;
	v5 =	vadd.f32 v6, v5;
	v6 =	vand.u32 $0xFFFF0000, v51  }
0x1c1: {  	v46 =	vld.idx.msk [tilespmem:v37+s29+$0x0], $0xffff;
	v60 =	vshrl.u32 v50, $0x10;
	v56 =	vmul.f32 v6, v53;
	v6 =	vadd.s32 $0x7FFF, v57  }
0x1c2: {  	v41 =	vshrl.u32 v7, $0x10;
	v53 =	vbroadcast v3, $0x9;
	v4 =	vadd.f32 v4, v5  }
0x1c3: {  	v6 =	vand.u32 $0xFFFF0000, v6;
	v5 =	vmul.f32 v23, v20;
	v8 =	vand.u32 $0x1, v41  }
0x1c4: {  	v20 =	vor.u32 $0x2F, v1;
	v61 =	vmul.f32 v6, v58;
	v6 =	vadd.s32 v62, v52  }
0x1c5: {  	v45 =	vadd.s32 v8, v7;
	v58 =	vld.idx.msk [tilespmem:v49+s29+$0x0], $0xffff;
	v62 =	vand.u32 $0x1, v60;
	v49 =	vbroadcast v2, $0x1  }
0x1c6: {  	v4 =	vadd.f32 v56, v4;
	v6 =	vadd.s32 $0x7FFF, v6;
	v54 =	vshrl.u32 v46, $0x10  }
0x1c7: {  	v6 =	vand.u32 $0xFFFF0000, v6;
	v10 =	vand.u32 $0x1, v54;
	v54 =	vbroadcast v2, $0x2  }
0x1c8: {  	v4 =	vadd.f32 v61, v4;
	v18 =	vmul.f32 v6, v17;
	v6 =	vadd.s32 v24, v63  }
0x1c9: {  	v57 =	vadd.s32 v10, v46;
	v63 =	vld.idx.msk [tilespmem:v55+s29+$0x0], $0xffff;
	v17 =	vbroadcast v3, $0xB;
	v6 =	vadd.s32 $0x7FFF, v6  }
0x1ca: {  	v24 =	vld.idx.msk [tilespmem:v16+s29+$0x0], $0xffff;
	v16 =	vor.u32 $0x39, v1;
	v4 =	vadd.f32 v18, v4;
	v28 =	vand.u32 $0xFFFF0000, v6  }
0x1cb: {  	v10 =	vld.idx.msk [tilespmem:v20+s29+$0x0], $0xffff;
	v6 =	vadd.s32 v29, v9;
	v19 =	vshrl.u32 v58, $0x10;
	v29 =	vor.u32 $0x31, v1  }
0x1cc: {  	v9 =	vld.idx.msk [tilespmem:v31+s29+$0x0], $0xffff;
	v6 =	vadd.s32 $0x7FFF, v6;
	v4 =	vadd.f32 v5, v4;
	v5 =	vmul.f32 v28, v26  }
0x1cd: {  	v6 =	vand.u32 $0xFFFF0000, v6;
	v26 =	vor.u32 $0x30, v1;
	v28 =	vbroadcast v3, $0xD  }
0x1ce: {  	v34 =	vmul.f32 v6, v32;
	v6 =	vadd.s32 $0x7FFF, v35;
	v23 =	vshrl.u32 v63, $0x10  }
0x1cf: {  	v31 =	vshrl.u32 v24, $0x10;
	v35 =	vbroadcast v3, $0xE;
	v6 =	vand.u32 $0xFFFF0000, v6  }
0x1d0: {  	v3 =	vbroadcast v3, $0xF;
	v4 =	vadd.f32 v5, v4;
	v39 =	vmul.f32 v6, v36  }
0x1d1: {  	v6 =	vadd.s32 v40, v30;
	v47 =	vshrl.u32 v9, $0x10;
	v36 =	vshrl.u32 v10, $0x10  }
0x1d2: {  	v4 =	vadd.f32 v34, v4;
	v6 =	vadd.s32 $0x7FFF, v6;
	v8 =	vand.u32 $0x1, v47  }
0x1d3: {  	v34 =	vor.u32 $0x32, v1;
	v11 =	vand.u32 $0x1, v36;
	v36 =	vor.u32 $0x3D, v1  }
0x1d4: {  	v44 =	vand.u32 $0xFFFF0000, v6;
	v6 =	vadd.s32 $0x7FFF, v45;
	v8 =	vadd.s32 v8, v9  }
0x1d5: {  	v32 =	vld.idx.msk [tilespmem:v26+s29+$0x0], $0xffff;
	v37 =	vadd.s32 v11, v10;
	v26 =	vor.u32 $0x3B, v1;
	v4 =	vadd.f32 v39, v4  }
0x1d6: {  	v5 =	vmul.f32 v44, v43;
	v6 =	vand.u32 $0xFFFF0000, v6;
	v52 =	vadd.s32 $0x7FFF, v8  }
0x1d7: {  	v7 =	vadd.s32 $0x7FFF, v37;
	v43 =	vor.u32 $0x34, v1;
	v44 =	vbroadcast v2, $0x0  }
0x1d8: {  	v10 =	vld.idx.msk [tilespmem:v38+s29+$0x0], $0xffff;
	v37 =	vbroadcast v2, $0x9;
	v51 =	vmul.f32 v6, v48;
	v6 =	vand.u32 $0xFFFF0000, v52  }
0x1d9: {  	v40 =	vand.u32 $0xFFFF0000, v7;
	v48 =	vor.u32 $0x35, v1;
	v4 =	vadd.f32 v5, v4  }
0x1da: {  	v8 =	vld.idx.msk [tilespmem:v29+s29+$0x0], $0xffff;
	v56 =	vmul.f32 v6, v53;
	v6 =	vadd.s32 $0x7FFF, v57;
	v3 =	vmul.f32 v40, v3  }
0x1db: {  	v53 =	vor.u32 $0x36, v1;
	v61 =	vand.u32 $0xFFFF0000, v6;
	v6 =	vadd.s32 v62, v50  }
0x1dc: {  	v4 =	vadd.f32 v51, v4;
	v5 =	vmul.f32 v61, v59;
	v6 =	vadd.s32 $0x7FFF, v6  }
0x1dd: {  	v39 =	vshrl.u32 v32, $0x10;
	v55 =	vshrl.u32 v10, $0x10;
	v59 =	vbroadcast v2, $0x3  }
0x1de: {  	v18 =	vand.u32 $0xFFFF0000, v6;
	v6 =	vand.u32 $0x1, v19;
	v41 =	vand.u32 $0x1, v39  }
0x1df: {  	v45 =	vshrl.u32 v8, $0x10;
	v4 =	vadd.f32 v56, v4;
	v6 =	vadd.s32 v6, v58  }
0x1e0: {  	v58 =	vor.u32 $0x37, v1;
	v22 =	vadd.s32 $0x7FFF, v6;
	v6 =	vand.u32 $0x1, v23  }
0x1e1: {  	v4 =	vadd.f32 v5, v4;
	v5 =	vmul.f32 v18, v17;
	v6 =	vadd.s32 v6, v63  }
0x1e2: {  	v42 =	vadd.s32 v41, v32;
	v41 =	vor.u32 $0x3E, v1;
	v6 =	vadd.s32 $0x7FFF, v6  }
0x1e3: {  	v4 =	vadd.f32 v5, v4;
	v5 =	vand.u32 $0xFFFF0000, v22;
	v6 =	vand.u32 $0xFFFF0000, v6  }
0x1e4: {  	v7 =	vld.idx.msk [tilespmem:v43+s29+$0x0], $0xffff;
	v5 =	vmul.f32 v5, v25;
	v30 =	vmul.f32 v6, v28;
	v6 =	vand.u32 $0x1, v31  }
0x1e5: {  	v63 =	vor.u32 $0x38, v1;
	v9 =	vld.idx.msk [tilespmem:v58+s29+$0x0], $0xffff;
	v31 =	vor.u32 $0x3C, v1;
	v33 =	vadd.s32 v6, v24  }
0x1e6: {  	v1 =	vor.u32 $0x3F, v1;
	v6 =	vld.idx.msk [tilespmem:v34+s29+$0x0], $0xffff;
	v4 =	vadd.f32 v5, v4;
	v5 =	vadd.s32 $0x7FFF, v33  }
0x1e7: {  	v57 =	vand.u32 $0x1, v55;
	v47 =	vand.u32 $0x1, v45;
	v5 =	vand.u32 $0xFFFF0000, v5  }
0x1e8: {  	v32 =	vbroadcast v2, $0x8;
	v4 =	vadd.f32 v30, v4;
	v5 =	vmul.f32 v5, v35  }
0x1e9: {  	v17 =	vbroadcast v2, $0x5;
	v60 =	vshrl.u32 v7, $0x10;
	v22 =	vbroadcast v2, $0x6  }
0x1ea: {  	v62 =	vand.u32 $0x1, v60;
	v23 =	vshrl.u32 v9, $0x10;
	v4 =	vadd.f32 v5, v4  }
0x1eb: {  	v1 =	vld.idx.msk [tilespmem:v1+s29+$0x0], $0xffff;
	v5 =	vadd.s32 $0x7FFF, v42;
	v50 =	vshrl.u32 v6, $0x10;
	v25 =	vand.u32 $0x1, v23  }
0x1ec: {  	v42 =	vbroadcast v2, $0xA;
	v46 =	vand.u32 $0xFFFF0000, v5;
	v5 =	vadd.s32 v47, v8  }
0x1ed: {  	v8 =	vld.idx.msk [tilespmem:v48+s29+$0x0], $0xffff;
	v3 =	vadd.f32 v3, v4;
	v4 =	vmul.f32 v46, v44;
	v5 =	vadd.s32 $0x7FFF, v5  }
0x1ee: {  	v52 =	vand.u32 $0x1, v50;
	v50 =	vbroadcast v2, $0xC;
	v51 =	vand.u32 $0xFFFF0000, v5  }
0x1ef: {  	v5 =	vadd.s32 v52, v6;
	v3 =	vadd.f32 v4, v3;
	v4 =	vmul.f32 v51, v49  }
0x1f0: {  	v46 =	vbroadcast v2, $0xB;
	v6 =	vld.idx.msk [tilespmem:v53+s29+$0x0], $0xffff;
	v5 =	vadd.s32 $0x7FFF, v5;
	v58 =	vshrl.u32 v1, $0x10  }
0x1f1: {  	v56 =	vand.u32 $0xFFFF0000, v5;
	v5 =	vadd.s32 v57, v10;
	v3 =	vadd.f32 v4, v3  }
0x1f2: {  	v4 =	vmul.f32 v56, v54;
	v5 =	vadd.s32 $0x7FFF, v5;
	v13 =	vshrl.u32 v8, $0x10  }
0x1f3: {  	v54 =	vbroadcast v2, $0xD;
	v61 =	vand.u32 $0xFFFF0000, v5;
	v5 =	vadd.s32 v62, v7  }
0x1f4: {  	v7 =	vld.idx.msk [tilespmem:v63+s29+$0x0], $0xffff;
	v3 =	vadd.f32 v4, v3;
	v4 =	vmul.f32 v61, v59;
	v5 =	vadd.s32 $0x7FFF, v5  }
0x1f5: {  	v15 =	vand.u32 $0x1, v13;
	v18 =	vshrl.u32 v6, $0x10;
	v14 =	vand.u32 $0xFFFF0000, v5  }
0x1f6: {  	v5 =	vadd.s32 v15, v8;
	v3 =	vadd.f32 v4, v3;
	v4 =	vmul.f32 v14, v12  }
0x1f7: {  	v59 =	vbroadcast v2, $0xE;
	v20 =	vand.u32 $0x1, v18;
	v8 =	vld.idx.msk [tilespmem:v16+s29+$0x0], $0xffff;
	v5 =	vadd.s32 $0x7FFF, v5  }
0x1f8: {  	v19 =	vand.u32 $0xFFFF0000, v5;
	v5 =	vadd.s32 v20, v6;
	v3 =	vadd.f32 v4, v3  }
0x1f9: {  	v6 =	vld.idx.msk [tilespmem:v21+s29+$0x0], $0xffff;
	v4 =	vmul.f32 v19, v17;
	v5 =	vadd.s32 $0x7FFF, v5;
	v28 =	vshrl.u32 v7, $0x10  }
0x1fa: {  	v24 =	vand.u32 $0xFFFF0000, v5;
	v5 =	vadd.s32 v25, v9;
	v30 =	vand.u32 $0x1, v28  }
0x1fb: {  	v9 =	vld.idx.msk [tilespmem:v26+s29+$0x0], $0xffff;
	v3 =	vadd.f32 v4, v3;
	v4 =	vmul.f32 v24, v22;
	v5 =	vadd.s32 $0x7FFF, v5  }
0x1fc: {  	v33 =	vshrl.u32 v8, $0x10;
	v29 =	vand.u32 $0xFFFF0000, v5;
	v5 =	vadd.s32 v30, v7  }
0x1fd: {  	v3 =	vadd.f32 v4, v3;
	v4 =	vmul.f32 v29, v27;
	v5 =	vadd.s32 $0x7FFF, v5  }
0x1fe: {  	v35 =	vand.u32 $0x1, v33;
	v7 =	vld.idx.msk [tilespmem:v31+s29+$0x0], $0xffff;
	v38 =	vshrl.u32 v6, $0x10;
	v34 =	vand.u32 $0xFFFF0000, v5  }
0x1ff: {  	v5 =	vadd.s32 v35, v8;
	v40 =	vand.u32 $0x1, v38;
	v3 =	vadd.f32 v4, v3  }
0x200: {  	v8 =	vld.idx.msk [tilespmem:v36+s29+$0x0], $0xffff;
	v4 =	vmul.f32 v34, v32;
	v5 =	vadd.s32 $0x7FFF, v5;
	v43 =	vshrl.u32 v9, $0x10  }
0x201: {  	v39 =	vand.u32 $0xFFFF0000, v5;
	v5 =	vadd.s32 v40, v6;
	v11 =	vand.u32 $0x1, v43  }
0x202: {  	v6 =	vld.idx.msk [tilespmem:v41+s29+$0x0], $0xffff;
	v3 =	vadd.f32 v4, v3;
	v4 =	vmul.f32 v39, v37;
	v5 =	vadd.s32 $0x7FFF, v5  }
0x203: {  	v45 =	vadd.s32 v11, v9;
	v47 =	vshrl.u32 v7, $0x10;
	v5 =	vand.u32 $0xFFFF0000, v5  }
0x204: {  	v10 =	vand.u32 $0x1, v47;
	v3 =	vadd.f32 v4, v3;
	v44 =	vmul.f32 v5, v42  }
0x205: {  	v5 =	vadd.s32 $0x7FFF, v45;
	v49 =	vadd.s32 v10, v7;
	v51 =	vshrl.u32 v8, $0x10  }
0x206: {  	v5 =	vand.u32 $0xFFFF0000, v5;
	v9 =	vand.u32 $0x1, v51;
	v3 =	vadd.f32 v44, v3  }
0x207: {  	v48 =	vmul.f32 v5, v46;
	v5 =	vadd.s32 $0x7FFF, v49;
	v55 =	vshrl.u32 v6, $0x10  }
0x208: {  	v53 =	vadd.s32 v9, v8;
	v5 =	vand.u32 $0xFFFF0000, v5;
	v57 =	vand.u32 $0x1, v55  }
0x209: {  	v3 =	vadd.f32 v48, v3;
	v52 =	vmul.f32 v5, v50;
	v5 =	vadd.s32 $0x7FFF, v53  }
0x20a: {  	v56 =	vand.u32 $0xFFFF0000, v5;
	v5 =	vadd.s32 v57, v6;
	v6 =	vand.u32 $0x1, v58  }
0x20b: {  	v3 =	vadd.f32 v52, v3;
	v4 =	vmul.f32 v56, v54;
	v5 =	vadd.s32 $0x7FFF, v5  }
0x20c: {  	v2 =	vbroadcast v2, $0xF;
	v1 =	vadd.s32 v6, v1;
	v60 =	vand.u32 $0xFFFF0000, v5  }
0x20d: {  	v1 =	vadd.s32 $0x7FFF, v1;
	v3 =	vadd.f32 v4, v3;
	v4 =	vmul.f32 v60, v59  }
0x20e: {  	v1 =	vand.u32 $0xFFFF0000, v1  }
0x20f: {  	v1 =	vmul.f32 v1, v2;
	v3 =	vadd.f32 v4, v3;
	_ =	sdelay $0x1  }
0x210: {  	v1 =	vadd.f32 v1, v3;
	_ =	sdelay $0x1  }
0x211: {  	v61 =	vmul.f32 $1.442695020e+00, v1;
	_ =	sdelay $0x1  }
0x212: {  	(erf) = vpow2.f32 v61;
	_ =	sdelay $0x8  }
0x213: {  	v2 =	vpop (erf)  }
0x214: {  	v2 =	vadd.f32 $1.000000000e+00, v2;
	_ =	sdelay $0x1  }
0x215: {  	(erf) = vrcp.f32 v2;
	_ =	sdelay $0x7  }
0x216: {  	vm15 =	vlt.u32 v0, $0x32  }
0x217: {  	v63 =	vnsel vm15, $0x0, v1;
	v2 =	vpop (erf)  }
0x218: {  	s30 =	sshll.u32 s5, $0x8;
	[tilespmem:$0x8B00] =	vst v63;
	v62 =	vnsel vm14, $0x0, v2  }
0x219: {  	s31 =	simm.s32 $0x8A80;
	s6 =	sadd.s32 s30, s4;
	[tilespmem:$0x8A80] =	vst v62  }
0x21a: {  	[spmem:s6] =	stream.linear.scatter [tilespmem:s31], [sflag:$0x2], $0x100, $0x38;
	[tilespmem:$0x9C20] =	vst v63  }
0x21b: {  	_ =	swait.ge [sflag:s3], $0x100  }
0x21c: {  	[sflag:s3] =	ssyncset.done $0x0  }
0x21d: {  	[sflag:s3] =	ssyncadd.s32 $0xFFFFFF00  }
0x21e: {  	p0 =	sne.s32 s5, $0x0;
	[bflag:$0x0] =	sbarrier.arrive $0xFFFF  }
0x21f: {  	_ =	sfence.sel @p0 $0x180000  }
0x220: {  	[bflag:$0x0] =	sbarrier.arrive @p0 $0xFFFF  }
0x221: {  	_ =	strace @p0 $0x90000047  }
0x222: {  	[bflag:$0x2] =	sbarrier.arrive @p0 $0xFFFF  }
0x223: {  	_ =	shalt @p0  }
.LBB2_1:
0x224: {  	s5 =	simm.s32 $0x8B80  }
0x225: {  	[tilespmem:s5], [sflag:$0x2] =	stream.linear.gather [spmem:s4], $0x1000, $0x38;
	[tilespmem:$0x9C20] =	vst v63  }
0x226: {  	_ =	swait.ge [sflag:s3], $0x1000  }
0x227: {  	[sflag:s3] =	ssyncset.done $0x0  }
0x228: {  	[sflag:s3] =	ssyncadd.s32 $0xFFFFF000  }
0x229: {  	v0 =	vld [tilespmem:$0x8B80]  }
0x22a: {  	v1 =	vld [tilespmem:$0x8C00]  }
0x22b: {  	v2 =	vld [tilespmem:$0x8C80]  }
0x22c: {  	v3 =	vld [tilespmem:$0x8D00]  }
0x22d: {  	v4 =	vld [tilespmem:$0x8D80]  }
0x22e: {  	v5 =	vld [tilespmem:$0x8E00];
	v0 =	vadd.f32 $0.0e+00, v0  }
0x22f: {  	v6 =	vld [tilespmem:$0x8E80];
	v1 =	vadd.f32 $0.0e+00, v1  }
0x230: {  	v36 =	vld [tilespmem:$0x8F00];
	v0 =	vadd.f32 v2, v0  }
0x231: {  	v37 =	vld [tilespmem:$0x8F80];
	v1 =	vadd.f32 v3, v1  }
0x232: {  	v38 =	vld [tilespmem:$0x9000];
	v0 =	vadd.f32 v4, v0  }
0x233: {  	v39 =	vld [tilespmem:$0x9080];
	v1 =	vadd.f32 v5, v1  }
0x234: {  	v40 =	vld [tilespmem:$0x9100];
	v0 =	vadd.f32 v6, v0  }
0x235: {  	v41 =	vld [tilespmem:$0x9180];
	v1 =	vadd.f32 v36, v1  }
0x236: {  	v42 =	vld [tilespmem:$0x9200];
	v0 =	vadd.f32 v37, v0  }
0x237: {  	v43 =	vld [tilespmem:$0x9280];
	v1 =	vadd.f32 v38, v1  }
0x238: {  	v44 =	vld [tilespmem:$0x9300];
	v0 =	vadd.f32 v39, v0  }
0x239: {  	v45 =	vld [tilespmem:$0x9380];
	v1 =	vadd.f32 v40, v1  }
0x23a: {  	v46 =	vld [tilespmem:$0x9400];
	v0 =	vadd.f32 v41, v0  }
0x23b: {  	v47 =	vld [tilespmem:$0x9480];
	v1 =	vadd.f32 v42, v1  }
0x23c: {  	v48 =	vld [tilespmem:$0x9500];
	v0 =	vadd.f32 v43, v0  }
0x23d: {  	v49 =	vld [tilespmem:$0x9580];
	v1 =	vadd.f32 v44, v1  }
0x23e: {  	v50 =	vld [tilespmem:$0x9600];
	v0 =	vadd.f32 v45, v0  }
0x23f: {  	v51 =	vld [tilespmem:$0x9680];
	v1 =	vadd.f32 v46, v1  }
0x240: {  	v52 =	vld [tilespmem:$0x9700];
	v0 =	vadd.f32 v47, v0  }
0x241: {  	v53 =	vld [tilespmem:$0x9780];
	v1 =	vadd.f32 v48, v1  }
0x242: {  	v54 =	vld [tilespmem:$0x9800];
	v0 =	vadd.f32 v49, v0  }
0x243: {  	v55 =	vld [tilespmem:$0x9880];
	v1 =	vadd.f32 v50, v1  }
0x244: {  	v56 =	vld [tilespmem:$0x9900];
	v0 =	vadd.f32 v51, v0  }
0x245: {  	v57 =	vld [tilespmem:$0x9980];
	v1 =	vadd.f32 v52, v1  }
0x246: {  	v58 =	vld [tilespmem:$0x9A00];
	v0 =	vadd.f32 v53, v0  }
0x247: {  	v59 =	vld [tilespmem:$0x9A80];
	v1 =	vadd.f32 v54, v1  }
0x248: {  	v60 =	vld [tilespmem:$0x9B00];
	v0 =	vadd.f32 v55, v0  }
0x249: {  	v1 =	vadd.f32 v56, v1  }
0x24a: {  	v0 =	vadd.f32 v57, v0  }
0x24b: {  	v1 =	vadd.f32 v58, v1  }
0x24c: {  	v0 =	vadd.f32 v59, v0  }
0x24d: {  	v1 =	vadd.f32 v60, v1  }
0x24e: {  	(xrf2) =	vadd.scan.msk.f32 $0xffff, v0  }
0x24f: {  	(xrf2) =	vadd.scan.msk.f32 $0xffff, v1;
	_ =	sdelay $0x8  }
0x250: {  	v0, _, _ =	vpop (xrf2)  }
0x251: {  	v1, _, _ =	vpop (xrf2)  }
0x252: {  	v1 =	vadd.f32 $0.0e+00, v1;
	_ =	sdelay $0x1  }
0x253: {  	v1 =	vsub.f32 $0.0e+00, v1;
	_ =	sdelay $0x1  }
0x254: {  	v1 =	vmul.f32 $1.442695020e+00, v1;
	_ =	sdelay $0x1  }
0x255: {  	v1 =	vbroadcast v1, $0xF;
	_ =	sdelay $0x1  }
0x256: {  	(erf) = vpow2.f32 v1;
	_ =	sdelay $0x8  }
0x257: {  	v1 =	vpop (erf)  }
0x258: {  	v1 =	vadd.f32 $1.000000000e+00, v1;
	_ =	sdelay $0x1  }
0x259: {  	(erf) = vrcp.f32 v1;
	_ =	sdelay $0x8  }
0x25a: {  	v1 =	vpop (erf)  }
0x25b: {  	v1 =	vmax.f32 v1, $1.000000010e-07  }
0x25c: {  	v1 =	vmin.f32 v1, $9.999998800e-01  }
0x25d: {  	v61 =	vand.u32 $0x7FFFFF, v1  }
0x25e: {  	v2 =	vor.u32 $0x3F800000, v61  }
0x25f: {  	v62 =	vadd.f32 $1.000000000e+00, v2;
	_ =	sdelay $0x1  }
0x260: {  	(erf) = vrcp.f32 v62;
	_ =	sdelay $0x7  }
0x261: {  	v2 =	vadd.f32 $-1.000000000e+00, v2  }
0x262: {  	v3 =	vpop (erf)  }
0x263: {  	v2 =	vmul.f32 v3, v2;
	_ =	sdelay $0x1  }
0x264: {  	v3 =	vmul.f32 v2, v2;
	_ =	sdelay $0x1  }
0x265: {  	v63 =	vmul.f32 $1.111111120e-01, v3;
	_ =	sdelay $0x1  }
0x266: {  	v4 =	vadd.f32 $1.428571490e-01, v63;
	_ =	sdelay $0x1  }
0x267: {  	v4 =	vmul.f32 v4, v3;
	_ =	sdelay $0x1  }
0x268: {  	v4 =	vadd.f32 $2.000000030e-01, v4;
	_ =	sdelay $0x1  }
0x269: {  	v4 =	vmul.f32 v4, v3;
	_ =	sdelay $0x1  }
0x26a: {  	v4 =	vadd.f32 $3.333333430e-01, v4;
	_ =	sdelay $0x1  }
0x26b: {  	v1 =	vshrl.u32 v1, $0x17;
	v3 =	vmul.f32 v4, v3  }
0x26c: {  	v1 =	vadd.s32 $0xFFFFFF81, v1  }
0x26d: {  	v1 =	vcvt.s32.f32 v1;
	v2 =	vadd.f32 v2, v2;
	v3 =	vadd.f32 $1.000000000e+00, v3;
	_ =	sdelay $0x1  }
0x26e: {  	v0 =	vadd.f32 $0.0e+00, v0;
	v1 =	vmul.f32 $6.931471820e-01, v1;
	v2 =	vmul.f32 v3, v2;
	_ =	sdelay $0x1  }
0x26f: {  	v0 =	vmax.f32 v0, $1.000000010e-07;
	v1 =	vadd.f32 v2, v1  }
0x270: {  	v0 =	vmin.f32 v0, $9.999998800e-01  }
0x271: {  	v0 =	vbroadcast v0, $0xF;
	v1 =	vsub.f32 $0.0e+00, v1;
	_ =	sdelay $0x1  }
0x272: {  	v0 =	vsub.f32 v1, v0;
	_ =	sdelay $0x1  }
0x273: {  	s31 =	simm.s32 $0x9B80;
	[tilespmem:$0x9B80] =	vst v0  }
0x274: {  	[hbm4b:s1+s2] =	stream.linear.scatter [tilespmem:s31], [sflag:$0x2], $0x8, $0x38;
	[tilespmem:$0x9C20] =	vst v63  }
0x275: {  	_ =	swait.ge [sflag:s3], $0x8  }
0x276: {  	[sflag:s3] =	ssyncset.done $0x0  }
0x277: {  	[sflag:s3] =	ssyncadd.s32 $0xFFFFFFF8  }
0x278: {  	_ =	sfence.sel $0x180000  }
0x279: {  	[bflag:$0x0] =	sbarrier.arrive $0xFFFF  }
0x27a: {  	_ =	strace $0x90000047  }
0x27b: {  	s0 =	sadd.s32 $0x100000, s0;
	[bflag:$0x2] =	sbarrier.arrive $0xFFFF  }
0x27c: {  	[sflag:s0] =	ssyncadd.tile.s32 $0x1;
	_ =	shalt  }
.Lfunc_end2:
_tile_overlayer_lowered:
.L_overlay_start_2:
0x27d: {  	(tag) =	ssettag $0x2  }
0x27e: {  	s0 =	rddreg [dreg:$0x0];
	s2 =	stileid.u32  }
0x27f: {  	s1 =	rddreg [dreg:$0x1];
	p0 =	sne.s32 s2, $0x0  }
0x280: {  	s3 =	rddreg [dreg:$0x2];
	[bflag:$0x3] =	sbarrier.arrive $0xFFFF;
	s2 =	simm.s32 @!p0 $0x1C02  }
0x281: {  	[timem:s3], [sflag:s2] =	dma.local @!p0 [hbm:s0], s1  }
0x282: {  	s0 =	simm.s32 @!p0 $0x2  }
0x283: {  	_ =	swait.ge @!p0 [sflag:s0], s1  }
0x284: {  	s1 =	ssub.s32 @!p0 $0x0, s1;
	[sflag:s0] =	ssyncset.done @!p0 $0x0  }
0x285: {  	[sflag:s0] =	ssyncadd.s32 @!p0 s1  }
0x286: {  	[bflag:$0x3] =	sbarrier.arrive $0xFFFF  }
0x287: {  	_ =	shalt  }

</sc_bundles>
